<compile_context>
chip_gen: v7x
topology: tpu7x:2x2x1
jax: 0.10.2.dev20260603
libtpu: 0.0.44.dev20260713+nightly
codegen_flags: <defaults>
</compile_context>

<pallas_src>
import dataclasses
import functools

import jax
import jax.numpy as jnp
from jax import lax
from jax.experimental import pallas as pl
from jax.experimental.pallas import tpu as pltpu
from jax.experimental.pallas import tpu_sc as plsc

N = 10000
E = 320000
D = 128
ALPHA = 0.2

NC = 2
NS = 16
NW = NC * NS
EPW = E // NW
K = 48
NCHUNK = EPW // K
KT = EPW - NCHUNK * K
STRIPE = 624
TAIL = N - NS * STRIPE

RB = 1000
NRB = N // RB


def _mm_body(node_ref, w_ref, a8_ref, h_ref, s8_ref):
    hblk = jnp.dot(node_ref[...], w_ref[...],
                   preferred_element_type=jnp.float32,
                   precision=lax.Precision.HIGHEST)
    h_ref[...] = hblk
    s8_ref[0] = jnp.dot(hblk, a8_ref[...],
                        preferred_element_type=jnp.float32,
                        precision=lax.Precision.HIGHEST)


def _matmul(node, W, a8):
    return pl.pallas_call(
        _mm_body,
        grid=(NRB,),
        in_specs=[
            pl.BlockSpec((RB, D), lambda i: (i, 0)),
            pl.BlockSpec((D, D), lambda i: (0, 0)),
            pl.BlockSpec((D, 8), lambda i: (0, 0)),
        ],
        out_specs=[
            pl.BlockSpec((RB, D), lambda i: (i, 0)),
            pl.BlockSpec((1, RB, 8), lambda i: (i, 0, 0)),
        ],
        out_shape=[
            jax.ShapeDtypeStruct((N, D), jnp.float32),
            jax.ShapeDtypeStruct((NRB, RB, 8), jnp.float32),
        ],
    )(node, W, a8)


_sc_mesh = plsc.VectorSubcoreMesh(core_axis_name="c", subcore_axis_name="s")

_sc_params = pltpu.CompilerParams()
if "needs_layout_passes" in pltpu.CompilerParams.__dataclass_fields__:
    _sc_params = dataclasses.replace(_sc_params, needs_layout_passes=False)


@functools.partial(
    pl.kernel,
    mesh=_sc_mesh,
    compiler_params=_sc_params,
    out_type=[
        jax.ShapeDtypeStruct((E,), jnp.float32),
        jax.ShapeDtypeStruct((NC, N, D), jnp.float32),
        jax.ShapeDtypeStruct((NW, N), jnp.float32),
    ],
    scratch_types=[
        pltpu.VMEM((N,), jnp.float32),
        pltpu.VMEM((N,), jnp.float32),
        pltpu.VMEM((N,), jnp.float32),
        pltpu.VMEM((16,), jnp.float32),
        pltpu.VMEM((K,), jnp.int32),
        pltpu.VMEM((K,), jnp.int32),
        pltpu.VMEM((K,), jnp.float32),
        pltpu.VMEM((K,), jnp.float32),
        pltpu.VMEM((K,), jnp.int32),
        pltpu.VMEM((K, D), jnp.float32),
        pltpu.VMEM((K,), jnp.int32),
        pltpu.VMEM((K,), jnp.int32),
        pltpu.VMEM((K,), jnp.float32),
        pltpu.VMEM((K,), jnp.float32),
        pltpu.VMEM((K,), jnp.int32),
        pltpu.VMEM((K, D), jnp.float32),
        pltpu.VMEM((K,), jnp.int32),
        pltpu.VMEM((K,), jnp.int32),
        pltpu.VMEM((K,), jnp.float32),
        pltpu.VMEM((K,), jnp.float32),
        pltpu.VMEM((K,), jnp.int32),
        pltpu.VMEM((K, D), jnp.float32),
        pltpu.VMEM((KT,), jnp.int32),
        pltpu.VMEM((KT,), jnp.int32),
        pltpu.SemaphoreType.DMA,
        pltpu.SemaphoreType.DMA,
        pltpu.SemaphoreType.DMA,
        pltpu.SemaphoreType.DMA,
        pltpu.SemaphoreType.DMA,
        pltpu.SemaphoreType.DMA,
        pltpu.SemaphoreType.DMA,
        pltpu.SemaphoreType.DMA,
        pltpu.SemaphoreType.DMA,
        pltpu.SemaphoreType.DMA,
        pltpu.SemaphoreType.DMA,
        pltpu.SemaphoreType.DMA,
        pltpu.VMEM_SHARED((N, D), jnp.float32),
    ],
)
def _edge_kernel(h_hbm, src_hbm, dst_hbm, ef_hbm, s1_hbm, s2_hbm, a3_hbm,
                 zfull_hbm, z1d_hbm,
                 ee_hbm, accp_hbm, rsp_hbm,
                 s1_v, s2_v, rs_v, a3_v,
                 src0, dst0, ef0, ee0, sidx0, rows0,
                 src1, dst1, ef1, ee1, sidx1, rows1,
                 src2, dst2, ef2, ee2, sidx2, rows2, dst_t, sidx_t,
                 semi0, semg0, sems0, seme0,
                 semi1, semg1, sems1, seme1,
                 semi2, semg2, sems2, seme2,
                 acc_S):
    c = lax.axis_index("c")
    s = lax.axis_index("s")
    wid = c * NS + s

    sbase = pl.multiple_of(s * STRIPE, 8)
    pltpu.sync_copy(zfull_hbm, acc_S.at[pl.ds(sbase, STRIPE)])

    @pl.when(s == 0)
    def _tail_init():
        pltpu.sync_copy(zfull_hbm.at[pl.ds(0, TAIL)],
                        acc_S.at[pl.ds(NS * STRIPE, TAIL)])
    pltpu.sync_copy(z1d_hbm, rs_v)
    pltpu.sync_copy(s1_hbm, s1_v)
    pltpu.sync_copy(s2_hbm, s2_v)
    pltpu.sync_copy(a3_hbm, a3_v)
    plsc.subcore_barrier()

    a3 = a3_v[...]
    base0 = wid * EPW

    sets = ((src0, dst0, ef0, ee0, sidx0, rows0, semi0, semg0, sems0, seme0),
            (src1, dst1, ef1, ee1, sidx1, rows1, semi1, semg1, sems1, seme1),
            (src2, dst2, ef2, ee2, sidx2, rows2, semi2, semg2, sems2, seme2))

    def issue_idx(ci, S):
        base = base0 + ci * K
        pltpu.async_copy(src_hbm.at[pl.ds(base, K)], S[0], S[6])
        pltpu.async_copy(dst_hbm.at[pl.ds(base, K)], S[1], S[6])
        pltpu.async_copy(ef_hbm.at[pl.ds(base, K)], S[2], S[6])

    def wait_idx(S):
        pltpu.make_async_copy(src_hbm.at[pl.ds(0, K)], S[0], S[6]).wait()
        pltpu.make_async_copy(dst_hbm.at[pl.ds(0, K)], S[1], S[6]).wait()
        pltpu.make_async_copy(ef_hbm.at[pl.ds(0, K)], S[2], S[6]).wait()

    def wait_scatter(S):
        pltpu.make_async_copy(S[5], acc_S.at[S[4]], S[8]).wait()

    def wait_ee_wb(S):
        pltpu.make_async_copy(S[3], ee_hbm.at[pl.ds(0, K)], S[9]).wait()

    def body(ci, si, wait_ew, wait_sc, gather_next, idx_next2):
        S = sets[si]
        Sn = sets[(si + 1) % 3]
        src_v, dst_v, ef_v, ee_v, sidx_v, rows_v = S[:6]
        semg, sems_, seme = S[7], S[8], S[9]

        if wait_ew:
            wait_ee_wb(S)

        @pl.loop(0, K, step=16)
        def _grp(g):
            src16 = src_v[pl.ds(g, 16)]
            dst16 = dst_v[pl.ds(g, 16)]
            ef16 = ef_v[pl.ds(g, 16)]
            v1 = plsc.load_gather(s1_v, [src16])
            v2 = plsc.load_gather(s2_v, [dst16])
            lg = v1 + v2 + ef16 * a3
            lr = jnp.where(lg >= 0, lg, ALPHA * lg)
            ee16 = jnp.exp(-lr)
            ee_v[pl.ds(g, 16)] = ee16
            plsc.addupdate_scatter(rs_v, [src16], ee16)
            sidx_v[pl.ds(g, 16)] = src16

        if wait_sc:
            wait_scatter(Sn)
        if gather_next:
            wait_idx(Sn)
            pltpu.async_copy(h_hbm.at[Sn[1]], Sn[5], Sn[7])
        pltpu.make_async_copy(h_hbm.at[dst_v], rows_v, semg).wait()
        if idx_next2:
            issue_idx(ci + 2, sets[(si + 2) % 3])

        @plsc.parallel_loop(0, K, 1, unroll=4)
        def _edge(e):
            idx16 = lax.broadcast(e, (16,))
            spl = plsc.load_gather(ee_v, [idx16])
            for j in range(D // 16):
                rows_v[e, pl.ds(j * 16, 16)] = rows_v[e, pl.ds(j * 16, 16)] * spl

        pltpu.async_copy(rows_v, acc_S.at[sidx_v], sems_, add=True)
        pltpu.async_copy(ee_v, ee_hbm.at[pl.ds(base0 + ci * K, K)], seme)

    issue_idx(0, sets[0])
    issue_idx(1, sets[1])
    wait_idx(sets[0])
    pltpu.async_copy(h_hbm.at[sets[0][1]], sets[0][5], sets[0][7])

    body(0, 0, False, False, True, True)
    body(1, 1, False, False, True, True)
    body(2, 2, False, True, True, True)
    body(3, 0, True, True, True, True)
    body(4, 1, True, True, True, True)

    @pl.loop(0, (NCHUNK - 5 - 2) // 3)
    def _tri(i):
        ci = 5 + 3 * i
        body(ci, 2, True, True, True, True)
        body(ci + 1, 0, True, True, True, True)
        body(ci + 2, 1, True, True, True, True)

    body(NCHUNK - 2, 2, True, True, True, False)
    body(NCHUNK - 1, 0, True, True, False, False)

    St = sets[1]
    wait_ee_wb(St)
    baset = base0 + NCHUNK * K
    pltpu.sync_copy(src_hbm.at[pl.ds(baset, KT)], St[0].at[pl.ds(0, KT)])
    pltpu.sync_copy(dst_hbm.at[pl.ds(baset, KT)], dst_t)
    pltpu.sync_copy(ef_hbm.at[pl.ds(baset, KT)], St[2].at[pl.ds(0, KT)])
    pltpu.async_copy(h_hbm.at[dst_t], St[5].at[pl.ds(0, KT)], St[7]).wait()
    src16 = St[0][pl.ds(0, 16)]
    ef16 = St[2][pl.ds(0, 16)]
    v1 = plsc.load_gather(s1_v, [src16])
    v2 = plsc.load_gather(s2_v, [dst_t[...]])
    lg = v1 + v2 + ef16 * a3
    lr = jnp.where(lg >= 0, lg, ALPHA * lg)
    ee16 = jnp.exp(-lr)
    St[3][pl.ds(0, 16)] = ee16
    plsc.addupdate_scatter(rs_v, [src16], ee16)
    sidx_t[...] = src16

    @pl.loop(0, KT)
    def _tedge(e):
        idx16 = lax.broadcast(e, (16,))
        spl = plsc.load_gather(St[3], [idx16])
        for j in range(D // 16):
            St[5][e, pl.ds(j * 16, 16)] = St[5][e, pl.ds(j * 16, 16)] * spl

    pltpu.sync_copy(St[5].at[pl.ds(0, KT)], acc_S.at[sidx_t], add=True)
    pltpu.sync_copy(St[3].at[pl.ds(0, KT)], ee_hbm.at[pl.ds(baset, KT)])

    wait_scatter(sets[(NCHUNK - 2) % 3])
    wait_ee_wb(sets[(NCHUNK - 2) % 3])
    wait_scatter(sets[(NCHUNK - 1) % 3])
    wait_ee_wb(sets[(NCHUNK - 1) % 3])

    pltpu.sync_copy(rs_v, rsp_hbm.at[wid])
    plsc.subcore_barrier()
    pltpu.sync_copy(acc_S.at[pl.ds(sbase, STRIPE)],
                    accp_hbm.at[c, pl.ds(sbase, STRIPE)])

    @pl.when(s == 0)
    def _tail_out():
        pltpu.sync_copy(acc_S.at[pl.ds(NS * STRIPE, TAIL)],
                        accp_hbm.at[c, pl.ds(NS * STRIPE, TAIL)])


def _fin_body(h_ref, accp_ref, rsp_ref, out_ref):
    acc = accp_ref[0] + accp_ref[1]
    rs = jnp.sum(rsp_ref[...], axis=1, keepdims=True)
    hp = acc / rs
    hp = jnp.where(jnp.isnan(hp), jnp.zeros_like(hp), hp)
    hp = h_ref[...] + hp
    out_ref[...] = jnp.where(hp > 0, hp, jnp.exp(hp) - 1.0)


def _finalize(h, accp, rsp):
    return pl.pallas_call(
        _fin_body,
        grid=(NRB,),
        in_specs=[
            pl.BlockSpec((RB, D), lambda i: (i, 0)),
            pl.BlockSpec((NC, RB, D), lambda i: (0, i, 0)),
            pl.BlockSpec((RB, NW), lambda i: (i, 0)),
        ],
        out_specs=pl.BlockSpec((RB, D), lambda i: (i, 0)),
        out_shape=jax.ShapeDtypeStruct((N, D), jnp.float32),
    )(h, accp, rsp)


def kernel(node, edge, edge_feature, W, a):
    a8 = jnp.zeros((D, 8), jnp.float32)
    a8 = a8.at[:, 0].set(a[0, :D]).at[:, 1].set(a[0, D:2 * D])
    a3 = jnp.full((16,), a[0, 2 * D], jnp.float32)

    h, s8 = _matmul(node, W, a8)
    s8 = s8.reshape(N, 8)
    s1 = s8[:, 0]
    s2 = s8[:, 1]

    src = edge[:, 0]
    dst = edge[:, 1]
    ef = edge_feature[:, 0]
    zfull = jnp.zeros((STRIPE, D), jnp.float32)
    z1d = jnp.zeros((N,), jnp.float32)

    ee, accp, rsp = _edge_kernel(h, src, dst, ef, s1, s2, a3, zfull, z1d)
    out = _finalize(h, accp, rsp.T)
    return (out, ee.reshape(E, 1))

# --- scband reference (transcript-rebuilt; emitter-appended) ---
"""Pipeline reference for scband-sp-graph-attention-layer-3195455668441 (READ-ONLY COPY).

The authoritative reference and input builder live on the scoring server;
editing this copy changes nothing except your own understanding.
"""

import jax, jax.numpy as jnp
import numpy as np

N = 10000
E = 320000
D_IN = 128
D_OUT = 128
ALPHA = 0.2

def setup_inputs(seed: int = 0) -> dict:
    key = jax.random.key(seed)
    k1, k2, k3, k4, k5 = jax.random.split(key, 5)
    node = jax.random.normal(k1, (N, D_IN), dtype=jnp.float32)
    edge = jax.random.randint(k2, (E, 2), 0, N, dtype=jnp.int32)
    edge_feature = jax.random.uniform(k3, (E, 1), dtype=jnp.float32)
    std_W = 1.414 * np.sqrt(2.0 / (D_IN + D_OUT))
    W = jax.random.normal(k4, (D_IN, D_OUT), dtype=jnp.float32) * std_W
    std_a = 1.414 * np.sqrt(2.0 / (1 + 2 * D_OUT + 1))
    a = jax.random.normal(k5, (1, 2 * D_OUT + 1), dtype=jnp.float32) * std_a
    return {"node": node, "edge": edge, "edge_feature": edge_feature, "W": W, "a": a}

def reference(node, edge, edge_feature, W, a):
    Nn = node.shape[0]
    h = node @ W                                   # [N, D_OUT]
    e = edge.T                                     # [2, E]
    src = e[0]
    dst = e[1]
    # edge_h in torch is [2*D_OUT+1, E]; we keep it [E, 2*D_OUT+1] and transpose the matmul
    edge_h = jnp.concatenate([h[src], h[dst], edge_feature], axis=1)
    logits = (edge_h @ a.T)[:, 0]                  # a.mm(edge_h).squeeze()
    lr = jnp.where(logits >= 0, logits, ALPHA * logits)  # LeakyReLU(alpha)
    edge_e = jnp.exp(-lr)                          # [E]
    # special_spmm(edge, edge_e, [N,N], ones) -> row sums over dst
    e_rowsum = jax.ops.segment_sum(edge_e, src, num_segments=Nn)[:, None]   # [N,1]
    # special_spmm(edge, edge_e, [N,N], h)
    h_prime = jax.ops.segment_sum(edge_e[:, None] * h[dst], src, num_segments=Nn)  # [N, D_OUT]
    h_prime = h_prime / e_rowsum
    h_prime = jnp.where(jnp.isnan(h_prime), jnp.zeros_like(h_prime), h_prime)
    h_prime = h + h_prime
    out = jnp.where(h_prime > 0, h_prime, jnp.expm1(h_prime))  # ELU
    return (out, edge_e.reshape(-1, 1))

if __name__ == "__main__":
    import jax
    _d = setup_inputs()
    print(jax.jit(kernel)(*tuple(_d.values())))

</pallas_src>

<mosaic_0001>
#map = affine_map<(d0, d1) -> (0, 0)>
#map1 = affine_map<(d0, d1) -> (0)>
#map2 = affine_map<(d0, d1) -> (0, 0, 0)>
module attributes {stable_mosaic.version = 14 : i64} {
  func.func @_edge_kernel(%arg0: i32, %arg1: i32, %arg2: memref<10000x128xf32, #tpu.memory_space<hbm>>, %arg3: memref<320000xi32, #tpu.memory_space<hbm>>, %arg4: memref<320000xi32, #tpu.memory_space<hbm>>, %arg5: memref<320000xf32, #tpu.memory_space<hbm>>, %arg6: memref<10000xf32, #tpu.memory_space<hbm>>, %arg7: memref<10000xf32, #tpu.memory_space<hbm>>, %arg8: memref<16xf32, #tpu.memory_space<hbm>>, %arg9: memref<624x128xf32, #tpu.memory_space<hbm>>, %arg10: memref<10000xf32, #tpu.memory_space<hbm>>, %arg11: memref<320000xf32, #tpu.memory_space<hbm>>, %arg12: memref<2x10000x128xf32, #tpu.memory_space<hbm>>, %arg13: memref<32x10000xf32, #tpu.memory_space<hbm>>, %arg14: memref<10000xf32, #tpu.memory_space<vmem>>, %arg15: memref<10000xf32, #tpu.memory_space<vmem>>, %arg16: memref<10000xf32, #tpu.memory_space<vmem>>, %arg17: memref<16xf32, #tpu.memory_space<vmem>>, %arg18: memref<48xi32, #tpu.memory_space<vmem>>, %arg19: memref<48xi32, #tpu.memory_space<vmem>>, %arg20: memref<48xf32, #tpu.memory_space<vmem>>, %arg21: memref<48xf32, #tpu.memory_space<vmem>>, %arg22: memref<48xi32, #tpu.memory_space<vmem>>, %arg23: memref<48x128xf32, #tpu.memory_space<vmem>>, %arg24: memref<48xi32, #tpu.memory_space<vmem>>, %arg25: memref<48xi32, #tpu.memory_space<vmem>>, %arg26: memref<48xf32, #tpu.memory_space<vmem>>, %arg27: memref<48xf32, #tpu.memory_space<vmem>>, %arg28: memref<48xi32, #tpu.memory_space<vmem>>, %arg29: memref<48x128xf32, #tpu.memory_space<vmem>>, %arg30: memref<48xi32, #tpu.memory_space<vmem>>, %arg31: memref<48xi32, #tpu.memory_space<vmem>>, %arg32: memref<48xf32, #tpu.memory_space<vmem>>, %arg33: memref<48xf32, #tpu.memory_space<vmem>>, %arg34: memref<48xi32, #tpu.memory_space<vmem>>, %arg35: memref<48x128xf32, #tpu.memory_space<vmem>>, %arg36: memref<16xi32, #tpu.memory_space<vmem>>, %arg37: memref<16xi32, #tpu.memory_space<vmem>>, %arg38: memref<!tpu.dma_semaphore, #tpu.memory_space<semaphore_mem>>, %arg39: memref<!tpu.dma_semaphore, #tpu.memory_space<semaphore_mem>>, %arg40: memref<!tpu.dma_semaphore, #tpu.memory_space<semaphore_mem>>, %arg41: memref<!tpu.dma_semaphore, #tpu.memory_space<semaphore_mem>>, %arg42: memref<!tpu.dma_semaphore, #tpu.memory_space<semaphore_mem>>, %arg43: memref<!tpu.dma_semaphore, #tpu.memory_space<semaphore_mem>>, %arg44: memref<!tpu.dma_semaphore, #tpu.memory_space<semaphore_mem>>, %arg45: memref<!tpu.dma_semaphore, #tpu.memory_space<semaphore_mem>>, %arg46: memref<!tpu.dma_semaphore, #tpu.memory_space<semaphore_mem>>, %arg47: memref<!tpu.dma_semaphore, #tpu.memory_space<semaphore_mem>>, %arg48: memref<!tpu.dma_semaphore, #tpu.memory_space<semaphore_mem>>, %arg49: memref<!tpu.dma_semaphore, #tpu.memory_space<semaphore_mem>>, %arg50: memref<10000x128xf32, #tpu.memory_space<vmem_shared>>) attributes {dimension_semantics = [#tpu.dimension_semantics<core_parallel>, #tpu.dimension_semantics<subcore_parallel>], iteration_bounds = array<i64: 2, 16>, scalar_prefetch = 0 : i64, scratch_operands = 37 : i64, tpu.core_type = #tpu.core_type<sc_vector_subcore>, window_params = [{transform_indices = #map}, {transform_indices = #map1}, {transform_indices = #map1}, {transform_indices = #map1}, {transform_indices = #map1}, {transform_indices = #map1}, {transform_indices = #map1}, {transform_indices = #map}, {transform_indices = #map1}, {transform_indices = #map1}, {transform_indices = #map2}, {transform_indices = #map}]} {
    %mul3A = arith.constant 16 : i32
    %mul3A_0 = arith.muli %arg0, %mul3A : i32
    %add3A = arith.addi %mul3A_0, %arg1 : i32
    %mul3A_1 = arith.constant 624 : i32
    %mul3A_2 = arith.muli %arg1, %mul3A_1 : i32
    %multiple_of3A = tpu.assume_multiple %mul3A_2, 8 : i32
    "tpu.region"() ({
      %run_scoped3A = tpu.sem_alloc : memref<!tpu.dma_semaphore, #tpu.memory_space<semaphore_mem>>
      %dma_start3A_390 = arith.constant 0 : i32
      %dma_start3A_391 = tpu.memref_slice %arg50[%multiple_of3A, %dma_start3A_390] : memref<10000x128xf32, #tpu.memory_space<vmem_shared>> -> memref<624x128xf32, #tpu.memory_space<vmem_shared>>
      tpu.enqueue_dma source(%arg9 : memref<624x128xf32, #tpu.memory_space<hbm>>) target(%dma_start3A_391 : memref<624x128xf32, #tpu.memory_space<vmem_shared>>) target_semaphore(%run_scoped3A : memref<!tpu.dma_semaphore, #tpu.memory_space<semaphore_mem>>)
      %dma_wait3A_392 = arith.constant 0 : i32
      %dma_wait3A_393 = tpu.memref_slice %arg50[%multiple_of3A, %dma_wait3A_392] : memref<10000x128xf32, #tpu.memory_space<vmem_shared>> -> memref<624x128xf32, #tpu.memory_space<vmem_shared>>
      tpu.wait_dma2 semaphore(%run_scoped3A : memref<!tpu.dma_semaphore, #tpu.memory_space<semaphore_mem>>) src(%arg9 : memref<624x128xf32, #tpu.memory_space<hbm>>) dst(%dma_wait3A_393 : memref<624x128xf32, #tpu.memory_space<vmem_shared>>)
      tpu.yield
    }) : () -> ()
    %eq3A = arith.constant 0 : i32
    %eq3A_3 = arith.cmpi eq, %arg1, %eq3A : i32
    %convert_element_type3A = arith.extui %eq3A_3 : i1 to i32
    %cond3A = arith.constant 0 : i32
    %cond3A_4 = arith.cmpi ne, %convert_element_type3A, %cond3A : i32
    scf.if %cond3A_4 {
      "tpu.region"() ({
        %run_scoped3A = tpu.sem_alloc : memref<!tpu.dma_semaphore, #tpu.memory_space<semaphore_mem>>
        %dma_start3A_390 = arith.constant 9984 : i32
        %dma_start3A_391 = arith.constant 0 : i32
        %dma_start3A_392 = tpu.memref_slice %arg50[%dma_start3A_390, %dma_start3A_391] : memref<10000x128xf32, #tpu.memory_space<vmem_shared>> -> memref<16x128xf32, #tpu.memory_space<vmem_shared>>
        %dma_start3A_393 = arith.constant 0 : i32
        %dma_start3A_394 = arith.constant 0 : i32
        %dma_start3A_395 = tpu.memref_slice %arg9[%dma_start3A_393, %dma_start3A_394] : memref<624x128xf32, #tpu.memory_space<hbm>> -> memref<16x128xf32, #tpu.memory_space<hbm>>
        tpu.enqueue_dma source(%dma_start3A_395 : memref<16x128xf32, #tpu.memory_space<hbm>>) target(%dma_start3A_392 : memref<16x128xf32, #tpu.memory_space<vmem_shared>>) target_semaphore(%run_scoped3A : memref<!tpu.dma_semaphore, #tpu.memory_space<semaphore_mem>>)
        %dma_wait3A_396 = arith.constant 9984 : i32
        %dma_wait3A_397 = arith.constant 0 : i32
        %dma_wait3A_398 = tpu.memref_slice %arg50[%dma_wait3A_396, %dma_wait3A_397] : memref<10000x128xf32, #tpu.memory_space<vmem_shared>> -> memref<16x128xf32, #tpu.memory_space<vmem_shared>>
        %dma_wait3A_399 = arith.constant 0 : i32
        %dma_wait3A_400 = arith.constant 0 : i32
        %dma_wait3A_401 = tpu.memref_slice %arg9[%dma_wait3A_399, %dma_wait3A_400] : memref<624x128xf32, #tpu.memory_space<hbm>> -> memref<16x128xf32, #tpu.memory_space<hbm>>
        tpu.wait_dma2 semaphore(%run_scoped3A : memref<!tpu.dma_semaphore, #tpu.memory_space<semaphore_mem>>) src(%dma_wait3A_401 : memref<16x128xf32, #tpu.memory_space<hbm>>) dst(%dma_wait3A_398 : memref<16x128xf32, #tpu.memory_space<vmem_shared>>)
        tpu.yield
      }) : () -> ()
    } else {
    }
    "tpu.region"() ({
      %run_scoped3A = tpu.sem_alloc : memref<!tpu.dma_semaphore, #tpu.memory_space<semaphore_mem>>
      tpu.enqueue_dma source(%arg10 : memref<10000xf32, #tpu.memory_space<hbm>>) target(%arg16 : memref<10000xf32, #tpu.memory_space<vmem>>) target_semaphore(%run_scoped3A : memref<!tpu.dma_semaphore, #tpu.memory_space<semaphore_mem>>)
      tpu.wait_dma2 semaphore(%run_scoped3A : memref<!tpu.dma_semaphore, #tpu.memory_space<semaphore_mem>>) src(%arg10 : memref<10000xf32, #tpu.memory_space<hbm>>) dst(%arg16 : memref<10000xf32, #tpu.memory_space<vmem>>)
      tpu.yield
    }) : () -> ()
    "tpu.region"() ({
      %run_scoped3A = tpu.sem_alloc : memref<!tpu.dma_semaphore, #tpu.memory_space<semaphore_mem>>
      tpu.enqueue_dma source(%arg6 : memref<10000xf32, #tpu.memory_space<hbm>>) target(%arg14 : memref<10000xf32, #tpu.memory_space<vmem>>) target_semaphore(%run_scoped3A : memref<!tpu.dma_semaphore, #tpu.memory_space<semaphore_mem>>)
      tpu.wait_dma2 semaphore(%run_scoped3A : memref<!tpu.dma_semaphore, #tpu.memory_space<semaphore_mem>>) src(%arg6 : memref<10000xf32, #tpu.memory_space<hbm>>) dst(%arg14 : memref<10000xf32, #tpu.memory_space<vmem>>)
      tpu.yield
    }) : () -> ()
    "tpu.region"() ({
      %run_scoped3A = tpu.sem_alloc : memref<!tpu.dma_semaphore, #tpu.memory_space<semaphore_mem>>
      tpu.enqueue_dma source(%arg7 : memref<10000xf32, #tpu.memory_space<hbm>>) target(%arg15 : memref<10000xf32, #tpu.memory_space<vmem>>) target_semaphore(%run_scoped3A : memref<!tpu.dma_semaphore, #tpu.memory_space<semaphore_mem>>)
      tpu.wait_dma2 semaphore(%run_scoped3A : memref<!tpu.dma_semaphore, #tpu.memory_space<semaphore_mem>>) src(%arg7 : memref<10000xf32, #tpu.memory_space<hbm>>) dst(%arg15 : memref<10000xf32, #tpu.memory_space<vmem>>)
      tpu.yield
    }) : () -> ()
    "tpu.region"() ({
      %run_scoped3A = tpu.sem_alloc : memref<!tpu.dma_semaphore, #tpu.memory_space<semaphore_mem>>
      tpu.enqueue_dma source(%arg8 : memref<16xf32, #tpu.memory_space<hbm>>) target(%arg17 : memref<16xf32, #tpu.memory_space<vmem>>) target_semaphore(%run_scoped3A : memref<!tpu.dma_semaphore, #tpu.memory_space<semaphore_mem>>)
      tpu.wait_dma2 semaphore(%run_scoped3A : memref<!tpu.dma_semaphore, #tpu.memory_space<semaphore_mem>>) src(%arg8 : memref<16xf32, #tpu.memory_space<hbm>>) dst(%arg17 : memref<16xf32, #tpu.memory_space<vmem>>)
      tpu.yield
    }) : () -> ()
    %barrier3A = arith.constant 0 : index
    tpu.barrier barrier_id(%barrier3A)
    %get3A = arith.constant 0 : index
    %get3A_5 = tpu.vector_load %arg17[%get3A] {strides = array<i32>} : memref<16xf32, #tpu.memory_space<vmem>>, vector<16xf32>,
    %mul3A_6 = arith.constant 10000 : i32
    %mul3A_7 = arith.muli %add3A, %mul3A_6 : i32
    %add3A_8 = arith.constant 0 : i32
    %add3A_9 = arith.addi %mul3A_7, %add3A_8 : i32
    %dma_start3A = tpu.memref_slice %arg3[%add3A_9] : memref<320000xi32, #tpu.memory_space<hbm>> -> memref<48xi32, #tpu.memory_space<hbm>>
    %dma_start3A_10 = tpu.memref_slice %arg3[%add3A_9] : memref<320000xi32, #tpu.memory_space<hbm>> -> memref<48xi32, #tpu.memory_space<hbm>>
    tpu.enqueue_dma source(%dma_start3A_10 : memref<48xi32, #tpu.memory_space<hbm>>) target(%arg18 : memref<48xi32, #tpu.memory_space<vmem>>) target_semaphore(%arg38 : memref<!tpu.dma_semaphore, #tpu.memory_space<semaphore_mem>>)
    %dma_start3A_11 = tpu.memref_slice %arg4[%add3A_9] : memref<320000xi32, #tpu.memory_space<hbm>> -> memref<48xi32, #tpu.memory_space<hbm>>
    %dma_start3A_12 = tpu.memref_slice %arg4[%add3A_9] : memref<320000xi32, #tpu.memory_space<hbm>> -> memref<48xi32, #tpu.memory_space<hbm>>
    tpu.enqueue_dma source(%dma_start3A_12 : memref<48xi32, #tpu.memory_space<hbm>>) target(%arg19 : memref<48xi32, #tpu.memory_space<vmem>>) target_semaphore(%arg38 : memref<!tpu.dma_semaphore, #tpu.memory_space<semaphore_mem>>)
    %dma_start3A_13 = tpu.memref_slice %arg5[%add3A_9] : memref<320000xf32, #tpu.memory_space<hbm>> -> memref<48xf32, #tpu.memory_space<hbm>>
    %dma_start3A_14 = tpu.memref_slice %arg5[%add3A_9] : memref<320000xf32, #tpu.memory_space<hbm>> -> memref<48xf32, #tpu.memory_space<hbm>>
    tpu.enqueue_dma source(%dma_start3A_14 : memref<48xf32, #tpu.memory_space<hbm>>) target(%arg20 : memref<48xf32, #tpu.memory_space<vmem>>) target_semaphore(%arg38 : memref<!tpu.dma_semaphore, #tpu.memory_space<semaphore_mem>>)
    %add3A_15 = arith.constant 48 : i32
    %add3A_16 = arith.addi %mul3A_7, %add3A_15 : i32
    %dma_start3A_17 = tpu.memref_slice %arg3[%add3A_16] : memref<320000xi32, #tpu.memory_space<hbm>> -> memref<48xi32, #tpu.memory_space<hbm>>
    %dma_start3A_18 = tpu.memref_slice %arg3[%add3A_16] : memref<320000xi32, #tpu.memory_space<hbm>> -> memref<48xi32, #tpu.memory_space<hbm>>
    tpu.enqueue_dma source(%dma_start3A_18 : memref<48xi32, #tpu.memory_space<hbm>>) target(%arg24 : memref<48xi32, #tpu.memory_space<vmem>>) target_semaphore(%arg42 : memref<!tpu.dma_semaphore, #tpu.memory_space<semaphore_mem>>)
    %dma_start3A_19 = tpu.memref_slice %arg4[%add3A_16] : memref<320000xi32, #tpu.memory_space<hbm>> -> memref<48xi32, #tpu.memory_space<hbm>>
    %dma_start3A_20 = tpu.memref_slice %arg4[%add3A_16] : memref<320000xi32, #tpu.memory_space<hbm>> -> memref<48xi32, #tpu.memory_space<hbm>>
    tpu.enqueue_dma source(%dma_start3A_20 : memref<48xi32, #tpu.memory_space<hbm>>) target(%arg25 : memref<48xi32, #tpu.memory_space<vmem>>) target_semaphore(%arg42 : memref<!tpu.dma_semaphore, #tpu.memory_space<semaphore_mem>>)
    %dma_start3A_21 = tpu.memref_slice %arg5[%add3A_16] : memref<320000xf32, #tpu.memory_space<hbm>> -> memref<48xf32, #tpu.memory_space<hbm>>
    %dma_start3A_22 = tpu.memref_slice %arg5[%add3A_16] : memref<320000xf32, #tpu.memory_space<hbm>> -> memref<48xf32, #tpu.memory_space<hbm>>
    tpu.enqueue_dma source(%dma_start3A_22 : memref<48xf32, #tpu.memory_space<hbm>>) target(%arg26 : memref<48xf32, #tpu.memory_space<vmem>>) target_semaphore(%arg42 : memref<!tpu.dma_semaphore, #tpu.memory_space<semaphore_mem>>)
    %dma_wait3A = arith.constant 0 : i32
    %dma_wait3A_23 = tpu.memref_slice %arg3[%dma_wait3A] : memref<320000xi32, #tpu.memory_space<hbm>> -> memref<48xi32, #tpu.memory_space<hbm>>
    %dma_wait3A_24 = arith.constant 0 : i32
    %dma_wait3A_25 = tpu.memref_slice %arg3[%dma_wait3A_24] : memref<320000xi32, #tpu.memory_space<hbm>> -> memref<48xi32, #tpu.memory_space<hbm>>
    tpu.wait_dma2 semaphore(%arg38 : memref<!tpu.dma_semaphore, #tpu.memory_space<semaphore_mem>>) src(%dma_wait3A_25 : memref<48xi32, #tpu.memory_space<hbm>>) dst(%arg18 : memref<48xi32, #tpu.memory_space<vmem>>)
    %dma_wait3A_26 = arith.constant 0 : i32
    %dma_wait3A_27 = tpu.memref_slice %arg4[%dma_wait3A_26] : memref<320000xi32, #tpu.memory_space<hbm>> -> memref<48xi32, #tpu.memory_space<hbm>>
    %dma_wait3A_28 = arith.constant 0 : i32
    %dma_wait3A_29 = tpu.memref_slice %arg4[%dma_wait3A_28] : memref<320000xi32, #tpu.memory_space<hbm>> -> memref<48xi32, #tpu.memory_space<hbm>>
    tpu.wait_dma2 semaphore(%arg38 : memref<!tpu.dma_semaphore, #tpu.memory_space<semaphore_mem>>) src(%dma_wait3A_29 : memref<48xi32, #tpu.memory_space<hbm>>) dst(%arg19 : memref<48xi32, #tpu.memory_space<vmem>>)
    %dma_wait3A_30 = arith.constant 0 : i32
    %dma_wait3A_31 = tpu.memref_slice %arg5[%dma_wait3A_30] : memref<320000xf32, #tpu.memory_space<hbm>> -> memref<48xf32, #tpu.memory_space<hbm>>
    %dma_wait3A_32 = arith.constant 0 : i32
    %dma_wait3A_33 = tpu.memref_slice %arg5[%dma_wait3A_32] : memref<320000xf32, #tpu.memory_space<hbm>> -> memref<48xf32, #tpu.memory_space<hbm>>
    tpu.wait_dma2 semaphore(%arg38 : memref<!tpu.dma_semaphore, #tpu.memory_space<semaphore_mem>>) src(%dma_wait3A_33 : memref<48xf32, #tpu.memory_space<hbm>>) dst(%arg20 : memref<48xf32, #tpu.memory_space<vmem>>)
    %dma_start3A_34 = arith.constant 0 : i32
    %dma_start3A_35 = arith.constant 0 : i32
    %dma_start3A_36 = tpu.memref_slice %arg2[%dma_start3A_34, %dma_start3A_35] : memref<10000x128xf32, #tpu.memory_space<hbm>> -> memref<10000x128xf32, #tpu.memory_space<hbm>>
    tpu.enqueue_indirect_dma source(%dma_start3A_36 : memref<10000x128xf32, #tpu.memory_space<hbm>>) target(%arg23 : memref<48x128xf32, #tpu.memory_space<vmem>>) offsets(%arg19 : memref<48xi32, #tpu.memory_space<vmem>>) semaphore(%arg39 : memref<!tpu.dma_semaphore, #tpu.memory_space<semaphore_mem>>)
    %scan3A = arith.constant 0 : i32
    %scan3A_37 = arith.constant 3 : i32
    %scan3A_38 = arith.addi %scan3A, %scan3A_37 : i32
    %scan3A_39 = arith.constant 1 : i32
    scf.for %scan3A_390 = %scan3A to %scan3A_38 step %scan3A_39  : i32 {
      %mul3A_391 = arith.constant 16 : i32
      %mul3A_392 = arith.muli %scan3A_390, %mul3A_391 : i32
      %add3A_393 = arith.constant 0 : i32
      %add3A_394 = arith.addi %add3A_393, %mul3A_392 : i32
      %get3A_395 = arith.index_cast %add3A_394 : i32 to index
      %get3A_396 = tpu.vector_load %arg18[%get3A_395] {strides = array<i32>} : memref<48xi32, #tpu.memory_space<vmem>>, vector<16xi32>,
      %get3A_397 = arith.index_cast %add3A_394 : i32 to index
      %get3A_398 = tpu.vector_load %arg19[%get3A_397] {strides = array<i32>} : memref<48xi32, #tpu.memory_space<vmem>>, vector<16xi32>,
      %get3A_399 = arith.index_cast %add3A_394 : i32 to index
      %get3A_400 = tpu.vector_load %arg20[%get3A_399] {strides = array<i32>} : memref<48xf32, #tpu.memory_space<vmem>>, vector<16xf32>,
      %gather3A_401 = tpu.vector_load_idx %arg14[%get3A_396] : memref<10000xf32, #tpu.memory_space<vmem>>[vector<16xi32>], vector<16xf32>,
      %gather3A_402 = tpu.vector_load_idx %arg15[%get3A_398] : memref<10000xf32, #tpu.memory_space<vmem>>[vector<16xi32>], vector<16xf32>,
      %add3A_403 = arith.addf %gather3A_401, %gather3A_402 : vector<16xf32>
      %mul3A_404 = arith.mulf %get3A_400, %get3A_5 : vector<16xf32>
      %add3A_405 = arith.addf %add3A_403, %mul3A_404 : vector<16xf32>
      %ge3A_406 = arith.constant 0.000000e+00 : f32
      %ge3A_407 = vector.broadcast %ge3A_406 : f32 to vector<16xf32>
      %ge3A_408 = arith.cmpf oge, %add3A_405, %ge3A_407 : vector<16xf32>
      %mul3A_409 = arith.constant 2.000000e-01 : f32
      %mul3A_410 = vector.broadcast %mul3A_409 : f32 to vector<16xf32>
      %mul3A_411 = arith.mulf %mul3A_410, %add3A_405 : vector<16xf32>
      %select_n3A_412 = arith.select %ge3A_408, %add3A_405, %mul3A_411 : vector<16xi1>, vector<16xf32>
      %neg3A_413 = arith.constant 0.000000e+00 : f32
      %neg3A_414 = vector.broadcast %neg3A_413 : f32 to vector<16xf32>
      %neg3A_415 = arith.subf %neg3A_414, %select_n3A_412 : vector<16xf32>
      %exp3A_416 = math.exp %neg3A_415 : vector<16xf32>
      %swap3A_417 = arith.index_cast %add3A_394 : i32 to index
      %swap3A_418 = tpu.vector_load %arg21[%swap3A_417] {strides = array<i32>} : memref<48xf32, #tpu.memory_space<vmem>>, vector<16xf32>,
      tpu.vector_store %arg21[%swap3A_417], %exp3A_416 {strides = array<i32>} : memref<48xf32, #tpu.memory_space<vmem>>, vector<16xf32>,
      tpu.vector_store_idx %arg16[%get3A_396], %exp3A_416 {add = true} : memref<10000xf32, #tpu.memory_space<vmem>>[vector<16xi32>], vector<16xf32>,
      %swap3A_419 = arith.index_cast %add3A_394 : i32 to index
      %swap3A_420 = tpu.vector_load %arg22[%swap3A_419] {strides = array<i32>} : memref<48xi32, #tpu.memory_space<vmem>>, vector<16xi32>,
      tpu.vector_store %arg22[%swap3A_419], %get3A_396 {strides = array<i32>} : memref<48xi32, #tpu.memory_space<vmem>>, vector<16xi32>,
    }
    %scan3A_40 = arith.constant 3 : i32
    %dma_wait3A_41 = arith.constant 0 : i32
    %dma_wait3A_42 = tpu.memref_slice %arg3[%dma_wait3A_41] : memref<320000xi32, #tpu.memory_space<hbm>> -> memref<48xi32, #tpu.memory_space<hbm>>
    %dma_wait3A_43 = arith.constant 0 : i32
    %dma_wait3A_44 = tpu.memref_slice %arg3[%dma_wait3A_43] : memref<320000xi32, #tpu.memory_space<hbm>> -> memref<48xi32, #tpu.memory_space<hbm>>
    tpu.wait_dma2 semaphore(%arg42 : memref<!tpu.dma_semaphore, #tpu.memory_space<semaphore_mem>>) src(%dma_wait3A_44 : memref<48xi32, #tpu.memory_space<hbm>>) dst(%arg24 : memref<48xi32, #tpu.memory_space<vmem>>)
    %dma_wait3A_45 = arith.constant 0 : i32
    %dma_wait3A_46 = tpu.memref_slice %arg4[%dma_wait3A_45] : memref<320000xi32, #tpu.memory_space<hbm>> -> memref<48xi32, #tpu.memory_space<hbm>>
    %dma_wait3A_47 = arith.constant 0 : i32
    %dma_wait3A_48 = tpu.memref_slice %arg4[%dma_wait3A_47] : memref<320000xi32, #tpu.memory_space<hbm>> -> memref<48xi32, #tpu.memory_space<hbm>>
    tpu.wait_dma2 semaphore(%arg42 : memref<!tpu.dma_semaphore, #tpu.memory_space<semaphore_mem>>) src(%dma_wait3A_48 : memref<48xi32, #tpu.memory_space<hbm>>) dst(%arg25 : memref<48xi32, #tpu.memory_space<vmem>>)
    %dma_wait3A_49 = arith.constant 0 : i32
    %dma_wait3A_50 = tpu.memref_slice %arg5[%dma_wait3A_49] : memref<320000xf32, #tpu.memory_space<hbm>> -> memref<48xf32, #tpu.memory_space<hbm>>
    %dma_wait3A_51 = arith.constant 0 : i32
    %dma_wait3A_52 = tpu.memref_slice %arg5[%dma_wait3A_51] : memref<320000xf32, #tpu.memory_space<hbm>> -> memref<48xf32, #tpu.memory_space<hbm>>
    tpu.wait_dma2 semaphore(%arg42 : memref<!tpu.dma_semaphore, #tpu.memory_space<semaphore_mem>>) src(%dma_wait3A_52 : memref<48xf32, #tpu.memory_space<hbm>>) dst(%arg26 : memref<48xf32, #tpu.memory_space<vmem>>)
    %dma_start3A_53 = arith.constant 0 : i32
    %dma_start3A_54 = arith.constant 0 : i32
    %dma_start3A_55 = tpu.memref_slice %arg2[%dma_start3A_53, %dma_start3A_54] : memref<10000x128xf32, #tpu.memory_space<hbm>> -> memref<10000x128xf32, #tpu.memory_space<hbm>>
    tpu.enqueue_indirect_dma source(%dma_start3A_55 : memref<10000x128xf32, #tpu.memory_space<hbm>>) target(%arg29 : memref<48x128xf32, #tpu.memory_space<vmem>>) offsets(%arg25 : memref<48xi32, #tpu.memory_space<vmem>>) semaphore(%arg43 : memref<!tpu.dma_semaphore, #tpu.memory_space<semaphore_mem>>)
    %dma_wait3A_56 = arith.constant 0 : i32
    %dma_wait3A_57 = arith.constant 0 : i32
    %dma_wait3A_58 = tpu.memref_slice %arg2[%dma_wait3A_56, %dma_wait3A_57] : memref<10000x128xf32, #tpu.memory_space<hbm>> -> memref<10000x128xf32, #tpu.memory_space<hbm>>
    tpu.wait_indirect_dma semaphore(%arg39 : memref<!tpu.dma_semaphore, #tpu.memory_space<semaphore_mem>>) src(%dma_wait3A_58 : memref<10000x128xf32, #tpu.memory_space<hbm>>) dst(%arg23 : memref<48x128xf32, #tpu.memory_space<vmem>>)
    %add3A_59 = arith.constant 96 : i32
    %add3A_60 = arith.addi %mul3A_7, %add3A_59 : i32
    %dma_start3A_61 = tpu.memref_slice %arg3[%add3A_60] : memref<320000xi32, #tpu.memory_space<hbm>> -> memref<48xi32, #tpu.memory_space<hbm>>
    %dma_start3A_62 = tpu.memref_slice %arg3[%add3A_60] : memref<320000xi32, #tpu.memory_space<hbm>> -> memref<48xi32, #tpu.memory_space<hbm>>
    tpu.enqueue_dma source(%dma_start3A_62 : memref<48xi32, #tpu.memory_space<hbm>>) target(%arg30 : memref<48xi32, #tpu.memory_space<vmem>>) target_semaphore(%arg46 : memref<!tpu.dma_semaphore, #tpu.memory_space<semaphore_mem>>)
    %dma_start3A_63 = tpu.memref_slice %arg4[%add3A_60] : memref<320000xi32, #tpu.memory_space<hbm>> -> memref<48xi32, #tpu.memory_space<hbm>>
    %dma_start3A_64 = tpu.memref_slice %arg4[%add3A_60] : memref<320000xi32, #tpu.memory_space<hbm>> -> memref<48xi32, #tpu.memory_space<hbm>>
    tpu.enqueue_dma source(%dma_start3A_64 : memref<48xi32, #tpu.memory_space<hbm>>) target(%arg31 : memref<48xi32, #tpu.memory_space<vmem>>) target_semaphore(%arg46 : memref<!tpu.dma_semaphore, #tpu.memory_space<semaphore_mem>>)
    %dma_start3A_65 = tpu.memref_slice %arg5[%add3A_60] : memref<320000xf32, #tpu.memory_space<hbm>> -> memref<48xf32, #tpu.memory_space<hbm>>
    %dma_start3A_66 = tpu.memref_slice %arg5[%add3A_60] : memref<320000xf32, #tpu.memory_space<hbm>> -> memref<48xf32, #tpu.memory_space<hbm>>
    tpu.enqueue_dma source(%dma_start3A_66 : memref<48xf32, #tpu.memory_space<hbm>>) target(%arg32 : memref<48xf32, #tpu.memory_space<vmem>>) target_semaphore(%arg46 : memref<!tpu.dma_semaphore, #tpu.memory_space<semaphore_mem>>)
    %parallel_loop3A = arith.constant 0 : i32
    %parallel_loop3A_67 = arith.constant 48 : i32
    %parallel_loop3A_68 = arith.constant 1 : i32
    scf.for %parallel_loop3A_390 = %parallel_loop3A to %parallel_loop3A_67 step %parallel_loop3A_68  : i32 {
      %parallel_loop3A_391 = vector.broadcast %parallel_loop3A_390 : i32 to vector<16xi32>
      %parallel_loop3A_392 = tpu.vector_load_idx %arg21[%parallel_loop3A_391] : memref<48xf32, #tpu.memory_space<vmem>>[vector<16xi32>], vector<16xf32>,
      %parallel_loop3A_393 = arith.index_cast %parallel_loop3A_390 : i32 to index
      %parallel_loop3A_394 = arith.constant 0 : index
      %parallel_loop3A_395 = tpu.vector_load %arg23[%parallel_loop3A_393, %parallel_loop3A_394] {strides = array<i32>} : memref<48x128xf32, #tpu.memory_space<vmem>>, vector<16xf32>,
      %parallel_loop3A_396 = arith.mulf %parallel_loop3A_395, %parallel_loop3A_392 : vector<16xf32>
      %parallel_loop3A_397 = arith.index_cast %parallel_loop3A_390 : i32 to index
      %parallel_loop3A_398 = arith.constant 0 : index
      %parallel_loop3A_399 = tpu.vector_load %arg23[%parallel_loop3A_397, %parallel_loop3A_398] {strides = array<i32>} : memref<48x128xf32, #tpu.memory_space<vmem>>, vector<16xf32>,
      tpu.vector_store %arg23[%parallel_loop3A_397, %parallel_loop3A_398], %parallel_loop3A_396 {strides = array<i32>} : memref<48x128xf32, #tpu.memory_space<vmem>>, vector<16xf32>,
      %parallel_loop3A_400 = arith.index_cast %parallel_loop3A_390 : i32 to index
      %parallel_loop3A_401 = arith.constant 16 : index
      %parallel_loop3A_402 = tpu.vector_load %arg23[%parallel_loop3A_400, %parallel_loop3A_401] {strides = array<i32>} : memref<48x128xf32, #tpu.memory_space<vmem>>, vector<16xf32>,
      %parallel_loop3A_403 = arith.mulf %parallel_loop3A_402, %parallel_loop3A_392 : vector<16xf32>
      %parallel_loop3A_404 = arith.index_cast %parallel_loop3A_390 : i32 to index
      %parallel_loop3A_405 = arith.constant 16 : index
      %parallel_loop3A_406 = tpu.vector_load %arg23[%parallel_loop3A_404, %parallel_loop3A_405] {strides = array<i32>} : memref<48x128xf32, #tpu.memory_space<vmem>>, vector<16xf32>,
      tpu.vector_store %arg23[%parallel_loop3A_404, %parallel_loop3A_405], %parallel_loop3A_403 {strides = array<i32>} : memref<48x128xf32, #tpu.memory_space<vmem>>, vector<16xf32>,
      %parallel_loop3A_407 = arith.index_cast %parallel_loop3A_390 : i32 to index
      %parallel_loop3A_408 = arith.constant 32 : index
      %parallel_loop3A_409 = tpu.vector_load %arg23[%parallel_loop3A_407, %parallel_loop3A_408] {strides = array<i32>} : memref<48x128xf32, #tpu.memory_space<vmem>>, vector<16xf32>,
      %parallel_loop3A_410 = arith.mulf %parallel_loop3A_409, %parallel_loop3A_392 : vector<16xf32>
      %parallel_loop3A_411 = arith.index_cast %parallel_loop3A_390 : i32 to index
      %parallel_loop3A_412 = arith.constant 32 : index
      %parallel_loop3A_413 = tpu.vector_load %arg23[%parallel_loop3A_411, %parallel_loop3A_412] {strides = array<i32>} : memref<48x128xf32, #tpu.memory_space<vmem>>, vector<16xf32>,
      tpu.vector_store %arg23[%parallel_loop3A_411, %parallel_loop3A_412], %parallel_loop3A_410 {strides = array<i32>} : memref<48x128xf32, #tpu.memory_space<vmem>>, vector<16xf32>,
      %parallel_loop3A_414 = arith.index_cast %parallel_loop3A_390 : i32 to index
      %parallel_loop3A_415 = arith.constant 48 : index
      %parallel_loop3A_416 = tpu.vector_load %arg23[%parallel_loop3A_414, %parallel_loop3A_415] {strides = array<i32>} : memref<48x128xf32, #tpu.memory_space<vmem>>, vector<16xf32>,
      %parallel_loop3A_417 = arith.mulf %parallel_loop3A_416, %parallel_loop3A_392 : vector<16xf32>
      %parallel_loop3A_418 = arith.index_cast %parallel_loop3A_390 : i32 to index
      %parallel_loop3A_419 = arith.constant 48 : index
      %parallel_loop3A_420 = tpu.vector_load %arg23[%parallel_loop3A_418, %parallel_loop3A_419] {strides = array<i32>} : memref<48x128xf32, #tpu.memory_space<vmem>>, vector<16xf32>,
      tpu.vector_store %arg23[%parallel_loop3A_418, %parallel_loop3A_419], %parallel_loop3A_417 {strides = array<i32>} : memref<48x128xf32, #tpu.memory_space<vmem>>, vector<16xf32>,
      %parallel_loop3A_421 = arith.index_cast %parallel_loop3A_390 : i32 to index
      %parallel_loop3A_422 = arith.constant 64 : index
      %parallel_loop3A_423 = tpu.vector_load %arg23[%parallel_loop3A_421, %parallel_loop3A_422] {strides = array<i32>} : memref<48x128xf32, #tpu.memory_space<vmem>>, vector<16xf32>,
      %parallel_loop3A_424 = arith.mulf %parallel_loop3A_423, %parallel_loop3A_392 : vector<16xf32>
      %parallel_loop3A_425 = arith.index_cast %parallel_loop3A_390 : i32 to index
      %parallel_loop3A_426 = arith.constant 64 : index
      %parallel_loop3A_427 = tpu.vector_load %arg23[%parallel_loop3A_425, %parallel_loop3A_426] {strides = array<i32>} : memref<48x128xf32, #tpu.memory_space<vmem>>, vector<16xf32>,
      tpu.vector_store %arg23[%parallel_loop3A_425, %parallel_loop3A_426], %parallel_loop3A_424 {strides = array<i32>} : memref<48x128xf32, #tpu.memory_space<vmem>>, vector<16xf32>,
      %parallel_loop3A_428 = arith.index_cast %parallel_loop3A_390 : i32 to index
      %parallel_loop3A_429 = arith.constant 80 : index
      %parallel_loop3A_430 = tpu.vector_load %arg23[%parallel_loop3A_428, %parallel_loop3A_429] {strides = array<i32>} : memref<48x128xf32, #tpu.memory_space<vmem>>, vector<16xf32>,
      %parallel_loop3A_431 = arith.mulf %parallel_loop3A_430, %parallel_loop3A_392 : vector<16xf32>
      %parallel_loop3A_432 = arith.index_cast %parallel_loop3A_390 : i32 to index
      %parallel_loop3A_433 = arith.constant 80 : index
      %parallel_loop3A_434 = tpu.vector_load %arg23[%parallel_loop3A_432, %parallel_loop3A_433] {strides = array<i32>} : memref<48x128xf32, #tpu.memory_space<vmem>>, vector<16xf32>,
      tpu.vector_store %arg23[%parallel_loop3A_432, %parallel_loop3A_433], %parallel_loop3A_431 {strides = array<i32>} : memref<48x128xf32, #tpu.memory_space<vmem>>, vector<16xf32>,
      %parallel_loop3A_435 = arith.index_cast %parallel_loop3A_390 : i32 to index
      %parallel_loop3A_436 = arith.constant 96 : index
      %parallel_loop3A_437 = tpu.vector_load %arg23[%parallel_loop3A_435, %parallel_loop3A_436] {strides = array<i32>} : memref<48x128xf32, #tpu.memory_space<vmem>>, vector<16xf32>,
      %parallel_loop3A_438 = arith.mulf %parallel_loop3A_437, %parallel_loop3A_392 : vector<16xf32>
      %parallel_loop3A_439 = arith.index_cast %parallel_loop3A_390 : i32 to index
      %parallel_loop3A_440 = arith.constant 96 : index
      %parallel_loop3A_441 = tpu.vector_load %arg23[%parallel_loop3A_439, %parallel_loop3A_440] {strides = array<i32>} : memref<48x128xf32, #tpu.memory_space<vmem>>, vector<16xf32>,
      tpu.vector_store %arg23[%parallel_loop3A_439, %parallel_loop3A_440], %parallel_loop3A_438 {strides = array<i32>} : memref<48x128xf32, #tpu.memory_space<vmem>>, vector<16xf32>,
      %parallel_loop3A_442 = arith.index_cast %parallel_loop3A_390 : i32 to index
      %parallel_loop3A_443 = arith.constant 112 : index
      %parallel_loop3A_444 = tpu.vector_load %arg23[%parallel_loop3A_442, %parallel_loop3A_443] {strides = array<i32>} : memref<48x128xf32, #tpu.memory_space<vmem>>, vector<16xf32>,
      %parallel_loop3A_445 = arith.mulf %parallel_loop3A_444, %parallel_loop3A_392 : vector<16xf32>
      %parallel_loop3A_446 = arith.index_cast %parallel_loop3A_390 : i32 to index
      %parallel_loop3A_447 = arith.constant 112 : index
      %parallel_loop3A_448 = tpu.vector_load %arg23[%parallel_loop3A_446, %parallel_loop3A_447] {strides = array<i32>} : memref<48x128xf32, #tpu.memory_space<vmem>>, vector<16xf32>,
      tpu.vector_store %arg23[%parallel_loop3A_446, %parallel_loop3A_447], %parallel_loop3A_445 {strides = array<i32>} : memref<48x128xf32, #tpu.memory_space<vmem>>, vector<16xf32>,
    } {sc.loop_unroll_factor = 4 : i64, sc.parallel_access}
    %dma_start3A_69 = arith.constant 0 : i32
    %dma_start3A_70 = arith.constant 0 : i32
    %dma_start3A_71 = tpu.memref_slice %arg50[%dma_start3A_69, %dma_start3A_70] : memref<10000x128xf32, #tpu.memory_space<vmem_shared>> -> memref<10000x128xf32, #tpu.memory_space<vmem_shared>>
    tpu.enqueue_indirect_dma source(%arg23 : memref<48x128xf32, #tpu.memory_space<vmem>>) target(%dma_start3A_71 : memref<10000x128xf32, #tpu.memory_space<vmem_shared>>) offsets(%arg22 : memref<48xi32, #tpu.memory_space<vmem>>) semaphore(%arg40 : memref<!tpu.dma_semaphore, #tpu.memory_space<semaphore_mem>>) {add = true}
    %add3A_72 = arith.constant 0 : i32
    %add3A_73 = arith.addi %mul3A_7, %add3A_72 : i32
    %dma_start3A_74 = tpu.memref_slice %arg11[%add3A_73] : memref<320000xf32, #tpu.memory_space<hbm>> -> memref<48xf32, #tpu.memory_space<hbm>>
    %dma_start3A_75 = tpu.memref_slice %arg11[%add3A_73] : memref<320000xf32, #tpu.memory_space<hbm>> -> memref<48xf32, #tpu.memory_space<hbm>>
    tpu.enqueue_dma source(%arg21 : memref<48xf32, #tpu.memory_space<vmem>>) target(%dma_start3A_75 : memref<48xf32, #tpu.memory_space<hbm>>) target_semaphore(%arg41 : memref<!tpu.dma_semaphore, #tpu.memory_space<semaphore_mem>>)
    %scan3A_76 = arith.constant 0 : i32
    %scan3A_77 = arith.constant 3 : i32
    %scan3A_78 = arith.addi %scan3A_76, %scan3A_77 : i32
    %scan3A_79 = arith.constant 1 : i32
    scf.for %scan3A_390 = %scan3A_76 to %scan3A_78 step %scan3A_79  : i32 {
      %mul3A_391 = arith.constant 16 : i32
      %mul3A_392 = arith.muli %scan3A_390, %mul3A_391 : i32
      %add3A_393 = arith.constant 0 : i32
      %add3A_394 = arith.addi %add3A_393, %mul3A_392 : i32
      %get3A_395 = arith.index_cast %add3A_394 : i32 to index
      %get3A_396 = tpu.vector_load %arg24[%get3A_395] {strides = array<i32>} : memref<48xi32, #tpu.memory_space<vmem>>, vector<16xi32>,
      %get3A_397 = arith.index_cast %add3A_394 : i32 to index
      %get3A_398 = tpu.vector_load %arg25[%get3A_397] {strides = array<i32>} : memref<48xi32, #tpu.memory_space<vmem>>, vector<16xi32>,
      %get3A_399 = arith.index_cast %add3A_394 : i32 to index
      %get3A_400 = tpu.vector_load %arg26[%get3A_399] {strides = array<i32>} : memref<48xf32, #tpu.memory_space<vmem>>, vector<16xf32>,
      %gather3A_401 = tpu.vector_load_idx %arg14[%get3A_396] : memref<10000xf32, #tpu.memory_space<vmem>>[vector<16xi32>], vector<16xf32>,
      %gather3A_402 = tpu.vector_load_idx %arg15[%get3A_398] : memref<10000xf32, #tpu.memory_space<vmem>>[vector<16xi32>], vector<16xf32>,
      %add3A_403 = arith.addf %gather3A_401, %gather3A_402 : vector<16xf32>
      %mul3A_404 = arith.mulf %get3A_400, %get3A_5 : vector<16xf32>
      %add3A_405 = arith.addf %add3A_403, %mul3A_404 : vector<16xf32>
      %ge3A_406 = arith.constant 0.000000e+00 : f32
      %ge3A_407 = vector.broadcast %ge3A_406 : f32 to vector<16xf32>
      %ge3A_408 = arith.cmpf oge, %add3A_405, %ge3A_407 : vector<16xf32>
      %mul3A_409 = arith.constant 2.000000e-01 : f32
      %mul3A_410 = vector.broadcast %mul3A_409 : f32 to vector<16xf32>
      %mul3A_411 = arith.mulf %mul3A_410, %add3A_405 : vector<16xf32>
      %select_n3A_412 = arith.select %ge3A_408, %add3A_405, %mul3A_411 : vector<16xi1>, vector<16xf32>
      %neg3A_413 = arith.constant 0.000000e+00 : f32
      %neg3A_414 = vector.broadcast %neg3A_413 : f32 to vector<16xf32>
      %neg3A_415 = arith.subf %neg3A_414, %select_n3A_412 : vector<16xf32>
      %exp3A_416 = math.exp %neg3A_415 : vector<16xf32>
      %swap3A_417 = arith.index_cast %add3A_394 : i32 to index
      %swap3A_418 = tpu.vector_load %arg27[%swap3A_417] {strides = array<i32>} : memref<48xf32, #tpu.memory_space<vmem>>, vector<16xf32>,
      tpu.vector_store %arg27[%swap3A_417], %exp3A_416 {strides = array<i32>} : memref<48xf32, #tpu.memory_space<vmem>>, vector<16xf32>,
      tpu.vector_store_idx %arg16[%get3A_396], %exp3A_416 {add = true} : memref<10000xf32, #tpu.memory_space<vmem>>[vector<16xi32>], vector<16xf32>,
      %swap3A_419 = arith.index_cast %add3A_394 : i32 to index
      %swap3A_420 = tpu.vector_load %arg28[%swap3A_419] {strides = array<i32>} : memref<48xi32, #tpu.memory_space<vmem>>, vector<16xi32>,
      tpu.vector_store %arg28[%swap3A_419], %get3A_396 {strides = array<i32>} : memref<48xi32, #tpu.memory_space<vmem>>, vector<16xi32>,
    }
    %scan3A_80 = arith.constant 3 : i32
    %dma_wait3A_81 = arith.constant 0 : i32
    %dma_wait3A_82 = tpu.memref_slice %arg3[%dma_wait3A_81] : memref<320000xi32, #tpu.memory_space<hbm>> -> memref<48xi32, #tpu.memory_space<hbm>>
    %dma_wait3A_83 = arith.constant 0 : i32
    %dma_wait3A_84 = tpu.memref_slice %arg3[%dma_wait3A_83] : memref<320000xi32, #tpu.memory_space<hbm>> -> memref<48xi32, #tpu.memory_space<hbm>>
    tpu.wait_dma2 semaphore(%arg46 : memref<!tpu.dma_semaphore, #tpu.memory_space<semaphore_mem>>) src(%dma_wait3A_84 : memref<48xi32, #tpu.memory_space<hbm>>) dst(%arg30 : memref<48xi32, #tpu.memory_space<vmem>>)
    %dma_wait3A_85 = arith.constant 0 : i32
    %dma_wait3A_86 = tpu.memref_slice %arg4[%dma_wait3A_85] : memref<320000xi32, #tpu.memory_space<hbm>> -> memref<48xi32, #tpu.memory_space<hbm>>
    %dma_wait3A_87 = arith.constant 0 : i32
    %dma_wait3A_88 = tpu.memref_slice %arg4[%dma_wait3A_87] : memref<320000xi32, #tpu.memory_space<hbm>> -> memref<48xi32, #tpu.memory_space<hbm>>
    tpu.wait_dma2 semaphore(%arg46 : memref<!tpu.dma_semaphore, #tpu.memory_space<semaphore_mem>>) src(%dma_wait3A_88 : memref<48xi32, #tpu.memory_space<hbm>>) dst(%arg31 : memref<48xi32, #tpu.memory_space<vmem>>)
    %dma_wait3A_89 = arith.constant 0 : i32
    %dma_wait3A_90 = tpu.memref_slice %arg5[%dma_wait3A_89] : memref<320000xf32, #tpu.memory_space<hbm>> -> memref<48xf32, #tpu.memory_space<hbm>>
    %dma_wait3A_91 = arith.constant 0 : i32
    %dma_wait3A_92 = tpu.memref_slice %arg5[%dma_wait3A_91] : memref<320000xf32, #tpu.memory_space<hbm>> -> memref<48xf32, #tpu.memory_space<hbm>>
    tpu.wait_dma2 semaphore(%arg46 : memref<!tpu.dma_semaphore, #tpu.memory_space<semaphore_mem>>) src(%dma_wait3A_92 : memref<48xf32, #tpu.memory_space<hbm>>) dst(%arg32 : memref<48xf32, #tpu.memory_space<vmem>>)
    %dma_start3A_93 = arith.constant 0 : i32
    %dma_start3A_94 = arith.constant 0 : i32
    %dma_start3A_95 = tpu.memref_slice %arg2[%dma_start3A_93, %dma_start3A_94] : memref<10000x128xf32, #tpu.memory_space<hbm>> -> memref<10000x128xf32, #tpu.memory_space<hbm>>
    tpu.enqueue_indirect_dma source(%dma_start3A_95 : memref<10000x128xf32, #tpu.memory_space<hbm>>) target(%arg35 : memref<48x128xf32, #tpu.memory_space<vmem>>) offsets(%arg31 : memref<48xi32, #tpu.memory_space<vmem>>) semaphore(%arg47 : memref<!tpu.dma_semaphore, #tpu.memory_space<semaphore_mem>>)
    %dma_wait3A_96 = arith.constant 0 : i32
    %dma_wait3A_97 = arith.constant 0 : i32
    %dma_wait3A_98 = tpu.memref_slice %arg2[%dma_wait3A_96, %dma_wait3A_97] : memref<10000x128xf32, #tpu.memory_space<hbm>> -> memref<10000x128xf32, #tpu.memory_space<hbm>>
    tpu.wait_indirect_dma semaphore(%arg43 : memref<!tpu.dma_semaphore, #tpu.memory_space<semaphore_mem>>) src(%dma_wait3A_98 : memref<10000x128xf32, #tpu.memory_space<hbm>>) dst(%arg29 : memref<48x128xf32, #tpu.memory_space<vmem>>)
    %add3A_99 = arith.constant 144 : i32
    %add3A_100 = arith.addi %mul3A_7, %add3A_99 : i32
    %dma_start3A_101 = tpu.memref_slice %arg3[%add3A_100] : memref<320000xi32, #tpu.memory_space<hbm>> -> memref<48xi32, #tpu.memory_space<hbm>>
    %dma_start3A_102 = tpu.memref_slice %arg3[%add3A_100] : memref<320000xi32, #tpu.memory_space<hbm>> -> memref<48xi32, #tpu.memory_space<hbm>>
    tpu.enqueue_dma source(%dma_start3A_102 : memref<48xi32, #tpu.memory_space<hbm>>) target(%arg18 : memref<48xi32, #tpu.memory_space<vmem>>) target_semaphore(%arg38 : memref<!tpu.dma_semaphore, #tpu.memory_space<semaphore_mem>>)
    %dma_start3A_103 = tpu.memref_slice %arg4[%add3A_100] : memref<320000xi32, #tpu.memory_space<hbm>> -> memref<48xi32, #tpu.memory_space<hbm>>
    %dma_start3A_104 = tpu.memref_slice %arg4[%add3A_100] : memref<320000xi32, #tpu.memory_space<hbm>> -> memref<48xi32, #tpu.memory_space<hbm>>
    tpu.enqueue_dma source(%dma_start3A_104 : memref<48xi32, #tpu.memory_space<hbm>>) target(%arg19 : memref<48xi32, #tpu.memory_space<vmem>>) target_semaphore(%arg38 : memref<!tpu.dma_semaphore, #tpu.memory_space<semaphore_mem>>)
    %dma_start3A_105 = tpu.memref_slice %arg5[%add3A_100] : memref<320000xf32, #tpu.memory_space<hbm>> -> memref<48xf32, #tpu.memory_space<hbm>>
    %dma_start3A_106 = tpu.memref_slice %arg5[%add3A_100] : memref<320000xf32, #tpu.memory_space<hbm>> -> memref<48xf32, #tpu.memory_space<hbm>>
    tpu.enqueue_dma source(%dma_start3A_106 : memref<48xf32, #tpu.memory_space<hbm>>) target(%arg20 : memref<48xf32, #tpu.memory_space<vmem>>) target_semaphore(%arg38 : memref<!tpu.dma_semaphore, #tpu.memory_space<semaphore_mem>>)
    %parallel_loop3A_107 = arith.constant 0 : i32
    %parallel_loop3A_108 = arith.constant 48 : i32
    %parallel_loop3A_109 = arith.constant 1 : i32
    scf.for %parallel_loop3A_390 = %parallel_loop3A_107 to %parallel_loop3A_108 step %parallel_loop3A_109  : i32 {
      %parallel_loop3A_391 = vector.broadcast %parallel_loop3A_390 : i32 to vector<16xi32>
      %parallel_loop3A_392 = tpu.vector_load_idx %arg27[%parallel_loop3A_391] : memref<48xf32, #tpu.memory_space<vmem>>[vector<16xi32>], vector<16xf32>,
      %parallel_loop3A_393 = arith.index_cast %parallel_loop3A_390 : i32 to index
      %parallel_loop3A_394 = arith.constant 0 : index
      %parallel_loop3A_395 = tpu.vector_load %arg29[%parallel_loop3A_393, %parallel_loop3A_394] {strides = array<i32>} : memref<48x128xf32, #tpu.memory_space<vmem>>, vector<16xf32>,
      %parallel_loop3A_396 = arith.mulf %parallel_loop3A_395, %parallel_loop3A_392 : vector<16xf32>
      %parallel_loop3A_397 = arith.index_cast %parallel_loop3A_390 : i32 to index
      %parallel_loop3A_398 = arith.constant 0 : index
      %parallel_loop3A_399 = tpu.vector_load %arg29[%parallel_loop3A_397, %parallel_loop3A_398] {strides = array<i32>} : memref<48x128xf32, #tpu.memory_space<vmem>>, vector<16xf32>,
      tpu.vector_store %arg29[%parallel_loop3A_397, %parallel_loop3A_398], %parallel_loop3A_396 {strides = array<i32>} : memref<48x128xf32, #tpu.memory_space<vmem>>, vector<16xf32>,
      %parallel_loop3A_400 = arith.index_cast %parallel_loop3A_390 : i32 to index
      %parallel_loop3A_401 = arith.constant 16 : index
      %parallel_loop3A_402 = tpu.vector_load %arg29[%parallel_loop3A_400, %parallel_loop3A_401] {strides = array<i32>} : memref<48x128xf32, #tpu.memory_space<vmem>>, vector<16xf32>,
      %parallel_loop3A_403 = arith.mulf %parallel_loop3A_402, %parallel_loop3A_392 : vector<16xf32>
      %parallel_loop3A_404 = arith.index_cast %parallel_loop3A_390 : i32 to index
      %parallel_loop3A_405 = arith.constant 16 : index
      %parallel_loop3A_406 = tpu.vector_load %arg29[%parallel_loop3A_404, %parallel_loop3A_405] {strides = array<i32>} : memref<48x128xf32, #tpu.memory_space<vmem>>, vector<16xf32>,
      tpu.vector_store %arg29[%parallel_loop3A_404, %parallel_loop3A_405], %parallel_loop3A_403 {strides = array<i32>} : memref<48x128xf32, #tpu.memory_space<vmem>>, vector<16xf32>,
      %parallel_loop3A_407 = arith.index_cast %parallel_loop3A_390 : i32 to index
      %parallel_loop3A_408 = arith.constant 32 : index
      %parallel_loop3A_409 = tpu.vector_load %arg29[%parallel_loop3A_407, %parallel_loop3A_408] {strides = array<i32>} : memref<48x128xf32, #tpu.memory_space<vmem>>, vector<16xf32>,
      %parallel_loop3A_410 = arith.mulf %parallel_loop3A_409, %parallel_loop3A_392 : vector<16xf32>
      %parallel_loop3A_411 = arith.index_cast %parallel_loop3A_390 : i32 to index
      %parallel_loop3A_412 = arith.constant 32 : index
      %parallel_loop3A_413 = tpu.vector_load %arg29[%parallel_loop3A_411, %parallel_loop3A_412] {strides = array<i32>} : memref<48x128xf32, #tpu.memory_space<vmem>>, vector<16xf32>,
      tpu.vector_store %arg29[%parallel_loop3A_411, %parallel_loop3A_412], %parallel_loop3A_410 {strides = array<i32>} : memref<48x128xf32, #tpu.memory_space<vmem>>, vector<16xf32>,
      %parallel_loop3A_414 = arith.index_cast %parallel_loop3A_390 : i32 to index
      %parallel_loop3A_415 = arith.constant 48 : index
      %parallel_loop3A_416 = tpu.vector_load %arg29[%parallel_loop3A_414, %parallel_loop3A_415] {strides = array<i32>} : memref<48x128xf32, #tpu.memory_space<vmem>>, vector<16xf32>,
      %parallel_loop3A_417 = arith.mulf %parallel_loop3A_416, %parallel_loop3A_392 : vector<16xf32>
      %parallel_loop3A_418 = arith.index_cast %parallel_loop3A_390 : i32 to index
      %parallel_loop3A_419 = arith.constant 48 : index
      %parallel_loop3A_420 = tpu.vector_load %arg29[%parallel_loop3A_418, %parallel_loop3A_419] {strides = array<i32>} : memref<48x128xf32, #tpu.memory_space<vmem>>, vector<16xf32>,
      tpu.vector_store %arg29[%parallel_loop3A_418, %parallel_loop3A_419], %parallel_loop3A_417 {strides = array<i32>} : memref<48x128xf32, #tpu.memory_space<vmem>>, vector<16xf32>,
      %parallel_loop3A_421 = arith.index_cast %parallel_loop3A_390 : i32 to index
      %parallel_loop3A_422 = arith.constant 64 : index
      %parallel_loop3A_423 = tpu.vector_load %arg29[%parallel_loop3A_421, %parallel_loop3A_422] {strides = array<i32>} : memref<48x128xf32, #tpu.memory_space<vmem>>, vector<16xf32>,
      %parallel_loop3A_424 = arith.mulf %parallel_loop3A_423, %parallel_loop3A_392 : vector<16xf32>
      %parallel_loop3A_425 = arith.index_cast %parallel_loop3A_390 : i32 to index
      %parallel_loop3A_426 = arith.constant 64 : index
      %parallel_loop3A_427 = tpu.vector_load %arg29[%parallel_loop3A_425, %parallel_loop3A_426] {strides = array<i32>} : memref<48x128xf32, #tpu.memory_space<vmem>>, vector<16xf32>,
      tpu.vector_store %arg29[%parallel_loop3A_425, %parallel_loop3A_426], %parallel_loop3A_424 {strides = array<i32>} : memref<48x128xf32, #tpu.memory_space<vmem>>, vector<16xf32>,
      %parallel_loop3A_428 = arith.index_cast %parallel_loop3A_390 : i32 to index
      %parallel_loop3A_429 = arith.constant 80 : index
      %parallel_loop3A_430 = tpu.vector_load %arg29[%parallel_loop3A_428, %parallel_loop3A_429] {strides = array<i32>} : memref<48x128xf32, #tpu.memory_space<vmem>>, vector<16xf32>,
      %parallel_loop3A_431 = arith.mulf %parallel_loop3A_430, %parallel_loop3A_392 : vector<16xf32>
      %parallel_loop3A_432 = arith.index_cast %parallel_loop3A_390 : i32 to index
      %parallel_loop3A_433 = arith.constant 80 : index
      %parallel_loop3A_434 = tpu.vector_load %arg29[%parallel_loop3A_432, %parallel_loop3A_433] {strides = array<i32>} : memref<48x128xf32, #tpu.memory_space<vmem>>, vector<16xf32>,
      tpu.vector_store %arg29[%parallel_loop3A_432, %parallel_loop3A_433], %parallel_loop3A_431 {strides = array<i32>} : memref<48x128xf32, #tpu.memory_space<vmem>>, vector<16xf32>,
      %parallel_loop3A_435 = arith.index_cast %parallel_loop3A_390 : i32 to index
      %parallel_loop3A_436 = arith.constant 96 : index
      %parallel_loop3A_437 = tpu.vector_load %arg29[%parallel_loop3A_435, %parallel_loop3A_436] {strides = array<i32>} : memref<48x128xf32, #tpu.memory_space<vmem>>, vector<16xf32>,
      %parallel_loop3A_438 = arith.mulf %parallel_loop3A_437, %parallel_loop3A_392 : vector<16xf32>
      %parallel_loop3A_439 = arith.index_cast %parallel_loop3A_390 : i32 to index
      %parallel_loop3A_440 = arith.constant 96 : index
      %parallel_loop3A_441 = tpu.vector_load %arg29[%parallel_loop3A_439, %parallel_loop3A_440] {strides = array<i32>} : memref<48x128xf32, #tpu.memory_space<vmem>>, vector<16xf32>,
      tpu.vector_store %arg29[%parallel_loop3A_439, %parallel_loop3A_440], %parallel_loop3A_438 {strides = array<i32>} : memref<48x128xf32, #tpu.memory_space<vmem>>, vector<16xf32>,
      %parallel_loop3A_442 = arith.index_cast %parallel_loop3A_390 : i32 to index
      %parallel_loop3A_443 = arith.constant 112 : index
      %parallel_loop3A_444 = tpu.vector_load %arg29[%parallel_loop3A_442, %parallel_loop3A_443] {strides = array<i32>} : memref<48x128xf32, #tpu.memory_space<vmem>>, vector<16xf32>,
      %parallel_loop3A_445 = arith.mulf %parallel_loop3A_444, %parallel_loop3A_392 : vector<16xf32>
      %parallel_loop3A_446 = arith.index_cast %parallel_loop3A_390 : i32 to index
      %parallel_loop3A_447 = arith.constant 112 : index
      %parallel_loop3A_448 = tpu.vector_load %arg29[%parallel_loop3A_446, %parallel_loop3A_447] {strides = array<i32>} : memref<48x128xf32, #tpu.memory_space<vmem>>, vector<16xf32>,
      tpu.vector_store %arg29[%parallel_loop3A_446, %parallel_loop3A_447], %parallel_loop3A_445 {strides = array<i32>} : memref<48x128xf32, #tpu.memory_space<vmem>>, vector<16xf32>,
    } {sc.loop_unroll_factor = 4 : i64, sc.parallel_access}
    %dma_start3A_110 = arith.constant 0 : i32
    %dma_start3A_111 = arith.constant 0 : i32
    %dma_start3A_112 = tpu.memref_slice %arg50[%dma_start3A_110, %dma_start3A_111] : memref<10000x128xf32, #tpu.memory_space<vmem_shared>> -> memref<10000x128xf32, #tpu.memory_space<vmem_shared>>
    tpu.enqueue_indirect_dma source(%arg29 : memref<48x128xf32, #tpu.memory_space<vmem>>) target(%dma_start3A_112 : memref<10000x128xf32, #tpu.memory_space<vmem_shared>>) offsets(%arg28 : memref<48xi32, #tpu.memory_space<vmem>>) semaphore(%arg44 : memref<!tpu.dma_semaphore, #tpu.memory_space<semaphore_mem>>) {add = true}
    %add3A_113 = arith.constant 48 : i32
    %add3A_114 = arith.addi %mul3A_7, %add3A_113 : i32
    %dma_start3A_115 = tpu.memref_slice %arg11[%add3A_114] : memref<320000xf32, #tpu.memory_space<hbm>> -> memref<48xf32, #tpu.memory_space<hbm>>
    %dma_start3A_116 = tpu.memref_slice %arg11[%add3A_114] : memref<320000xf32, #tpu.memory_space<hbm>> -> memref<48xf32, #tpu.memory_space<hbm>>
    tpu.enqueue_dma source(%arg27 : memref<48xf32, #tpu.memory_space<vmem>>) target(%dma_start3A_116 : memref<48xf32, #tpu.memory_space<hbm>>) target_semaphore(%arg45 : memref<!tpu.dma_semaphore, #tpu.memory_space<semaphore_mem>>)
    %scan3A_117 = arith.constant 0 : i32
    %scan3A_118 = arith.constant 3 : i32
    %scan3A_119 = arith.addi %scan3A_117, %scan3A_118 : i32
    %scan3A_120 = arith.constant 1 : i32
    scf.for %scan3A_390 = %scan3A_117 to %scan3A_119 step %scan3A_120  : i32 {
      %mul3A_391 = arith.constant 16 : i32
      %mul3A_392 = arith.muli %scan3A_390, %mul3A_391 : i32
      %add3A_393 = arith.constant 0 : i32
      %add3A_394 = arith.addi %add3A_393, %mul3A_392 : i32
      %get3A_395 = arith.index_cast %add3A_394 : i32 to index
      %get3A_396 = tpu.vector_load %arg30[%get3A_395] {strides = array<i32>} : memref<48xi32, #tpu.memory_space<vmem>>, vector<16xi32>,
      %get3A_397 = arith.index_cast %add3A_394 : i32 to index
      %get3A_398 = tpu.vector_load %arg31[%get3A_397] {strides = array<i32>} : memref<48xi32, #tpu.memory_space<vmem>>, vector<16xi32>,
      %get3A_399 = arith.index_cast %add3A_394 : i32 to index
      %get3A_400 = tpu.vector_load %arg32[%get3A_399] {strides = array<i32>} : memref<48xf32, #tpu.memory_space<vmem>>, vector<16xf32>,
      %gather3A_401 = tpu.vector_load_idx %arg14[%get3A_396] : memref<10000xf32, #tpu.memory_space<vmem>>[vector<16xi32>], vector<16xf32>,
      %gather3A_402 = tpu.vector_load_idx %arg15[%get3A_398] : memref<10000xf32, #tpu.memory_space<vmem>>[vector<16xi32>], vector<16xf32>,
      %add3A_403 = arith.addf %gather3A_401, %gather3A_402 : vector<16xf32>
      %mul3A_404 = arith.mulf %get3A_400, %get3A_5 : vector<16xf32>
      %add3A_405 = arith.addf %add3A_403, %mul3A_404 : vector<16xf32>
      %ge3A_406 = arith.constant 0.000000e+00 : f32
      %ge3A_407 = vector.broadcast %ge3A_406 : f32 to vector<16xf32>
      %ge3A_408 = arith.cmpf oge, %add3A_405, %ge3A_407 : vector<16xf32>
      %mul3A_409 = arith.constant 2.000000e-01 : f32
      %mul3A_410 = vector.broadcast %mul3A_409 : f32 to vector<16xf32>
      %mul3A_411 = arith.mulf %mul3A_410, %add3A_405 : vector<16xf32>
      %select_n3A_412 = arith.select %ge3A_408, %add3A_405, %mul3A_411 : vector<16xi1>, vector<16xf32>
      %neg3A_413 = arith.constant 0.000000e+00 : f32
      %neg3A_414 = vector.broadcast %neg3A_413 : f32 to vector<16xf32>
      %neg3A_415 = arith.subf %neg3A_414, %select_n3A_412 : vector<16xf32>
      %exp3A_416 = math.exp %neg3A_415 : vector<16xf32>
      %swap3A_417 = arith.index_cast %add3A_394 : i32 to index
      %swap3A_418 = tpu.vector_load %arg33[%swap3A_417] {strides = array<i32>} : memref<48xf32, #tpu.memory_space<vmem>>, vector<16xf32>,
      tpu.vector_store %arg33[%swap3A_417], %exp3A_416 {strides = array<i32>} : memref<48xf32, #tpu.memory_space<vmem>>, vector<16xf32>,
      tpu.vector_store_idx %arg16[%get3A_396], %exp3A_416 {add = true} : memref<10000xf32, #tpu.memory_space<vmem>>[vector<16xi32>], vector<16xf32>,
      %swap3A_419 = arith.index_cast %add3A_394 : i32 to index
      %swap3A_420 = tpu.vector_load %arg34[%swap3A_419] {strides = array<i32>} : memref<48xi32, #tpu.memory_space<vmem>>, vector<16xi32>,
      tpu.vector_store %arg34[%swap3A_419], %get3A_396 {strides = array<i32>} : memref<48xi32, #tpu.memory_space<vmem>>, vector<16xi32>,
    }
    %scan3A_121 = arith.constant 3 : i32
    %dma_wait3A_122 = arith.constant 0 : i32
    %dma_wait3A_123 = arith.constant 0 : i32
    %dma_wait3A_124 = tpu.memref_slice %arg50[%dma_wait3A_122, %dma_wait3A_123] : memref<10000x128xf32, #tpu.memory_space<vmem_shared>> -> memref<10000x128xf32, #tpu.memory_space<vmem_shared>>
    tpu.wait_indirect_dma semaphore(%arg40 : memref<!tpu.dma_semaphore, #tpu.memory_space<semaphore_mem>>) src(%arg23 : memref<48x128xf32, #tpu.memory_space<vmem>>) dst(%dma_wait3A_124 : memref<10000x128xf32, #tpu.memory_space<vmem_shared>>)
    %dma_wait3A_125 = arith.constant 0 : i32
    %dma_wait3A_126 = tpu.memref_slice %arg3[%dma_wait3A_125] : memref<320000xi32, #tpu.memory_space<hbm>> -> memref<48xi32, #tpu.memory_space<hbm>>
    %dma_wait3A_127 = arith.constant 0 : i32
    %dma_wait3A_128 = tpu.memref_slice %arg3[%dma_wait3A_127] : memref<320000xi32, #tpu.memory_space<hbm>> -> memref<48xi32, #tpu.memory_space<hbm>>
    tpu.wait_dma2 semaphore(%arg38 : memref<!tpu.dma_semaphore, #tpu.memory_space<semaphore_mem>>) src(%dma_wait3A_128 : memref<48xi32, #tpu.memory_space<hbm>>) dst(%arg18 : memref<48xi32, #tpu.memory_space<vmem>>)
    %dma_wait3A_129 = arith.constant 0 : i32
    %dma_wait3A_130 = tpu.memref_slice %arg4[%dma_wait3A_129] : memref<320000xi32, #tpu.memory_space<hbm>> -> memref<48xi32, #tpu.memory_space<hbm>>
    %dma_wait3A_131 = arith.constant 0 : i32
    %dma_wait3A_132 = tpu.memref_slice %arg4[%dma_wait3A_131] : memref<320000xi32, #tpu.memory_space<hbm>> -> memref<48xi32, #tpu.memory_space<hbm>>
    tpu.wait_dma2 semaphore(%arg38 : memref<!tpu.dma_semaphore, #tpu.memory_space<semaphore_mem>>) src(%dma_wait3A_132 : memref<48xi32, #tpu.memory_space<hbm>>) dst(%arg19 : memref<48xi32, #tpu.memory_space<vmem>>)
    %dma_wait3A_133 = arith.constant 0 : i32
    %dma_wait3A_134 = tpu.memref_slice %arg5[%dma_wait3A_133] : memref<320000xf32, #tpu.memory_space<hbm>> -> memref<48xf32, #tpu.memory_space<hbm>>
    %dma_wait3A_135 = arith.constant 0 : i32
    %dma_wait3A_136 = tpu.memref_slice %arg5[%dma_wait3A_135] : memref<320000xf32, #tpu.memory_space<hbm>> -> memref<48xf32, #tpu.memory_space<hbm>>
    tpu.wait_dma2 semaphore(%arg38 : memref<!tpu.dma_semaphore, #tpu.memory_space<semaphore_mem>>) src(%dma_wait3A_136 : memref<48xf32, #tpu.memory_space<hbm>>) dst(%arg20 : memref<48xf32, #tpu.memory_space<vmem>>)
    %dma_start3A_137 = arith.constant 0 : i32
    %dma_start3A_138 = arith.constant 0 : i32
    %dma_start3A_139 = tpu.memref_slice %arg2[%dma_start3A_137, %dma_start3A_138] : memref<10000x128xf32, #tpu.memory_space<hbm>> -> memref<10000x128xf32, #tpu.memory_space<hbm>>
    tpu.enqueue_indirect_dma source(%dma_start3A_139 : memref<10000x128xf32, #tpu.memory_space<hbm>>) target(%arg23 : memref<48x128xf32, #tpu.memory_space<vmem>>) offsets(%arg19 : memref<48xi32, #tpu.memory_space<vmem>>) semaphore(%arg39 : memref<!tpu.dma_semaphore, #tpu.memory_space<semaphore_mem>>)
    %dma_wait3A_140 = arith.constant 0 : i32
    %dma_wait3A_141 = arith.constant 0 : i32
    %dma_wait3A_142 = tpu.memref_slice %arg2[%dma_wait3A_140, %dma_wait3A_141] : memref<10000x128xf32, #tpu.memory_space<hbm>> -> memref<10000x128xf32, #tpu.memory_space<hbm>>
    tpu.wait_indirect_dma semaphore(%arg47 : memref<!tpu.dma_semaphore, #tpu.memory_space<semaphore_mem>>) src(%dma_wait3A_142 : memref<10000x128xf32, #tpu.memory_space<hbm>>) dst(%arg35 : memref<48x128xf32, #tpu.memory_space<vmem>>)
    %add3A_143 = arith.constant 192 : i32
    %add3A_144 = arith.addi %mul3A_7, %add3A_143 : i32
    %dma_start3A_145 = tpu.memref_slice %arg3[%add3A_144] : memref<320000xi32, #tpu.memory_space<hbm>> -> memref<48xi32, #tpu.memory_space<hbm>>
    %dma_start3A_146 = tpu.memref_slice %arg3[%add3A_144] : memref<320000xi32, #tpu.memory_space<hbm>> -> memref<48xi32, #tpu.memory_space<hbm>>
    tpu.enqueue_dma source(%dma_start3A_146 : memref<48xi32, #tpu.memory_space<hbm>>) target(%arg24 : memref<48xi32, #tpu.memory_space<vmem>>) target_semaphore(%arg42 : memref<!tpu.dma_semaphore, #tpu.memory_space<semaphore_mem>>)
    %dma_start3A_147 = tpu.memref_slice %arg4[%add3A_144] : memref<320000xi32, #tpu.memory_space<hbm>> -> memref<48xi32, #tpu.memory_space<hbm>>
    %dma_start3A_148 = tpu.memref_slice %arg4[%add3A_144] : memref<320000xi32, #tpu.memory_space<hbm>> -> memref<48xi32, #tpu.memory_space<hbm>>
    tpu.enqueue_dma source(%dma_start3A_148 : memref<48xi32, #tpu.memory_space<hbm>>) target(%arg25 : memref<48xi32, #tpu.memory_space<vmem>>) target_semaphore(%arg42 : memref<!tpu.dma_semaphore, #tpu.memory_space<semaphore_mem>>)
    %dma_start3A_149 = tpu.memref_slice %arg5[%add3A_144] : memref<320000xf32, #tpu.memory_space<hbm>> -> memref<48xf32, #tpu.memory_space<hbm>>
    %dma_start3A_150 = tpu.memref_slice %arg5[%add3A_144] : memref<320000xf32, #tpu.memory_space<hbm>> -> memref<48xf32, #tpu.memory_space<hbm>>
    tpu.enqueue_dma source(%dma_start3A_150 : memref<48xf32, #tpu.memory_space<hbm>>) target(%arg26 : memref<48xf32, #tpu.memory_space<vmem>>) target_semaphore(%arg42 : memref<!tpu.dma_semaphore, #tpu.memory_space<semaphore_mem>>)
    %parallel_loop3A_151 = arith.constant 0 : i32
    %parallel_loop3A_152 = arith.constant 48 : i32
    %parallel_loop3A_153 = arith.constant 1 : i32
    scf.for %parallel_loop3A_390 = %parallel_loop3A_151 to %parallel_loop3A_152 step %parallel_loop3A_153  : i32 {
      %parallel_loop3A_391 = vector.broadcast %parallel_loop3A_390 : i32 to vector<16xi32>
      %parallel_loop3A_392 = tpu.vector_load_idx %arg33[%parallel_loop3A_391] : memref<48xf32, #tpu.memory_space<vmem>>[vector<16xi32>], vector<16xf32>,
      %parallel_loop3A_393 = arith.index_cast %parallel_loop3A_390 : i32 to index
      %parallel_loop3A_394 = arith.constant 0 : index
      %parallel_loop3A_395 = tpu.vector_load %arg35[%parallel_loop3A_393, %parallel_loop3A_394] {strides = array<i32>} : memref<48x128xf32, #tpu.memory_space<vmem>>, vector<16xf32>,
      %parallel_loop3A_396 = arith.mulf %parallel_loop3A_395, %parallel_loop3A_392 : vector<16xf32>
      %parallel_loop3A_397 = arith.index_cast %parallel_loop3A_390 : i32 to index
      %parallel_loop3A_398 = arith.constant 0 : index
      %parallel_loop3A_399 = tpu.vector_load %arg35[%parallel_loop3A_397, %parallel_loop3A_398] {strides = array<i32>} : memref<48x128xf32, #tpu.memory_space<vmem>>, vector<16xf32>,
      tpu.vector_store %arg35[%parallel_loop3A_397, %parallel_loop3A_398], %parallel_loop3A_396 {strides = array<i32>} : memref<48x128xf32, #tpu.memory_space<vmem>>, vector<16xf32>,
      %parallel_loop3A_400 = arith.index_cast %parallel_loop3A_390 : i32 to index
      %parallel_loop3A_401 = arith.constant 16 : index
      %parallel_loop3A_402 = tpu.vector_load %arg35[%parallel_loop3A_400, %parallel_loop3A_401] {strides = array<i32>} : memref<48x128xf32, #tpu.memory_space<vmem>>, vector<16xf32>,
      %parallel_loop3A_403 = arith.mulf %parallel_loop3A_402, %parallel_loop3A_392 : vector<16xf32>
      %parallel_loop3A_404 = arith.index_cast %parallel_loop3A_390 : i32 to index
      %parallel_loop3A_405 = arith.constant 16 : index
      %parallel_loop3A_406 = tpu.vector_load %arg35[%parallel_loop3A_404, %parallel_loop3A_405] {strides = array<i32>} : memref<48x128xf32, #tpu.memory_space<vmem>>, vector<16xf32>,
      tpu.vector_store %arg35[%parallel_loop3A_404, %parallel_loop3A_405], %parallel_loop3A_403 {strides = array<i32>} : memref<48x128xf32, #tpu.memory_space<vmem>>, vector<16xf32>,
      %parallel_loop3A_407 = arith.index_cast %parallel_loop3A_390 : i32 to index
      %parallel_loop3A_408 = arith.constant 32 : index
      %parallel_loop3A_409 = tpu.vector_load %arg35[%parallel_loop3A_407, %parallel_loop3A_408] {strides = array<i32>} : memref<48x128xf32, #tpu.memory_space<vmem>>, vector<16xf32>,
      %parallel_loop3A_410 = arith.mulf %parallel_loop3A_409, %parallel_loop3A_392 : vector<16xf32>
      %parallel_loop3A_411 = arith.index_cast %parallel_loop3A_390 : i32 to index
      %parallel_loop3A_412 = arith.constant 32 : index
      %parallel_loop3A_413 = tpu.vector_load %arg35[%parallel_loop3A_411, %parallel_loop3A_412] {strides = array<i32>} : memref<48x128xf32, #tpu.memory_space<vmem>>, vector<16xf32>,
      tpu.vector_store %arg35[%parallel_loop3A_411, %parallel_loop3A_412], %parallel_loop3A_410 {strides = array<i32>} : memref<48x128xf32, #tpu.memory_space<vmem>>, vector<16xf32>,
      %parallel_loop3A_414 = arith.index_cast %parallel_loop3A_390 : i32 to index
      %parallel_loop3A_415 = arith.constant 48 : index
      %parallel_loop3A_416 = tpu.vector_load %arg35[%parallel_loop3A_414, %parallel_loop3A_415] {strides = array<i32>} : memref<48x128xf32, #tpu.memory_space<vmem>>, vector<16xf32>,
      %parallel_loop3A_417 = arith.mulf %parallel_loop3A_416, %parallel_loop3A_392 : vector<16xf32>
      %parallel_loop3A_418 = arith.index_cast %parallel_loop3A_390 : i32 to index
      %parallel_loop3A_419 = arith.constant 48 : index
      %parallel_loop3A_420 = tpu.vector_load %arg35[%parallel_loop3A_418, %parallel_loop3A_419] {strides = array<i32>} : memref<48x128xf32, #tpu.memory_space<vmem>>, vector<16xf32>,
      tpu.vector_store %arg35[%parallel_loop3A_418, %parallel_loop3A_419], %parallel_loop3A_417 {strides = array<i32>} : memref<48x128xf32, #tpu.memory_space<vmem>>, vector<16xf32>,
      %parallel_loop3A_421 = arith.index_cast %parallel_loop3A_390 : i32 to index
      %parallel_loop3A_422 = arith.constant 64 : index
      %parallel_loop3A_423 = tpu.vector_load %arg35[%parallel_loop3A_421, %parallel_loop3A_422] {strides = array<i32>} : memref<48x128xf32, #tpu.memory_space<vmem>>, vector<16xf32>,
      %parallel_loop3A_424 = arith.mulf %parallel_loop3A_423, %parallel_loop3A_392 : vector<16xf32>
      %parallel_loop3A_425 = arith.index_cast %parallel_loop3A_390 : i32 to index
      %parallel_loop3A_426 = arith.constant 64 : index
      %parallel_loop3A_427 = tpu.vector_load %arg35[%parallel_loop3A_425, %parallel_loop3A_426] {strides = array<i32>} : memref<48x128xf32, #tpu.memory_space<vmem>>, vector<16xf32>,
      tpu.vector_store %arg35[%parallel_loop3A_425, %parallel_loop3A_426], %parallel_loop3A_424 {strides = array<i32>} : memref<48x128xf32, #tpu.memory_space<vmem>>, vector<16xf32>,
      %parallel_loop3A_428 = arith.index_cast %parallel_loop3A_390 : i32 to index
      %parallel_loop3A_429 = arith.constant 80 : index
      %parallel_loop3A_430 = tpu.vector_load %arg35[%parallel_loop3A_428, %parallel_loop3A_429] {strides = array<i32>} : memref<48x128xf32, #tpu.memory_space<vmem>>, vector<16xf32>,
      %parallel_loop3A_431 = arith.mulf %parallel_loop3A_430, %parallel_loop3A_392 : vector<16xf32>
      %parallel_loop3A_432 = arith.index_cast %parallel_loop3A_390 : i32 to index
      %parallel_loop3A_433 = arith.constant 80 : index
      %parallel_loop3A_434 = tpu.vector_load %arg35[%parallel_loop3A_432, %parallel_loop3A_433] {strides = array<i32>} : memref<48x128xf32, #tpu.memory_space<vmem>>, vector<16xf32>,
      tpu.vector_store %arg35[%parallel_loop3A_432, %parallel_loop3A_433], %parallel_loop3A_431 {strides = array<i32>} : memref<48x128xf32, #tpu.memory_space<vmem>>, vector<16xf32>,
      %parallel_loop3A_435 = arith.index_cast %parallel_loop3A_390 : i32 to index
      %parallel_loop3A_436 = arith.constant 96 : index
      %parallel_loop3A_437 = tpu.vector_load %arg35[%parallel_loop3A_435, %parallel_loop3A_436] {strides = array<i32>} : memref<48x128xf32, #tpu.memory_space<vmem>>, vector<16xf32>,
      %parallel_loop3A_438 = arith.mulf %parallel_loop3A_437, %parallel_loop3A_392 : vector<16xf32>
      %parallel_loop3A_439 = arith.index_cast %parallel_loop3A_390 : i32 to index
      %parallel_loop3A_440 = arith.constant 96 : index
      %parallel_loop3A_441 = tpu.vector_load %arg35[%parallel_loop3A_439, %parallel_loop3A_440] {strides = array<i32>} : memref<48x128xf32, #tpu.memory_space<vmem>>, vector<16xf32>,
      tpu.vector_store %arg35[%parallel_loop3A_439, %parallel_loop3A_440], %parallel_loop3A_438 {strides = array<i32>} : memref<48x128xf32, #tpu.memory_space<vmem>>, vector<16xf32>,
      %parallel_loop3A_442 = arith.index_cast %parallel_loop3A_390 : i32 to index
      %parallel_loop3A_443 = arith.constant 112 : index
      %parallel_loop3A_444 = tpu.vector_load %arg35[%parallel_loop3A_442, %parallel_loop3A_443] {strides = array<i32>} : memref<48x128xf32, #tpu.memory_space<vmem>>, vector<16xf32>,
      %parallel_loop3A_445 = arith.mulf %parallel_loop3A_444, %parallel_loop3A_392 : vector<16xf32>
      %parallel_loop3A_446 = arith.index_cast %parallel_loop3A_390 : i32 to index
      %parallel_loop3A_447 = arith.constant 112 : index
      %parallel_loop3A_448 = tpu.vector_load %arg35[%parallel_loop3A_446, %parallel_loop3A_447] {strides = array<i32>} : memref<48x128xf32, #tpu.memory_space<vmem>>, vector<16xf32>,
      tpu.vector_store %arg35[%parallel_loop3A_446, %parallel_loop3A_447], %parallel_loop3A_445 {strides = array<i32>} : memref<48x128xf32, #tpu.memory_space<vmem>>, vector<16xf32>,
    } {sc.loop_unroll_factor = 4 : i64, sc.parallel_access}
    %dma_start3A_154 = arith.constant 0 : i32
    %dma_start3A_155 = arith.constant 0 : i32
    %dma_start3A_156 = tpu.memref_slice %arg50[%dma_start3A_154, %dma_start3A_155] : memref<10000x128xf32, #tpu.memory_space<vmem_shared>> -> memref<10000x128xf32, #tpu.memory_space<vmem_shared>>
    tpu.enqueue_indirect_dma source(%arg35 : memref<48x128xf32, #tpu.memory_space<vmem>>) target(%dma_start3A_156 : memref<10000x128xf32, #tpu.memory_space<vmem_shared>>) offsets(%arg34 : memref<48xi32, #tpu.memory_space<vmem>>) semaphore(%arg48 : memref<!tpu.dma_semaphore, #tpu.memory_space<semaphore_mem>>) {add = true}
    %add3A_157 = arith.constant 96 : i32
    %add3A_158 = arith.addi %mul3A_7, %add3A_157 : i32
    %dma_start3A_159 = tpu.memref_slice %arg11[%add3A_158] : memref<320000xf32, #tpu.memory_space<hbm>> -> memref<48xf32, #tpu.memory_space<hbm>>
    %dma_start3A_160 = tpu.memref_slice %arg11[%add3A_158] : memref<320000xf32, #tpu.memory_space<hbm>> -> memref<48xf32, #tpu.memory_space<hbm>>
    tpu.enqueue_dma source(%arg33 : memref<48xf32, #tpu.memory_space<vmem>>) target(%dma_start3A_160 : memref<48xf32, #tpu.memory_space<hbm>>) target_semaphore(%arg49 : memref<!tpu.dma_semaphore, #tpu.memory_space<semaphore_mem>>)
    %dma_wait3A_161 = arith.constant 0 : i32
    %dma_wait3A_162 = tpu.memref_slice %arg11[%dma_wait3A_161] : memref<320000xf32, #tpu.memory_space<hbm>> -> memref<48xf32, #tpu.memory_space<hbm>>
    %dma_wait3A_163 = arith.constant 0 : i32
    %dma_wait3A_164 = tpu.memref_slice %arg11[%dma_wait3A_163] : memref<320000xf32, #tpu.memory_space<hbm>> -> memref<48xf32, #tpu.memory_space<hbm>>
    tpu.wait_dma2 semaphore(%arg41 : memref<!tpu.dma_semaphore, #tpu.memory_space<semaphore_mem>>) src(%arg21 : memref<48xf32, #tpu.memory_space<vmem>>) dst(%dma_wait3A_164 : memref<48xf32, #tpu.memory_space<hbm>>)
    %scan3A_165 = arith.constant 0 : i32
    %scan3A_166 = arith.constant 3 : i32
    %scan3A_167 = arith.addi %scan3A_165, %scan3A_166 : i32
    %scan3A_168 = arith.constant 1 : i32
    scf.for %scan3A_390 = %scan3A_165 to %scan3A_167 step %scan3A_168  : i32 {
      %mul3A_391 = arith.constant 16 : i32
      %mul3A_392 = arith.muli %scan3A_390, %mul3A_391 : i32
      %add3A_393 = arith.constant 0 : i32
      %add3A_394 = arith.addi %add3A_393, %mul3A_392 : i32
      %get3A_395 = arith.index_cast %add3A_394 : i32 to index
      %get3A_396 = tpu.vector_load %arg18[%get3A_395] {strides = array<i32>} : memref<48xi32, #tpu.memory_space<vmem>>, vector<16xi32>,
      %get3A_397 = arith.index_cast %add3A_394 : i32 to index
      %get3A_398 = tpu.vector_load %arg19[%get3A_397] {strides = array<i32>} : memref<48xi32, #tpu.memory_space<vmem>>, vector<16xi32>,
      %get3A_399 = arith.index_cast %add3A_394 : i32 to index
      %get3A_400 = tpu.vector_load %arg20[%get3A_399] {strides = array<i32>} : memref<48xf32, #tpu.memory_space<vmem>>, vector<16xf32>,
      %gather3A_401 = tpu.vector_load_idx %arg14[%get3A_396] : memref<10000xf32, #tpu.memory_space<vmem>>[vector<16xi32>], vector<16xf32>,
      %gather3A_402 = tpu.vector_load_idx %arg15[%get3A_398] : memref<10000xf32, #tpu.memory_space<vmem>>[vector<16xi32>], vector<16xf32>,
      %add3A_403 = arith.addf %gather3A_401, %gather3A_402 : vector<16xf32>
      %mul3A_404 = arith.mulf %get3A_400, %get3A_5 : vector<16xf32>
      %add3A_405 = arith.addf %add3A_403, %mul3A_404 : vector<16xf32>
      %ge3A_406 = arith.constant 0.000000e+00 : f32
      %ge3A_407 = vector.broadcast %ge3A_406 : f32 to vector<16xf32>
      %ge3A_408 = arith.cmpf oge, %add3A_405, %ge3A_407 : vector<16xf32>
      %mul3A_409 = arith.constant 2.000000e-01 : f32
      %mul3A_410 = vector.broadcast %mul3A_409 : f32 to vector<16xf32>
      %mul3A_411 = arith.mulf %mul3A_410, %add3A_405 : vector<16xf32>
      %select_n3A_412 = arith.select %ge3A_408, %add3A_405, %mul3A_411 : vector<16xi1>, vector<16xf32>
      %neg3A_413 = arith.constant 0.000000e+00 : f32
      %neg3A_414 = vector.broadcast %neg3A_413 : f32 to vector<16xf32>
      %neg3A_415 = arith.subf %neg3A_414, %select_n3A_412 : vector<16xf32>
      %exp3A_416 = math.exp %neg3A_415 : vector<16xf32>
      %swap3A_417 = arith.index_cast %add3A_394 : i32 to index
      %swap3A_418 = tpu.vector_load %arg21[%swap3A_417] {strides = array<i32>} : memref<48xf32, #tpu.memory_space<vmem>>, vector<16xf32>,
      tpu.vector_store %arg21[%swap3A_417], %exp3A_416 {strides = array<i32>} : memref<48xf32, #tpu.memory_space<vmem>>, vector<16xf32>,
      tpu.vector_store_idx %arg16[%get3A_396], %exp3A_416 {add = true} : memref<10000xf32, #tpu.memory_space<vmem>>[vector<16xi32>], vector<16xf32>,
      %swap3A_419 = arith.index_cast %add3A_394 : i32 to index
      %swap3A_420 = tpu.vector_load %arg22[%swap3A_419] {strides = array<i32>} : memref<48xi32, #tpu.memory_space<vmem>>, vector<16xi32>,
      tpu.vector_store %arg22[%swap3A_419], %get3A_396 {strides = array<i32>} : memref<48xi32, #tpu.memory_space<vmem>>, vector<16xi32>,
    }
    %scan3A_169 = arith.constant 3 : i32
    %dma_wait3A_170 = arith.constant 0 : i32
    %dma_wait3A_171 = arith.constant 0 : i32
    %dma_wait3A_172 = tpu.memref_slice %arg50[%dma_wait3A_170, %dma_wait3A_171] : memref<10000x128xf32, #tpu.memory_space<vmem_shared>> -> memref<10000x128xf32, #tpu.memory_space<vmem_shared>>
    tpu.wait_indirect_dma semaphore(%arg44 : memref<!tpu.dma_semaphore, #tpu.memory_space<semaphore_mem>>) src(%arg29 : memref<48x128xf32, #tpu.memory_space<vmem>>) dst(%dma_wait3A_172 : memref<10000x128xf32, #tpu.memory_space<vmem_shared>>)
    %dma_wait3A_173 = arith.constant 0 : i32
    %dma_wait3A_174 = tpu.memref_slice %arg3[%dma_wait3A_173] : memref<320000xi32, #tpu.memory_space<hbm>> -> memref<48xi32, #tpu.memory_space<hbm>>
    %dma_wait3A_175 = arith.constant 0 : i32
    %dma_wait3A_176 = tpu.memref_slice %arg3[%dma_wait3A_175] : memref<320000xi32, #tpu.memory_space<hbm>> -> memref<48xi32, #tpu.memory_space<hbm>>
    tpu.wait_dma2 semaphore(%arg42 : memref<!tpu.dma_semaphore, #tpu.memory_space<semaphore_mem>>) src(%dma_wait3A_176 : memref<48xi32, #tpu.memory_space<hbm>>) dst(%arg24 : memref<48xi32, #tpu.memory_space<vmem>>)
    %dma_wait3A_177 = arith.constant 0 : i32
    %dma_wait3A_178 = tpu.memref_slice %arg4[%dma_wait3A_177] : memref<320000xi32, #tpu.memory_space<hbm>> -> memref<48xi32, #tpu.memory_space<hbm>>
    %dma_wait3A_179 = arith.constant 0 : i32
    %dma_wait3A_180 = tpu.memref_slice %arg4[%dma_wait3A_179] : memref<320000xi32, #tpu.memory_space<hbm>> -> memref<48xi32, #tpu.memory_space<hbm>>
    tpu.wait_dma2 semaphore(%arg42 : memref<!tpu.dma_semaphore, #tpu.memory_space<semaphore_mem>>) src(%dma_wait3A_180 : memref<48xi32, #tpu.memory_space<hbm>>) dst(%arg25 : memref<48xi32, #tpu.memory_space<vmem>>)
    %dma_wait3A_181 = arith.constant 0 : i32
    %dma_wait3A_182 = tpu.memref_slice %arg5[%dma_wait3A_181] : memref<320000xf32, #tpu.memory_space<hbm>> -> memref<48xf32, #tpu.memory_space<hbm>>
    %dma_wait3A_183 = arith.constant 0 : i32
    %dma_wait3A_184 = tpu.memref_slice %arg5[%dma_wait3A_183] : memref<320000xf32, #tpu.memory_space<hbm>> -> memref<48xf32, #tpu.memory_space<hbm>>
    tpu.wait_dma2 semaphore(%arg42 : memref<!tpu.dma_semaphore, #tpu.memory_space<semaphore_mem>>) src(%dma_wait3A_184 : memref<48xf32, #tpu.memory_space<hbm>>) dst(%arg26 : memref<48xf32, #tpu.memory_space<vmem>>)
    %dma_start3A_185 = arith.constant 0 : i32
    %dma_start3A_186 = arith.constant 0 : i32
    %dma_start3A_187 = tpu.memref_slice %arg2[%dma_start3A_185, %dma_start3A_186] : memref<10000x128xf32, #tpu.memory_space<hbm>> -> memref<10000x128xf32, #tpu.memory_space<hbm>>
    tpu.enqueue_indirect_dma source(%dma_start3A_187 : memref<10000x128xf32, #tpu.memory_space<hbm>>) target(%arg29 : memref<48x128xf32, #tpu.memory_space<vmem>>) offsets(%arg25 : memref<48xi32, #tpu.memory_space<vmem>>) semaphore(%arg43 : memref<!tpu.dma_semaphore, #tpu.memory_space<semaphore_mem>>)
    %dma_wait3A_188 = arith.constant 0 : i32
    %dma_wait3A_189 = arith.constant 0 : i32
    %dma_wait3A_190 = tpu.memref_slice %arg2[%dma_wait3A_188, %dma_wait3A_189] : memref<10000x128xf32, #tpu.memory_space<hbm>> -> memref<10000x128xf32, #tpu.memory_space<hbm>>
    tpu.wait_indirect_dma semaphore(%arg39 : memref<!tpu.dma_semaphore, #tpu.memory_space<semaphore_mem>>) src(%dma_wait3A_190 : memref<10000x128xf32, #tpu.memory_space<hbm>>) dst(%arg23 : memref<48x128xf32, #tpu.memory_space<vmem>>)
    %add3A_191 = arith.constant 240 : i32
    %add3A_192 = arith.addi %mul3A_7, %add3A_191 : i32
    %dma_start3A_193 = tpu.memref_slice %arg3[%add3A_192] : memref<320000xi32, #tpu.memory_space<hbm>> -> memref<48xi32, #tpu.memory_space<hbm>>
    %dma_start3A_194 = tpu.memref_slice %arg3[%add3A_192] : memref<320000xi32, #tpu.memory_space<hbm>> -> memref<48xi32, #tpu.memory_space<hbm>>
    tpu.enqueue_dma source(%dma_start3A_194 : memref<48xi32, #tpu.memory_space<hbm>>) target(%arg30 : memref<48xi32, #tpu.memory_space<vmem>>) target_semaphore(%arg46 : memref<!tpu.dma_semaphore, #tpu.memory_space<semaphore_mem>>)
    %dma_start3A_195 = tpu.memref_slice %arg4[%add3A_192] : memref<320000xi32, #tpu.memory_space<hbm>> -> memref<48xi32, #tpu.memory_space<hbm>>
    %dma_start3A_196 = tpu.memref_slice %arg4[%add3A_192] : memref<320000xi32, #tpu.memory_space<hbm>> -> memref<48xi32, #tpu.memory_space<hbm>>
    tpu.enqueue_dma source(%dma_start3A_196 : memref<48xi32, #tpu.memory_space<hbm>>) target(%arg31 : memref<48xi32, #tpu.memory_space<vmem>>) target_semaphore(%arg46 : memref<!tpu.dma_semaphore, #tpu.memory_space<semaphore_mem>>)
    %dma_start3A_197 = tpu.memref_slice %arg5[%add3A_192] : memref<320000xf32, #tpu.memory_space<hbm>> -> memref<48xf32, #tpu.memory_space<hbm>>
    %dma_start3A_198 = tpu.memref_slice %arg5[%add3A_192] : memref<320000xf32, #tpu.memory_space<hbm>> -> memref<48xf32, #tpu.memory_space<hbm>>
    tpu.enqueue_dma source(%dma_start3A_198 : memref<48xf32, #tpu.memory_space<hbm>>) target(%arg32 : memref<48xf32, #tpu.memory_space<vmem>>) target_semaphore(%arg46 : memref<!tpu.dma_semaphore, #tpu.memory_space<semaphore_mem>>)
    %parallel_loop3A_199 = arith.constant 0 : i32
    %parallel_loop3A_200 = arith.constant 48 : i32
    %parallel_loop3A_201 = arith.constant 1 : i32
    scf.for %parallel_loop3A_390 = %parallel_loop3A_199 to %parallel_loop3A_200 step %parallel_loop3A_201  : i32 {
      %parallel_loop3A_391 = vector.broadcast %parallel_loop3A_390 : i32 to vector<16xi32>
      %parallel_loop3A_392 = tpu.vector_load_idx %arg21[%parallel_loop3A_391] : memref<48xf32, #tpu.memory_space<vmem>>[vector<16xi32>], vector<16xf32>,
      %parallel_loop3A_393 = arith.index_cast %parallel_loop3A_390 : i32 to index
      %parallel_loop3A_394 = arith.constant 0 : index
      %parallel_loop3A_395 = tpu.vector_load %arg23[%parallel_loop3A_393, %parallel_loop3A_394] {strides = array<i32>} : memref<48x128xf32, #tpu.memory_space<vmem>>, vector<16xf32>,
      %parallel_loop3A_396 = arith.mulf %parallel_loop3A_395, %parallel_loop3A_392 : vector<16xf32>
      %parallel_loop3A_397 = arith.index_cast %parallel_loop3A_390 : i32 to index
      %parallel_loop3A_398 = arith.constant 0 : index
      %parallel_loop3A_399 = tpu.vector_load %arg23[%parallel_loop3A_397, %parallel_loop3A_398] {strides = array<i32>} : memref<48x128xf32, #tpu.memory_space<vmem>>, vector<16xf32>,
      tpu.vector_store %arg23[%parallel_loop3A_397, %parallel_loop3A_398], %parallel_loop3A_396 {strides = array<i32>} : memref<48x128xf32, #tpu.memory_space<vmem>>, vector<16xf32>,
      %parallel_loop3A_400 = arith.index_cast %parallel_loop3A_390 : i32 to index
      %parallel_loop3A_401 = arith.constant 16 : index
      %parallel_loop3A_402 = tpu.vector_load %arg23[%parallel_loop3A_400, %parallel_loop3A_401] {strides = array<i32>} : memref<48x128xf32, #tpu.memory_space<vmem>>, vector<16xf32>,
      %parallel_loop3A_403 = arith.mulf %parallel_loop3A_402, %parallel_loop3A_392 : vector<16xf32>
      %parallel_loop3A_404 = arith.index_cast %parallel_loop3A_390 : i32 to index
      %parallel_loop3A_405 = arith.constant 16 : index
      %parallel_loop3A_406 = tpu.vector_load %arg23[%parallel_loop3A_404, %parallel_loop3A_405] {strides = array<i32>} : memref<48x128xf32, #tpu.memory_space<vmem>>, vector<16xf32>,
      tpu.vector_store %arg23[%parallel_loop3A_404, %parallel_loop3A_405], %parallel_loop3A_403 {strides = array<i32>} : memref<48x128xf32, #tpu.memory_space<vmem>>, vector<16xf32>,
      %parallel_loop3A_407 = arith.index_cast %parallel_loop3A_390 : i32 to index
      %parallel_loop3A_408 = arith.constant 32 : index
      %parallel_loop3A_409 = tpu.vector_load %arg23[%parallel_loop3A_407, %parallel_loop3A_408] {strides = array<i32>} : memref<48x128xf32, #tpu.memory_space<vmem>>, vector<16xf32>,
      %parallel_loop3A_410 = arith.mulf %parallel_loop3A_409, %parallel_loop3A_392 : vector<16xf32>
      %parallel_loop3A_411 = arith.index_cast %parallel_loop3A_390 : i32 to index
      %parallel_loop3A_412 = arith.constant 32 : index
      %parallel_loop3A_413 = tpu.vector_load %arg23[%parallel_loop3A_411, %parallel_loop3A_412] {strides = array<i32>} : memref<48x128xf32, #tpu.memory_space<vmem>>, vector<16xf32>,
      tpu.vector_store %arg23[%parallel_loop3A_411, %parallel_loop3A_412], %parallel_loop3A_410 {strides = array<i32>} : memref<48x128xf32, #tpu.memory_space<vmem>>, vector<16xf32>,
      %parallel_loop3A_414 = arith.index_cast %parallel_loop3A_390 : i32 to index
      %parallel_loop3A_415 = arith.constant 48 : index
      %parallel_loop3A_416 = tpu.vector_load %arg23[%parallel_loop3A_414, %parallel_loop3A_415] {strides = array<i32>} : memref<48x128xf32, #tpu.memory_space<vmem>>, vector<16xf32>,
      %parallel_loop3A_417 = arith.mulf %parallel_loop3A_416, %parallel_loop3A_392 : vector<16xf32>
      %parallel_loop3A_418 = arith.index_cast %parallel_loop3A_390 : i32 to index
      %parallel_loop3A_419 = arith.constant 48 : index
      %parallel_loop3A_420 = tpu.vector_load %arg23[%parallel_loop3A_418, %parallel_loop3A_419] {strides = array<i32>} : memref<48x128xf32, #tpu.memory_space<vmem>>, vector<16xf32>,
      tpu.vector_store %arg23[%parallel_loop3A_418, %parallel_loop3A_419], %parallel_loop3A_417 {strides = array<i32>} : memref<48x128xf32, #tpu.memory_space<vmem>>, vector<16xf32>,
      %parallel_loop3A_421 = arith.index_cast %parallel_loop3A_390 : i32 to index
      %parallel_loop3A_422 = arith.constant 64 : index
      %parallel_loop3A_423 = tpu.vector_load %arg23[%parallel_loop3A_421, %parallel_loop3A_422] {strides = array<i32>} : memref<48x128xf32, #tpu.memory_space<vmem>>, vector<16xf32>,
      %parallel_loop3A_424 = arith.mulf %parallel_loop3A_423, %parallel_loop3A_392 : vector<16xf32>
      %parallel_loop3A_425 = arith.index_cast %parallel_loop3A_390 : i32 to index
      %parallel_loop3A_426 = arith.constant 64 : index
      %parallel_loop3A_427 = tpu.vector_load %arg23[%parallel_loop3A_425, %parallel_loop3A_426] {strides = array<i32>} : memref<48x128xf32, #tpu.memory_space<vmem>>, vector<16xf32>,
      tpu.vector_store %arg23[%parallel_loop3A_425, %parallel_loop3A_426], %parallel_loop3A_424 {strides = array<i32>} : memref<48x128xf32, #tpu.memory_space<vmem>>, vector<16xf32>,
      %parallel_loop3A_428 = arith.index_cast %parallel_loop3A_390 : i32 to index
      %parallel_loop3A_429 = arith.constant 80 : index
      %parallel_loop3A_430 = tpu.vector_load %arg23[%parallel_loop3A_428, %parallel_loop3A_429] {strides = array<i32>} : memref<48x128xf32, #tpu.memory_space<vmem>>, vector<16xf32>,
      %parallel_loop3A_431 = arith.mulf %parallel_loop3A_430, %parallel_loop3A_392 : vector<16xf32>
      %parallel_loop3A_432 = arith.index_cast %parallel_loop3A_390 : i32 to index
      %parallel_loop3A_433 = arith.constant 80 : index
      %parallel_loop3A_434 = tpu.vector_load %arg23[%parallel_loop3A_432, %parallel_loop3A_433] {strides = array<i32>} : memref<48x128xf32, #tpu.memory_space<vmem>>, vector<16xf32>,
      tpu.vector_store %arg23[%parallel_loop3A_432, %parallel_loop3A_433], %parallel_loop3A_431 {strides = array<i32>} : memref<48x128xf32, #tpu.memory_space<vmem>>, vector<16xf32>,
      %parallel_loop3A_435 = arith.index_cast %parallel_loop3A_390 : i32 to index
      %parallel_loop3A_436 = arith.constant 96 : index
      %parallel_loop3A_437 = tpu.vector_load %arg23[%parallel_loop3A_435, %parallel_loop3A_436] {strides = array<i32>} : memref<48x128xf32, #tpu.memory_space<vmem>>, vector<16xf32>,
      %parallel_loop3A_438 = arith.mulf %parallel_loop3A_437, %parallel_loop3A_392 : vector<16xf32>
      %parallel_loop3A_439 = arith.index_cast %parallel_loop3A_390 : i32 to index
      %parallel_loop3A_440 = arith.constant 96 : index
      %parallel_loop3A_441 = tpu.vector_load %arg23[%parallel_loop3A_439, %parallel_loop3A_440] {strides = array<i32>} : memref<48x128xf32, #tpu.memory_space<vmem>>, vector<16xf32>,
      tpu.vector_store %arg23[%parallel_loop3A_439, %parallel_loop3A_440], %parallel_loop3A_438 {strides = array<i32>} : memref<48x128xf32, #tpu.memory_space<vmem>>, vector<16xf32>,
      %parallel_loop3A_442 = arith.index_cast %parallel_loop3A_390 : i32 to index
      %parallel_loop3A_443 = arith.constant 112 : index
      %parallel_loop3A_444 = tpu.vector_load %arg23[%parallel_loop3A_442, %parallel_loop3A_443] {strides = array<i32>} : memref<48x128xf32, #tpu.memory_space<vmem>>, vector<16xf32>,
      %parallel_loop3A_445 = arith.mulf %parallel_loop3A_444, %parallel_loop3A_392 : vector<16xf32>
      %parallel_loop3A_446 = arith.index_cast %parallel_loop3A_390 : i32 to index
      %parallel_loop3A_447 = arith.constant 112 : index
      %parallel_loop3A_448 = tpu.vector_load %arg23[%parallel_loop3A_446, %parallel_loop3A_447] {strides = array<i32>} : memref<48x128xf32, #tpu.memory_space<vmem>>, vector<16xf32>,
      tpu.vector_store %arg23[%parallel_loop3A_446, %parallel_loop3A_447], %parallel_loop3A_445 {strides = array<i32>} : memref<48x128xf32, #tpu.memory_space<vmem>>, vector<16xf32>,
    } {sc.loop_unroll_factor = 4 : i64, sc.parallel_access}
    %dma_start3A_202 = arith.constant 0 : i32
    %dma_start3A_203 = arith.constant 0 : i32
    %dma_start3A_204 = tpu.memref_slice %arg50[%dma_start3A_202, %dma_start3A_203] : memref<10000x128xf32, #tpu.memory_space<vmem_shared>> -> memref<10000x128xf32, #tpu.memory_space<vmem_shared>>
    tpu.enqueue_indirect_dma source(%arg23 : memref<48x128xf32, #tpu.memory_space<vmem>>) target(%dma_start3A_204 : memref<10000x128xf32, #tpu.memory_space<vmem_shared>>) offsets(%arg22 : memref<48xi32, #tpu.memory_space<vmem>>) semaphore(%arg40 : memref<!tpu.dma_semaphore, #tpu.memory_space<semaphore_mem>>) {add = true}
    %add3A_205 = arith.constant 144 : i32
    %add3A_206 = arith.addi %mul3A_7, %add3A_205 : i32
    %dma_start3A_207 = tpu.memref_slice %arg11[%add3A_206] : memref<320000xf32, #tpu.memory_space<hbm>> -> memref<48xf32, #tpu.memory_space<hbm>>
    %dma_start3A_208 = tpu.memref_slice %arg11[%add3A_206] : memref<320000xf32, #tpu.memory_space<hbm>> -> memref<48xf32, #tpu.memory_space<hbm>>
    tpu.enqueue_dma source(%arg21 : memref<48xf32, #tpu.memory_space<vmem>>) target(%dma_start3A_208 : memref<48xf32, #tpu.memory_space<hbm>>) target_semaphore(%arg41 : memref<!tpu.dma_semaphore, #tpu.memory_space<semaphore_mem>>)
    %dma_wait3A_209 = arith.constant 0 : i32
    %dma_wait3A_210 = tpu.memref_slice %arg11[%dma_wait3A_209] : memref<320000xf32, #tpu.memory_space<hbm>> -> memref<48xf32, #tpu.memory_space<hbm>>
    %dma_wait3A_211 = arith.constant 0 : i32
    %dma_wait3A_212 = tpu.memref_slice %arg11[%dma_wait3A_211] : memref<320000xf32, #tpu.memory_space<hbm>> -> memref<48xf32, #tpu.memory_space<hbm>>
    tpu.wait_dma2 semaphore(%arg45 : memref<!tpu.dma_semaphore, #tpu.memory_space<semaphore_mem>>) src(%arg27 : memref<48xf32, #tpu.memory_space<vmem>>) dst(%dma_wait3A_212 : memref<48xf32, #tpu.memory_space<hbm>>)
    %scan3A_213 = arith.constant 0 : i32
    %scan3A_214 = arith.constant 3 : i32
    %scan3A_215 = arith.addi %scan3A_213, %scan3A_214 : i32
    %scan3A_216 = arith.constant 1 : i32
    scf.for %scan3A_390 = %scan3A_213 to %scan3A_215 step %scan3A_216  : i32 {
      %mul3A_391 = arith.constant 16 : i32
      %mul3A_392 = arith.muli %scan3A_390, %mul3A_391 : i32
      %add3A_393 = arith.constant 0 : i32
      %add3A_394 = arith.addi %add3A_393, %mul3A_392 : i32
      %get3A_395 = arith.index_cast %add3A_394 : i32 to index
      %get3A_396 = tpu.vector_load %arg24[%get3A_395] {strides = array<i32>} : memref<48xi32, #tpu.memory_space<vmem>>, vector<16xi32>,
      %get3A_397 = arith.index_cast %add3A_394 : i32 to index
      %get3A_398 = tpu.vector_load %arg25[%get3A_397] {strides = array<i32>} : memref<48xi32, #tpu.memory_space<vmem>>, vector<16xi32>,
      %get3A_399 = arith.index_cast %add3A_394 : i32 to index
      %get3A_400 = tpu.vector_load %arg26[%get3A_399] {strides = array<i32>} : memref<48xf32, #tpu.memory_space<vmem>>, vector<16xf32>,
      %gather3A_401 = tpu.vector_load_idx %arg14[%get3A_396] : memref<10000xf32, #tpu.memory_space<vmem>>[vector<16xi32>], vector<16xf32>,
      %gather3A_402 = tpu.vector_load_idx %arg15[%get3A_398] : memref<10000xf32, #tpu.memory_space<vmem>>[vector<16xi32>], vector<16xf32>,
      %add3A_403 = arith.addf %gather3A_401, %gather3A_402 : vector<16xf32>
      %mul3A_404 = arith.mulf %get3A_400, %get3A_5 : vector<16xf32>
      %add3A_405 = arith.addf %add3A_403, %mul3A_404 : vector<16xf32>
      %ge3A_406 = arith.constant 0.000000e+00 : f32
      %ge3A_407 = vector.broadcast %ge3A_406 : f32 to vector<16xf32>
      %ge3A_408 = arith.cmpf oge, %add3A_405, %ge3A_407 : vector<16xf32>
      %mul3A_409 = arith.constant 2.000000e-01 : f32
      %mul3A_410 = vector.broadcast %mul3A_409 : f32 to vector<16xf32>
      %mul3A_411 = arith.mulf %mul3A_410, %add3A_405 : vector<16xf32>
      %select_n3A_412 = arith.select %ge3A_408, %add3A_405, %mul3A_411 : vector<16xi1>, vector<16xf32>
      %neg3A_413 = arith.constant 0.000000e+00 : f32
      %neg3A_414 = vector.broadcast %neg3A_413 : f32 to vector<16xf32>
      %neg3A_415 = arith.subf %neg3A_414, %select_n3A_412 : vector<16xf32>
      %exp3A_416 = math.exp %neg3A_415 : vector<16xf32>
      %swap3A_417 = arith.index_cast %add3A_394 : i32 to index
      %swap3A_418 = tpu.vector_load %arg27[%swap3A_417] {strides = array<i32>} : memref<48xf32, #tpu.memory_space<vmem>>, vector<16xf32>,
      tpu.vector_store %arg27[%swap3A_417], %exp3A_416 {strides = array<i32>} : memref<48xf32, #tpu.memory_space<vmem>>, vector<16xf32>,
      tpu.vector_store_idx %arg16[%get3A_396], %exp3A_416 {add = true} : memref<10000xf32, #tpu.memory_space<vmem>>[vector<16xi32>], vector<16xf32>,
      %swap3A_419 = arith.index_cast %add3A_394 : i32 to index
      %swap3A_420 = tpu.vector_load %arg28[%swap3A_419] {strides = array<i32>} : memref<48xi32, #tpu.memory_space<vmem>>, vector<16xi32>,
      tpu.vector_store %arg28[%swap3A_419], %get3A_396 {strides = array<i32>} : memref<48xi32, #tpu.memory_space<vmem>>, vector<16xi32>,
    }
    %scan3A_217 = arith.constant 3 : i32
    %dma_wait3A_218 = arith.constant 0 : i32
    %dma_wait3A_219 = arith.constant 0 : i32
    %dma_wait3A_220 = tpu.memref_slice %arg50[%dma_wait3A_218, %dma_wait3A_219] : memref<10000x128xf32, #tpu.memory_space<vmem_shared>> -> memref<10000x128xf32, #tpu.memory_space<vmem_shared>>
    tpu.wait_indirect_dma semaphore(%arg48 : memref<!tpu.dma_semaphore, #tpu.memory_space<semaphore_mem>>) src(%arg35 : memref<48x128xf32, #tpu.memory_space<vmem>>) dst(%dma_wait3A_220 : memref<10000x128xf32, #tpu.memory_space<vmem_shared>>)
    %dma_wait3A_221 = arith.constant 0 : i32
    %dma_wait3A_222 = tpu.memref_slice %arg3[%dma_wait3A_221] : memref<320000xi32, #tpu.memory_space<hbm>> -> memref<48xi32, #tpu.memory_space<hbm>>
    %dma_wait3A_223 = arith.constant 0 : i32
    %dma_wait3A_224 = tpu.memref_slice %arg3[%dma_wait3A_223] : memref<320000xi32, #tpu.memory_space<hbm>> -> memref<48xi32, #tpu.memory_space<hbm>>
    tpu.wait_dma2 semaphore(%arg46 : memref<!tpu.dma_semaphore, #tpu.memory_space<semaphore_mem>>) src(%dma_wait3A_224 : memref<48xi32, #tpu.memory_space<hbm>>) dst(%arg30 : memref<48xi32, #tpu.memory_space<vmem>>)
    %dma_wait3A_225 = arith.constant 0 : i32
    %dma_wait3A_226 = tpu.memref_slice %arg4[%dma_wait3A_225] : memref<320000xi32, #tpu.memory_space<hbm>> -> memref<48xi32, #tpu.memory_space<hbm>>
    %dma_wait3A_227 = arith.constant 0 : i32
    %dma_wait3A_228 = tpu.memref_slice %arg4[%dma_wait3A_227] : memref<320000xi32, #tpu.memory_space<hbm>> -> memref<48xi32, #tpu.memory_space<hbm>>
    tpu.wait_dma2 semaphore(%arg46 : memref<!tpu.dma_semaphore, #tpu.memory_space<semaphore_mem>>) src(%dma_wait3A_228 : memref<48xi32, #tpu.memory_space<hbm>>) dst(%arg31 : memref<48xi32, #tpu.memory_space<vmem>>)
    %dma_wait3A_229 = arith.constant 0 : i32
    %dma_wait3A_230 = tpu.memref_slice %arg5[%dma_wait3A_229] : memref<320000xf32, #tpu.memory_space<hbm>> -> memref<48xf32, #tpu.memory_space<hbm>>
    %dma_wait3A_231 = arith.constant 0 : i32
    %dma_wait3A_232 = tpu.memref_slice %arg5[%dma_wait3A_231] : memref<320000xf32, #tpu.memory_space<hbm>> -> memref<48xf32, #tpu.memory_space<hbm>>
    tpu.wait_dma2 semaphore(%arg46 : memref<!tpu.dma_semaphore, #tpu.memory_space<semaphore_mem>>) src(%dma_wait3A_232 : memref<48xf32, #tpu.memory_space<hbm>>) dst(%arg32 : memref<48xf32, #tpu.memory_space<vmem>>)
    %dma_start3A_233 = arith.constant 0 : i32
    %dma_start3A_234 = arith.constant 0 : i32
    %dma_start3A_235 = tpu.memref_slice %arg2[%dma_start3A_233, %dma_start3A_234] : memref<10000x128xf32, #tpu.memory_space<hbm>> -> memref<10000x128xf32, #tpu.memory_space<hbm>>
    tpu.enqueue_indirect_dma source(%dma_start3A_235 : memref<10000x128xf32, #tpu.memory_space<hbm>>) target(%arg35 : memref<48x128xf32, #tpu.memory_space<vmem>>) offsets(%arg31 : memref<48xi32, #tpu.memory_space<vmem>>) semaphore(%arg47 : memref<!tpu.dma_semaphore, #tpu.memory_space<semaphore_mem>>)
    %dma_wait3A_236 = arith.constant 0 : i32
    %dma_wait3A_237 = arith.constant 0 : i32
    %dma_wait3A_238 = tpu.memref_slice %arg2[%dma_wait3A_236, %dma_wait3A_237] : memref<10000x128xf32, #tpu.memory_space<hbm>> -> memref<10000x128xf32, #tpu.memory_space<hbm>>
    tpu.wait_indirect_dma semaphore(%arg43 : memref<!tpu.dma_semaphore, #tpu.memory_space<semaphore_mem>>) src(%dma_wait3A_238 : memref<10000x128xf32, #tpu.memory_space<hbm>>) dst(%arg29 : memref<48x128xf32, #tpu.memory_space<vmem>>)
    %add3A_239 = arith.constant 288 : i32
    %add3A_240 = arith.addi %mul3A_7, %add3A_239 : i32
    %dma_start3A_241 = tpu.memref_slice %arg3[%add3A_240] : memref<320000xi32, #tpu.memory_space<hbm>> -> memref<48xi32, #tpu.memory_space<hbm>>
    %dma_start3A_242 = tpu.memref_slice %arg3[%add3A_240] : memref<320000xi32, #tpu.memory_space<hbm>> -> memref<48xi32, #tpu.memory_space<hbm>>
    tpu.enqueue_dma source(%dma_start3A_242 : memref<48xi32, #tpu.memory_space<hbm>>) target(%arg18 : memref<48xi32, #tpu.memory_space<vmem>>) target_semaphore(%arg38 : memref<!tpu.dma_semaphore, #tpu.memory_space<semaphore_mem>>)
    %dma_start3A_243 = tpu.memref_slice %arg4[%add3A_240] : memref<320000xi32, #tpu.memory_space<hbm>> -> memref<48xi32, #tpu.memory_space<hbm>>
    %dma_start3A_244 = tpu.memref_slice %arg4[%add3A_240] : memref<320000xi32, #tpu.memory_space<hbm>> -> memref<48xi32, #tpu.memory_space<hbm>>
    tpu.enqueue_dma source(%dma_start3A_244 : memref<48xi32, #tpu.memory_space<hbm>>) target(%arg19 : memref<48xi32, #tpu.memory_space<vmem>>) target_semaphore(%arg38 : memref<!tpu.dma_semaphore, #tpu.memory_space<semaphore_mem>>)
    %dma_start3A_245 = tpu.memref_slice %arg5[%add3A_240] : memref<320000xf32, #tpu.memory_space<hbm>> -> memref<48xf32, #tpu.memory_space<hbm>>
    %dma_start3A_246 = tpu.memref_slice %arg5[%add3A_240] : memref<320000xf32, #tpu.memory_space<hbm>> -> memref<48xf32, #tpu.memory_space<hbm>>
    tpu.enqueue_dma source(%dma_start3A_246 : memref<48xf32, #tpu.memory_space<hbm>>) target(%arg20 : memref<48xf32, #tpu.memory_space<vmem>>) target_semaphore(%arg38 : memref<!tpu.dma_semaphore, #tpu.memory_space<semaphore_mem>>)
    %parallel_loop3A_247 = arith.constant 0 : i32
    %parallel_loop3A_248 = arith.constant 48 : i32
    %parallel_loop3A_249 = arith.constant 1 : i32
    scf.for %parallel_loop3A_390 = %parallel_loop3A_247 to %parallel_loop3A_248 step %parallel_loop3A_249  : i32 {
      %parallel_loop3A_391 = vector.broadcast %parallel_loop3A_390 : i32 to vector<16xi32>
      %parallel_loop3A_392 = tpu.vector_load_idx %arg27[%parallel_loop3A_391] : memref<48xf32, #tpu.memory_space<vmem>>[vector<16xi32>], vector<16xf32>,
      %parallel_loop3A_393 = arith.index_cast %parallel_loop3A_390 : i32 to index
      %parallel_loop3A_394 = arith.constant 0 : index
      %parallel_loop3A_395 = tpu.vector_load %arg29[%parallel_loop3A_393, %parallel_loop3A_394] {strides = array<i32>} : memref<48x128xf32, #tpu.memory_space<vmem>>, vector<16xf32>,
      %parallel_loop3A_396 = arith.mulf %parallel_loop3A_395, %parallel_loop3A_392 : vector<16xf32>
      %parallel_loop3A_397 = arith.index_cast %parallel_loop3A_390 : i32 to index
      %parallel_loop3A_398 = arith.constant 0 : index
      %parallel_loop3A_399 = tpu.vector_load %arg29[%parallel_loop3A_397, %parallel_loop3A_398] {strides = array<i32>} : memref<48x128xf32, #tpu.memory_space<vmem>>, vector<16xf32>,
      tpu.vector_store %arg29[%parallel_loop3A_397, %parallel_loop3A_398], %parallel_loop3A_396 {strides = array<i32>} : memref<48x128xf32, #tpu.memory_space<vmem>>, vector<16xf32>,
      %parallel_loop3A_400 = arith.index_cast %parallel_loop3A_390 : i32 to index
      %parallel_loop3A_401 = arith.constant 16 : index
      %parallel_loop3A_402 = tpu.vector_load %arg29[%parallel_loop3A_400, %parallel_loop3A_401] {strides = array<i32>} : memref<48x128xf32, #tpu.memory_space<vmem>>, vector<16xf32>,
      %parallel_loop3A_403 = arith.mulf %parallel_loop3A_402, %parallel_loop3A_392 : vector<16xf32>
      %parallel_loop3A_404 = arith.index_cast %parallel_loop3A_390 : i32 to index
      %parallel_loop3A_405 = arith.constant 16 : index
      %parallel_loop3A_406 = tpu.vector_load %arg29[%parallel_loop3A_404, %parallel_loop3A_405] {strides = array<i32>} : memref<48x128xf32, #tpu.memory_space<vmem>>, vector<16xf32>,
      tpu.vector_store %arg29[%parallel_loop3A_404, %parallel_loop3A_405], %parallel_loop3A_403 {strides = array<i32>} : memref<48x128xf32, #tpu.memory_space<vmem>>, vector<16xf32>,
      %parallel_loop3A_407 = arith.index_cast %parallel_loop3A_390 : i32 to index
      %parallel_loop3A_408 = arith.constant 32 : index
      %parallel_loop3A_409 = tpu.vector_load %arg29[%parallel_loop3A_407, %parallel_loop3A_408] {strides = array<i32>} : memref<48x128xf32, #tpu.memory_space<vmem>>, vector<16xf32>,
      %parallel_loop3A_410 = arith.mulf %parallel_loop3A_409, %parallel_loop3A_392 : vector<16xf32>
      %parallel_loop3A_411 = arith.index_cast %parallel_loop3A_390 : i32 to index
      %parallel_loop3A_412 = arith.constant 32 : index
      %parallel_loop3A_413 = tpu.vector_load %arg29[%parallel_loop3A_411, %parallel_loop3A_412] {strides = array<i32>} : memref<48x128xf32, #tpu.memory_space<vmem>>, vector<16xf32>,
      tpu.vector_store %arg29[%parallel_loop3A_411, %parallel_loop3A_412], %parallel_loop3A_410 {strides = array<i32>} : memref<48x128xf32, #tpu.memory_space<vmem>>, vector<16xf32>,
      %parallel_loop3A_414 = arith.index_cast %parallel_loop3A_390 : i32 to index
      %parallel_loop3A_415 = arith.constant 48 : index
      %parallel_loop3A_416 = tpu.vector_load %arg29[%parallel_loop3A_414, %parallel_loop3A_415] {strides = array<i32>} : memref<48x128xf32, #tpu.memory_space<vmem>>, vector<16xf32>,
      %parallel_loop3A_417 = arith.mulf %parallel_loop3A_416, %parallel_loop3A_392 : vector<16xf32>
      %parallel_loop3A_418 = arith.index_cast %parallel_loop3A_390 : i32 to index
      %parallel_loop3A_419 = arith.constant 48 : index
      %parallel_loop3A_420 = tpu.vector_load %arg29[%parallel_loop3A_418, %parallel_loop3A_419] {strides = array<i32>} : memref<48x128xf32, #tpu.memory_space<vmem>>, vector<16xf32>,
      tpu.vector_store %arg29[%parallel_loop3A_418, %parallel_loop3A_419], %parallel_loop3A_417 {strides = array<i32>} : memref<48x128xf32, #tpu.memory_space<vmem>>, vector<16xf32>,
      %parallel_loop3A_421 = arith.index_cast %parallel_loop3A_390 : i32 to index
      %parallel_loop3A_422 = arith.constant 64 : index
      %parallel_loop3A_423 = tpu.vector_load %arg29[%parallel_loop3A_421, %parallel_loop3A_422] {strides = array<i32>} : memref<48x128xf32, #tpu.memory_space<vmem>>, vector<16xf32>,
      %parallel_loop3A_424 = arith.mulf %parallel_loop3A_423, %parallel_loop3A_392 : vector<16xf32>
      %parallel_loop3A_425 = arith.index_cast %parallel_loop3A_390 : i32 to index
      %parallel_loop3A_426 = arith.constant 64 : index
      %parallel_loop3A_427 = tpu.vector_load %arg29[%parallel_loop3A_425, %parallel_loop3A_426] {strides = array<i32>} : memref<48x128xf32, #tpu.memory_space<vmem>>, vector<16xf32>,
      tpu.vector_store %arg29[%parallel_loop3A_425, %parallel_loop3A_426], %parallel_loop3A_424 {strides = array<i32>} : memref<48x128xf32, #tpu.memory_space<vmem>>, vector<16xf32>,
      %parallel_loop3A_428 = arith.index_cast %parallel_loop3A_390 : i32 to index
      %parallel_loop3A_429 = arith.constant 80 : index
      %parallel_loop3A_430 = tpu.vector_load %arg29[%parallel_loop3A_428, %parallel_loop3A_429] {strides = array<i32>} : memref<48x128xf32, #tpu.memory_space<vmem>>, vector<16xf32>,
      %parallel_loop3A_431 = arith.mulf %parallel_loop3A_430, %parallel_loop3A_392 : vector<16xf32>
      %parallel_loop3A_432 = arith.index_cast %parallel_loop3A_390 : i32 to index
      %parallel_loop3A_433 = arith.constant 80 : index
      %parallel_loop3A_434 = tpu.vector_load %arg29[%parallel_loop3A_432, %parallel_loop3A_433] {strides = array<i32>} : memref<48x128xf32, #tpu.memory_space<vmem>>, vector<16xf32>,
      tpu.vector_store %arg29[%parallel_loop3A_432, %parallel_loop3A_433], %parallel_loop3A_431 {strides = array<i32>} : memref<48x128xf32, #tpu.memory_space<vmem>>, vector<16xf32>,
      %parallel_loop3A_435 = arith.index_cast %parallel_loop3A_390 : i32 to index
      %parallel_loop3A_436 = arith.constant 96 : index
      %parallel_loop3A_437 = tpu.vector_load %arg29[%parallel_loop3A_435, %parallel_loop3A_436] {strides = array<i32>} : memref<48x128xf32, #tpu.memory_space<vmem>>, vector<16xf32>,
      %parallel_loop3A_438 = arith.mulf %parallel_loop3A_437, %parallel_loop3A_392 : vector<16xf32>
      %parallel_loop3A_439 = arith.index_cast %parallel_loop3A_390 : i32 to index
      %parallel_loop3A_440 = arith.constant 96 : index
      %parallel_loop3A_441 = tpu.vector_load %arg29[%parallel_loop3A_439, %parallel_loop3A_440] {strides = array<i32>} : memref<48x128xf32, #tpu.memory_space<vmem>>, vector<16xf32>,
      tpu.vector_store %arg29[%parallel_loop3A_439, %parallel_loop3A_440], %parallel_loop3A_438 {strides = array<i32>} : memref<48x128xf32, #tpu.memory_space<vmem>>, vector<16xf32>,
      %parallel_loop3A_442 = arith.index_cast %parallel_loop3A_390 : i32 to index
      %parallel_loop3A_443 = arith.constant 112 : index
      %parallel_loop3A_444 = tpu.vector_load %arg29[%parallel_loop3A_442, %parallel_loop3A_443] {strides = array<i32>} : memref<48x128xf32, #tpu.memory_space<vmem>>, vector<16xf32>,
      %parallel_loop3A_445 = arith.mulf %parallel_loop3A_444, %parallel_loop3A_392 : vector<16xf32>
      %parallel_loop3A_446 = arith.index_cast %parallel_loop3A_390 : i32 to index
      %parallel_loop3A_447 = arith.constant 112 : index
      %parallel_loop3A_448 = tpu.vector_load %arg29[%parallel_loop3A_446, %parallel_loop3A_447] {strides = array<i32>} : memref<48x128xf32, #tpu.memory_space<vmem>>, vector<16xf32>,
      tpu.vector_store %arg29[%parallel_loop3A_446, %parallel_loop3A_447], %parallel_loop3A_445 {strides = array<i32>} : memref<48x128xf32, #tpu.memory_space<vmem>>, vector<16xf32>,
    } {sc.loop_unroll_factor = 4 : i64, sc.parallel_access}
    %dma_start3A_250 = arith.constant 0 : i32
    %dma_start3A_251 = arith.constant 0 : i32
    %dma_start3A_252 = tpu.memref_slice %arg50[%dma_start3A_250, %dma_start3A_251] : memref<10000x128xf32, #tpu.memory_space<vmem_shared>> -> memref<10000x128xf32, #tpu.memory_space<vmem_shared>>
    tpu.enqueue_indirect_dma source(%arg29 : memref<48x128xf32, #tpu.memory_space<vmem>>) target(%dma_start3A_252 : memref<10000x128xf32, #tpu.memory_space<vmem_shared>>) offsets(%arg28 : memref<48xi32, #tpu.memory_space<vmem>>) semaphore(%arg44 : memref<!tpu.dma_semaphore, #tpu.memory_space<semaphore_mem>>) {add = true}
    %add3A_253 = arith.constant 192 : i32
    %add3A_254 = arith.addi %mul3A_7, %add3A_253 : i32
    %dma_start3A_255 = tpu.memref_slice %arg11[%add3A_254] : memref<320000xf32, #tpu.memory_space<hbm>> -> memref<48xf32, #tpu.memory_space<hbm>>
    %dma_start3A_256 = tpu.memref_slice %arg11[%add3A_254] : memref<320000xf32, #tpu.memory_space<hbm>> -> memref<48xf32, #tpu.memory_space<hbm>>
    tpu.enqueue_dma source(%arg27 : memref<48xf32, #tpu.memory_space<vmem>>) target(%dma_start3A_256 : memref<48xf32, #tpu.memory_space<hbm>>) target_semaphore(%arg45 : memref<!tpu.dma_semaphore, #tpu.memory_space<semaphore_mem>>)
    %scan3A_257 = arith.constant 0 : i32
    %scan3A_258 = arith.constant 67 : i32
    %scan3A_259 = arith.addi %scan3A_257, %scan3A_258 : i32
    %scan3A_260 = arith.constant 1 : i32
    scf.for %scan3A_390 = %scan3A_257 to %scan3A_259 step %scan3A_260  : i32 {
      %mul3A_391 = arith.constant 1 : i32
      %mul3A_392 = arith.muli %scan3A_390, %mul3A_391 : i32
      %add3A_393 = arith.constant 0 : i32
      %add3A_394 = arith.addi %add3A_393, %mul3A_392 : i32
      %mul3A_395 = arith.constant 3 : i32
      %mul3A_396 = arith.muli %mul3A_395, %add3A_394 : i32
      %add3A_397 = arith.constant 5 : i32
      %add3A_398 = arith.addi %add3A_397, %mul3A_396 : i32
      %dma_wait3A_399 = arith.constant 0 : i32
      %dma_wait3A_400 = tpu.memref_slice %arg11[%dma_wait3A_399] : memref<320000xf32, #tpu.memory_space<hbm>> -> memref<48xf32, #tpu.memory_space<hbm>>
      %dma_wait3A_401 = arith.constant 0 : i32
      %dma_wait3A_402 = tpu.memref_slice %arg11[%dma_wait3A_401] : memref<320000xf32, #tpu.memory_space<hbm>> -> memref<48xf32, #tpu.memory_space<hbm>>
      tpu.wait_dma2 semaphore(%arg49 : memref<!tpu.dma_semaphore, #tpu.memory_space<semaphore_mem>>) src(%arg33 : memref<48xf32, #tpu.memory_space<vmem>>) dst(%dma_wait3A_402 : memref<48xf32, #tpu.memory_space<hbm>>)
      %scan3A_403 = arith.constant 0 : i32
      %scan3A_404 = arith.constant 3 : i32
      %scan3A_405 = arith.addi %scan3A_403, %scan3A_404 : i32
      %scan3A_406 = arith.constant 1 : i32
      scf.for %scan3A_559 = %scan3A_403 to %scan3A_405 step %scan3A_406  : i32 {
        %mul3A_560 = arith.constant 16 : i32
        %mul3A_561 = arith.muli %scan3A_559, %mul3A_560 : i32
        %add3A_562 = arith.constant 0 : i32
        %add3A_563 = arith.addi %add3A_562, %mul3A_561 : i32
        %get3A_564 = arith.index_cast %add3A_563 : i32 to index
        %get3A_565 = tpu.vector_load %arg30[%get3A_564] {strides = array<i32>} : memref<48xi32, #tpu.memory_space<vmem>>, vector<16xi32>,
        %get3A_566 = arith.index_cast %add3A_563 : i32 to index
        %get3A_567 = tpu.vector_load %arg31[%get3A_566] {strides = array<i32>} : memref<48xi32, #tpu.memory_space<vmem>>, vector<16xi32>,
        %get3A_568 = arith.index_cast %add3A_563 : i32 to index
        %get3A_569 = tpu.vector_load %arg32[%get3A_568] {strides = array<i32>} : memref<48xf32, #tpu.memory_space<vmem>>, vector<16xf32>,
        %gather3A_570 = tpu.vector_load_idx %arg14[%get3A_565] : memref<10000xf32, #tpu.memory_space<vmem>>[vector<16xi32>], vector<16xf32>,
        %gather3A_571 = tpu.vector_load_idx %arg15[%get3A_567] : memref<10000xf32, #tpu.memory_space<vmem>>[vector<16xi32>], vector<16xf32>,
        %add3A_572 = arith.addf %gather3A_570, %gather3A_571 : vector<16xf32>
        %mul3A_573 = arith.mulf %get3A_569, %get3A_5 : vector<16xf32>
        %add3A_574 = arith.addf %add3A_572, %mul3A_573 : vector<16xf32>
        %ge3A_575 = arith.constant 0.000000e+00 : f32
        %ge3A_576 = vector.broadcast %ge3A_575 : f32 to vector<16xf32>
        %ge3A_577 = arith.cmpf oge, %add3A_574, %ge3A_576 : vector<16xf32>
        %mul3A_578 = arith.constant 2.000000e-01 : f32
        %mul3A_579 = vector.broadcast %mul3A_578 : f32 to vector<16xf32>
        %mul3A_580 = arith.mulf %mul3A_579, %add3A_574 : vector<16xf32>
        %select_n3A_581 = arith.select %ge3A_577, %add3A_574, %mul3A_580 : vector<16xi1>, vector<16xf32>
        %neg3A_582 = arith.constant 0.000000e+00 : f32
        %neg3A_583 = vector.broadcast %neg3A_582 : f32 to vector<16xf32>
        %neg3A_584 = arith.subf %neg3A_583, %select_n3A_581 : vector<16xf32>
        %exp3A_585 = math.exp %neg3A_584 : vector<16xf32>
        %swap3A_586 = arith.index_cast %add3A_563 : i32 to index
        %swap3A_587 = tpu.vector_load %arg33[%swap3A_586] {strides = array<i32>} : memref<48xf32, #tpu.memory_space<vmem>>, vector<16xf32>,
        tpu.vector_store %arg33[%swap3A_586], %exp3A_585 {strides = array<i32>} : memref<48xf32, #tpu.memory_space<vmem>>, vector<16xf32>,
        tpu.vector_store_idx %arg16[%get3A_565], %exp3A_585 {add = true} : memref<10000xf32, #tpu.memory_space<vmem>>[vector<16xi32>], vector<16xf32>,
        %swap3A_588 = arith.index_cast %add3A_563 : i32 to index
        %swap3A_589 = tpu.vector_load %arg34[%swap3A_588] {strides = array<i32>} : memref<48xi32, #tpu.memory_space<vmem>>, vector<16xi32>,
        tpu.vector_store %arg34[%swap3A_588], %get3A_565 {strides = array<i32>} : memref<48xi32, #tpu.memory_space<vmem>>, vector<16xi32>,
      }
      %scan3A_407 = arith.constant 3 : i32
      %dma_wait3A_408 = arith.constant 0 : i32
      %dma_wait3A_409 = arith.constant 0 : i32
      %dma_wait3A_410 = tpu.memref_slice %arg50[%dma_wait3A_408, %dma_wait3A_409] : memref<10000x128xf32, #tpu.memory_space<vmem_shared>> -> memref<10000x128xf32, #tpu.memory_space<vmem_shared>>
      tpu.wait_indirect_dma semaphore(%arg40 : memref<!tpu.dma_semaphore, #tpu.memory_space<semaphore_mem>>) src(%arg23 : memref<48x128xf32, #tpu.memory_space<vmem>>) dst(%dma_wait3A_410 : memref<10000x128xf32, #tpu.memory_space<vmem_shared>>)
      %dma_wait3A_411 = arith.constant 0 : i32
      %dma_wait3A_412 = tpu.memref_slice %arg3[%dma_wait3A_411] : memref<320000xi32, #tpu.memory_space<hbm>> -> memref<48xi32, #tpu.memory_space<hbm>>
      %dma_wait3A_413 = arith.constant 0 : i32
      %dma_wait3A_414 = tpu.memref_slice %arg3[%dma_wait3A_413] : memref<320000xi32, #tpu.memory_space<hbm>> -> memref<48xi32, #tpu.memory_space<hbm>>
      tpu.wait_dma2 semaphore(%arg38 : memref<!tpu.dma_semaphore, #tpu.memory_space<semaphore_mem>>) src(%dma_wait3A_414 : memref<48xi32, #tpu.memory_space<hbm>>) dst(%arg18 : memref<48xi32, #tpu.memory_space<vmem>>)
      %dma_wait3A_415 = arith.constant 0 : i32
      %dma_wait3A_416 = tpu.memref_slice %arg4[%dma_wait3A_415] : memref<320000xi32, #tpu.memory_space<hbm>> -> memref<48xi32, #tpu.memory_space<hbm>>
      %dma_wait3A_417 = arith.constant 0 : i32
      %dma_wait3A_418 = tpu.memref_slice %arg4[%dma_wait3A_417] : memref<320000xi32, #tpu.memory_space<hbm>> -> memref<48xi32, #tpu.memory_space<hbm>>
      tpu.wait_dma2 semaphore(%arg38 : memref<!tpu.dma_semaphore, #tpu.memory_space<semaphore_mem>>) src(%dma_wait3A_418 : memref<48xi32, #tpu.memory_space<hbm>>) dst(%arg19 : memref<48xi32, #tpu.memory_space<vmem>>)
      %dma_wait3A_419 = arith.constant 0 : i32
      %dma_wait3A_420 = tpu.memref_slice %arg5[%dma_wait3A_419] : memref<320000xf32, #tpu.memory_space<hbm>> -> memref<48xf32, #tpu.memory_space<hbm>>
      %dma_wait3A_421 = arith.constant 0 : i32
      %dma_wait3A_422 = tpu.memref_slice %arg5[%dma_wait3A_421] : memref<320000xf32, #tpu.memory_space<hbm>> -> memref<48xf32, #tpu.memory_space<hbm>>
      tpu.wait_dma2 semaphore(%arg38 : memref<!tpu.dma_semaphore, #tpu.memory_space<semaphore_mem>>) src(%dma_wait3A_422 : memref<48xf32, #tpu.memory_space<hbm>>) dst(%arg20 : memref<48xf32, #tpu.memory_space<vmem>>)
      %dma_start3A_423 = arith.constant 0 : i32
      %dma_start3A_424 = arith.constant 0 : i32
      %dma_start3A_425 = tpu.memref_slice %arg2[%dma_start3A_423, %dma_start3A_424] : memref<10000x128xf32, #tpu.memory_space<hbm>> -> memref<10000x128xf32, #tpu.memory_space<hbm>>
      tpu.enqueue_indirect_dma source(%dma_start3A_425 : memref<10000x128xf32, #tpu.memory_space<hbm>>) target(%arg23 : memref<48x128xf32, #tpu.memory_space<vmem>>) offsets(%arg19 : memref<48xi32, #tpu.memory_space<vmem>>) semaphore(%arg39 : memref<!tpu.dma_semaphore, #tpu.memory_space<semaphore_mem>>)
      %dma_wait3A_426 = arith.constant 0 : i32
      %dma_wait3A_427 = arith.constant 0 : i32
      %dma_wait3A_428 = tpu.memref_slice %arg2[%dma_wait3A_426, %dma_wait3A_427] : memref<10000x128xf32, #tpu.memory_space<hbm>> -> memref<10000x128xf32, #tpu.memory_space<hbm>>
      tpu.wait_indirect_dma semaphore(%arg47 : memref<!tpu.dma_semaphore, #tpu.memory_space<semaphore_mem>>) src(%dma_wait3A_428 : memref<10000x128xf32, #tpu.memory_space<hbm>>) dst(%arg35 : memref<48x128xf32, #tpu.memory_space<vmem>>)
      %add3A_429 = arith.constant 2 : i32
      %add3A_430 = arith.addi %add3A_398, %add3A_429 : i32
      %mul3A_431 = arith.constant 48 : i32
      %mul3A_432 = arith.muli %add3A_430, %mul3A_431 : i32
      %add3A_433 = arith.addi %mul3A_7, %mul3A_432 : i32
      %dma_start3A_434 = tpu.memref_slice %arg3[%add3A_433] : memref<320000xi32, #tpu.memory_space<hbm>> -> memref<48xi32, #tpu.memory_space<hbm>>
      %dma_start3A_435 = tpu.memref_slice %arg3[%add3A_433] : memref<320000xi32, #tpu.memory_space<hbm>> -> memref<48xi32, #tpu.memory_space<hbm>>
      tpu.enqueue_dma source(%dma_start3A_435 : memref<48xi32, #tpu.memory_space<hbm>>) target(%arg24 : memref<48xi32, #tpu.memory_space<vmem>>) target_semaphore(%arg42 : memref<!tpu.dma_semaphore, #tpu.memory_space<semaphore_mem>>)
      %dma_start3A_436 = tpu.memref_slice %arg4[%add3A_433] : memref<320000xi32, #tpu.memory_space<hbm>> -> memref<48xi32, #tpu.memory_space<hbm>>
      %dma_start3A_437 = tpu.memref_slice %arg4[%add3A_433] : memref<320000xi32, #tpu.memory_space<hbm>> -> memref<48xi32, #tpu.memory_space<hbm>>
      tpu.enqueue_dma source(%dma_start3A_437 : memref<48xi32, #tpu.memory_space<hbm>>) target(%arg25 : memref<48xi32, #tpu.memory_space<vmem>>) target_semaphore(%arg42 : memref<!tpu.dma_semaphore, #tpu.memory_space<semaphore_mem>>)
      %dma_start3A_438 = tpu.memref_slice %arg5[%add3A_433] : memref<320000xf32, #tpu.memory_space<hbm>> -> memref<48xf32, #tpu.memory_space<hbm>>
      %dma_start3A_439 = tpu.memref_slice %arg5[%add3A_433] : memref<320000xf32, #tpu.memory_space<hbm>> -> memref<48xf32, #tpu.memory_space<hbm>>
      tpu.enqueue_dma source(%dma_start3A_439 : memref<48xf32, #tpu.memory_space<hbm>>) target(%arg26 : memref<48xf32, #tpu.memory_space<vmem>>) target_semaphore(%arg42 : memref<!tpu.dma_semaphore, #tpu.memory_space<semaphore_mem>>)
      %parallel_loop3A_440 = arith.constant 0 : i32
      %parallel_loop3A_441 = arith.constant 48 : i32
      %parallel_loop3A_442 = arith.constant 1 : i32
      scf.for %parallel_loop3A_559 = %parallel_loop3A_440 to %parallel_loop3A_441 step %parallel_loop3A_442  : i32 {
        %parallel_loop3A_560 = vector.broadcast %parallel_loop3A_559 : i32 to vector<16xi32>
        %parallel_loop3A_561 = tpu.vector_load_idx %arg33[%parallel_loop3A_560] : memref<48xf32, #tpu.memory_space<vmem>>[vector<16xi32>], vector<16xf32>,
        %parallel_loop3A_562 = arith.index_cast %parallel_loop3A_559 : i32 to index
        %parallel_loop3A_563 = arith.constant 0 : index
        %parallel_loop3A_564 = tpu.vector_load %arg35[%parallel_loop3A_562, %parallel_loop3A_563] {strides = array<i32>} : memref<48x128xf32, #tpu.memory_space<vmem>>, vector<16xf32>,
        %parallel_loop3A_565 = arith.mulf %parallel_loop3A_564, %parallel_loop3A_561 : vector<16xf32>
        %parallel_loop3A_566 = arith.index_cast %parallel_loop3A_559 : i32 to index
        %parallel_loop3A_567 = arith.constant 0 : index
        %parallel_loop3A_568 = tpu.vector_load %arg35[%parallel_loop3A_566, %parallel_loop3A_567] {strides = array<i32>} : memref<48x128xf32, #tpu.memory_space<vmem>>, vector<16xf32>,
        tpu.vector_store %arg35[%parallel_loop3A_566, %parallel_loop3A_567], %parallel_loop3A_565 {strides = array<i32>} : memref<48x128xf32, #tpu.memory_space<vmem>>, vector<16xf32>,
        %parallel_loop3A_569 = arith.index_cast %parallel_loop3A_559 : i32 to index
        %parallel_loop3A_570 = arith.constant 16 : index
        %parallel_loop3A_571 = tpu.vector_load %arg35[%parallel_loop3A_569, %parallel_loop3A_570] {strides = array<i32>} : memref<48x128xf32, #tpu.memory_space<vmem>>, vector<16xf32>,
        %parallel_loop3A_572 = arith.mulf %parallel_loop3A_571, %parallel_loop3A_561 : vector<16xf32>
        %parallel_loop3A_573 = arith.index_cast %parallel_loop3A_559 : i32 to index
        %parallel_loop3A_574 = arith.constant 16 : index
        %parallel_loop3A_575 = tpu.vector_load %arg35[%parallel_loop3A_573, %parallel_loop3A_574] {strides = array<i32>} : memref<48x128xf32, #tpu.memory_space<vmem>>, vector<16xf32>,
        tpu.vector_store %arg35[%parallel_loop3A_573, %parallel_loop3A_574], %parallel_loop3A_572 {strides = array<i32>} : memref<48x128xf32, #tpu.memory_space<vmem>>, vector<16xf32>,
        %parallel_loop3A_576 = arith.index_cast %parallel_loop3A_559 : i32 to index
        %parallel_loop3A_577 = arith.constant 32 : index
        %parallel_loop3A_578 = tpu.vector_load %arg35[%parallel_loop3A_576, %parallel_loop3A_577] {strides = array<i32>} : memref<48x128xf32, #tpu.memory_space<vmem>>, vector<16xf32>,
        %parallel_loop3A_579 = arith.mulf %parallel_loop3A_578, %parallel_loop3A_561 : vector<16xf32>
        %parallel_loop3A_580 = arith.index_cast %parallel_loop3A_559 : i32 to index
        %parallel_loop3A_581 = arith.constant 32 : index
        %parallel_loop3A_582 = tpu.vector_load %arg35[%parallel_loop3A_580, %parallel_loop3A_581] {strides = array<i32>} : memref<48x128xf32, #tpu.memory_space<vmem>>, vector<16xf32>,
        tpu.vector_store %arg35[%parallel_loop3A_580, %parallel_loop3A_581], %parallel_loop3A_579 {strides = array<i32>} : memref<48x128xf32, #tpu.memory_space<vmem>>, vector<16xf32>,
        %parallel_loop3A_583 = arith.index_cast %parallel_loop3A_559 : i32 to index
        %parallel_loop3A_584 = arith.constant 48 : index
        %parallel_loop3A_585 = tpu.vector_load %arg35[%parallel_loop3A_583, %parallel_loop3A_584] {strides = array<i32>} : memref<48x128xf32, #tpu.memory_space<vmem>>, vector<16xf32>,
        %parallel_loop3A_586 = arith.mulf %parallel_loop3A_585, %parallel_loop3A_561 : vector<16xf32>
        %parallel_loop3A_587 = arith.index_cast %parallel_loop3A_559 : i32 to index
        %parallel_loop3A_588 = arith.constant 48 : index
        %parallel_loop3A_589 = tpu.vector_load %arg35[%parallel_loop3A_587, %parallel_loop3A_588] {strides = array<i32>} : memref<48x128xf32, #tpu.memory_space<vmem>>, vector<16xf32>,
        tpu.vector_store %arg35[%parallel_loop3A_587, %parallel_loop3A_588], %parallel_loop3A_586 {strides = array<i32>} : memref<48x128xf32, #tpu.memory_space<vmem>>, vector<16xf32>,
        %parallel_loop3A_590 = arith.index_cast %parallel_loop3A_559 : i32 to index
        %parallel_loop3A_591 = arith.constant 64 : index
        %parallel_loop3A_592 = tpu.vector_load %arg35[%parallel_loop3A_590, %parallel_loop3A_591] {strides = array<i32>} : memref<48x128xf32, #tpu.memory_space<vmem>>, vector<16xf32>,
        %parallel_loop3A_593 = arith.mulf %parallel_loop3A_592, %parallel_loop3A_561 : vector<16xf32>
        %parallel_loop3A_594 = arith.index_cast %parallel_loop3A_559 : i32 to index
        %parallel_loop3A_595 = arith.constant 64 : index
        %parallel_loop3A_596 = tpu.vector_load %arg35[%parallel_loop3A_594, %parallel_loop3A_595] {strides = array<i32>} : memref<48x128xf32, #tpu.memory_space<vmem>>, vector<16xf32>,
        tpu.vector_store %arg35[%parallel_loop3A_594, %parallel_loop3A_595], %parallel_loop3A_593 {strides = array<i32>} : memref<48x128xf32, #tpu.memory_space<vmem>>, vector<16xf32>,
        %parallel_loop3A_597 = arith.index_cast %parallel_loop3A_559 : i32 to index
        %parallel_loop3A_598 = arith.constant 80 : index
        %parallel_loop3A_599 = tpu.vector_load %arg35[%parallel_loop3A_597, %parallel_loop3A_598] {strides = array<i32>} : memref<48x128xf32, #tpu.memory_space<vmem>>, vector<16xf32>,
        %parallel_loop3A_600 = arith.mulf %parallel_loop3A_599, %parallel_loop3A_561 : vector<16xf32>
        %parallel_loop3A_601 = arith.index_cast %parallel_loop3A_559 : i32 to index
        %parallel_loop3A_602 = arith.constant 80 : index
        %parallel_loop3A_603 = tpu.vector_load %arg35[%parallel_loop3A_601, %parallel_loop3A_602] {strides = array<i32>} : memref<48x128xf32, #tpu.memory_space<vmem>>, vector<16xf32>,
        tpu.vector_store %arg35[%parallel_loop3A_601, %parallel_loop3A_602], %parallel_loop3A_600 {strides = array<i32>} : memref<48x128xf32, #tpu.memory_space<vmem>>, vector<16xf32>,
        %parallel_loop3A_604 = arith.index_cast %parallel_loop3A_559 : i32 to index
        %parallel_loop3A_605 = arith.constant 96 : index
        %parallel_loop3A_606 = tpu.vector_load %arg35[%parallel_loop3A_604, %parallel_loop3A_605] {strides = array<i32>} : memref<48x128xf32, #tpu.memory_space<vmem>>, vector<16xf32>,
        %parallel_loop3A_607 = arith.mulf %parallel_loop3A_606, %parallel_loop3A_561 : vector<16xf32>
        %parallel_loop3A_608 = arith.index_cast %parallel_loop3A_559 : i32 to index
        %parallel_loop3A_609 = arith.constant 96 : index
        %parallel_loop3A_610 = tpu.vector_load %arg35[%parallel_loop3A_608, %parallel_loop3A_609] {strides = array<i32>} : memref<48x128xf32, #tpu.memory_space<vmem>>, vector<16xf32>,
        tpu.vector_store %arg35[%parallel_loop3A_608, %parallel_loop3A_609], %parallel_loop3A_607 {strides = array<i32>} : memref<48x128xf32, #tpu.memory_space<vmem>>, vector<16xf32>,
        %parallel_loop3A_611 = arith.index_cast %parallel_loop3A_559 : i32 to index
        %parallel_loop3A_612 = arith.constant 112 : index
        %parallel_loop3A_613 = tpu.vector_load %arg35[%parallel_loop3A_611, %parallel_loop3A_612] {strides = array<i32>} : memref<48x128xf32, #tpu.memory_space<vmem>>, vector<16xf32>,
        %parallel_loop3A_614 = arith.mulf %parallel_loop3A_613, %parallel_loop3A_561 : vector<16xf32>
        %parallel_loop3A_615 = arith.index_cast %parallel_loop3A_559 : i32 to index
        %parallel_loop3A_616 = arith.constant 112 : index
        %parallel_loop3A_617 = tpu.vector_load %arg35[%parallel_loop3A_615, %parallel_loop3A_616] {strides = array<i32>} : memref<48x128xf32, #tpu.memory_space<vmem>>, vector<16xf32>,
        tpu.vector_store %arg35[%parallel_loop3A_615, %parallel_loop3A_616], %parallel_loop3A_614 {strides = array<i32>} : memref<48x128xf32, #tpu.memory_space<vmem>>, vector<16xf32>,
      } {sc.loop_unroll_factor = 4 : i64, sc.parallel_access}
      %dma_start3A_443 = arith.constant 0 : i32
      %dma_start3A_444 = arith.constant 0 : i32
      %dma_start3A_445 = tpu.memref_slice %arg50[%dma_start3A_443, %dma_start3A_444] : memref<10000x128xf32, #tpu.memory_space<vmem_shared>> -> memref<10000x128xf32, #tpu.memory_space<vmem_shared>>
      tpu.enqueue_indirect_dma source(%arg35 : memref<48x128xf32, #tpu.memory_space<vmem>>) target(%dma_start3A_445 : memref<10000x128xf32, #tpu.memory_space<vmem_shared>>) offsets(%arg34 : memref<48xi32, #tpu.memory_space<vmem>>) semaphore(%arg48 : memref<!tpu.dma_semaphore, #tpu.memory_space<semaphore_mem>>) {add = true}
      %mul3A_446 = arith.constant 48 : i32
      %mul3A_447 = arith.muli %add3A_398, %mul3A_446 : i32
      %add3A_448 = arith.addi %mul3A_7, %mul3A_447 : i32
      %dma_start3A_449 = tpu.memref_slice %arg11[%add3A_448] : memref<320000xf32, #tpu.memory_space<hbm>> -> memref<48xf32, #tpu.memory_space<hbm>>
      %dma_start3A_450 = tpu.memref_slice %arg11[%add3A_448] : memref<320000xf32, #tpu.memory_space<hbm>> -> memref<48xf32, #tpu.memory_space<hbm>>
      tpu.enqueue_dma source(%arg33 : memref<48xf32, #tpu.memory_space<vmem>>) target(%dma_start3A_450 : memref<48xf32, #tpu.memory_space<hbm>>) target_semaphore(%arg49 : memref<!tpu.dma_semaphore, #tpu.memory_space<semaphore_mem>>)
      %add3A_451 = arith.constant 1 : i32
      %add3A_452 = arith.addi %add3A_398, %add3A_451 : i32
      %dma_wait3A_453 = arith.constant 0 : i32
      %dma_wait3A_454 = tpu.memref_slice %arg11[%dma_wait3A_453] : memref<320000xf32, #tpu.memory_space<hbm>> -> memref<48xf32, #tpu.memory_space<hbm>>
      %dma_wait3A_455 = arith.constant 0 : i32
      %dma_wait3A_456 = tpu.memref_slice %arg11[%dma_wait3A_455] : memref<320000xf32, #tpu.memory_space<hbm>> -> memref<48xf32, #tpu.memory_space<hbm>>
      tpu.wait_dma2 semaphore(%arg41 : memref<!tpu.dma_semaphore, #tpu.memory_space<semaphore_mem>>) src(%arg21 : memref<48xf32, #tpu.memory_space<vmem>>) dst(%dma_wait3A_456 : memref<48xf32, #tpu.memory_space<hbm>>)
      %scan3A_457 = arith.constant 0 : i32
      %scan3A_458 = arith.constant 3 : i32
      %scan3A_459 = arith.addi %scan3A_457, %scan3A_458 : i32
      %scan3A_460 = arith.constant 1 : i32
      scf.for %scan3A_559 = %scan3A_457 to %scan3A_459 step %scan3A_460  : i32 {
        %mul3A_560 = arith.constant 16 : i32
        %mul3A_561 = arith.muli %scan3A_559, %mul3A_560 : i32
        %add3A_562 = arith.constant 0 : i32
        %add3A_563 = arith.addi %add3A_562, %mul3A_561 : i32
        %get3A_564 = arith.index_cast %add3A_563 : i32 to index
        %get3A_565 = tpu.vector_load %arg18[%get3A_564] {strides = array<i32>} : memref<48xi32, #tpu.memory_space<vmem>>, vector<16xi32>,
        %get3A_566 = arith.index_cast %add3A_563 : i32 to index
        %get3A_567 = tpu.vector_load %arg19[%get3A_566] {strides = array<i32>} : memref<48xi32, #tpu.memory_space<vmem>>, vector<16xi32>,
        %get3A_568 = arith.index_cast %add3A_563 : i32 to index
        %get3A_569 = tpu.vector_load %arg20[%get3A_568] {strides = array<i32>} : memref<48xf32, #tpu.memory_space<vmem>>, vector<16xf32>,
        %gather3A_570 = tpu.vector_load_idx %arg14[%get3A_565] : memref<10000xf32, #tpu.memory_space<vmem>>[vector<16xi32>], vector<16xf32>,
        %gather3A_571 = tpu.vector_load_idx %arg15[%get3A_567] : memref<10000xf32, #tpu.memory_space<vmem>>[vector<16xi32>], vector<16xf32>,
        %add3A_572 = arith.addf %gather3A_570, %gather3A_571 : vector<16xf32>
        %mul3A_573 = arith.mulf %get3A_569, %get3A_5 : vector<16xf32>
        %add3A_574 = arith.addf %add3A_572, %mul3A_573 : vector<16xf32>
        %ge3A_575 = arith.constant 0.000000e+00 : f32
        %ge3A_576 = vector.broadcast %ge3A_575 : f32 to vector<16xf32>
        %ge3A_577 = arith.cmpf oge, %add3A_574, %ge3A_576 : vector<16xf32>
        %mul3A_578 = arith.constant 2.000000e-01 : f32
        %mul3A_579 = vector.broadcast %mul3A_578 : f32 to vector<16xf32>
        %mul3A_580 = arith.mulf %mul3A_579, %add3A_574 : vector<16xf32>
        %select_n3A_581 = arith.select %ge3A_577, %add3A_574, %mul3A_580 : vector<16xi1>, vector<16xf32>
        %neg3A_582 = arith.constant 0.000000e+00 : f32
        %neg3A_583 = vector.broadcast %neg3A_582 : f32 to vector<16xf32>
        %neg3A_584 = arith.subf %neg3A_583, %select_n3A_581 : vector<16xf32>
        %exp3A_585 = math.exp %neg3A_584 : vector<16xf32>
        %swap3A_586 = arith.index_cast %add3A_563 : i32 to index
        %swap3A_587 = tpu.vector_load %arg21[%swap3A_586] {strides = array<i32>} : memref<48xf32, #tpu.memory_space<vmem>>, vector<16xf32>,
        tpu.vector_store %arg21[%swap3A_586], %exp3A_585 {strides = array<i32>} : memref<48xf32, #tpu.memory_space<vmem>>, vector<16xf32>,
        tpu.vector_store_idx %arg16[%get3A_565], %exp3A_585 {add = true} : memref<10000xf32, #tpu.memory_space<vmem>>[vector<16xi32>], vector<16xf32>,
        %swap3A_588 = arith.index_cast %add3A_563 : i32 to index
        %swap3A_589 = tpu.vector_load %arg22[%swap3A_588] {strides = array<i32>} : memref<48xi32, #tpu.memory_space<vmem>>, vector<16xi32>,
        tpu.vector_store %arg22[%swap3A_588], %get3A_565 {strides = array<i32>} : memref<48xi32, #tpu.memory_space<vmem>>, vector<16xi32>,
      }
      %scan3A_461 = arith.constant 3 : i32
      %dma_wait3A_462 = arith.constant 0 : i32
      %dma_wait3A_463 = arith.constant 0 : i32
      %dma_wait3A_464 = tpu.memref_slice %arg50[%dma_wait3A_462, %dma_wait3A_463] : memref<10000x128xf32, #tpu.memory_space<vmem_shared>> -> memref<10000x128xf32, #tpu.memory_space<vmem_shared>>
      tpu.wait_indirect_dma semaphore(%arg44 : memref<!tpu.dma_semaphore, #tpu.memory_space<semaphore_mem>>) src(%arg29 : memref<48x128xf32, #tpu.memory_space<vmem>>) dst(%dma_wait3A_464 : memref<10000x128xf32, #tpu.memory_space<vmem_shared>>)
      %dma_wait3A_465 = arith.constant 0 : i32
      %dma_wait3A_466 = tpu.memref_slice %arg3[%dma_wait3A_465] : memref<320000xi32, #tpu.memory_space<hbm>> -> memref<48xi32, #tpu.memory_space<hbm>>
      %dma_wait3A_467 = arith.constant 0 : i32
      %dma_wait3A_468 = tpu.memref_slice %arg3[%dma_wait3A_467] : memref<320000xi32, #tpu.memory_space<hbm>> -> memref<48xi32, #tpu.memory_space<hbm>>
      tpu.wait_dma2 semaphore(%arg42 : memref<!tpu.dma_semaphore, #tpu.memory_space<semaphore_mem>>) src(%dma_wait3A_468 : memref<48xi32, #tpu.memory_space<hbm>>) dst(%arg24 : memref<48xi32, #tpu.memory_space<vmem>>)
      %dma_wait3A_469 = arith.constant 0 : i32
      %dma_wait3A_470 = tpu.memref_slice %arg4[%dma_wait3A_469] : memref<320000xi32, #tpu.memory_space<hbm>> -> memref<48xi32, #tpu.memory_space<hbm>>
      %dma_wait3A_471 = arith.constant 0 : i32
      %dma_wait3A_472 = tpu.memref_slice %arg4[%dma_wait3A_471] : memref<320000xi32, #tpu.memory_space<hbm>> -> memref<48xi32, #tpu.memory_space<hbm>>
      tpu.wait_dma2 semaphore(%arg42 : memref<!tpu.dma_semaphore, #tpu.memory_space<semaphore_mem>>) src(%dma_wait3A_472 : memref<48xi32, #tpu.memory_space<hbm>>) dst(%arg25 : memref<48xi32, #tpu.memory_space<vmem>>)
      %dma_wait3A_473 = arith.constant 0 : i32
      %dma_wait3A_474 = tpu.memref_slice %arg5[%dma_wait3A_473] : memref<320000xf32, #tpu.memory_space<hbm>> -> memref<48xf32, #tpu.memory_space<hbm>>
      %dma_wait3A_475 = arith.constant 0 : i32
      %dma_wait3A_476 = tpu.memref_slice %arg5[%dma_wait3A_475] : memref<320000xf32, #tpu.memory_space<hbm>> -> memref<48xf32, #tpu.memory_space<hbm>>
      tpu.wait_dma2 semaphore(%arg42 : memref<!tpu.dma_semaphore, #tpu.memory_space<semaphore_mem>>) src(%dma_wait3A_476 : memref<48xf32, #tpu.memory_space<hbm>>) dst(%arg26 : memref<48xf32, #tpu.memory_space<vmem>>)
      %dma_start3A_477 = arith.constant 0 : i32
      %dma_start3A_478 = arith.constant 0 : i32
      %dma_start3A_479 = tpu.memref_slice %arg2[%dma_start3A_477, %dma_start3A_478] : memref<10000x128xf32, #tpu.memory_space<hbm>> -> memref<10000x128xf32, #tpu.memory_space<hbm>>
      tpu.enqueue_indirect_dma source(%dma_start3A_479 : memref<10000x128xf32, #tpu.memory_space<hbm>>) target(%arg29 : memref<48x128xf32, #tpu.memory_space<vmem>>) offsets(%arg25 : memref<48xi32, #tpu.memory_space<vmem>>) semaphore(%arg43 : memref<!tpu.dma_semaphore, #tpu.memory_space<semaphore_mem>>)
      %dma_wait3A_480 = arith.constant 0 : i32
      %dma_wait3A_481 = arith.constant 0 : i32
      %dma_wait3A_482 = tpu.memref_slice %arg2[%dma_wait3A_480, %dma_wait3A_481] : memref<10000x128xf32, #tpu.memory_space<hbm>> -> memref<10000x128xf32, #tpu.memory_space<hbm>>
      tpu.wait_indirect_dma semaphore(%arg39 : memref<!tpu.dma_semaphore, #tpu.memory_space<semaphore_mem>>) src(%dma_wait3A_482 : memref<10000x128xf32, #tpu.memory_space<hbm>>) dst(%arg23 : memref<48x128xf32, #tpu.memory_space<vmem>>)
      %add3A_483 = arith.constant 2 : i32
      %add3A_484 = arith.addi %add3A_452, %add3A_483 : i32
      %mul3A_485 = arith.constant 48 : i32
      %mul3A_486 = arith.muli %add3A_484, %mul3A_485 : i32
      %add3A_487 = arith.addi %mul3A_7, %mul3A_486 : i32
      %dma_start3A_488 = tpu.memref_slice %arg3[%add3A_487] : memref<320000xi32, #tpu.memory_space<hbm>> -> memref<48xi32, #tpu.memory_space<hbm>>
      %dma_start3A_489 = tpu.memref_slice %arg3[%add3A_487] : memref<320000xi32, #tpu.memory_space<hbm>> -> memref<48xi32, #tpu.memory_space<hbm>>
      tpu.enqueue_dma source(%dma_start3A_489 : memref<48xi32, #tpu.memory_space<hbm>>) target(%arg30 : memref<48xi32, #tpu.memory_space<vmem>>) target_semaphore(%arg46 : memref<!tpu.dma_semaphore, #tpu.memory_space<semaphore_mem>>)
      %dma_start3A_490 = tpu.memref_slice %arg4[%add3A_487] : memref<320000xi32, #tpu.memory_space<hbm>> -> memref<48xi32, #tpu.memory_space<hbm>>
      %dma_start3A_491 = tpu.memref_slice %arg4[%add3A_487] : memref<320000xi32, #tpu.memory_space<hbm>> -> memref<48xi32, #tpu.memory_space<hbm>>
      tpu.enqueue_dma source(%dma_start3A_491 : memref<48xi32, #tpu.memory_space<hbm>>) target(%arg31 : memref<48xi32, #tpu.memory_space<vmem>>) target_semaphore(%arg46 : memref<!tpu.dma_semaphore, #tpu.memory_space<semaphore_mem>>)
      %dma_start3A_492 = tpu.memref_slice %arg5[%add3A_487] : memref<320000xf32, #tpu.memory_space<hbm>> -> memref<48xf32, #tpu.memory_space<hbm>>
      %dma_start3A_493 = tpu.memref_slice %arg5[%add3A_487] : memref<320000xf32, #tpu.memory_space<hbm>> -> memref<48xf32, #tpu.memory_space<hbm>>
      tpu.enqueue_dma source(%dma_start3A_493 : memref<48xf32, #tpu.memory_space<hbm>>) target(%arg32 : memref<48xf32, #tpu.memory_space<vmem>>) target_semaphore(%arg46 : memref<!tpu.dma_semaphore, #tpu.memory_space<semaphore_mem>>)
      %parallel_loop3A_494 = arith.constant 0 : i32
      %parallel_loop3A_495 = arith.constant 48 : i32
      %parallel_loop3A_496 = arith.constant 1 : i32
      scf.for %parallel_loop3A_559 = %parallel_loop3A_494 to %parallel_loop3A_495 step %parallel_loop3A_496  : i32 {
        %parallel_loop3A_560 = vector.broadcast %parallel_loop3A_559 : i32 to vector<16xi32>
        %parallel_loop3A_561 = tpu.vector_load_idx %arg21[%parallel_loop3A_560] : memref<48xf32, #tpu.memory_space<vmem>>[vector<16xi32>], vector<16xf32>,
        %parallel_loop3A_562 = arith.index_cast %parallel_loop3A_559 : i32 to index
        %parallel_loop3A_563 = arith.constant 0 : index
        %parallel_loop3A_564 = tpu.vector_load %arg23[%parallel_loop3A_562, %parallel_loop3A_563] {strides = array<i32>} : memref<48x128xf32, #tpu.memory_space<vmem>>, vector<16xf32>,
        %parallel_loop3A_565 = arith.mulf %parallel_loop3A_564, %parallel_loop3A_561 : vector<16xf32>
        %parallel_loop3A_566 = arith.index_cast %parallel_loop3A_559 : i32 to index
        %parallel_loop3A_567 = arith.constant 0 : index
        %parallel_loop3A_568 = tpu.vector_load %arg23[%parallel_loop3A_566, %parallel_loop3A_567] {strides = array<i32>} : memref<48x128xf32, #tpu.memory_space<vmem>>, vector<16xf32>,
        tpu.vector_store %arg23[%parallel_loop3A_566, %parallel_loop3A_567], %parallel_loop3A_565 {strides = array<i32>} : memref<48x128xf32, #tpu.memory_space<vmem>>, vector<16xf32>,
        %parallel_loop3A_569 = arith.index_cast %parallel_loop3A_559 : i32 to index
        %parallel_loop3A_570 = arith.constant 16 : index
        %parallel_loop3A_571 = tpu.vector_load %arg23[%parallel_loop3A_569, %parallel_loop3A_570] {strides = array<i32>} : memref<48x128xf32, #tpu.memory_space<vmem>>, vector<16xf32>,
        %parallel_loop3A_572 = arith.mulf %parallel_loop3A_571, %parallel_loop3A_561 : vector<16xf32>
        %parallel_loop3A_573 = arith.index_cast %parallel_loop3A_559 : i32 to index
        %parallel_loop3A_574 = arith.constant 16 : index
        %parallel_loop3A_575 = tpu.vector_load %arg23[%parallel_loop3A_573, %parallel_loop3A_574] {strides = array<i32>} : memref<48x128xf32, #tpu.memory_space<vmem>>, vector<16xf32>,
        tpu.vector_store %arg23[%parallel_loop3A_573, %parallel_loop3A_574], %parallel_loop3A_572 {strides = array<i32>} : memref<48x128xf32, #tpu.memory_space<vmem>>, vector<16xf32>,
        %parallel_loop3A_576 = arith.index_cast %parallel_loop3A_559 : i32 to index
        %parallel_loop3A_577 = arith.constant 32 : index
        %parallel_loop3A_578 = tpu.vector_load %arg23[%parallel_loop3A_576, %parallel_loop3A_577] {strides = array<i32>} : memref<48x128xf32, #tpu.memory_space<vmem>>, vector<16xf32>,
        %parallel_loop3A_579 = arith.mulf %parallel_loop3A_578, %parallel_loop3A_561 : vector<16xf32>
        %parallel_loop3A_580 = arith.index_cast %parallel_loop3A_559 : i32 to index
        %parallel_loop3A_581 = arith.constant 32 : index
        %parallel_loop3A_582 = tpu.vector_load %arg23[%parallel_loop3A_580, %parallel_loop3A_581] {strides = array<i32>} : memref<48x128xf32, #tpu.memory_space<vmem>>, vector<16xf32>,
        tpu.vector_store %arg23[%parallel_loop3A_580, %parallel_loop3A_581], %parallel_loop3A_579 {strides = array<i32>} : memref<48x128xf32, #tpu.memory_space<vmem>>, vector<16xf32>,
        %parallel_loop3A_583 = arith.index_cast %parallel_loop3A_559 : i32 to index
        %parallel_loop3A_584 = arith.constant 48 : index
        %parallel_loop3A_585 = tpu.vector_load %arg23[%parallel_loop3A_583, %parallel_loop3A_584] {strides = array<i32>} : memref<48x128xf32, #tpu.memory_space<vmem>>, vector<16xf32>,
        %parallel_loop3A_586 = arith.mulf %parallel_loop3A_585, %parallel_loop3A_561 : vector<16xf32>
        %parallel_loop3A_587 = arith.index_cast %parallel_loop3A_559 : i32 to index
        %parallel_loop3A_588 = arith.constant 48 : index
        %parallel_loop3A_589 = tpu.vector_load %arg23[%parallel_loop3A_587, %parallel_loop3A_588] {strides = array<i32>} : memref<48x128xf32, #tpu.memory_space<vmem>>, vector<16xf32>,
        tpu.vector_store %arg23[%parallel_loop3A_587, %parallel_loop3A_588], %parallel_loop3A_586 {strides = array<i32>} : memref<48x128xf32, #tpu.memory_space<vmem>>, vector<16xf32>,
        %parallel_loop3A_590 = arith.index_cast %parallel_loop3A_559 : i32 to index
        %parallel_loop3A_591 = arith.constant 64 : index
        %parallel_loop3A_592 = tpu.vector_load %arg23[%parallel_loop3A_590, %parallel_loop3A_591] {strides = array<i32>} : memref<48x128xf32, #tpu.memory_space<vmem>>, vector<16xf32>,
        %parallel_loop3A_593 = arith.mulf %parallel_loop3A_592, %parallel_loop3A_561 : vector<16xf32>
        %parallel_loop3A_594 = arith.index_cast %parallel_loop3A_559 : i32 to index
        %parallel_loop3A_595 = arith.constant 64 : index
        %parallel_loop3A_596 = tpu.vector_load %arg23[%parallel_loop3A_594, %parallel_loop3A_595] {strides = array<i32>} : memref<48x128xf32, #tpu.memory_space<vmem>>, vector<16xf32>,
        tpu.vector_store %arg23[%parallel_loop3A_594, %parallel_loop3A_595], %parallel_loop3A_593 {strides = array<i32>} : memref<48x128xf32, #tpu.memory_space<vmem>>, vector<16xf32>,
        %parallel_loop3A_597 = arith.index_cast %parallel_loop3A_559 : i32 to index
        %parallel_loop3A_598 = arith.constant 80 : index
        %parallel_loop3A_599 = tpu.vector_load %arg23[%parallel_loop3A_597, %parallel_loop3A_598] {strides = array<i32>} : memref<48x128xf32, #tpu.memory_space<vmem>>, vector<16xf32>,
        %parallel_loop3A_600 = arith.mulf %parallel_loop3A_599, %parallel_loop3A_561 : vector<16xf32>
        %parallel_loop3A_601 = arith.index_cast %parallel_loop3A_559 : i32 to index
        %parallel_loop3A_602 = arith.constant 80 : index
        %parallel_loop3A_603 = tpu.vector_load %arg23[%parallel_loop3A_601, %parallel_loop3A_602] {strides = array<i32>} : memref<48x128xf32, #tpu.memory_space<vmem>>, vector<16xf32>,
        tpu.vector_store %arg23[%parallel_loop3A_601, %parallel_loop3A_602], %parallel_loop3A_600 {strides = array<i32>} : memref<48x128xf32, #tpu.memory_space<vmem>>, vector<16xf32>,
        %parallel_loop3A_604 = arith.index_cast %parallel_loop3A_559 : i32 to index
        %parallel_loop3A_605 = arith.constant 96 : index
        %parallel_loop3A_606 = tpu.vector_load %arg23[%parallel_loop3A_604, %parallel_loop3A_605] {strides = array<i32>} : memref<48x128xf32, #tpu.memory_space<vmem>>, vector<16xf32>,
        %parallel_loop3A_607 = arith.mulf %parallel_loop3A_606, %parallel_loop3A_561 : vector<16xf32>
        %parallel_loop3A_608 = arith.index_cast %parallel_loop3A_559 : i32 to index
        %parallel_loop3A_609 = arith.constant 96 : index
        %parallel_loop3A_610 = tpu.vector_load %arg23[%parallel_loop3A_608, %parallel_loop3A_609] {strides = array<i32>} : memref<48x128xf32, #tpu.memory_space<vmem>>, vector<16xf32>,
        tpu.vector_store %arg23[%parallel_loop3A_608, %parallel_loop3A_609], %parallel_loop3A_607 {strides = array<i32>} : memref<48x128xf32, #tpu.memory_space<vmem>>, vector<16xf32>,
        %parallel_loop3A_611 = arith.index_cast %parallel_loop3A_559 : i32 to index
        %parallel_loop3A_612 = arith.constant 112 : index
        %parallel_loop3A_613 = tpu.vector_load %arg23[%parallel_loop3A_611, %parallel_loop3A_612] {strides = array<i32>} : memref<48x128xf32, #tpu.memory_space<vmem>>, vector<16xf32>,
        %parallel_loop3A_614 = arith.mulf %parallel_loop3A_613, %parallel_loop3A_561 : vector<16xf32>
        %parallel_loop3A_615 = arith.index_cast %parallel_loop3A_559 : i32 to index
        %parallel_loop3A_616 = arith.constant 112 : index
        %parallel_loop3A_617 = tpu.vector_load %arg23[%parallel_loop3A_615, %parallel_loop3A_616] {strides = array<i32>} : memref<48x128xf32, #tpu.memory_space<vmem>>, vector<16xf32>,
        tpu.vector_store %arg23[%parallel_loop3A_615, %parallel_loop3A_616], %parallel_loop3A_614 {strides = array<i32>} : memref<48x128xf32, #tpu.memory_space<vmem>>, vector<16xf32>,
      } {sc.loop_unroll_factor = 4 : i64, sc.parallel_access}
      %dma_start3A_497 = arith.constant 0 : i32
      %dma_start3A_498 = arith.constant 0 : i32
      %dma_start3A_499 = tpu.memref_slice %arg50[%dma_start3A_497, %dma_start3A_498] : memref<10000x128xf32, #tpu.memory_space<vmem_shared>> -> memref<10000x128xf32, #tpu.memory_space<vmem_shared>>
      tpu.enqueue_indirect_dma source(%arg23 : memref<48x128xf32, #tpu.memory_space<vmem>>) target(%dma_start3A_499 : memref<10000x128xf32, #tpu.memory_space<vmem_shared>>) offsets(%arg22 : memref<48xi32, #tpu.memory_space<vmem>>) semaphore(%arg40 : memref<!tpu.dma_semaphore, #tpu.memory_space<semaphore_mem>>) {add = true}
      %mul3A_500 = arith.constant 48 : i32
      %mul3A_501 = arith.muli %add3A_452, %mul3A_500 : i32
      %add3A_502 = arith.addi %mul3A_7, %mul3A_501 : i32
      %dma_start3A_503 = tpu.memref_slice %arg11[%add3A_502] : memref<320000xf32, #tpu.memory_space<hbm>> -> memref<48xf32, #tpu.memory_space<hbm>>
      %dma_start3A_504 = tpu.memref_slice %arg11[%add3A_502] : memref<320000xf32, #tpu.memory_space<hbm>> -> memref<48xf32, #tpu.memory_space<hbm>>
      tpu.enqueue_dma source(%arg21 : memref<48xf32, #tpu.memory_space<vmem>>) target(%dma_start3A_504 : memref<48xf32, #tpu.memory_space<hbm>>) target_semaphore(%arg41 : memref<!tpu.dma_semaphore, #tpu.memory_space<semaphore_mem>>)
      %add3A_505 = arith.constant 2 : i32
      %add3A_506 = arith.addi %add3A_398, %add3A_505 : i32
      %dma_wait3A_507 = arith.constant 0 : i32
      %dma_wait3A_508 = tpu.memref_slice %arg11[%dma_wait3A_507] : memref<320000xf32, #tpu.memory_space<hbm>> -> memref<48xf32, #tpu.memory_space<hbm>>
      %dma_wait3A_509 = arith.constant 0 : i32
      %dma_wait3A_510 = tpu.memref_slice %arg11[%dma_wait3A_509] : memref<320000xf32, #tpu.memory_space<hbm>> -> memref<48xf32, #tpu.memory_space<hbm>>
      tpu.wait_dma2 semaphore(%arg45 : memref<!tpu.dma_semaphore, #tpu.memory_space<semaphore_mem>>) src(%arg27 : memref<48xf32, #tpu.memory_space<vmem>>) dst(%dma_wait3A_510 : memref<48xf32, #tpu.memory_space<hbm>>)
      %scan3A_511 = arith.constant 0 : i32
      %scan3A_512 = arith.constant 3 : i32
      %scan3A_513 = arith.addi %scan3A_511, %scan3A_512 : i32
      %scan3A_514 = arith.constant 1 : i32
      scf.for %scan3A_559 = %scan3A_511 to %scan3A_513 step %scan3A_514  : i32 {
        %mul3A_560 = arith.constant 16 : i32
        %mul3A_561 = arith.muli %scan3A_559, %mul3A_560 : i32
        %add3A_562 = arith.constant 0 : i32
        %add3A_563 = arith.addi %add3A_562, %mul3A_561 : i32
        %get3A_564 = arith.index_cast %add3A_563 : i32 to index
        %get3A_565 = tpu.vector_load %arg24[%get3A_564] {strides = array<i32>} : memref<48xi32, #tpu.memory_space<vmem>>, vector<16xi32>,
        %get3A_566 = arith.index_cast %add3A_563 : i32 to index
        %get3A_567 = tpu.vector_load %arg25[%get3A_566] {strides = array<i32>} : memref<48xi32, #tpu.memory_space<vmem>>, vector<16xi32>,
        %get3A_568 = arith.index_cast %add3A_563 : i32 to index
        %get3A_569 = tpu.vector_load %arg26[%get3A_568] {strides = array<i32>} : memref<48xf32, #tpu.memory_space<vmem>>, vector<16xf32>,
        %gather3A_570 = tpu.vector_load_idx %arg14[%get3A_565] : memref<10000xf32, #tpu.memory_space<vmem>>[vector<16xi32>], vector<16xf32>,
        %gather3A_571 = tpu.vector_load_idx %arg15[%get3A_567] : memref<10000xf32, #tpu.memory_space<vmem>>[vector<16xi32>], vector<16xf32>,
        %add3A_572 = arith.addf %gather3A_570, %gather3A_571 : vector<16xf32>
        %mul3A_573 = arith.mulf %get3A_569, %get3A_5 : vector<16xf32>
        %add3A_574 = arith.addf %add3A_572, %mul3A_573 : vector<16xf32>
        %ge3A_575 = arith.constant 0.000000e+00 : f32
        %ge3A_576 = vector.broadcast %ge3A_575 : f32 to vector<16xf32>
        %ge3A_577 = arith.cmpf oge, %add3A_574, %ge3A_576 : vector<16xf32>
        %mul3A_578 = arith.constant 2.000000e-01 : f32
        %mul3A_579 = vector.broadcast %mul3A_578 : f32 to vector<16xf32>
        %mul3A_580 = arith.mulf %mul3A_579, %add3A_574 : vector<16xf32>
        %select_n3A_581 = arith.select %ge3A_577, %add3A_574, %mul3A_580 : vector<16xi1>, vector<16xf32>
        %neg3A_582 = arith.constant 0.000000e+00 : f32
        %neg3A_583 = vector.broadcast %neg3A_582 : f32 to vector<16xf32>
        %neg3A_584 = arith.subf %neg3A_583, %select_n3A_581 : vector<16xf32>
        %exp3A_585 = math.exp %neg3A_584 : vector<16xf32>
        %swap3A_586 = arith.index_cast %add3A_563 : i32 to index
        %swap3A_587 = tpu.vector_load %arg27[%swap3A_586] {strides = array<i32>} : memref<48xf32, #tpu.memory_space<vmem>>, vector<16xf32>,
        tpu.vector_store %arg27[%swap3A_586], %exp3A_585 {strides = array<i32>} : memref<48xf32, #tpu.memory_space<vmem>>, vector<16xf32>,
        tpu.vector_store_idx %arg16[%get3A_565], %exp3A_585 {add = true} : memref<10000xf32, #tpu.memory_space<vmem>>[vector<16xi32>], vector<16xf32>,
        %swap3A_588 = arith.index_cast %add3A_563 : i32 to index
        %swap3A_589 = tpu.vector_load %arg28[%swap3A_588] {strides = array<i32>} : memref<48xi32, #tpu.memory_space<vmem>>, vector<16xi32>,
        tpu.vector_store %arg28[%swap3A_588], %get3A_565 {strides = array<i32>} : memref<48xi32, #tpu.memory_space<vmem>>, vector<16xi32>,
      }
      %scan3A_515 = arith.constant 3 : i32
      %dma_wait3A_516 = arith.constant 0 : i32
      %dma_wait3A_517 = arith.constant 0 : i32
      %dma_wait3A_518 = tpu.memref_slice %arg50[%dma_wait3A_516, %dma_wait3A_517] : memref<10000x128xf32, #tpu.memory_space<vmem_shared>> -> memref<10000x128xf32, #tpu.memory_space<vmem_shared>>
      tpu.wait_indirect_dma semaphore(%arg48 : memref<!tpu.dma_semaphore, #tpu.memory_space<semaphore_mem>>) src(%arg35 : memref<48x128xf32, #tpu.memory_space<vmem>>) dst(%dma_wait3A_518 : memref<10000x128xf32, #tpu.memory_space<vmem_shared>>)
      %dma_wait3A_519 = arith.constant 0 : i32
      %dma_wait3A_520 = tpu.memref_slice %arg3[%dma_wait3A_519] : memref<320000xi32, #tpu.memory_space<hbm>> -> memref<48xi32, #tpu.memory_space<hbm>>
      %dma_wait3A_521 = arith.constant 0 : i32
      %dma_wait3A_522 = tpu.memref_slice %arg3[%dma_wait3A_521] : memref<320000xi32, #tpu.memory_space<hbm>> -> memref<48xi32, #tpu.memory_space<hbm>>
      tpu.wait_dma2 semaphore(%arg46 : memref<!tpu.dma_semaphore, #tpu.memory_space<semaphore_mem>>) src(%dma_wait3A_522 : memref<48xi32, #tpu.memory_space<hbm>>) dst(%arg30 : memref<48xi32, #tpu.memory_space<vmem>>)
      %dma_wait3A_523 = arith.constant 0 : i32
      %dma_wait3A_524 = tpu.memref_slice %arg4[%dma_wait3A_523] : memref<320000xi32, #tpu.memory_space<hbm>> -> memref<48xi32, #tpu.memory_space<hbm>>
      %dma_wait3A_525 = arith.constant 0 : i32
      %dma_wait3A_526 = tpu.memref_slice %arg4[%dma_wait3A_525] : memref<320000xi32, #tpu.memory_space<hbm>> -> memref<48xi32, #tpu.memory_space<hbm>>
      tpu.wait_dma2 semaphore(%arg46 : memref<!tpu.dma_semaphore, #tpu.memory_space<semaphore_mem>>) src(%dma_wait3A_526 : memref<48xi32, #tpu.memory_space<hbm>>) dst(%arg31 : memref<48xi32, #tpu.memory_space<vmem>>)
      %dma_wait3A_527 = arith.constant 0 : i32
      %dma_wait3A_528 = tpu.memref_slice %arg5[%dma_wait3A_527] : memref<320000xf32, #tpu.memory_space<hbm>> -> memref<48xf32, #tpu.memory_space<hbm>>
      %dma_wait3A_529 = arith.constant 0 : i32
      %dma_wait3A_530 = tpu.memref_slice %arg5[%dma_wait3A_529] : memref<320000xf32, #tpu.memory_space<hbm>> -> memref<48xf32, #tpu.memory_space<hbm>>
      tpu.wait_dma2 semaphore(%arg46 : memref<!tpu.dma_semaphore, #tpu.memory_space<semaphore_mem>>) src(%dma_wait3A_530 : memref<48xf32, #tpu.memory_space<hbm>>) dst(%arg32 : memref<48xf32, #tpu.memory_space<vmem>>)
      %dma_start3A_531 = arith.constant 0 : i32
      %dma_start3A_532 = arith.constant 0 : i32
      %dma_start3A_533 = tpu.memref_slice %arg2[%dma_start3A_531, %dma_start3A_532] : memref<10000x128xf32, #tpu.memory_space<hbm>> -> memref<10000x128xf32, #tpu.memory_space<hbm>>
      tpu.enqueue_indirect_dma source(%dma_start3A_533 : memref<10000x128xf32, #tpu.memory_space<hbm>>) target(%arg35 : memref<48x128xf32, #tpu.memory_space<vmem>>) offsets(%arg31 : memref<48xi32, #tpu.memory_space<vmem>>) semaphore(%arg47 : memref<!tpu.dma_semaphore, #tpu.memory_space<semaphore_mem>>)
      %dma_wait3A_534 = arith.constant 0 : i32
      %dma_wait3A_535 = arith.constant 0 : i32
      %dma_wait3A_536 = tpu.memref_slice %arg2[%dma_wait3A_534, %dma_wait3A_535] : memref<10000x128xf32, #tpu.memory_space<hbm>> -> memref<10000x128xf32, #tpu.memory_space<hbm>>
      tpu.wait_indirect_dma semaphore(%arg43 : memref<!tpu.dma_semaphore, #tpu.memory_space<semaphore_mem>>) src(%dma_wait3A_536 : memref<10000x128xf32, #tpu.memory_space<hbm>>) dst(%arg29 : memref<48x128xf32, #tpu.memory_space<vmem>>)
      %add3A_537 = arith.constant 2 : i32
      %add3A_538 = arith.addi %add3A_506, %add3A_537 : i32
      %mul3A_539 = arith.constant 48 : i32
      %mul3A_540 = arith.muli %add3A_538, %mul3A_539 : i32
      %add3A_541 = arith.addi %mul3A_7, %mul3A_540 : i32
      %dma_start3A_542 = tpu.memref_slice %arg3[%add3A_541] : memref<320000xi32, #tpu.memory_space<hbm>> -> memref<48xi32, #tpu.memory_space<hbm>>
      %dma_start3A_543 = tpu.memref_slice %arg3[%add3A_541] : memref<320000xi32, #tpu.memory_space<hbm>> -> memref<48xi32, #tpu.memory_space<hbm>>
      tpu.enqueue_dma source(%dma_start3A_543 : memref<48xi32, #tpu.memory_space<hbm>>) target(%arg18 : memref<48xi32, #tpu.memory_space<vmem>>) target_semaphore(%arg38 : memref<!tpu.dma_semaphore, #tpu.memory_space<semaphore_mem>>)
      %dma_start3A_544 = tpu.memref_slice %arg4[%add3A_541] : memref<320000xi32, #tpu.memory_space<hbm>> -> memref<48xi32, #tpu.memory_space<hbm>>
      %dma_start3A_545 = tpu.memref_slice %arg4[%add3A_541] : memref<320000xi32, #tpu.memory_space<hbm>> -> memref<48xi32, #tpu.memory_space<hbm>>
      tpu.enqueue_dma source(%dma_start3A_545 : memref<48xi32, #tpu.memory_space<hbm>>) target(%arg19 : memref<48xi32, #tpu.memory_space<vmem>>) target_semaphore(%arg38 : memref<!tpu.dma_semaphore, #tpu.memory_space<semaphore_mem>>)
      %dma_start3A_546 = tpu.memref_slice %arg5[%add3A_541] : memref<320000xf32, #tpu.memory_space<hbm>> -> memref<48xf32, #tpu.memory_space<hbm>>
      %dma_start3A_547 = tpu.memref_slice %arg5[%add3A_541] : memref<320000xf32, #tpu.memory_space<hbm>> -> memref<48xf32, #tpu.memory_space<hbm>>
      tpu.enqueue_dma source(%dma_start3A_547 : memref<48xf32, #tpu.memory_space<hbm>>) target(%arg20 : memref<48xf32, #tpu.memory_space<vmem>>) target_semaphore(%arg38 : memref<!tpu.dma_semaphore, #tpu.memory_space<semaphore_mem>>)
      %parallel_loop3A_548 = arith.constant 0 : i32
      %parallel_loop3A_549 = arith.constant 48 : i32
      %parallel_loop3A_550 = arith.constant 1 : i32
      scf.for %parallel_loop3A_559 = %parallel_loop3A_548 to %parallel_loop3A_549 step %parallel_loop3A_550  : i32 {
        %parallel_loop3A_560 = vector.broadcast %parallel_loop3A_559 : i32 to vector<16xi32>
        %parallel_loop3A_561 = tpu.vector_load_idx %arg27[%parallel_loop3A_560] : memref<48xf32, #tpu.memory_space<vmem>>[vector<16xi32>], vector<16xf32>,
        %parallel_loop3A_562 = arith.index_cast %parallel_loop3A_559 : i32 to index
        %parallel_loop3A_563 = arith.constant 0 : index
        %parallel_loop3A_564 = tpu.vector_load %arg29[%parallel_loop3A_562, %parallel_loop3A_563] {strides = array<i32>} : memref<48x128xf32, #tpu.memory_space<vmem>>, vector<16xf32>,
        %parallel_loop3A_565 = arith.mulf %parallel_loop3A_564, %parallel_loop3A_561 : vector<16xf32>
        %parallel_loop3A_566 = arith.index_cast %parallel_loop3A_559 : i32 to index
        %parallel_loop3A_567 = arith.constant 0 : index
        %parallel_loop3A_568 = tpu.vector_load %arg29[%parallel_loop3A_566, %parallel_loop3A_567] {strides = array<i32>} : memref<48x128xf32, #tpu.memory_space<vmem>>, vector<16xf32>,
        tpu.vector_store %arg29[%parallel_loop3A_566, %parallel_loop3A_567], %parallel_loop3A_565 {strides = array<i32>} : memref<48x128xf32, #tpu.memory_space<vmem>>, vector<16xf32>,
        %parallel_loop3A_569 = arith.index_cast %parallel_loop3A_559 : i32 to index
        %parallel_loop3A_570 = arith.constant 16 : index
        %parallel_loop3A_571 = tpu.vector_load %arg29[%parallel_loop3A_569, %parallel_loop3A_570] {strides = array<i32>} : memref<48x128xf32, #tpu.memory_space<vmem>>, vector<16xf32>,
        %parallel_loop3A_572 = arith.mulf %parallel_loop3A_571, %parallel_loop3A_561 : vector<16xf32>
        %parallel_loop3A_573 = arith.index_cast %parallel_loop3A_559 : i32 to index
        %parallel_loop3A_574 = arith.constant 16 : index
        %parallel_loop3A_575 = tpu.vector_load %arg29[%parallel_loop3A_573, %parallel_loop3A_574] {strides = array<i32>} : memref<48x128xf32, #tpu.memory_space<vmem>>, vector<16xf32>,
        tpu.vector_store %arg29[%parallel_loop3A_573, %parallel_loop3A_574], %parallel_loop3A_572 {strides = array<i32>} : memref<48x128xf32, #tpu.memory_space<vmem>>, vector<16xf32>,
        %parallel_loop3A_576 = arith.index_cast %parallel_loop3A_559 : i32 to index
        %parallel_loop3A_577 = arith.constant 32 : index
        %parallel_loop3A_578 = tpu.vector_load %arg29[%parallel_loop3A_576, %parallel_loop3A_577] {strides = array<i32>} : memref<48x128xf32, #tpu.memory_space<vmem>>, vector<16xf32>,
        %parallel_loop3A_579 = arith.mulf %parallel_loop3A_578, %parallel_loop3A_561 : vector<16xf32>
        %parallel_loop3A_580 = arith.index_cast %parallel_loop3A_559 : i32 to index
        %parallel_loop3A_581 = arith.constant 32 : index
        %parallel_loop3A_582 = tpu.vector_load %arg29[%parallel_loop3A_580, %parallel_loop3A_581] {strides = array<i32>} : memref<48x128xf32, #tpu.memory_space<vmem>>, vector<16xf32>,
        tpu.vector_store %arg29[%parallel_loop3A_580, %parallel_loop3A_581], %parallel_loop3A_579 {strides = array<i32>} : memref<48x128xf32, #tpu.memory_space<vmem>>, vector<16xf32>,
        %parallel_loop3A_583 = arith.index_cast %parallel_loop3A_559 : i32 to index
        %parallel_loop3A_584 = arith.constant 48 : index
        %parallel_loop3A_585 = tpu.vector_load %arg29[%parallel_loop3A_583, %parallel_loop3A_584] {strides = array<i32>} : memref<48x128xf32, #tpu.memory_space<vmem>>, vector<16xf32>,
        %parallel_loop3A_586 = arith.mulf %parallel_loop3A_585, %parallel_loop3A_561 : vector<16xf32>
        %parallel_loop3A_587 = arith.index_cast %parallel_loop3A_559 : i32 to index
        %parallel_loop3A_588 = arith.constant 48 : index
        %parallel_loop3A_589 = tpu.vector_load %arg29[%parallel_loop3A_587, %parallel_loop3A_588] {strides = array<i32>} : memref<48x128xf32, #tpu.memory_space<vmem>>, vector<16xf32>,
        tpu.vector_store %arg29[%parallel_loop3A_587, %parallel_loop3A_588], %parallel_loop3A_586 {strides = array<i32>} : memref<48x128xf32, #tpu.memory_space<vmem>>, vector<16xf32>,
        %parallel_loop3A_590 = arith.index_cast %parallel_loop3A_559 : i32 to index
        %parallel_loop3A_591 = arith.constant 64 : index
        %parallel_loop3A_592 = tpu.vector_load %arg29[%parallel_loop3A_590, %parallel_loop3A_591] {strides = array<i32>} : memref<48x128xf32, #tpu.memory_space<vmem>>, vector<16xf32>,
        %parallel_loop3A_593 = arith.mulf %parallel_loop3A_592, %parallel_loop3A_561 : vector<16xf32>
        %parallel_loop3A_594 = arith.index_cast %parallel_loop3A_559 : i32 to index
        %parallel_loop3A_595 = arith.constant 64 : index
        %parallel_loop3A_596 = tpu.vector_load %arg29[%parallel_loop3A_594, %parallel_loop3A_595] {strides = array<i32>} : memref<48x128xf32, #tpu.memory_space<vmem>>, vector<16xf32>,
        tpu.vector_store %arg29[%parallel_loop3A_594, %parallel_loop3A_595], %parallel_loop3A_593 {strides = array<i32>} : memref<48x128xf32, #tpu.memory_space<vmem>>, vector<16xf32>,
        %parallel_loop3A_597 = arith.index_cast %parallel_loop3A_559 : i32 to index
        %parallel_loop3A_598 = arith.constant 80 : index
        %parallel_loop3A_599 = tpu.vector_load %arg29[%parallel_loop3A_597, %parallel_loop3A_598] {strides = array<i32>} : memref<48x128xf32, #tpu.memory_space<vmem>>, vector<16xf32>,
        %parallel_loop3A_600 = arith.mulf %parallel_loop3A_599, %parallel_loop3A_561 : vector<16xf32>
        %parallel_loop3A_601 = arith.index_cast %parallel_loop3A_559 : i32 to index
        %parallel_loop3A_602 = arith.constant 80 : index
        %parallel_loop3A_603 = tpu.vector_load %arg29[%parallel_loop3A_601, %parallel_loop3A_602] {strides = array<i32>} : memref<48x128xf32, #tpu.memory_space<vmem>>, vector<16xf32>,
        tpu.vector_store %arg29[%parallel_loop3A_601, %parallel_loop3A_602], %parallel_loop3A_600 {strides = array<i32>} : memref<48x128xf32, #tpu.memory_space<vmem>>, vector<16xf32>,
        %parallel_loop3A_604 = arith.index_cast %parallel_loop3A_559 : i32 to index
        %parallel_loop3A_605 = arith.constant 96 : index
        %parallel_loop3A_606 = tpu.vector_load %arg29[%parallel_loop3A_604, %parallel_loop3A_605] {strides = array<i32>} : memref<48x128xf32, #tpu.memory_space<vmem>>, vector<16xf32>,
        %parallel_loop3A_607 = arith.mulf %parallel_loop3A_606, %parallel_loop3A_561 : vector<16xf32>
        %parallel_loop3A_608 = arith.index_cast %parallel_loop3A_559 : i32 to index
        %parallel_loop3A_609 = arith.constant 96 : index
        %parallel_loop3A_610 = tpu.vector_load %arg29[%parallel_loop3A_608, %parallel_loop3A_609] {strides = array<i32>} : memref<48x128xf32, #tpu.memory_space<vmem>>, vector<16xf32>,
        tpu.vector_store %arg29[%parallel_loop3A_608, %parallel_loop3A_609], %parallel_loop3A_607 {strides = array<i32>} : memref<48x128xf32, #tpu.memory_space<vmem>>, vector<16xf32>,
        %parallel_loop3A_611 = arith.index_cast %parallel_loop3A_559 : i32 to index
        %parallel_loop3A_612 = arith.constant 112 : index
        %parallel_loop3A_613 = tpu.vector_load %arg29[%parallel_loop3A_611, %parallel_loop3A_612] {strides = array<i32>} : memref<48x128xf32, #tpu.memory_space<vmem>>, vector<16xf32>,
        %parallel_loop3A_614 = arith.mulf %parallel_loop3A_613, %parallel_loop3A_561 : vector<16xf32>
        %parallel_loop3A_615 = arith.index_cast %parallel_loop3A_559 : i32 to index
        %parallel_loop3A_616 = arith.constant 112 : index
        %parallel_loop3A_617 = tpu.vector_load %arg29[%parallel_loop3A_615, %parallel_loop3A_616] {strides = array<i32>} : memref<48x128xf32, #tpu.memory_space<vmem>>, vector<16xf32>,
        tpu.vector_store %arg29[%parallel_loop3A_615, %parallel_loop3A_616], %parallel_loop3A_614 {strides = array<i32>} : memref<48x128xf32, #tpu.memory_space<vmem>>, vector<16xf32>,
      } {sc.loop_unroll_factor = 4 : i64, sc.parallel_access}
      %dma_start3A_551 = arith.constant 0 : i32
      %dma_start3A_552 = arith.constant 0 : i32
      %dma_start3A_553 = tpu.memref_slice %arg50[%dma_start3A_551, %dma_start3A_552] : memref<10000x128xf32, #tpu.memory_space<vmem_shared>> -> memref<10000x128xf32, #tpu.memory_space<vmem_shared>>
      tpu.enqueue_indirect_dma source(%arg29 : memref<48x128xf32, #tpu.memory_space<vmem>>) target(%dma_start3A_553 : memref<10000x128xf32, #tpu.memory_space<vmem_shared>>) offsets(%arg28 : memref<48xi32, #tpu.memory_space<vmem>>) semaphore(%arg44 : memref<!tpu.dma_semaphore, #tpu.memory_space<semaphore_mem>>) {add = true}
      %mul3A_554 = arith.constant 48 : i32
      %mul3A_555 = arith.muli %add3A_506, %mul3A_554 : i32
      %add3A_556 = arith.addi %mul3A_7, %mul3A_555 : i32
      %dma_start3A_557 = tpu.memref_slice %arg11[%add3A_556] : memref<320000xf32, #tpu.memory_space<hbm>> -> memref<48xf32, #tpu.memory_space<hbm>>
      %dma_start3A_558 = tpu.memref_slice %arg11[%add3A_556] : memref<320000xf32, #tpu.memory_space<hbm>> -> memref<48xf32, #tpu.memory_space<hbm>>
      tpu.enqueue_dma source(%arg27 : memref<48xf32, #tpu.memory_space<vmem>>) target(%dma_start3A_558 : memref<48xf32, #tpu.memory_space<hbm>>) target_semaphore(%arg45 : memref<!tpu.dma_semaphore, #tpu.memory_space<semaphore_mem>>)
    }
    %scan3A_261 = arith.constant 67 : i32
    %dma_wait3A_262 = arith.constant 0 : i32
    %dma_wait3A_263 = tpu.memref_slice %arg11[%dma_wait3A_262] : memref<320000xf32, #tpu.memory_space<hbm>> -> memref<48xf32, #tpu.memory_space<hbm>>
    %dma_wait3A_264 = arith.constant 0 : i32
    %dma_wait3A_265 = tpu.memref_slice %arg11[%dma_wait3A_264] : memref<320000xf32, #tpu.memory_space<hbm>> -> memref<48xf32, #tpu.memory_space<hbm>>
    tpu.wait_dma2 semaphore(%arg49 : memref<!tpu.dma_semaphore, #tpu.memory_space<semaphore_mem>>) src(%arg33 : memref<48xf32, #tpu.memory_space<vmem>>) dst(%dma_wait3A_265 : memref<48xf32, #tpu.memory_space<hbm>>)
    %scan3A_266 = arith.constant 0 : i32
    %scan3A_267 = arith.constant 3 : i32
    %scan3A_268 = arith.addi %scan3A_266, %scan3A_267 : i32
    %scan3A_269 = arith.constant 1 : i32
    scf.for %scan3A_390 = %scan3A_266 to %scan3A_268 step %scan3A_269  : i32 {
      %mul3A_391 = arith.constant 16 : i32
      %mul3A_392 = arith.muli %scan3A_390, %mul3A_391 : i32
      %add3A_393 = arith.constant 0 : i32
      %add3A_394 = arith.addi %add3A_393, %mul3A_392 : i32
      %get3A_395 = arith.index_cast %add3A_394 : i32 to index
      %get3A_396 = tpu.vector_load %arg30[%get3A_395] {strides = array<i32>} : memref<48xi32, #tpu.memory_space<vmem>>, vector<16xi32>,
      %get3A_397 = arith.index_cast %add3A_394 : i32 to index
      %get3A_398 = tpu.vector_load %arg31[%get3A_397] {strides = array<i32>} : memref<48xi32, #tpu.memory_space<vmem>>, vector<16xi32>,
      %get3A_399 = arith.index_cast %add3A_394 : i32 to index
      %get3A_400 = tpu.vector_load %arg32[%get3A_399] {strides = array<i32>} : memref<48xf32, #tpu.memory_space<vmem>>, vector<16xf32>,
      %gather3A_401 = tpu.vector_load_idx %arg14[%get3A_396] : memref<10000xf32, #tpu.memory_space<vmem>>[vector<16xi32>], vector<16xf32>,
      %gather3A_402 = tpu.vector_load_idx %arg15[%get3A_398] : memref<10000xf32, #tpu.memory_space<vmem>>[vector<16xi32>], vector<16xf32>,
      %add3A_403 = arith.addf %gather3A_401, %gather3A_402 : vector<16xf32>
      %mul3A_404 = arith.mulf %get3A_400, %get3A_5 : vector<16xf32>
      %add3A_405 = arith.addf %add3A_403, %mul3A_404 : vector<16xf32>
      %ge3A_406 = arith.constant 0.000000e+00 : f32
      %ge3A_407 = vector.broadcast %ge3A_406 : f32 to vector<16xf32>
      %ge3A_408 = arith.cmpf oge, %add3A_405, %ge3A_407 : vector<16xf32>
      %mul3A_409 = arith.constant 2.000000e-01 : f32
      %mul3A_410 = vector.broadcast %mul3A_409 : f32 to vector<16xf32>
      %mul3A_411 = arith.mulf %mul3A_410, %add3A_405 : vector<16xf32>
      %select_n3A_412 = arith.select %ge3A_408, %add3A_405, %mul3A_411 : vector<16xi1>, vector<16xf32>
      %neg3A_413 = arith.constant 0.000000e+00 : f32
      %neg3A_414 = vector.broadcast %neg3A_413 : f32 to vector<16xf32>
      %neg3A_415 = arith.subf %neg3A_414, %select_n3A_412 : vector<16xf32>
      %exp3A_416 = math.exp %neg3A_415 : vector<16xf32>
      %swap3A_417 = arith.index_cast %add3A_394 : i32 to index
      %swap3A_418 = tpu.vector_load %arg33[%swap3A_417] {strides = array<i32>} : memref<48xf32, #tpu.memory_space<vmem>>, vector<16xf32>,
      tpu.vector_store %arg33[%swap3A_417], %exp3A_416 {strides = array<i32>} : memref<48xf32, #tpu.memory_space<vmem>>, vector<16xf32>,
      tpu.vector_store_idx %arg16[%get3A_396], %exp3A_416 {add = true} : memref<10000xf32, #tpu.memory_space<vmem>>[vector<16xi32>], vector<16xf32>,
      %swap3A_419 = arith.index_cast %add3A_394 : i32 to index
      %swap3A_420 = tpu.vector_load %arg34[%swap3A_419] {strides = array<i32>} : memref<48xi32, #tpu.memory_space<vmem>>, vector<16xi32>,
      tpu.vector_store %arg34[%swap3A_419], %get3A_396 {strides = array<i32>} : memref<48xi32, #tpu.memory_space<vmem>>, vector<16xi32>,
    }
    %scan3A_270 = arith.constant 3 : i32
    %dma_wait3A_271 = arith.constant 0 : i32
    %dma_wait3A_272 = arith.constant 0 : i32
    %dma_wait3A_273 = tpu.memref_slice %arg50[%dma_wait3A_271, %dma_wait3A_272] : memref<10000x128xf32, #tpu.memory_space<vmem_shared>> -> memref<10000x128xf32, #tpu.memory_space<vmem_shared>>
    tpu.wait_indirect_dma semaphore(%arg40 : memref<!tpu.dma_semaphore, #tpu.memory_space<semaphore_mem>>) src(%arg23 : memref<48x128xf32, #tpu.memory_space<vmem>>) dst(%dma_wait3A_273 : memref<10000x128xf32, #tpu.memory_space<vmem_shared>>)
    %dma_wait3A_274 = arith.constant 0 : i32
    %dma_wait3A_275 = tpu.memref_slice %arg3[%dma_wait3A_274] : memref<320000xi32, #tpu.memory_space<hbm>> -> memref<48xi32, #tpu.memory_space<hbm>>
    %dma_wait3A_276 = arith.constant 0 : i32
    %dma_wait3A_277 = tpu.memref_slice %arg3[%dma_wait3A_276] : memref<320000xi32, #tpu.memory_space<hbm>> -> memref<48xi32, #tpu.memory_space<hbm>>
    tpu.wait_dma2 semaphore(%arg38 : memref<!tpu.dma_semaphore, #tpu.memory_space<semaphore_mem>>) src(%dma_wait3A_277 : memref<48xi32, #tpu.memory_space<hbm>>) dst(%arg18 : memref<48xi32, #tpu.memory_space<vmem>>)
    %dma_wait3A_278 = arith.constant 0 : i32
    %dma_wait3A_279 = tpu.memref_slice %arg4[%dma_wait3A_278] : memref<320000xi32, #tpu.memory_space<hbm>> -> memref<48xi32, #tpu.memory_space<hbm>>
    %dma_wait3A_280 = arith.constant 0 : i32
    %dma_wait3A_281 = tpu.memref_slice %arg4[%dma_wait3A_280] : memref<320000xi32, #tpu.memory_space<hbm>> -> memref<48xi32, #tpu.memory_space<hbm>>
    tpu.wait_dma2 semaphore(%arg38 : memref<!tpu.dma_semaphore, #tpu.memory_space<semaphore_mem>>) src(%dma_wait3A_281 : memref<48xi32, #tpu.memory_space<hbm>>) dst(%arg19 : memref<48xi32, #tpu.memory_space<vmem>>)
    %dma_wait3A_282 = arith.constant 0 : i32
    %dma_wait3A_283 = tpu.memref_slice %arg5[%dma_wait3A_282] : memref<320000xf32, #tpu.memory_space<hbm>> -> memref<48xf32, #tpu.memory_space<hbm>>
    %dma_wait3A_284 = arith.constant 0 : i32
    %dma_wait3A_285 = tpu.memref_slice %arg5[%dma_wait3A_284] : memref<320000xf32, #tpu.memory_space<hbm>> -> memref<48xf32, #tpu.memory_space<hbm>>
    tpu.wait_dma2 semaphore(%arg38 : memref<!tpu.dma_semaphore, #tpu.memory_space<semaphore_mem>>) src(%dma_wait3A_285 : memref<48xf32, #tpu.memory_space<hbm>>) dst(%arg20 : memref<48xf32, #tpu.memory_space<vmem>>)
    %dma_start3A_286 = arith.constant 0 : i32
    %dma_start3A_287 = arith.constant 0 : i32
    %dma_start3A_288 = tpu.memref_slice %arg2[%dma_start3A_286, %dma_start3A_287] : memref<10000x128xf32, #tpu.memory_space<hbm>> -> memref<10000x128xf32, #tpu.memory_space<hbm>>
    tpu.enqueue_indirect_dma source(%dma_start3A_288 : memref<10000x128xf32, #tpu.memory_space<hbm>>) target(%arg23 : memref<48x128xf32, #tpu.memory_space<vmem>>) offsets(%arg19 : memref<48xi32, #tpu.memory_space<vmem>>) semaphore(%arg39 : memref<!tpu.dma_semaphore, #tpu.memory_space<semaphore_mem>>)
    %dma_wait3A_289 = arith.constant 0 : i32
    %dma_wait3A_290 = arith.constant 0 : i32
    %dma_wait3A_291 = tpu.memref_slice %arg2[%dma_wait3A_289, %dma_wait3A_290] : memref<10000x128xf32, #tpu.memory_space<hbm>> -> memref<10000x128xf32, #tpu.memory_space<hbm>>
    tpu.wait_indirect_dma semaphore(%arg47 : memref<!tpu.dma_semaphore, #tpu.memory_space<semaphore_mem>>) src(%dma_wait3A_291 : memref<10000x128xf32, #tpu.memory_space<hbm>>) dst(%arg35 : memref<48x128xf32, #tpu.memory_space<vmem>>)
    %parallel_loop3A_292 = arith.constant 0 : i32
    %parallel_loop3A_293 = arith.constant 48 : i32
    %parallel_loop3A_294 = arith.constant 1 : i32
    scf.for %parallel_loop3A_390 = %parallel_loop3A_292 to %parallel_loop3A_293 step %parallel_loop3A_294  : i32 {
      %parallel_loop3A_391 = vector.broadcast %parallel_loop3A_390 : i32 to vector<16xi32>
      %parallel_loop3A_392 = tpu.vector_load_idx %arg33[%parallel_loop3A_391] : memref<48xf32, #tpu.memory_space<vmem>>[vector<16xi32>], vector<16xf32>,
      %parallel_loop3A_393 = arith.index_cast %parallel_loop3A_390 : i32 to index
      %parallel_loop3A_394 = arith.constant 0 : index
      %parallel_loop3A_395 = tpu.vector_load %arg35[%parallel_loop3A_393, %parallel_loop3A_394] {strides = array<i32>} : memref<48x128xf32, #tpu.memory_space<vmem>>, vector<16xf32>,
      %parallel_loop3A_396 = arith.mulf %parallel_loop3A_395, %parallel_loop3A_392 : vector<16xf32>
      %parallel_loop3A_397 = arith.index_cast %parallel_loop3A_390 : i32 to index
      %parallel_loop3A_398 = arith.constant 0 : index
      %parallel_loop3A_399 = tpu.vector_load %arg35[%parallel_loop3A_397, %parallel_loop3A_398] {strides = array<i32>} : memref<48x128xf32, #tpu.memory_space<vmem>>, vector<16xf32>,
      tpu.vector_store %arg35[%parallel_loop3A_397, %parallel_loop3A_398], %parallel_loop3A_396 {strides = array<i32>} : memref<48x128xf32, #tpu.memory_space<vmem>>, vector<16xf32>,
      %parallel_loop3A_400 = arith.index_cast %parallel_loop3A_390 : i32 to index
      %parallel_loop3A_401 = arith.constant 16 : index
      %parallel_loop3A_402 = tpu.vector_load %arg35[%parallel_loop3A_400, %parallel_loop3A_401] {strides = array<i32>} : memref<48x128xf32, #tpu.memory_space<vmem>>, vector<16xf32>,
      %parallel_loop3A_403 = arith.mulf %parallel_loop3A_402, %parallel_loop3A_392 : vector<16xf32>
      %parallel_loop3A_404 = arith.index_cast %parallel_loop3A_390 : i32 to index
      %parallel_loop3A_405 = arith.constant 16 : index
      %parallel_loop3A_406 = tpu.vector_load %arg35[%parallel_loop3A_404, %parallel_loop3A_405] {strides = array<i32>} : memref<48x128xf32, #tpu.memory_space<vmem>>, vector<16xf32>,
      tpu.vector_store %arg35[%parallel_loop3A_404, %parallel_loop3A_405], %parallel_loop3A_403 {strides = array<i32>} : memref<48x128xf32, #tpu.memory_space<vmem>>, vector<16xf32>,
      %parallel_loop3A_407 = arith.index_cast %parallel_loop3A_390 : i32 to index
      %parallel_loop3A_408 = arith.constant 32 : index
      %parallel_loop3A_409 = tpu.vector_load %arg35[%parallel_loop3A_407, %parallel_loop3A_408] {strides = array<i32>} : memref<48x128xf32, #tpu.memory_space<vmem>>, vector<16xf32>,
      %parallel_loop3A_410 = arith.mulf %parallel_loop3A_409, %parallel_loop3A_392 : vector<16xf32>
      %parallel_loop3A_411 = arith.index_cast %parallel_loop3A_390 : i32 to index
      %parallel_loop3A_412 = arith.constant 32 : index
      %parallel_loop3A_413 = tpu.vector_load %arg35[%parallel_loop3A_411, %parallel_loop3A_412] {strides = array<i32>} : memref<48x128xf32, #tpu.memory_space<vmem>>, vector<16xf32>,
      tpu.vector_store %arg35[%parallel_loop3A_411, %parallel_loop3A_412], %parallel_loop3A_410 {strides = array<i32>} : memref<48x128xf32, #tpu.memory_space<vmem>>, vector<16xf32>,
      %parallel_loop3A_414 = arith.index_cast %parallel_loop3A_390 : i32 to index
      %parallel_loop3A_415 = arith.constant 48 : index
      %parallel_loop3A_416 = tpu.vector_load %arg35[%parallel_loop3A_414, %parallel_loop3A_415] {strides = array<i32>} : memref<48x128xf32, #tpu.memory_space<vmem>>, vector<16xf32>,
      %parallel_loop3A_417 = arith.mulf %parallel_loop3A_416, %parallel_loop3A_392 : vector<16xf32>
      %parallel_loop3A_418 = arith.index_cast %parallel_loop3A_390 : i32 to index
      %parallel_loop3A_419 = arith.constant 48 : index
      %parallel_loop3A_420 = tpu.vector_load %arg35[%parallel_loop3A_418, %parallel_loop3A_419] {strides = array<i32>} : memref<48x128xf32, #tpu.memory_space<vmem>>, vector<16xf32>,
      tpu.vector_store %arg35[%parallel_loop3A_418, %parallel_loop3A_419], %parallel_loop3A_417 {strides = array<i32>} : memref<48x128xf32, #tpu.memory_space<vmem>>, vector<16xf32>,
      %parallel_loop3A_421 = arith.index_cast %parallel_loop3A_390 : i32 to index
      %parallel_loop3A_422 = arith.constant 64 : index
      %parallel_loop3A_423 = tpu.vector_load %arg35[%parallel_loop3A_421, %parallel_loop3A_422] {strides = array<i32>} : memref<48x128xf32, #tpu.memory_space<vmem>>, vector<16xf32>,
      %parallel_loop3A_424 = arith.mulf %parallel_loop3A_423, %parallel_loop3A_392 : vector<16xf32>
      %parallel_loop3A_425 = arith.index_cast %parallel_loop3A_390 : i32 to index
      %parallel_loop3A_426 = arith.constant 64 : index
      %parallel_loop3A_427 = tpu.vector_load %arg35[%parallel_loop3A_425, %parallel_loop3A_426] {strides = array<i32>} : memref<48x128xf32, #tpu.memory_space<vmem>>, vector<16xf32>,
      tpu.vector_store %arg35[%parallel_loop3A_425, %parallel_loop3A_426], %parallel_loop3A_424 {strides = array<i32>} : memref<48x128xf32, #tpu.memory_space<vmem>>, vector<16xf32>,
      %parallel_loop3A_428 = arith.index_cast %parallel_loop3A_390 : i32 to index
      %parallel_loop3A_429 = arith.constant 80 : index
      %parallel_loop3A_430 = tpu.vector_load %arg35[%parallel_loop3A_428, %parallel_loop3A_429] {strides = array<i32>} : memref<48x128xf32, #tpu.memory_space<vmem>>, vector<16xf32>,
      %parallel_loop3A_431 = arith.mulf %parallel_loop3A_430, %parallel_loop3A_392 : vector<16xf32>
      %parallel_loop3A_432 = arith.index_cast %parallel_loop3A_390 : i32 to index
      %parallel_loop3A_433 = arith.constant 80 : index
      %parallel_loop3A_434 = tpu.vector_load %arg35[%parallel_loop3A_432, %parallel_loop3A_433] {strides = array<i32>} : memref<48x128xf32, #tpu.memory_space<vmem>>, vector<16xf32>,
      tpu.vector_store %arg35[%parallel_loop3A_432, %parallel_loop3A_433], %parallel_loop3A_431 {strides = array<i32>} : memref<48x128xf32, #tpu.memory_space<vmem>>, vector<16xf32>,
      %parallel_loop3A_435 = arith.index_cast %parallel_loop3A_390 : i32 to index
      %parallel_loop3A_436 = arith.constant 96 : index
      %parallel_loop3A_437 = tpu.vector_load %arg35[%parallel_loop3A_435, %parallel_loop3A_436] {strides = array<i32>} : memref<48x128xf32, #tpu.memory_space<vmem>>, vector<16xf32>,
      %parallel_loop3A_438 = arith.mulf %parallel_loop3A_437, %parallel_loop3A_392 : vector<16xf32>
      %parallel_loop3A_439 = arith.index_cast %parallel_loop3A_390 : i32 to index
      %parallel_loop3A_440 = arith.constant 96 : index
      %parallel_loop3A_441 = tpu.vector_load %arg35[%parallel_loop3A_439, %parallel_loop3A_440] {strides = array<i32>} : memref<48x128xf32, #tpu.memory_space<vmem>>, vector<16xf32>,
      tpu.vector_store %arg35[%parallel_loop3A_439, %parallel_loop3A_440], %parallel_loop3A_438 {strides = array<i32>} : memref<48x128xf32, #tpu.memory_space<vmem>>, vector<16xf32>,
      %parallel_loop3A_442 = arith.index_cast %parallel_loop3A_390 : i32 to index
      %parallel_loop3A_443 = arith.constant 112 : index
      %parallel_loop3A_444 = tpu.vector_load %arg35[%parallel_loop3A_442, %parallel_loop3A_443] {strides = array<i32>} : memref<48x128xf32, #tpu.memory_space<vmem>>, vector<16xf32>,
      %parallel_loop3A_445 = arith.mulf %parallel_loop3A_444, %parallel_loop3A_392 : vector<16xf32>
      %parallel_loop3A_446 = arith.index_cast %parallel_loop3A_390 : i32 to index
      %parallel_loop3A_447 = arith.constant 112 : index
      %parallel_loop3A_448 = tpu.vector_load %arg35[%parallel_loop3A_446, %parallel_loop3A_447] {strides = array<i32>} : memref<48x128xf32, #tpu.memory_space<vmem>>, vector<16xf32>,
      tpu.vector_store %arg35[%parallel_loop3A_446, %parallel_loop3A_447], %parallel_loop3A_445 {strides = array<i32>} : memref<48x128xf32, #tpu.memory_space<vmem>>, vector<16xf32>,
    } {sc.loop_unroll_factor = 4 : i64, sc.parallel_access}
    %dma_start3A_295 = arith.constant 0 : i32
    %dma_start3A_296 = arith.constant 0 : i32
    %dma_start3A_297 = tpu.memref_slice %arg50[%dma_start3A_295, %dma_start3A_296] : memref<10000x128xf32, #tpu.memory_space<vmem_shared>> -> memref<10000x128xf32, #tpu.memory_space<vmem_shared>>
    tpu.enqueue_indirect_dma source(%arg35 : memref<48x128xf32, #tpu.memory_space<vmem>>) target(%dma_start3A_297 : memref<10000x128xf32, #tpu.memory_space<vmem_shared>>) offsets(%arg34 : memref<48xi32, #tpu.memory_space<vmem>>) semaphore(%arg48 : memref<!tpu.dma_semaphore, #tpu.memory_space<semaphore_mem>>) {add = true}
    %add3A_298 = arith.constant 9888 : i32
    %add3A_299 = arith.addi %mul3A_7, %add3A_298 : i32
    %dma_start3A_300 = tpu.memref_slice %arg11[%add3A_299] : memref<320000xf32, #tpu.memory_space<hbm>> -> memref<48xf32, #tpu.memory_space<hbm>>
    %dma_start3A_301 = tpu.memref_slice %arg11[%add3A_299] : memref<320000xf32, #tpu.memory_space<hbm>> -> memref<48xf32, #tpu.memory_space<hbm>>
    tpu.enqueue_dma source(%arg33 : memref<48xf32, #tpu.memory_space<vmem>>) target(%dma_start3A_301 : memref<48xf32, #tpu.memory_space<hbm>>) target_semaphore(%arg49 : memref<!tpu.dma_semaphore, #tpu.memory_space<semaphore_mem>>)
    %dma_wait3A_302 = arith.constant 0 : i32
    %dma_wait3A_303 = tpu.memref_slice %arg11[%dma_wait3A_302] : memref<320000xf32, #tpu.memory_space<hbm>> -> memref<48xf32, #tpu.memory_space<hbm>>
    %dma_wait3A_304 = arith.constant 0 : i32
    %dma_wait3A_305 = tpu.memref_slice %arg11[%dma_wait3A_304] : memref<320000xf32, #tpu.memory_space<hbm>> -> memref<48xf32, #tpu.memory_space<hbm>>
    tpu.wait_dma2 semaphore(%arg41 : memref<!tpu.dma_semaphore, #tpu.memory_space<semaphore_mem>>) src(%arg21 : memref<48xf32, #tpu.memory_space<vmem>>) dst(%dma_wait3A_305 : memref<48xf32, #tpu.memory_space<hbm>>)
    %scan3A_306 = arith.constant 0 : i32
    %scan3A_307 = arith.constant 3 : i32
    %scan3A_308 = arith.addi %scan3A_306, %scan3A_307 : i32
    %scan3A_309 = arith.constant 1 : i32
    scf.for %scan3A_390 = %scan3A_306 to %scan3A_308 step %scan3A_309  : i32 {
      %mul3A_391 = arith.constant 16 : i32
      %mul3A_392 = arith.muli %scan3A_390, %mul3A_391 : i32
      %add3A_393 = arith.constant 0 : i32
      %add3A_394 = arith.addi %add3A_393, %mul3A_392 : i32
      %get3A_395 = arith.index_cast %add3A_394 : i32 to index
      %get3A_396 = tpu.vector_load %arg18[%get3A_395] {strides = array<i32>} : memref<48xi32, #tpu.memory_space<vmem>>, vector<16xi32>,
      %get3A_397 = arith.index_cast %add3A_394 : i32 to index
      %get3A_398 = tpu.vector_load %arg19[%get3A_397] {strides = array<i32>} : memref<48xi32, #tpu.memory_space<vmem>>, vector<16xi32>,
      %get3A_399 = arith.index_cast %add3A_394 : i32 to index
      %get3A_400 = tpu.vector_load %arg20[%get3A_399] {strides = array<i32>} : memref<48xf32, #tpu.memory_space<vmem>>, vector<16xf32>,
      %gather3A_401 = tpu.vector_load_idx %arg14[%get3A_396] : memref<10000xf32, #tpu.memory_space<vmem>>[vector<16xi32>], vector<16xf32>,
      %gather3A_402 = tpu.vector_load_idx %arg15[%get3A_398] : memref<10000xf32, #tpu.memory_space<vmem>>[vector<16xi32>], vector<16xf32>,
      %add3A_403 = arith.addf %gather3A_401, %gather3A_402 : vector<16xf32>
      %mul3A_404 = arith.mulf %get3A_400, %get3A_5 : vector<16xf32>
      %add3A_405 = arith.addf %add3A_403, %mul3A_404 : vector<16xf32>
      %ge3A_406 = arith.constant 0.000000e+00 : f32
      %ge3A_407 = vector.broadcast %ge3A_406 : f32 to vector<16xf32>
      %ge3A_408 = arith.cmpf oge, %add3A_405, %ge3A_407 : vector<16xf32>
      %mul3A_409 = arith.constant 2.000000e-01 : f32
      %mul3A_410 = vector.broadcast %mul3A_409 : f32 to vector<16xf32>
      %mul3A_411 = arith.mulf %mul3A_410, %add3A_405 : vector<16xf32>
      %select_n3A_412 = arith.select %ge3A_408, %add3A_405, %mul3A_411 : vector<16xi1>, vector<16xf32>
      %neg3A_413 = arith.constant 0.000000e+00 : f32
      %neg3A_414 = vector.broadcast %neg3A_413 : f32 to vector<16xf32>
      %neg3A_415 = arith.subf %neg3A_414, %select_n3A_412 : vector<16xf32>
      %exp3A_416 = math.exp %neg3A_415 : vector<16xf32>
      %swap3A_417 = arith.index_cast %add3A_394 : i32 to index
      %swap3A_418 = tpu.vector_load %arg21[%swap3A_417] {strides = array<i32>} : memref<48xf32, #tpu.memory_space<vmem>>, vector<16xf32>,
      tpu.vector_store %arg21[%swap3A_417], %exp3A_416 {strides = array<i32>} : memref<48xf32, #tpu.memory_space<vmem>>, vector<16xf32>,
      tpu.vector_store_idx %arg16[%get3A_396], %exp3A_416 {add = true} : memref<10000xf32, #tpu.memory_space<vmem>>[vector<16xi32>], vector<16xf32>,
      %swap3A_419 = arith.index_cast %add3A_394 : i32 to index
      %swap3A_420 = tpu.vector_load %arg22[%swap3A_419] {strides = array<i32>} : memref<48xi32, #tpu.memory_space<vmem>>, vector<16xi32>,
      tpu.vector_store %arg22[%swap3A_419], %get3A_396 {strides = array<i32>} : memref<48xi32, #tpu.memory_space<vmem>>, vector<16xi32>,
    }
    %scan3A_310 = arith.constant 3 : i32
    %dma_wait3A_311 = arith.constant 0 : i32
    %dma_wait3A_312 = arith.constant 0 : i32
    %dma_wait3A_313 = tpu.memref_slice %arg50[%dma_wait3A_311, %dma_wait3A_312] : memref<10000x128xf32, #tpu.memory_space<vmem_shared>> -> memref<10000x128xf32, #tpu.memory_space<vmem_shared>>
    tpu.wait_indirect_dma semaphore(%arg44 : memref<!tpu.dma_semaphore, #tpu.memory_space<semaphore_mem>>) src(%arg29 : memref<48x128xf32, #tpu.memory_space<vmem>>) dst(%dma_wait3A_313 : memref<10000x128xf32, #tpu.memory_space<vmem_shared>>)
    %dma_wait3A_314 = arith.constant 0 : i32
    %dma_wait3A_315 = arith.constant 0 : i32
    %dma_wait3A_316 = tpu.memref_slice %arg2[%dma_wait3A_314, %dma_wait3A_315] : memref<10000x128xf32, #tpu.memory_space<hbm>> -> memref<10000x128xf32, #tpu.memory_space<hbm>>
    tpu.wait_indirect_dma semaphore(%arg39 : memref<!tpu.dma_semaphore, #tpu.memory_space<semaphore_mem>>) src(%dma_wait3A_316 : memref<10000x128xf32, #tpu.memory_space<hbm>>) dst(%arg23 : memref<48x128xf32, #tpu.memory_space<vmem>>)
    %parallel_loop3A_317 = arith.constant 0 : i32
    %parallel_loop3A_318 = arith.constant 48 : i32
    %parallel_loop3A_319 = arith.constant 1 : i32
    scf.for %parallel_loop3A_390 = %parallel_loop3A_317 to %parallel_loop3A_318 step %parallel_loop3A_319  : i32 {
      %parallel_loop3A_391 = vector.broadcast %parallel_loop3A_390 : i32 to vector<16xi32>
      %parallel_loop3A_392 = tpu.vector_load_idx %arg21[%parallel_loop3A_391] : memref<48xf32, #tpu.memory_space<vmem>>[vector<16xi32>], vector<16xf32>,
      %parallel_loop3A_393 = arith.index_cast %parallel_loop3A_390 : i32 to index
      %parallel_loop3A_394 = arith.constant 0 : index
      %parallel_loop3A_395 = tpu.vector_load %arg23[%parallel_loop3A_393, %parallel_loop3A_394] {strides = array<i32>} : memref<48x128xf32, #tpu.memory_space<vmem>>, vector<16xf32>,
      %parallel_loop3A_396 = arith.mulf %parallel_loop3A_395, %parallel_loop3A_392 : vector<16xf32>
      %parallel_loop3A_397 = arith.index_cast %parallel_loop3A_390 : i32 to index
      %parallel_loop3A_398 = arith.constant 0 : index
      %parallel_loop3A_399 = tpu.vector_load %arg23[%parallel_loop3A_397, %parallel_loop3A_398] {strides = array<i32>} : memref<48x128xf32, #tpu.memory_space<vmem>>, vector<16xf32>,
      tpu.vector_store %arg23[%parallel_loop3A_397, %parallel_loop3A_398], %parallel_loop3A_396 {strides = array<i32>} : memref<48x128xf32, #tpu.memory_space<vmem>>, vector<16xf32>,
      %parallel_loop3A_400 = arith.index_cast %parallel_loop3A_390 : i32 to index
      %parallel_loop3A_401 = arith.constant 16 : index
      %parallel_loop3A_402 = tpu.vector_load %arg23[%parallel_loop3A_400, %parallel_loop3A_401] {strides = array<i32>} : memref<48x128xf32, #tpu.memory_space<vmem>>, vector<16xf32>,
      %parallel_loop3A_403 = arith.mulf %parallel_loop3A_402, %parallel_loop3A_392 : vector<16xf32>
      %parallel_loop3A_404 = arith.index_cast %parallel_loop3A_390 : i32 to index
      %parallel_loop3A_405 = arith.constant 16 : index
      %parallel_loop3A_406 = tpu.vector_load %arg23[%parallel_loop3A_404, %parallel_loop3A_405] {strides = array<i32>} : memref<48x128xf32, #tpu.memory_space<vmem>>, vector<16xf32>,
      tpu.vector_store %arg23[%parallel_loop3A_404, %parallel_loop3A_405], %parallel_loop3A_403 {strides = array<i32>} : memref<48x128xf32, #tpu.memory_space<vmem>>, vector<16xf32>,
      %parallel_loop3A_407 = arith.index_cast %parallel_loop3A_390 : i32 to index
      %parallel_loop3A_408 = arith.constant 32 : index
      %parallel_loop3A_409 = tpu.vector_load %arg23[%parallel_loop3A_407, %parallel_loop3A_408] {strides = array<i32>} : memref<48x128xf32, #tpu.memory_space<vmem>>, vector<16xf32>,
      %parallel_loop3A_410 = arith.mulf %parallel_loop3A_409, %parallel_loop3A_392 : vector<16xf32>
      %parallel_loop3A_411 = arith.index_cast %parallel_loop3A_390 : i32 to index
      %parallel_loop3A_412 = arith.constant 32 : index
      %parallel_loop3A_413 = tpu.vector_load %arg23[%parallel_loop3A_411, %parallel_loop3A_412] {strides = array<i32>} : memref<48x128xf32, #tpu.memory_space<vmem>>, vector<16xf32>,
      tpu.vector_store %arg23[%parallel_loop3A_411, %parallel_loop3A_412], %parallel_loop3A_410 {strides = array<i32>} : memref<48x128xf32, #tpu.memory_space<vmem>>, vector<16xf32>,
      %parallel_loop3A_414 = arith.index_cast %parallel_loop3A_390 : i32 to index
      %parallel_loop3A_415 = arith.constant 48 : index
      %parallel_loop3A_416 = tpu.vector_load %arg23[%parallel_loop3A_414, %parallel_loop3A_415] {strides = array<i32>} : memref<48x128xf32, #tpu.memory_space<vmem>>, vector<16xf32>,
      %parallel_loop3A_417 = arith.mulf %parallel_loop3A_416, %parallel_loop3A_392 : vector<16xf32>
      %parallel_loop3A_418 = arith.index_cast %parallel_loop3A_390 : i32 to index
      %parallel_loop3A_419 = arith.constant 48 : index
      %parallel_loop3A_420 = tpu.vector_load %arg23[%parallel_loop3A_418, %parallel_loop3A_419] {strides = array<i32>} : memref<48x128xf32, #tpu.memory_space<vmem>>, vector<16xf32>,
      tpu.vector_store %arg23[%parallel_loop3A_418, %parallel_loop3A_419], %parallel_loop3A_417 {strides = array<i32>} : memref<48x128xf32, #tpu.memory_space<vmem>>, vector<16xf32>,
      %parallel_loop3A_421 = arith.index_cast %parallel_loop3A_390 : i32 to index
      %parallel_loop3A_422 = arith.constant 64 : index
      %parallel_loop3A_423 = tpu.vector_load %arg23[%parallel_loop3A_421, %parallel_loop3A_422] {strides = array<i32>} : memref<48x128xf32, #tpu.memory_space<vmem>>, vector<16xf32>,
      %parallel_loop3A_424 = arith.mulf %parallel_loop3A_423, %parallel_loop3A_392 : vector<16xf32>
      %parallel_loop3A_425 = arith.index_cast %parallel_loop3A_390 : i32 to index
      %parallel_loop3A_426 = arith.constant 64 : index
      %parallel_loop3A_427 = tpu.vector_load %arg23[%parallel_loop3A_425, %parallel_loop3A_426] {strides = array<i32>} : memref<48x128xf32, #tpu.memory_space<vmem>>, vector<16xf32>,
      tpu.vector_store %arg23[%parallel_loop3A_425, %parallel_loop3A_426], %parallel_loop3A_424 {strides = array<i32>} : memref<48x128xf32, #tpu.memory_space<vmem>>, vector<16xf32>,
      %parallel_loop3A_428 = arith.index_cast %parallel_loop3A_390 : i32 to index
      %parallel_loop3A_429 = arith.constant 80 : index
      %parallel_loop3A_430 = tpu.vector_load %arg23[%parallel_loop3A_428, %parallel_loop3A_429] {strides = array<i32>} : memref<48x128xf32, #tpu.memory_space<vmem>>, vector<16xf32>,
      %parallel_loop3A_431 = arith.mulf %parallel_loop3A_430, %parallel_loop3A_392 : vector<16xf32>
      %parallel_loop3A_432 = arith.index_cast %parallel_loop3A_390 : i32 to index
      %parallel_loop3A_433 = arith.constant 80 : index
      %parallel_loop3A_434 = tpu.vector_load %arg23[%parallel_loop3A_432, %parallel_loop3A_433] {strides = array<i32>} : memref<48x128xf32, #tpu.memory_space<vmem>>, vector<16xf32>,
      tpu.vector_store %arg23[%parallel_loop3A_432, %parallel_loop3A_433], %parallel_loop3A_431 {strides = array<i32>} : memref<48x128xf32, #tpu.memory_space<vmem>>, vector<16xf32>,
      %parallel_loop3A_435 = arith.index_cast %parallel_loop3A_390 : i32 to index
      %parallel_loop3A_436 = arith.constant 96 : index
      %parallel_loop3A_437 = tpu.vector_load %arg23[%parallel_loop3A_435, %parallel_loop3A_436] {strides = array<i32>} : memref<48x128xf32, #tpu.memory_space<vmem>>, vector<16xf32>,
      %parallel_loop3A_438 = arith.mulf %parallel_loop3A_437, %parallel_loop3A_392 : vector<16xf32>
      %parallel_loop3A_439 = arith.index_cast %parallel_loop3A_390 : i32 to index
      %parallel_loop3A_440 = arith.constant 96 : index
      %parallel_loop3A_441 = tpu.vector_load %arg23[%parallel_loop3A_439, %parallel_loop3A_440] {strides = array<i32>} : memref<48x128xf32, #tpu.memory_space<vmem>>, vector<16xf32>,
      tpu.vector_store %arg23[%parallel_loop3A_439, %parallel_loop3A_440], %parallel_loop3A_438 {strides = array<i32>} : memref<48x128xf32, #tpu.memory_space<vmem>>, vector<16xf32>,
      %parallel_loop3A_442 = arith.index_cast %parallel_loop3A_390 : i32 to index
      %parallel_loop3A_443 = arith.constant 112 : index
      %parallel_loop3A_444 = tpu.vector_load %arg23[%parallel_loop3A_442, %parallel_loop3A_443] {strides = array<i32>} : memref<48x128xf32, #tpu.memory_space<vmem>>, vector<16xf32>,
      %parallel_loop3A_445 = arith.mulf %parallel_loop3A_444, %parallel_loop3A_392 : vector<16xf32>
      %parallel_loop3A_446 = arith.index_cast %parallel_loop3A_390 : i32 to index
      %parallel_loop3A_447 = arith.constant 112 : index
      %parallel_loop3A_448 = tpu.vector_load %arg23[%parallel_loop3A_446, %parallel_loop3A_447] {strides = array<i32>} : memref<48x128xf32, #tpu.memory_space<vmem>>, vector<16xf32>,
      tpu.vector_store %arg23[%parallel_loop3A_446, %parallel_loop3A_447], %parallel_loop3A_445 {strides = array<i32>} : memref<48x128xf32, #tpu.memory_space<vmem>>, vector<16xf32>,
    } {sc.loop_unroll_factor = 4 : i64, sc.parallel_access}
    %dma_start3A_320 = arith.constant 0 : i32
    %dma_start3A_321 = arith.constant 0 : i32
    %dma_start3A_322 = tpu.memref_slice %arg50[%dma_start3A_320, %dma_start3A_321] : memref<10000x128xf32, #tpu.memory_space<vmem_shared>> -> memref<10000x128xf32, #tpu.memory_space<vmem_shared>>
    tpu.enqueue_indirect_dma source(%arg23 : memref<48x128xf32, #tpu.memory_space<vmem>>) target(%dma_start3A_322 : memref<10000x128xf32, #tpu.memory_space<vmem_shared>>) offsets(%arg22 : memref<48xi32, #tpu.memory_space<vmem>>) semaphore(%arg40 : memref<!tpu.dma_semaphore, #tpu.memory_space<semaphore_mem>>) {add = true}
    %add3A_323 = arith.constant 9936 : i32
    %add3A_324 = arith.addi %mul3A_7, %add3A_323 : i32
    %dma_start3A_325 = tpu.memref_slice %arg11[%add3A_324] : memref<320000xf32, #tpu.memory_space<hbm>> -> memref<48xf32, #tpu.memory_space<hbm>>
    %dma_start3A_326 = tpu.memref_slice %arg11[%add3A_324] : memref<320000xf32, #tpu.memory_space<hbm>> -> memref<48xf32, #tpu.memory_space<hbm>>
    tpu.enqueue_dma source(%arg21 : memref<48xf32, #tpu.memory_space<vmem>>) target(%dma_start3A_326 : memref<48xf32, #tpu.memory_space<hbm>>) target_semaphore(%arg41 : memref<!tpu.dma_semaphore, #tpu.memory_space<semaphore_mem>>)
    %dma_wait3A_327 = arith.constant 0 : i32
    %dma_wait3A_328 = tpu.memref_slice %arg11[%dma_wait3A_327] : memref<320000xf32, #tpu.memory_space<hbm>> -> memref<48xf32, #tpu.memory_space<hbm>>
    %dma_wait3A_329 = arith.constant 0 : i32
    %dma_wait3A_330 = tpu.memref_slice %arg11[%dma_wait3A_329] : memref<320000xf32, #tpu.memory_space<hbm>> -> memref<48xf32, #tpu.memory_space<hbm>>
    tpu.wait_dma2 semaphore(%arg45 : memref<!tpu.dma_semaphore, #tpu.memory_space<semaphore_mem>>) src(%arg27 : memref<48xf32, #tpu.memory_space<vmem>>) dst(%dma_wait3A_330 : memref<48xf32, #tpu.memory_space<hbm>>)
    %add3A_331 = arith.constant 9984 : i32
    %add3A_332 = arith.addi %mul3A_7, %add3A_331 : i32
    "tpu.region"() ({
      %run_scoped3A = tpu.sem_alloc : memref<!tpu.dma_semaphore, #tpu.memory_space<semaphore_mem>>
      %dma_start3A_390 = arith.constant 0 : i32
      %dma_start3A_391 = tpu.memref_slice %arg24[%dma_start3A_390] : memref<48xi32, #tpu.memory_space<vmem>> -> memref<16xi32, #tpu.memory_space<vmem>>
      %dma_start3A_392 = tpu.memref_slice %arg3[%add3A_332] : memref<320000xi32, #tpu.memory_space<hbm>> -> memref<16xi32, #tpu.memory_space<hbm>>
      %dma_start3A_393 = arith.constant 0 : i32
      %dma_start3A_394 = tpu.memref_slice %arg24[%dma_start3A_393] : memref<48xi32, #tpu.memory_space<vmem>> -> memref<16xi32, #tpu.memory_space<vmem>>
      %dma_start3A_395 = tpu.memref_slice %arg3[%add3A_332] : memref<320000xi32, #tpu.memory_space<hbm>> -> memref<16xi32, #tpu.memory_space<hbm>>
      tpu.enqueue_dma source(%dma_start3A_395 : memref<16xi32, #tpu.memory_space<hbm>>) target(%dma_start3A_394 : memref<16xi32, #tpu.memory_space<vmem>>) target_semaphore(%run_scoped3A : memref<!tpu.dma_semaphore, #tpu.memory_space<semaphore_mem>>)
      %dma_wait3A_396 = arith.constant 0 : i32
      %dma_wait3A_397 = tpu.memref_slice %arg24[%dma_wait3A_396] : memref<48xi32, #tpu.memory_space<vmem>> -> memref<16xi32, #tpu.memory_space<vmem>>
      %dma_wait3A_398 = tpu.memref_slice %arg3[%add3A_332] : memref<320000xi32, #tpu.memory_space<hbm>> -> memref<16xi32, #tpu.memory_space<hbm>>
      %dma_wait3A_399 = arith.constant 0 : i32
      %dma_wait3A_400 = tpu.memref_slice %arg24[%dma_wait3A_399] : memref<48xi32, #tpu.memory_space<vmem>> -> memref<16xi32, #tpu.memory_space<vmem>>
      %dma_wait3A_401 = tpu.memref_slice %arg3[%add3A_332] : memref<320000xi32, #tpu.memory_space<hbm>> -> memref<16xi32, #tpu.memory_space<hbm>>
      tpu.wait_dma2 semaphore(%run_scoped3A : memref<!tpu.dma_semaphore, #tpu.memory_space<semaphore_mem>>) src(%dma_wait3A_401 : memref<16xi32, #tpu.memory_space<hbm>>) dst(%dma_wait3A_400 : memref<16xi32, #tpu.memory_space<vmem>>)
      tpu.yield
    }) : () -> ()
    "tpu.region"() ({
      %run_scoped3A = tpu.sem_alloc : memref<!tpu.dma_semaphore, #tpu.memory_space<semaphore_mem>>
      %dma_start3A_390 = tpu.memref_slice %arg4[%add3A_332] : memref<320000xi32, #tpu.memory_space<hbm>> -> memref<16xi32, #tpu.memory_space<hbm>>
      %dma_start3A_391 = tpu.memref_slice %arg4[%add3A_332] : memref<320000xi32, #tpu.memory_space<hbm>> -> memref<16xi32, #tpu.memory_space<hbm>>
      tpu.enqueue_dma source(%dma_start3A_391 : memref<16xi32, #tpu.memory_space<hbm>>) target(%arg36 : memref<16xi32, #tpu.memory_space<vmem>>) target_semaphore(%run_scoped3A : memref<!tpu.dma_semaphore, #tpu.memory_space<semaphore_mem>>)
      %dma_wait3A_392 = tpu.memref_slice %arg4[%add3A_332] : memref<320000xi32, #tpu.memory_space<hbm>> -> memref<16xi32, #tpu.memory_space<hbm>>
      %dma_wait3A_393 = tpu.memref_slice %arg4[%add3A_332] : memref<320000xi32, #tpu.memory_space<hbm>> -> memref<16xi32, #tpu.memory_space<hbm>>
      tpu.wait_dma2 semaphore(%run_scoped3A : memref<!tpu.dma_semaphore, #tpu.memory_space<semaphore_mem>>) src(%dma_wait3A_393 : memref<16xi32, #tpu.memory_space<hbm>>) dst(%arg36 : memref<16xi32, #tpu.memory_space<vmem>>)
      tpu.yield
    }) : () -> ()
    "tpu.region"() ({
      %run_scoped3A = tpu.sem_alloc : memref<!tpu.dma_semaphore, #tpu.memory_space<semaphore_mem>>
      %dma_start3A_390 = arith.constant 0 : i32
      %dma_start3A_391 = tpu.memref_slice %arg26[%dma_start3A_390] : memref<48xf32, #tpu.memory_space<vmem>> -> memref<16xf32, #tpu.memory_space<vmem>>
      %dma_start3A_392 = tpu.memref_slice %arg5[%add3A_332] : memref<320000xf32, #tpu.memory_space<hbm>> -> memref<16xf32, #tpu.memory_space<hbm>>
      %dma_start3A_393 = arith.constant 0 : i32
      %dma_start3A_394 = tpu.memref_slice %arg26[%dma_start3A_393] : memref<48xf32, #tpu.memory_space<vmem>> -> memref<16xf32, #tpu.memory_space<vmem>>
      %dma_start3A_395 = tpu.memref_slice %arg5[%add3A_332] : memref<320000xf32, #tpu.memory_space<hbm>> -> memref<16xf32, #tpu.memory_space<hbm>>
      tpu.enqueue_dma source(%dma_start3A_395 : memref<16xf32, #tpu.memory_space<hbm>>) target(%dma_start3A_394 : memref<16xf32, #tpu.memory_space<vmem>>) target_semaphore(%run_scoped3A : memref<!tpu.dma_semaphore, #tpu.memory_space<semaphore_mem>>)
      %dma_wait3A_396 = arith.constant 0 : i32
      %dma_wait3A_397 = tpu.memref_slice %arg26[%dma_wait3A_396] : memref<48xf32, #tpu.memory_space<vmem>> -> memref<16xf32, #tpu.memory_space<vmem>>
      %dma_wait3A_398 = tpu.memref_slice %arg5[%add3A_332] : memref<320000xf32, #tpu.memory_space<hbm>> -> memref<16xf32, #tpu.memory_space<hbm>>
      %dma_wait3A_399 = arith.constant 0 : i32
      %dma_wait3A_400 = tpu.memref_slice %arg26[%dma_wait3A_399] : memref<48xf32, #tpu.memory_space<vmem>> -> memref<16xf32, #tpu.memory_space<vmem>>
      %dma_wait3A_401 = tpu.memref_slice %arg5[%add3A_332] : memref<320000xf32, #tpu.memory_space<hbm>> -> memref<16xf32, #tpu.memory_space<hbm>>
      tpu.wait_dma2 semaphore(%run_scoped3A : memref<!tpu.dma_semaphore, #tpu.memory_space<semaphore_mem>>) src(%dma_wait3A_401 : memref<16xf32, #tpu.memory_space<hbm>>) dst(%dma_wait3A_400 : memref<16xf32, #tpu.memory_space<vmem>>)
      tpu.yield
    }) : () -> ()
    %dma_start3A_333 = arith.constant 0 : i32
    %dma_start3A_334 = arith.constant 0 : i32
    %dma_start3A_335 = tpu.memref_slice %arg29[%dma_start3A_333, %dma_start3A_334] : memref<48x128xf32, #tpu.memory_space<vmem>> -> memref<16x128xf32, #tpu.memory_space<vmem>>
    %dma_start3A_336 = arith.constant 0 : i32
    %dma_start3A_337 = arith.constant 0 : i32
    %dma_start3A_338 = tpu.memref_slice %arg2[%dma_start3A_336, %dma_start3A_337] : memref<10000x128xf32, #tpu.memory_space<hbm>> -> memref<10000x128xf32, #tpu.memory_space<hbm>>
    tpu.enqueue_indirect_dma source(%dma_start3A_338 : memref<10000x128xf32, #tpu.memory_space<hbm>>) target(%dma_start3A_335 : memref<16x128xf32, #tpu.memory_space<vmem>>) offsets(%arg36 : memref<16xi32, #tpu.memory_space<vmem>>) semaphore(%arg43 : memref<!tpu.dma_semaphore, #tpu.memory_space<semaphore_mem>>)
    %dma_wait3A_339 = arith.constant 0 : i32
    %dma_wait3A_340 = arith.constant 0 : i32
    %dma_wait3A_341 = tpu.memref_slice %arg29[%dma_wait3A_339, %dma_wait3A_340] : memref<48x128xf32, #tpu.memory_space<vmem>> -> memref<16x128xf32, #tpu.memory_space<vmem>>
    %dma_wait3A_342 = arith.constant 0 : i32
    %dma_wait3A_343 = arith.constant 0 : i32
    %dma_wait3A_344 = tpu.memref_slice %arg2[%dma_wait3A_342, %dma_wait3A_343] : memref<10000x128xf32, #tpu.memory_space<hbm>> -> memref<10000x128xf32, #tpu.memory_space<hbm>>
    tpu.wait_indirect_dma semaphore(%arg43 : memref<!tpu.dma_semaphore, #tpu.memory_space<semaphore_mem>>) src(%dma_wait3A_344 : memref<10000x128xf32, #tpu.memory_space<hbm>>) dst(%dma_wait3A_341 : memref<16x128xf32, #tpu.memory_space<vmem>>)
    %get3A_345 = arith.constant 0 : index
    %get3A_346 = tpu.vector_load %arg24[%get3A_345] {strides = array<i32>} : memref<48xi32, #tpu.memory_space<vmem>>, vector<16xi32>,
    %get3A_347 = arith.constant 0 : index
    %get3A_348 = tpu.vector_load %arg26[%get3A_347] {strides = array<i32>} : memref<48xf32, #tpu.memory_space<vmem>>, vector<16xf32>,
    %gather3A = tpu.vector_load_idx %arg14[%get3A_346] : memref<10000xf32, #tpu.memory_space<vmem>>[vector<16xi32>], vector<16xf32>,
    %get3A_349 = arith.constant 0 : index
    %get3A_350 = tpu.vector_load %arg36[%get3A_349] {strides = array<i32>} : memref<16xi32, #tpu.memory_space<vmem>>, vector<16xi32>,
    %gather3A_351 = tpu.vector_load_idx %arg15[%get3A_350] : memref<10000xf32, #tpu.memory_space<vmem>>[vector<16xi32>], vector<16xf32>,
    %add3A_352 = arith.addf %gather3A, %gather3A_351 : vector<16xf32>
    %mul3A_353 = arith.mulf %get3A_348, %get3A_5 : vector<16xf32>
    %add3A_354 = arith.addf %add3A_352, %mul3A_353 : vector<16xf32>
    %ge3A = arith.constant 0.000000e+00 : f32
    %ge3A_355 = vector.broadcast %ge3A : f32 to vector<16xf32>
    %ge3A_356 = arith.cmpf oge, %add3A_354, %ge3A_355 : vector<16xf32>
    %mul3A_357 = arith.constant 2.000000e-01 : f32
    %mul3A_358 = vector.broadcast %mul3A_357 : f32 to vector<16xf32>
    %mul3A_359 = arith.mulf %mul3A_358, %add3A_354 : vector<16xf32>
    %select_n3A = arith.select %ge3A_356, %add3A_354, %mul3A_359 : vector<16xi1>, vector<16xf32>
    %neg3A = arith.constant 0.000000e+00 : f32
    %neg3A_360 = vector.broadcast %neg3A : f32 to vector<16xf32>
    %neg3A_361 = arith.subf %neg3A_360, %select_n3A : vector<16xf32>
    %exp3A = math.exp %neg3A_361 : vector<16xf32>
    %swap3A = arith.constant 0 : index
    %swap3A_362 = tpu.vector_load %arg27[%swap3A] {strides = array<i32>} : memref<48xf32, #tpu.memory_space<vmem>>, vector<16xf32>,
    tpu.vector_store %arg27[%swap3A], %exp3A {strides = array<i32>} : memref<48xf32, #tpu.memory_space<vmem>>, vector<16xf32>,
    tpu.vector_store_idx %arg16[%get3A_346], %exp3A {add = true} : memref<10000xf32, #tpu.memory_space<vmem>>[vector<16xi32>], vector<16xf32>,
    %swap3A_363 = arith.constant 0 : index
    %swap3A_364 = tpu.vector_load %arg37[%swap3A_363] {strides = array<i32>} : memref<16xi32, #tpu.memory_space<vmem>>, vector<16xi32>,
    tpu.vector_store %arg37[%swap3A_363], %get3A_346 {strides = array<i32>} : memref<16xi32, #tpu.memory_space<vmem>>, vector<16xi32>,
    %scan3A_365 = arith.constant 0 : i32
    %scan3A_366 = arith.constant 16 : i32
    %scan3A_367 = arith.addi %scan3A_365, %scan3A_366 : i32
    %scan3A_368 = arith.constant 1 : i32
    scf.for %scan3A_390 = %scan3A_365 to %scan3A_367 step %scan3A_368  : i32 {
      %mul3A_391 = arith.constant 1 : i32
      %mul3A_392 = arith.muli %scan3A_390, %mul3A_391 : i32
      %add3A_393 = arith.constant 0 : i32
      %add3A_394 = arith.addi %add3A_393, %mul3A_392 : i32
      %broadcast_in_dim3A = vector.broadcast %add3A_394 : i32 to vector<16xi32>
      %gather3A_395 = tpu.vector_load_idx %arg27[%broadcast_in_dim3A] : memref<48xf32, #tpu.memory_space<vmem>>[vector<16xi32>], vector<16xf32>,
      %get3A_396 = arith.index_cast %add3A_394 : i32 to index
      %get3A_397 = arith.constant 0 : index
      %get3A_398 = tpu.vector_load %arg29[%get3A_396, %get3A_397] {strides = array<i32>} : memref<48x128xf32, #tpu.memory_space<vmem>>, vector<16xf32>,
      %mul3A_399 = arith.mulf %get3A_398, %gather3A_395 : vector<16xf32>
      %swap3A_400 = arith.index_cast %add3A_394 : i32 to index
      %swap3A_401 = arith.constant 0 : index
      %swap3A_402 = tpu.vector_load %arg29[%swap3A_400, %swap3A_401] {strides = array<i32>} : memref<48x128xf32, #tpu.memory_space<vmem>>, vector<16xf32>,
      tpu.vector_store %arg29[%swap3A_400, %swap3A_401], %mul3A_399 {strides = array<i32>} : memref<48x128xf32, #tpu.memory_space<vmem>>, vector<16xf32>,
      %get3A_403 = arith.index_cast %add3A_394 : i32 to index
      %get3A_404 = arith.constant 16 : index
      %get3A_405 = tpu.vector_load %arg29[%get3A_403, %get3A_404] {strides = array<i32>} : memref<48x128xf32, #tpu.memory_space<vmem>>, vector<16xf32>,
      %mul3A_406 = arith.mulf %get3A_405, %gather3A_395 : vector<16xf32>
      %swap3A_407 = arith.index_cast %add3A_394 : i32 to index
      %swap3A_408 = arith.constant 16 : index
      %swap3A_409 = tpu.vector_load %arg29[%swap3A_407, %swap3A_408] {strides = array<i32>} : memref<48x128xf32, #tpu.memory_space<vmem>>, vector<16xf32>,
      tpu.vector_store %arg29[%swap3A_407, %swap3A_408], %mul3A_406 {strides = array<i32>} : memref<48x128xf32, #tpu.memory_space<vmem>>, vector<16xf32>,
      %get3A_410 = arith.index_cast %add3A_394 : i32 to index
      %get3A_411 = arith.constant 32 : index
      %get3A_412 = tpu.vector_load %arg29[%get3A_410, %get3A_411] {strides = array<i32>} : memref<48x128xf32, #tpu.memory_space<vmem>>, vector<16xf32>,
      %mul3A_413 = arith.mulf %get3A_412, %gather3A_395 : vector<16xf32>
      %swap3A_414 = arith.index_cast %add3A_394 : i32 to index
      %swap3A_415 = arith.constant 32 : index
      %swap3A_416 = tpu.vector_load %arg29[%swap3A_414, %swap3A_415] {strides = array<i32>} : memref<48x128xf32, #tpu.memory_space<vmem>>, vector<16xf32>,
      tpu.vector_store %arg29[%swap3A_414, %swap3A_415], %mul3A_413 {strides = array<i32>} : memref<48x128xf32, #tpu.memory_space<vmem>>, vector<16xf32>,
      %get3A_417 = arith.index_cast %add3A_394 : i32 to index
      %get3A_418 = arith.constant 48 : index
      %get3A_419 = tpu.vector_load %arg29[%get3A_417, %get3A_418] {strides = array<i32>} : memref<48x128xf32, #tpu.memory_space<vmem>>, vector<16xf32>,
      %mul3A_420 = arith.mulf %get3A_419, %gather3A_395 : vector<16xf32>
      %swap3A_421 = arith.index_cast %add3A_394 : i32 to index
      %swap3A_422 = arith.constant 48 : index
      %swap3A_423 = tpu.vector_load %arg29[%swap3A_421, %swap3A_422] {strides = array<i32>} : memref<48x128xf32, #tpu.memory_space<vmem>>, vector<16xf32>,
      tpu.vector_store %arg29[%swap3A_421, %swap3A_422], %mul3A_420 {strides = array<i32>} : memref<48x128xf32, #tpu.memory_space<vmem>>, vector<16xf32>,
      %get3A_424 = arith.index_cast %add3A_394 : i32 to index
      %get3A_425 = arith.constant 64 : index
      %get3A_426 = tpu.vector_load %arg29[%get3A_424, %get3A_425] {strides = array<i32>} : memref<48x128xf32, #tpu.memory_space<vmem>>, vector<16xf32>,
      %mul3A_427 = arith.mulf %get3A_426, %gather3A_395 : vector<16xf32>
      %swap3A_428 = arith.index_cast %add3A_394 : i32 to index
      %swap3A_429 = arith.constant 64 : index
      %swap3A_430 = tpu.vector_load %arg29[%swap3A_428, %swap3A_429] {strides = array<i32>} : memref<48x128xf32, #tpu.memory_space<vmem>>, vector<16xf32>,
      tpu.vector_store %arg29[%swap3A_428, %swap3A_429], %mul3A_427 {strides = array<i32>} : memref<48x128xf32, #tpu.memory_space<vmem>>, vector<16xf32>,
      %get3A_431 = arith.index_cast %add3A_394 : i32 to index
      %get3A_432 = arith.constant 80 : index
      %get3A_433 = tpu.vector_load %arg29[%get3A_431, %get3A_432] {strides = array<i32>} : memref<48x128xf32, #tpu.memory_space<vmem>>, vector<16xf32>,
      %mul3A_434 = arith.mulf %get3A_433, %gather3A_395 : vector<16xf32>
      %swap3A_435 = arith.index_cast %add3A_394 : i32 to index
      %swap3A_436 = arith.constant 80 : index
      %swap3A_437 = tpu.vector_load %arg29[%swap3A_435, %swap3A_436] {strides = array<i32>} : memref<48x128xf32, #tpu.memory_space<vmem>>, vector<16xf32>,
      tpu.vector_store %arg29[%swap3A_435, %swap3A_436], %mul3A_434 {strides = array<i32>} : memref<48x128xf32, #tpu.memory_space<vmem>>, vector<16xf32>,
      %get3A_438 = arith.index_cast %add3A_394 : i32 to index
      %get3A_439 = arith.constant 96 : index
      %get3A_440 = tpu.vector_load %arg29[%get3A_438, %get3A_439] {strides = array<i32>} : memref<48x128xf32, #tpu.memory_space<vmem>>, vector<16xf32>,
      %mul3A_441 = arith.mulf %get3A_440, %gather3A_395 : vector<16xf32>
      %swap3A_442 = arith.index_cast %add3A_394 : i32 to index
      %swap3A_443 = arith.constant 96 : index
      %swap3A_444 = tpu.vector_load %arg29[%swap3A_442, %swap3A_443] {strides = array<i32>} : memref<48x128xf32, #tpu.memory_space<vmem>>, vector<16xf32>,
      tpu.vector_store %arg29[%swap3A_442, %swap3A_443], %mul3A_441 {strides = array<i32>} : memref<48x128xf32, #tpu.memory_space<vmem>>, vector<16xf32>,
      %get3A_445 = arith.index_cast %add3A_394 : i32 to index
      %get3A_446 = arith.constant 112 : index
      %get3A_447 = tpu.vector_load %arg29[%get3A_445, %get3A_446] {strides = array<i32>} : memref<48x128xf32, #tpu.memory_space<vmem>>, vector<16xf32>,
      %mul3A_448 = arith.mulf %get3A_447, %gather3A_395 : vector<16xf32>
      %swap3A_449 = arith.index_cast %add3A_394 : i32 to index
      %swap3A_450 = arith.constant 112 : index
      %swap3A_451 = tpu.vector_load %arg29[%swap3A_449, %swap3A_450] {strides = array<i32>} : memref<48x128xf32, #tpu.memory_space<vmem>>, vector<16xf32>,
      tpu.vector_store %arg29[%swap3A_449, %swap3A_450], %mul3A_448 {strides = array<i32>} : memref<48x128xf32, #tpu.memory_space<vmem>>, vector<16xf32>,
    }
    %scan3A_369 = arith.constant 16 : i32
    "tpu.region"() ({
      %run_scoped3A = tpu.sem_alloc : memref<!tpu.dma_semaphore, #tpu.memory_space<semaphore_mem>>
      %dma_start3A_390 = arith.constant 0 : i32
      %dma_start3A_391 = arith.constant 0 : i32
      %dma_start3A_392 = tpu.memref_slice %arg29[%dma_start3A_390, %dma_start3A_391] : memref<48x128xf32, #tpu.memory_space<vmem>> -> memref<16x128xf32, #tpu.memory_space<vmem>>
      %dma_start3A_393 = arith.constant 0 : i32
      %dma_start3A_394 = arith.constant 0 : i32
      %dma_start3A_395 = tpu.memref_slice %arg50[%dma_start3A_393, %dma_start3A_394] : memref<10000x128xf32, #tpu.memory_space<vmem_shared>> -> memref<10000x128xf32, #tpu.memory_space<vmem_shared>>
      tpu.enqueue_indirect_dma source(%dma_start3A_392 : memref<16x128xf32, #tpu.memory_space<vmem>>) target(%dma_start3A_395 : memref<10000x128xf32, #tpu.memory_space<vmem_shared>>) offsets(%arg37 : memref<16xi32, #tpu.memory_space<vmem>>) semaphore(%run_scoped3A : memref<!tpu.dma_semaphore, #tpu.memory_space<semaphore_mem>>) {add = true}
      %dma_wait3A_396 = arith.constant 0 : i32
      %dma_wait3A_397 = arith.constant 0 : i32
      %dma_wait3A_398 = tpu.memref_slice %arg29[%dma_wait3A_396, %dma_wait3A_397] : memref<48x128xf32, #tpu.memory_space<vmem>> -> memref<16x128xf32, #tpu.memory_space<vmem>>
      %dma_wait3A_399 = arith.constant 0 : i32
      %dma_wait3A_400 = arith.constant 0 : i32
      %dma_wait3A_401 = tpu.memref_slice %arg50[%dma_wait3A_399, %dma_wait3A_400] : memref<10000x128xf32, #tpu.memory_space<vmem_shared>> -> memref<10000x128xf32, #tpu.memory_space<vmem_shared>>
      tpu.wait_indirect_dma semaphore(%run_scoped3A : memref<!tpu.dma_semaphore, #tpu.memory_space<semaphore_mem>>) src(%dma_wait3A_398 : memref<16x128xf32, #tpu.memory_space<vmem>>) dst(%dma_wait3A_401 : memref<10000x128xf32, #tpu.memory_space<vmem_shared>>)
      tpu.yield
    }) : () -> ()
    "tpu.region"() ({
      %run_scoped3A = tpu.sem_alloc : memref<!tpu.dma_semaphore, #tpu.memory_space<semaphore_mem>>
      %dma_start3A_390 = arith.constant 0 : i32
      %dma_start3A_391 = tpu.memref_slice %arg27[%dma_start3A_390] : memref<48xf32, #tpu.memory_space<vmem>> -> memref<16xf32, #tpu.memory_space<vmem>>
      %dma_start3A_392 = tpu.memref_slice %arg11[%add3A_332] : memref<320000xf32, #tpu.memory_space<hbm>> -> memref<16xf32, #tpu.memory_space<hbm>>
      %dma_start3A_393 = tpu.memref_slice %arg11[%add3A_332] : memref<320000xf32, #tpu.memory_space<hbm>> -> memref<16xf32, #tpu.memory_space<hbm>>
      %dma_start3A_394 = arith.constant 0 : i32
      %dma_start3A_395 = tpu.memref_slice %arg27[%dma_start3A_394] : memref<48xf32, #tpu.memory_space<vmem>> -> memref<16xf32, #tpu.memory_space<vmem>>
      tpu.enqueue_dma source(%dma_start3A_395 : memref<16xf32, #tpu.memory_space<vmem>>) target(%dma_start3A_393 : memref<16xf32, #tpu.memory_space<hbm>>) target_semaphore(%run_scoped3A : memref<!tpu.dma_semaphore, #tpu.memory_space<semaphore_mem>>)
      %dma_wait3A_396 = arith.constant 0 : i32
      %dma_wait3A_397 = tpu.memref_slice %arg27[%dma_wait3A_396] : memref<48xf32, #tpu.memory_space<vmem>> -> memref<16xf32, #tpu.memory_space<vmem>>
      %dma_wait3A_398 = tpu.memref_slice %arg11[%add3A_332] : memref<320000xf32, #tpu.memory_space<hbm>> -> memref<16xf32, #tpu.memory_space<hbm>>
      %dma_wait3A_399 = tpu.memref_slice %arg11[%add3A_332] : memref<320000xf32, #tpu.memory_space<hbm>> -> memref<16xf32, #tpu.memory_space<hbm>>
      %dma_wait3A_400 = arith.constant 0 : i32
      %dma_wait3A_401 = tpu.memref_slice %arg27[%dma_wait3A_400] : memref<48xf32, #tpu.memory_space<vmem>> -> memref<16xf32, #tpu.memory_space<vmem>>
      tpu.wait_dma2 semaphore(%run_scoped3A : memref<!tpu.dma_semaphore, #tpu.memory_space<semaphore_mem>>) src(%dma_wait3A_401 : memref<16xf32, #tpu.memory_space<vmem>>) dst(%dma_wait3A_399 : memref<16xf32, #tpu.memory_space<hbm>>)
      tpu.yield
    }) : () -> ()
    %dma_wait3A_370 = arith.constant 0 : i32
    %dma_wait3A_371 = arith.constant 0 : i32
    %dma_wait3A_372 = tpu.memref_slice %arg50[%dma_wait3A_370, %dma_wait3A_371] : memref<10000x128xf32, #tpu.memory_space<vmem_shared>> -> memref<10000x128xf32, #tpu.memory_space<vmem_shared>>
    tpu.wait_indirect_dma semaphore(%arg48 : memref<!tpu.dma_semaphore, #tpu.memory_space<semaphore_mem>>) src(%arg35 : memref<48x128xf32, #tpu.memory_space<vmem>>) dst(%dma_wait3A_372 : memref<10000x128xf32, #tpu.memory_space<vmem_shared>>)
    %dma_wait3A_373 = arith.constant 0 : i32
    %dma_wait3A_374 = tpu.memref_slice %arg11[%dma_wait3A_373] : memref<320000xf32, #tpu.memory_space<hbm>> -> memref<48xf32, #tpu.memory_space<hbm>>
    %dma_wait3A_375 = arith.constant 0 : i32
    %dma_wait3A_376 = tpu.memref_slice %arg11[%dma_wait3A_375] : memref<320000xf32, #tpu.memory_space<hbm>> -> memref<48xf32, #tpu.memory_space<hbm>>
    tpu.wait_dma2 semaphore(%arg49 : memref<!tpu.dma_semaphore, #tpu.memory_space<semaphore_mem>>) src(%arg33 : memref<48xf32, #tpu.memory_space<vmem>>) dst(%dma_wait3A_376 : memref<48xf32, #tpu.memory_space<hbm>>)
    %dma_wait3A_377 = arith.constant 0 : i32
    %dma_wait3A_378 = arith.constant 0 : i32
    %dma_wait3A_379 = tpu.memref_slice %arg50[%dma_wait3A_377, %dma_wait3A_378] : memref<10000x128xf32, #tpu.memory_space<vmem_shared>> -> memref<10000x128xf32, #tpu.memory_space<vmem_shared>>
    tpu.wait_indirect_dma semaphore(%arg40 : memref<!tpu.dma_semaphore, #tpu.memory_space<semaphore_mem>>) src(%arg23 : memref<48x128xf32, #tpu.memory_space<vmem>>) dst(%dma_wait3A_379 : memref<10000x128xf32, #tpu.memory_space<vmem_shared>>)
    %dma_wait3A_380 = arith.constant 0 : i32
    %dma_wait3A_381 = tpu.memref_slice %arg11[%dma_wait3A_380] : memref<320000xf32, #tpu.memory_space<hbm>> -> memref<48xf32, #tpu.memory_space<hbm>>
    %dma_wait3A_382 = arith.constant 0 : i32
    %dma_wait3A_383 = tpu.memref_slice %arg11[%dma_wait3A_382] : memref<320000xf32, #tpu.memory_space<hbm>> -> memref<48xf32, #tpu.memory_space<hbm>>
    tpu.wait_dma2 semaphore(%arg41 : memref<!tpu.dma_semaphore, #tpu.memory_space<semaphore_mem>>) src(%arg21 : memref<48xf32, #tpu.memory_space<vmem>>) dst(%dma_wait3A_383 : memref<48xf32, #tpu.memory_space<hbm>>)
    "tpu.region"() ({
      %run_scoped3A = tpu.sem_alloc : memref<!tpu.dma_semaphore, #tpu.memory_space<semaphore_mem>>
      %dma_start3A_390 = arith.constant 0 : i32
      %dma_start3A_391 = tpu.memref_slice %arg13[%add3A, %dma_start3A_390] : memref<32x10000xf32, #tpu.memory_space<hbm>> -> memref<1x10000xf32, #tpu.memory_space<hbm>>
      %dma_start3A_392 = tpu.memref_squeeze %dma_start3A_391 : memref<1x10000xf32, #tpu.memory_space<hbm>> -> memref<10000xf32, #tpu.memory_space<hbm>>
      %dma_start3A_393 = arith.constant 0 : i32
      %dma_start3A_394 = tpu.memref_slice %arg13[%add3A, %dma_start3A_393] : memref<32x10000xf32, #tpu.memory_space<hbm>> -> memref<1x10000xf32, #tpu.memory_space<hbm>>
      %dma_start3A_395 = tpu.memref_squeeze %dma_start3A_394 : memref<1x10000xf32, #tpu.memory_space<hbm>> -> memref<10000xf32, #tpu.memory_space<hbm>>
      tpu.enqueue_dma source(%arg16 : memref<10000xf32, #tpu.memory_space<vmem>>) target(%dma_start3A_395 : memref<10000xf32, #tpu.memory_space<hbm>>) target_semaphore(%run_scoped3A : memref<!tpu.dma_semaphore, #tpu.memory_space<semaphore_mem>>)
      %dma_wait3A_396 = arith.constant 0 : i32
      %dma_wait3A_397 = tpu.memref_slice %arg13[%add3A, %dma_wait3A_396] : memref<32x10000xf32, #tpu.memory_space<hbm>> -> memref<1x10000xf32, #tpu.memory_space<hbm>>
      %dma_wait3A_398 = tpu.memref_squeeze %dma_wait3A_397 : memref<1x10000xf32, #tpu.memory_space<hbm>> -> memref<10000xf32, #tpu.memory_space<hbm>>
      %dma_wait3A_399 = arith.constant 0 : i32
      %dma_wait3A_400 = tpu.memref_slice %arg13[%add3A, %dma_wait3A_399] : memref<32x10000xf32, #tpu.memory_space<hbm>> -> memref<1x10000xf32, #tpu.memory_space<hbm>>
      %dma_wait3A_401 = tpu.memref_squeeze %dma_wait3A_400 : memref<1x10000xf32, #tpu.memory_space<hbm>> -> memref<10000xf32, #tpu.memory_space<hbm>>
      tpu.wait_dma2 semaphore(%run_scoped3A : memref<!tpu.dma_semaphore, #tpu.memory_space<semaphore_mem>>) src(%arg16 : memref<10000xf32, #tpu.memory_space<vmem>>) dst(%dma_wait3A_401 : memref<10000xf32, #tpu.memory_space<hbm>>)
      tpu.yield
    }) : () -> ()
    %barrier3A_384 = arith.constant 0 : index
    tpu.barrier barrier_id(%barrier3A_384)
    "tpu.region"() ({
      %run_scoped3A = tpu.sem_alloc : memref<!tpu.dma_semaphore, #tpu.memory_space<semaphore_mem>>
      %dma_start3A_390 = arith.constant 0 : i32
      %dma_start3A_391 = tpu.memref_slice %arg12[%arg0, %multiple_of3A, %dma_start3A_390] : memref<2x10000x128xf32, #tpu.memory_space<hbm>> -> memref<1x624x128xf32, #tpu.memory_space<hbm>>
      %dma_start3A_392 = tpu.memref_squeeze %dma_start3A_391 : memref<1x624x128xf32, #tpu.memory_space<hbm>> -> memref<624x128xf32, #tpu.memory_space<hbm>>
      %dma_start3A_393 = arith.constant 0 : i32
      %dma_start3A_394 = tpu.memref_slice %arg50[%multiple_of3A, %dma_start3A_393] : memref<10000x128xf32, #tpu.memory_space<vmem_shared>> -> memref<624x128xf32, #tpu.memory_space<vmem_shared>>
      tpu.enqueue_dma source(%dma_start3A_394 : memref<624x128xf32, #tpu.memory_space<vmem_shared>>) target(%dma_start3A_392 : memref<624x128xf32, #tpu.memory_space<hbm>>) target_semaphore(%run_scoped3A : memref<!tpu.dma_semaphore, #tpu.memory_space<semaphore_mem>>)
      %dma_wait3A_395 = arith.constant 0 : i32
      %dma_wait3A_396 = tpu.memref_slice %arg12[%arg0, %multiple_of3A, %dma_wait3A_395] : memref<2x10000x128xf32, #tpu.memory_space<hbm>> -> memref<1x624x128xf32, #tpu.memory_space<hbm>>
      %dma_wait3A_397 = tpu.memref_squeeze %dma_wait3A_396 : memref<1x624x128xf32, #tpu.memory_space<hbm>> -> memref<624x128xf32, #tpu.memory_space<hbm>>
      %dma_wait3A_398 = arith.constant 0 : i32
      %dma_wait3A_399 = tpu.memref_slice %arg50[%multiple_of3A, %dma_wait3A_398] : memref<10000x128xf32, #tpu.memory_space<vmem_shared>> -> memref<624x128xf32, #tpu.memory_space<vmem_shared>>
      tpu.wait_dma2 semaphore(%run_scoped3A : memref<!tpu.dma_semaphore, #tpu.memory_space<semaphore_mem>>) src(%dma_wait3A_399 : memref<624x128xf32, #tpu.memory_space<vmem_shared>>) dst(%dma_wait3A_397 : memref<624x128xf32, #tpu.memory_space<hbm>>)
      tpu.yield
    }) : () -> ()
    %eq3A_385 = arith.constant 0 : i32
    %eq3A_386 = arith.cmpi eq, %arg1, %eq3A_385 : i32
    %convert_element_type3A_387 = arith.extui %eq3A_386 : i1 to i32
    %cond3A_388 = arith.constant 0 : i32
    %cond3A_389 = arith.cmpi ne, %convert_element_type3A_387, %cond3A_388 : i32
    scf.if %cond3A_389 {
      "tpu.region"() ({
        %run_scoped3A = tpu.sem_alloc : memref<!tpu.dma_semaphore, #tpu.memory_space<semaphore_mem>>
        %dma_start3A_390 = arith.constant 9984 : i32
        %dma_start3A_391 = arith.constant 0 : i32
        %dma_start3A_392 = tpu.memref_slice %arg12[%arg0, %dma_start3A_390, %dma_start3A_391] : memref<2x10000x128xf32, #tpu.memory_space<hbm>> -> memref<1x16x128xf32, #tpu.memory_space<hbm>>
        %dma_start3A_393 = tpu.memref_squeeze %dma_start3A_392 : memref<1x16x128xf32, #tpu.memory_space<hbm>> -> memref<16x128xf32, #tpu.memory_space<hbm>>
        %dma_start3A_394 = arith.constant 9984 : i32
        %dma_start3A_395 = arith.constant 0 : i32
        %dma_start3A_396 = tpu.memref_slice %arg50[%dma_start3A_394, %dma_start3A_395] : memref<10000x128xf32, #tpu.memory_space<vmem_shared>> -> memref<16x128xf32, #tpu.memory_space<vmem_shared>>
        tpu.enqueue_dma source(%dma_start3A_396 : memref<16x128xf32, #tpu.memory_space<vmem_shared>>) target(%dma_start3A_393 : memref<16x128xf32, #tpu.memory_space<hbm>>) target_semaphore(%run_scoped3A : memref<!tpu.dma_semaphore, #tpu.memory_space<semaphore_mem>>)
        %dma_wait3A_397 = arith.constant 9984 : i32
        %dma_wait3A_398 = arith.constant 0 : i32
        %dma_wait3A_399 = tpu.memref_slice %arg12[%arg0, %dma_wait3A_397, %dma_wait3A_398] : memref<2x10000x128xf32, #tpu.memory_space<hbm>> -> memref<1x16x128xf32, #tpu.memory_space<hbm>>
        %dma_wait3A_400 = tpu.memref_squeeze %dma_wait3A_399 : memref<1x16x128xf32, #tpu.memory_space<hbm>> -> memref<16x128xf32, #tpu.memory_space<hbm>>
        %dma_wait3A_401 = arith.constant 9984 : i32
        %dma_wait3A_402 = arith.constant 0 : i32
        %dma_wait3A_403 = tpu.memref_slice %arg50[%dma_wait3A_401, %dma_wait3A_402] : memref<10000x128xf32, #tpu.memory_space<vmem_shared>> -> memref<16x128xf32, #tpu.memory_space<vmem_shared>>
        tpu.wait_dma2 semaphore(%run_scoped3A : memref<!tpu.dma_semaphore, #tpu.memory_space<semaphore_mem>>) src(%dma_wait3A_403 : memref<16x128xf32, #tpu.memory_space<vmem_shared>>) dst(%dma_wait3A_400 : memref<16x128xf32, #tpu.memory_space<hbm>>)
        tpu.yield
      }) : () -> ()
    } else {
    }
    return
  }
}

module attributes {stable_mosaic.version = 14 : i64} {
  func.func @_mm_body(%arg0: i32, %arg1: memref<1000x128xf32, #tpu.memory_space<vmem>>, %arg2: memref<128x128xf32, #tpu.memory_space<vmem>>, %arg3: memref<128x8xf32, #tpu.memory_space<vmem>>, %arg4: memref<1000x128xf32, #tpu.memory_space<vmem>>, %arg5: memref<1x1000x8xf32, #tpu.memory_space<vmem>>) attributes {dimension_semantics = [#tpu.dimension_semantics<arbitrary>], iteration_bounds = array<i64: 10>, scalar_prefetch = 0 : i64, scratch_operands = 0 : i64, tpu.core_type = #tpu.core_type<tc>, window_params = [{transform_indices = @transform_0, window_bounds = array<i64: 1000, 128>}, {pipeline_mode = #tpu.pipeline_mode<synchronous>, transform_indices = @transform_1, window_bounds = array<i64: 128, 128>}, {pipeline_mode = #tpu.pipeline_mode<synchronous>, transform_indices = @transform_2, window_bounds = array<i64: 128, 8>}, {transform_indices = @transform_3, window_bounds = array<i64: 1000, 128>}, {transform_indices = @transform_4, window_bounds = array<i64: 1, 1000, 8>}]} {
    %get3A = arith.constant 0 : index
    %get3A_0 = arith.constant 0 : index
    %get3A_1 = vector.load %arg1[%get3A, %get3A_0] : memref<1000x128xf32, #tpu.memory_space<vmem>>, vector<1000x128xf32>
    %get3A_2 = arith.constant 0 : index
    %get3A_3 = arith.constant 0 : index
    %get3A_4 = vector.load %arg2[%get3A_2, %get3A_3] : memref<128x128xf32, #tpu.memory_space<vmem>>, vector<128x128xf32>
    %dot_general3A = arith.constant dense<0.000000e+00> : vector<1000x128xf32>
    %dot_general3A_5 = tpu.matmul %get3A_1, %get3A_4, %dot_general3A {dimension_numbers = #tpu.dot_dimension_numbers<[1], [0], [0], [1], [0, 0, 1, 1], [], []>, precision = #tpu.contract_precision<fp32>, transpose_lhs_hint = false} : vector<1000x128xf32>, vector<128x128xf32>, vector<1000x128xf32> -> vector<1000x128xf32>
    %swap3A = arith.constant 0 : index
    %swap3A_6 = arith.constant 0 : index
    %swap3A_7 = vector.load %arg4[%swap3A, %swap3A_6] : memref<1000x128xf32, #tpu.memory_space<vmem>>, vector<1000x128xf32>
    tpu.vector_store %arg4[%swap3A, %swap3A_6], %dot_general3A_5 {strides = array<i32>} : memref<1000x128xf32, #tpu.memory_space<vmem>>, vector<1000x128xf32>,
    %get3A_8 = arith.constant 0 : index
    %get3A_9 = arith.constant 0 : index
    %get3A_10 = vector.load %arg3[%get3A_8, %get3A_9] : memref<128x8xf32, #tpu.memory_space<vmem>>, vector<128x8xf32>
    %dot_general3A_11 = arith.constant dense<0.000000e+00> : vector<1000x8xf32>
    %dot_general3A_12 = tpu.matmul %dot_general3A_5, %get3A_10, %dot_general3A_11 {dimension_numbers = #tpu.dot_dimension_numbers<[1], [0], [0], [1], [0, 0, 1, 1], [], []>, precision = #tpu.contract_precision<fp32>, transpose_lhs_hint = false} : vector<1000x128xf32>, vector<128x8xf32>, vector<1000x8xf32> -> vector<1000x8xf32>
    %swap3A_13 = arith.constant 0 : index
    %swap3A_14 = arith.constant 0 : index
    %swap3A_15 = arith.constant 0 : index
    %swap3A_16 = vector.load %arg5[%swap3A_13, %swap3A_14, %swap3A_15] : memref<1x1000x8xf32, #tpu.memory_space<vmem>>, vector<1x1000x8xf32>
    %swap3A_17 = vector.shape_cast %swap3A_16 : vector<1x1000x8xf32> to vector<1000x8xf32>
    %swap3A_18 = vector.shape_cast %dot_general3A_12 : vector<1000x8xf32> to vector<1x1000x8xf32>
    tpu.vector_store %arg5[%swap3A_13, %swap3A_14, %swap3A_15], %swap3A_18 {strides = array<i32>} : memref<1x1000x8xf32, #tpu.memory_space<vmem>>, vector<1x1000x8xf32>,
    return
  }
  func.func @transform_0(%arg0: i32) -> (i32, i32) {
    %c0_i32 = arith.constant 0 : i32
    %c0_i32_0 = arith.constant 0 : i32
    return %arg0, %c0_i32 : i32, i32
  }
  func.func @transform_1(%arg0: i32) -> (i32, i32) {
    %c0_i32 = arith.constant 0 : i32
    %c0_i32_0 = arith.constant 0 : i32
    %c0_i32_1 = arith.constant 0 : i32
    return %c0_i32, %c0_i32_0 : i32, i32
  }
  func.func @transform_2(%arg0: i32) -> (i32, i32) {
    %c0_i32 = arith.constant 0 : i32
    %c0_i32_0 = arith.constant 0 : i32
    %c0_i32_1 = arith.constant 0 : i32
    return %c0_i32, %c0_i32_0 : i32, i32
  }
  func.func @transform_3(%arg0: i32) -> (i32, i32) {
    %c0_i32 = arith.constant 0 : i32
    %c0_i32_0 = arith.constant 0 : i32
    return %arg0, %c0_i32 : i32, i32
  }
  func.func @transform_4(%arg0: i32) -> (i32, i32, i32) {
    %c0_i32 = arith.constant 0 : i32
    %c0_i32_0 = arith.constant 0 : i32
    %c0_i32_1 = arith.constant 0 : i32
    return %arg0, %c0_i32, %c0_i32_0 : i32, i32, i32
  }
}

module attributes {stable_mosaic.version = 14 : i64} {
  func.func @_fin_body(%arg0: i32, %arg1: memref<1000x128xf32, #tpu.memory_space<vmem>>, %arg2: memref<2x1000x128xf32, #tpu.memory_space<vmem>>, %arg3: memref<1000x32xf32, #tpu.memory_space<vmem>>, %arg4: memref<1000x128xf32, #tpu.memory_space<vmem>>) attributes {dimension_semantics = [#tpu.dimension_semantics<arbitrary>], iteration_bounds = array<i64: 10>, scalar_prefetch = 0 : i64, scratch_operands = 0 : i64, tpu.core_type = #tpu.core_type<tc>, window_params = [{transform_indices = @transform_0, window_bounds = array<i64: 1000, 128>}, {transform_indices = @transform_1, window_bounds = array<i64: 2, 1000, 128>}, {transform_indices = @transform_2, window_bounds = array<i64: 1000, 32>}, {transform_indices = @transform_3, window_bounds = array<i64: 1000, 128>}]} {
    %get3A = arith.constant 0 : index
    %get3A_0 = arith.constant 0 : index
    %get3A_1 = arith.constant 0 : index
    %get3A_2 = vector.load %arg2[%get3A, %get3A_0, %get3A_1] : memref<2x1000x128xf32, #tpu.memory_space<vmem>>, vector<1x1000x128xf32>
    %get3A_3 = vector.shape_cast %get3A_2 : vector<1x1000x128xf32> to vector<1000x128xf32>
    %get3A_4 = arith.constant 1 : index
    %get3A_5 = arith.constant 0 : index
    %get3A_6 = arith.constant 0 : index
    %get3A_7 = vector.load %arg2[%get3A_4, %get3A_5, %get3A_6] : memref<2x1000x128xf32, #tpu.memory_space<vmem>>, vector<1x1000x128xf32>
    %get3A_8 = vector.shape_cast %get3A_7 : vector<1x1000x128xf32> to vector<1000x128xf32>
    %add3A = arith.addf %get3A_3, %get3A_8 : vector<1000x128xf32>
    %get3A_9 = arith.constant 0 : index
    %get3A_10 = arith.constant 0 : index
    %get3A_11 = vector.load %arg3[%get3A_9, %get3A_10] : memref<1000x32xf32, #tpu.memory_space<vmem>>, vector<1000x32xf32>
    %reduce_sum3A = arith.constant dense<0.000000e+00> : vector<1000xf32>
    %reduce_sum3A_12 = vector.multi_reduction <add>, %get3A_11, %reduce_sum3A [1] : vector<1000x32xf32> to vector<1000xf32>
    %broadcast_in_dim3A = vector.shape_cast %reduce_sum3A_12 : vector<1000xf32> to vector<1000x1xf32>
    %div3A = vector.broadcast %broadcast_in_dim3A : vector<1000x1xf32> to vector<1000x128xf32>
    %div3A_13 = arith.divf %add3A, %div3A : vector<1000x128xf32>
    %ne3A = arith.cmpf one, %div3A_13, %div3A_13 : vector<1000x128xf32>
    %broadcast_in_dim3A_14 = arith.constant 0.000000e+00 : f32
    %broadcast_in_dim3A_15 = vector.broadcast %broadcast_in_dim3A_14 : f32 to vector<1000x128xf32>
    %select_n3A = arith.select %ne3A, %broadcast_in_dim3A_15, %div3A_13 : vector<1000x128xi1>, vector<1000x128xf32>
    %get3A_16 = arith.constant 0 : index
    %get3A_17 = arith.constant 0 : index
    %get3A_18 = vector.load %arg1[%get3A_16, %get3A_17] : memref<1000x128xf32, #tpu.memory_space<vmem>>, vector<1000x128xf32>
    %add3A_19 = arith.addf %get3A_18, %select_n3A : vector<1000x128xf32>
    %gt3A = arith.constant 0.000000e+00 : f32
    %gt3A_20 = vector.broadcast %gt3A : f32 to vector<1000x128xf32>
    %gt3A_21 = arith.cmpf ogt, %add3A_19, %gt3A_20 : vector<1000x128xf32>
    %exp3A = math.exp %add3A_19 : vector<1000x128xf32>
    %sub3A = arith.constant 1.000000e+00 : f32
    %sub3A_22 = vector.broadcast %sub3A : f32 to vector<1000x128xf32>
    %sub3A_23 = arith.subf %exp3A, %sub3A_22 : vector<1000x128xf32>
    %select_n3A_24 = arith.select %gt3A_21, %add3A_19, %sub3A_23 : vector<1000x128xi1>, vector<1000x128xf32>
    %swap3A = arith.constant 0 : index
    %swap3A_25 = arith.constant 0 : index
    %swap3A_26 = vector.load %arg4[%swap3A, %swap3A_25] : memref<1000x128xf32, #tpu.memory_space<vmem>>, vector<1000x128xf32>
    tpu.vector_store %arg4[%swap3A, %swap3A_25], %select_n3A_24 {strides = array<i32>} : memref<1000x128xf32, #tpu.memory_space<vmem>>, vector<1000x128xf32>,
    return
  }
  func.func @transform_0(%arg0: i32) -> (i32, i32) {
    %c0_i32 = arith.constant 0 : i32
    %c0_i32_0 = arith.constant 0 : i32
    return %arg0, %c0_i32 : i32, i32
  }
  func.func @transform_1(%arg0: i32) -> (i32, i32, i32) {
    %c0_i32 = arith.constant 0 : i32
    %c0_i32_0 = arith.constant 0 : i32
    %c0_i32_1 = arith.constant 0 : i32
    return %c0_i32, %arg0, %c0_i32_0 : i32, i32, i32
  }
  func.func @transform_2(%arg0: i32) -> (i32, i32) {
    %c0_i32 = arith.constant 0 : i32
    %c0_i32_0 = arith.constant 0 : i32
    return %arg0, %c0_i32 : i32, i32
  }
  func.func @transform_3(%arg0: i32) -> (i32, i32) {
    %c0_i32 = arith.constant 0 : i32
    %c0_i32_0 = arith.constant 0 : i32
    return %arg0, %c0_i32 : i32, i32
  }
}

</mosaic_0001>

<sc_bundles>
// kernel: kernel.5.cloned.1.call-start
scs
__scs_entry_jumppad:
0x0: {  	(pc) =	sbr.rel $0x88, $3  }
0x1: {  	(tag) =	ssettag $0x0;
	lr =	simm.s32 $0x1  }
0x2: {  	[smem:$0x3F9C] =	sst lr;
	_ =	strace $0xD0000000  }
0x3: {  	_ = 	snop  }
0x4: {  	_ = 	snop  }
0x5: {  	_ = 	snop  }
0x6: {  	_ = 	snop  }
0x7: {  	_ = 	snop  }
__scs_overlays_trampoline_lowered:
0x8: {  	[smem:$0x3FAB] =	sst s0  }
0x9: {  	[smem:$0x3FAC] =	sst s1  }
0xa: {  	[smem:$0x3FAD] =	sst s2  }
0xb: {  	[smem:$0x3FAE] =	sst s3  }
0xc: {  	[smem:$0x3FAF] =	sst s4  }
0xd: {  	[smem:$0x3FB0] =	sst s5  }
0xe: {  	[smem:$0x3FB1] =	sst s6  }
0xf: {  	[smem:$0x3FB2] =	sst s7  }
0x10: {  	[smem:$0x3FB3] =	sst s8  }
0x11: {  	[smem:$0x3FB4] =	sst s9;
	s0 =	simm.s32 @!p0 $0x0  }
0x12: {  	s1 =	sld [smem:$0x3F9A];
	s0 =	simm.s32 @p0 $0x1  }
0x13: {  	[smem:$0x3FB5] =	sst s0;
	s0 =	simm.s32 @!p1 $0x0  }
0x14: {  	s2 =	sld [smem:$0x3F99];
	s0 =	simm.s32 @p1 $0x1  }
0x15: {  	[smem:$0x3FB6] =	sst s0;
	s0 =	simm.s32 @!p2 $0x0  }
0x16: {  	s3 =	sld [smem:$0x3FDB];
	s0 =	simm.s32 @p2 $0x1  }
0x17: {  	s4 =	simm.s32 $0x1BF5;
	[smem:$0x3FB8] =	sst s0  }
0x18: {  	s0 =	sld [smem:$0x3F9B];
	_ =	swait.ge [sflag:s4], $0x0  }
0x19: {  	s7 =	sld [smem:$0x3F9C]  }
0x1a: {  	s8 =	sadd.s32 $0xFFFFE003, lr  }
0x1b: {  	s9 =	sadd.s32 $0xFFFFFEF7, lr;
	s5 =	simm.s32 $0xFFFFFFFF;
	p2 =	slt.u32 s8, $0xFFFFF086  }
0x1c: {  	p1 =	slt.u32 s9, $0xF7A;
	s5 =	simm.s32 @!p2 $0x0  }
0x1d: {  	s5 =	simm.s32 @p1 $0x1;
	p0 =	seq.s32 s7, s2  }
0x1e: {  	s7 =	smul.u32 @!p0 $0xF7A, s2;
	p2 =	seq.s32 @!p0 s5, $0x0  }
0x1f: {  	s9 =	smul.u32 $0xF7A, s1;
	s8 =	simm.s32 @!p0 $0x1BF5;
	p2 =	por !p2, p0  }
0x20: {  	[sflag:s8] =	ssyncset.s32 @!p0 $0xFFFFF086;
	s6 =	sadd.s32 @!p0 s3, s7;
	s7 =	simm.s32 @!p0 $0x108  }
0x21: {  	s3 =	sadd.s32 s3, s9;
	s6 =	sadd.s32 @!p0 $0x88, s6;
	s7 =	simm.s32 @p2 $0x1082  }
0x22: {  	[simem:s7], [sflag:s8] =	dma.local @!p0 [hbm:s6], $0xF7A  }
0x23: {  	s9 =	sor.u32 $0xD0000000, s2;
	s6 =	simm.s32 $0x108;
	_ =	swait.ge @!p0 [sflag:s8], $0x0  }
0x24: {  	s3 =	sadd.s32 $0x88, s3;
	s6 =	simm.s32 @!p1 $0x1082;
	[sflag:s4] =	ssyncset.s32 $0xFFFFF086  }
0x25: {  	[simem:s6], [sflag:s4] =	dma.local [hbm:s3], $0xF7A  }
0x26: {  	[smem:$0x3F9C] =	sst s1;
	(tag) =	ssettag s2;
	_ =	strace s9  }
0x27: {  	s1 =	sld [smem:$0x3FAC]  }
0x28: {  	s2 =	sld [smem:$0x3FAD]  }
0x29: {  	s4 =	sld [smem:$0x3FAF]  }
0x2a: {  	p0 =	seq.s32 s5, $0x0;
	s5 =	sld [smem:$0x3FB0]  }
0x2b: {  	s6 =	sld [smem:$0x3FB1]  }
0x2c: {  	s7 =	sld [smem:$0x3FB2]  }
0x2d: {  	s3 =	simm.s32 $0x108;
	s8 =	sld [smem:$0x3FB3]  }
0x2e: {  	s3 =	simm.s32 @!p0 $0x1082;
	s9 =	sld [smem:$0x3FB4]  }
0x2f: {  	lr =	sadd.s32 s0, s3;
	s0 =	sld [smem:$0x3FAB]  }
0x30: {  	s3 =	sld [smem:$0x3FAE]  }
0x31: {  	[smem:$0x3FB7] =	sst s10  }
0x32: {  	s10 =	sld [smem:$0x3FB5];
	_ =	sdelay $0x3  }
0x33: {  	p0 =	seq.s32 s10, $0x1;
	s10 =	sld [smem:$0x3FB7];
	_ =	sdelay $0x3  }
0x34: {  	[smem:$0x3FB7] =	sst s10  }
0x35: {  	s10 =	sld [smem:$0x3FB6];
	_ =	sdelay $0x3  }
0x36: {  	p1 =	seq.s32 s10, $0x1;
	s10 =	sld [smem:$0x3FB7];
	_ =	sdelay $0x3  }
0x37: {  	[smem:$0x3FB7] =	sst s10  }
0x38: {  	s10 =	sld [smem:$0x3FB8]  }
0x39: {  	_ = 	snop;
	(pc) =	sbr.ind lr, $3  }
0x3a: {  	_ = 	snop  }
0x3b: {  	_ = 	snop  }
0x3c: {  	p2 =	seq.s32 s10, $0x1;
	s10 =	sld [smem:$0x3FB7]  }
0x3d: {  	_ =	shalt  }
0x3e: {  	_ =	shalt  }
0x3f: {  	_ =	shalt  }
0x40: {  	_ =	shalt  }
0x41: {  	_ =	shalt  }
0x42: {  	_ =	shalt  }
0x43: {  	_ =	shalt  }
0x44: {  	_ =	shalt  }
0x45: {  	_ =	shalt  }
0x46: {  	_ =	shalt  }
0x47: {  	_ =	shalt  }
0x48: {  	_ =	shalt  }
0x49: {  	_ =	shalt  }
0x4a: {  	_ =	shalt  }
0x4b: {  	_ =	shalt  }
0x4c: {  	_ =	shalt  }
0x4d: {  	_ =	shalt  }
0x4e: {  	_ =	shalt  }
0x4f: {  	_ =	shalt  }
0x50: {  	_ =	shalt  }
0x51: {  	_ =	shalt  }
0x52: {  	_ =	shalt  }
0x53: {  	_ =	shalt  }
0x54: {  	_ =	shalt  }
0x55: {  	_ =	shalt  }
0x56: {  	_ =	shalt  }
0x57: {  	_ =	shalt  }
0x58: {  	_ =	shalt  }
0x59: {  	_ =	shalt  }
0x5a: {  	_ =	shalt  }
0x5b: {  	_ =	shalt  }
0x5c: {  	_ =	shalt  }
0x5d: {  	_ =	shalt  }
0x5e: {  	_ =	shalt  }
0x5f: {  	_ =	shalt  }
0x60: {  	_ =	shalt  }
0x61: {  	_ =	shalt  }
0x62: {  	_ =	shalt  }
0x63: {  	_ =	shalt  }
0x64: {  	_ =	shalt  }
0x65: {  	_ =	shalt  }
0x66: {  	_ =	shalt  }
0x67: {  	_ =	shalt  }
0x68: {  	_ =	shalt  }
0x69: {  	_ =	shalt  }
0x6a: {  	_ =	shalt  }
0x6b: {  	_ =	shalt  }
0x6c: {  	_ =	shalt  }
0x6d: {  	_ =	shalt  }
0x6e: {  	_ =	shalt  }
0x6f: {  	_ =	shalt  }
0x70: {  	_ =	shalt  }
0x71: {  	_ =	shalt  }
0x72: {  	_ =	shalt  }
0x73: {  	_ =	shalt  }
0x74: {  	_ =	shalt  }
0x75: {  	_ =	shalt  }
0x76: {  	_ =	shalt  }
0x77: {  	_ =	shalt  }
0x78: {  	_ =	shalt  }
0x79: {  	_ =	shalt  }
0x7a: {  	_ =	shalt  }
0x7b: {  	_ =	shalt  }
0x7c: {  	_ =	shalt  }
0x7d: {  	_ =	shalt  }
0x7e: {  	_ =	shalt  }
0x7f: {  	_ =	shalt  }
0x80: {  	_ =	shalt  }
0x81: {  	_ =	shalt  }
0x82: {  	_ =	shalt  }
0x83: {  	_ =	shalt  }
0x84: {  	_ =	shalt  }
0x85: {  	_ =	shalt  }
0x86: {  	_ =	shalt  }
0x87: {  	_ =	shalt  }
.Lfunc_end0:
.L_simem_size_0:
called_computation_lowered:
.L_overlay_start_0:
0x88: {  	s2 =	sld [smem:$0x3FD9]  }
0x89: {  	s3 =	sld [smem:$0x3FFE];
	_ =	sdelay $0x1  }
0x8a: {  	s1 =	srdreg.scid  }
0x8b: {  	s0 =	sand.u32 $0x1, s1  }
0x8c: {  	s14 =	sshll.u32 s0, $0xA;
	s2 =	sadd.s32 s3, s2  }
0x8d: {  	s2 =	sadd.s32 s2, s14  }
0x8e: {  	[smem:$0x3FC3] =	sst s2  }
0x8f: {  	_ = 	snop  }
0x90: {  	s2 =	sld [smem:$0x3FD0];
	_ =	sdelay $0x2  }
0x91: {  	s15 =	simm.s32 $0xA;
	s4 =	simm.s32 $0x10  }
0x92: {  	[smem:s4], [sflag:s15] =	dma.local [hbm:s2], $0x1  }
0x93: {  	_ =	swait.eq [sflag:s15], $0x1  }
0x94: {  	[sflag:s15] =	ssyncset.done $0x0  }
0x95: {  	s16 =	sld [smem:$0x10];
	[sflag:s15] =	ssyncadd.s32 $0xFFFFFFFF  }
0x96: {  	s17 =	sld [smem:$0x11];
	(tm) =	ssettm $0x1  }
0x97: {  	s18 =	sld [smem:$0x3FFB];
	_ =	sdelay $0x3  }
0x98: {  	_ =	strace s18  }
0x99: {  	s4 =	sld [smem:$0x3FFC];
	_ =	sdelay $0x3  }
0x9a: {  	_ =	strace s4  }
0x9b: {  	s4 =	sld [smem:$0x3FFD];
	_ =	sdelay $0x3  }
0x9c: {  	_ =	strace s4  }
0x9d: {  	_ =	strace $0x8FFFFFFF  }
0x9e: {  	s19 =	sld [smem:$0x3FDB];
	_ =	sdelay $0x1  }
0x9f: {  	s5 =	simm.s32 $_scs_section_size  }
0xa0: {  	s6 =	simm.s32 $_size__tile_overlayer_lowered;
	s7 =	simm.s32 $_tile_overlayer_lowered  }
0xa1: {  	s22 =	simm.s32 $0x1BFF;
	s21 =	sshll.u32 s7, $0x1;
	s4 =	sadd.s32 s5, s19  }
0xa2: {  	s8 =	simm.s32 $0x0;
	s20 =	sshll.u32 s6, $0x1;
	s6 =	sadd.s32 s21, s4  }
0xa3: {  	[timem:s8], [sflag:s22] =	dma.local [hbm:s6], s20  }
0xa4: {  	_ =	swait.ge [sflag:s22], s20  }
0xa5: {  	s5 =	ssub.s32 $0x0, s20;
	[sflag:s22] =	ssyncset.done $0x0  }
0xa6: {  	[sflag:s22] =	ssyncadd.s32 s5;
	_ =	sdelay $0x1  }
0xa7: {  	s23 =	simm.s32 $0x1B8B  }
0xa8: {  	_ =	swait.ge [sflag:s23], $0x1  }
0xa9: {  	[sflag:s23] =	ssyncset.done $0x0  }
0xaa: {  	s25 =	simm.s32 $0x1B8E;
	s24 =	sld [smem:$0x3FFE];
	[sflag:s23] =	ssyncadd.s32 $0xFFFFFFFF  }
0xab: {  	s26 =	simm.s32 $execute0_lowered;
	[smem:$0x3FD2] =	sst s25  }
0xac: {  	s6 =	sshll.u32 s26, $0x1;
	_ =	strace $0x80000046;
	[dreg:$0x1] =	wrdreg $0xFFFFFFFF  }
0xad: {  	s28 =	simm.s32 $_size_execute0_lowered;
	s4 =	sadd.s32 s4, s6;
	[dreg:$0x0] =	wrdreg $0x0  }
0xae: {  	s6 =	sshll.u32 s28, $0x1;
	[dreg:$0x2] =	wrdreg s4  }
0xaf: {  	[dreg:$0x3] =	wrdreg s6  }
0xb0: {  	[dreg:$0x4] =	wrdreg $0xC0  }
0xb1: {  	_ =	task [dreg:s8], $0x5FFFF  }
0xb2: {  	[dreg:$0x1] =	wrdreg $0xFFFFFFFF  }
0xb3: {  	[dreg:$0x0] =	wrdreg $0x60  }
0xb4: {  	[dreg:$0x2] =	wrdreg s16  }
0xb5: {  	[dreg:$0x3] =	wrdreg s24  }
0xb6: {  	[dreg:$0x4] =	wrdreg s17  }
0xb7: {  	[dreg:$0x5] =	wrdreg $0xC7800  }
0xb8: {  	[dreg:$0x6] =	wrdreg $0x9  }
0xb9: {  	_ =	task.clear_ibuf [dreg:s8], $0x7FFFF;
	_ =	strace $0x90000046  }
0xba: {  	s29 =	simm.s32 $0x9;
	_ =	strace $0x80000048  }
0xbb: {  	_ =	swait.ge [sflag:s29], $0x1  }
0xbc: {  	[sflag:s29] =	ssyncadd.s32 $0xFFFFFFFF  }
0xbd: {  	_ =	strace $0x90000048  }
0xbe: {  	_ =	sfence  }
0xbf: {  	s30 =	sld [smem:$0x0];
	_ =	sdelay $0x2  }
0xc0: {  	s31 =	sshll.u32 s1, $0xD;
	s1 =	sshrl.u32 s1, $0x2  }
0xc1: {  	s3 =	sand.u32 $0x4000, s31;
	s1 =	sadd.s32 s1, s30  }
0xc2: {  	s0 =	sor.u32 s3, s0;
	s1 =	sshll.u32 s1, $0x11  }
0xc3: {  	s0 =	sor.u32 s1, s0  }
0xc4: {  	s0 =	sadd.s32 $0x8F2B, s0  }
0xc5: {  	[sflag:s0] =	ssyncadd.remote.s32 $0x1  }
0xc6: {  	_ =	sfence.sel $0xFFFF  }
0xc7: {  	[dreg:$0x0] =	wrdreg $0xFFFFFFFF;
	(pc) =	sbr.abs _section_cstart, $3  }
0xc8: {  	[dreg:$0x1] =	wrdreg $0xFFFFFFFF  }
0xc9: {  	_ =	task.clear_ibuf [dreg:s8], $0x2FFFF;
	_ =	strace $0x9FFFFFFF  }
0xca: {  	(tm) =	ssettm $0x7FFFFFFF  }
0xcb: {  	_ =	shalt  }
tec
execute0_lowered:
.L_overlay_start_1:
0x0: {  	(tag) =	ssettag $0x1  }
0x1: {  	s0 =	rddreg [dreg:$0x1]  }
0x2: {  	s3 =	rddreg [dreg:$0x3];
	s20 =	simm.s32 $0x0;
	s1 =	srdreg.scid  }
0x3: {  	s2 =	stileid.u32;
	[smem:$0x7FF] =	sst s20;
	s1 =	sand.u32 $0x1, s1  }
0x4: {  	s5 =	sadd.s32 $0xA000, s0;
	s6 =	sadd.s32 $0x200, s0;
	s7 =	sadd.s32 $0x14A00, s0  }
0x5: {  	s8 =	sadd.s32 $0x14400, s0;
	s16 =	sadd.s32 $0x13E00, s0;
	s9 =	sadd.s32 $0x1E800, s0  }
0x6: {  	s18 =	sshll.u32 s2, $0x7;
	s10 =	sadd.s32 $0x1EA00, s0;
	s21 =	smul.u32 $0x4E000, s2  }
0x7: {  	s12 =	sadd.s32 $0x1F000, s0;
	s19 =	sadd.s32 $0x32C00, s0;
	s23 =	smul.u32 $0x13800, s2  }
0x8: {  	_ =	strace $0x80000047;
	s4 =	sshll.u32 s1, $0x4;
	[dreg:$0x5] =	wrdreg s8  }
0x9: {  	s24 =	sshll.u32 s2, $0x6;
	[dreg:$0x6] =	wrdreg s16;
	s4 =	sor.u32 s2, s4  }
0xa: {  	[dreg:$0x7] =	wrdreg s9;
	s17 =	sshrl.u32 s4, $0x3;
	s4 =	smul.u32 $0x2710, s4  }
0xb: {  	[dreg:$0x8] =	wrdreg s10;
	s16 =	sor.u32 $0x1C0D, s24;
	s8 =	smul.u32 $0x13C00, s17  }
0xc: {  	p0 =	sne.s32 s2, $0x0;
	s9 =	sand.u32 $0x380, s18;
	[dreg:$0xa] =	wrdreg s16  }
0xd: {  	s13 =	sshrl.u32 s4, $0x3;
	s18 =	sadd.s32 $0xF0, s4;
	s8 =	sor.u32 s9, s8  }
0xe: {  	s9 =	sshrl.u32 s21, $0x2;
	[dreg:$0x11] =	wrdreg s18;
	s10 =	sadd.s32 s5, s13  }
0xf: {  	s25 =	sadd.s32 $0x6, s13;
	s9 =	sadd.s32 s9, s3;
	[smem:$0x7F0] =	sst s10  }
0x10: {  	s11 =	ssub.s32 $0x2, s1;
	s14 =	sadd.s32 s5, s25;
	[dreg:$0x9] =	wrdreg s9  }
0x11: {  	s15 =	sadd.s32 $0xC, s13;
	s26 =	sadd.s32 s6, s25;
	[dreg:$0xb] =	wrdreg s14  }
0x12: {  	s1 =	smul.u32 $0x138800, s1;
	s17 =	sadd.s32 s5, s15;
	[dreg:$0xc] =	wrdreg s26  }
0x13: {  	s22 =	sshrl.u32 s11, $0x1;
	s21 =	sadd.s32 s7, s15;
	[dreg:$0x10] =	wrdreg s17  }
0x14: {  	s8 =	sshrl.u32 s8, $0x3;
	s2 =	sadd.s32 s12, s15;
	[dreg:$0x13] =	wrdreg s21  }
0x15: {  	s0 =	sadd.s32 s8, s0;
	s14 =	sadd.s32 s7, s25;
	[dreg:$0x14] =	wrdreg s2  }
0x16: {  	s8 =	ssub.s32 s11, s22;
	s9 =	sadd.s32 s12, s25;
	[dreg:$0xe] =	wrdreg s14  }
0x17: {  	s25 =	sadd.s32 $0x12, s13;
	s26 =	sadd.s32 $0x120, s4;
	[dreg:$0xf] =	wrdreg s9  }
0x18: {  	s11 =	sadd.s32 s23, s1;
	s14 =	sadd.s32 s6, s25;
	[dreg:$0x18] =	wrdreg s26  }
0x19: {  	s1 =	sshrl.u32 s1, $0x3;
	s2 =	sadd.s32 s12, s25;
	[dreg:$0x1a] =	wrdreg s14  }
0x1a: {  	s11 =	sshrl.u32 s11, $0x3;
	s0 =	sadd.s32 $0x28E00, s0;
	[dreg:$0x1c] =	wrdreg s2  }
0x1b: {  	s1 =	sadd.s32 s19, s1;
	s11 =	sadd.s32 s19, s11;
	[smem:$0x7F7] =	sst s0  }
0x1c: {  	s9 =	sshrl.u32 s18, $0x3;
	s19 =	sadd.s32 s6, s15;
	[dreg:$0xd] =	wrdreg s11  }
0x1d: {  	s22 =	sadd.s32 s5, s9;
	[dreg:$0x12] =	wrdreg s19  }
0x1e: {  	s23 =	sadd.s32 s6, s9;
	[dreg:$0x15] =	wrdreg s22  }
0x1f: {  	s24 =	sadd.s32 s7, s9;
	[dreg:$0x16] =	wrdreg s23  }
0x20: {  	s21 =	sadd.s32 $0x18, s13;
	s15 =	sadd.s32 s7, s25;
	[dreg:$0x17] =	wrdreg s24  }
0x21: {  	s2 =	sadd.s32 s12, s21;
	[dreg:$0x1b] =	wrdreg s15  }
0x22: {  	s9 =	sshrl.u32 s26, $0x3;
	s26 =	sadd.s32 $0x180, s4;
	[smem:$0x7EC] =	sst s2  }
0x23: {  	s14 =	sadd.s32 s7, s13;
	[smem:$0x7EE] =	sst s26  }
0x24: {  	s11 =	sadd.s32 s5, s25;
	[smem:$0x7F2] =	sst s14  }
0x25: {  	s17 =	sadd.s32 s5, s9;
	[dreg:$0x19] =	wrdreg s11  }
0x26: {  	s31 =	simm.s32 $0x7780;
	s18 =	sadd.s32 s6, s9;
	[dreg:$0x1d] =	wrdreg s17  }
0x27: {  	s28 =	simm.s32 $0x1;
	s19 =	sadd.s32 s7, s9;
	[dreg:$0x1e] =	wrdreg s18  }
0x28: {  	s30 =	simm.s32 $0x30;
	s22 =	sadd.s32 s5, s21;
	[dreg:$0x1f] =	wrdreg s19  }
0x29: {  	s29 =	simm.s32 $0x8;
	s23 =	sadd.s32 s6, s21;
	[smem:$0x7E9] =	sst s22  }
0x2a: {  	s10 =	simm.s32 $0x0;
	s24 =	sadd.s32 s7, s21;
	[smem:$0x7EA] =	sst s23  }
0x2b: {  	s0 =	simm.s32 $0x5;
	s25 =	sadd.s32 $0x150, s4;
	[smem:$0x7EB] =	sst s24  }
0x2c: {  	s9 =	sadd.s32 $0x1B0, s4;
	s15 =	sadd.s32 s12, s13;
	[smem:$0x7ED] =	sst s25  }
0x2d: {  	s14 =	simm.s32 $0x7880;
	s4 =	simm.s32 $0x4;
	[smem:$0x7EF] =	sst s9  }
0x2e: {  	s11 =	sadd.s32 s6, s13;
	s17 =	sadd.s32 $0x4E0, s13;
	s22 =	sadd.s32 $0x27000, s1  }
0x2f: {  	s23 =	smax.u32 s8, $0x1;
	s9 =	smov.u32 s3;
	[smem:$0x7FC] =	sst s15  }
0x30: {  	s24 =	sadd.s32 $0x138000, s3;
	s25 =	sadd.s32 $0x4D4, s15;
	[smem:$0x7F1] =	sst s11  }
0x31: {  	s26 =	sadd.s32 $0x4DA, s15;
	s3 =	simm.s32 $0xD;
	[smem:$0x7F8] =	sst s22  }
0x32: {  	s13 =	simm.s32 $0x4F00;
	s15 =	simm.s32 $0x2780;
	[smem:$0x7F9] =	sst s23  }
0x33: {  	s8 =	simm.s32 $0x2;
	s18 =	sadd.s32 s5, s17;
	[smem:$0x7FA] =	sst s24  }
0x34: {  	s19 =	sadd.s32 s6, s17;
	s21 =	sadd.s32 s7, s17;
	[smem:$0x7FB] =	sst s25  }
0x35: {  	s2 =	sadd.s32 s12, s17;
	[smem:$0x7FD] =	sst s26;
	s25 =	simm.s32 $0x9400  }
0x36: {  	s24 =	simm.s32 $0x9;
	s22 =	simm.s32 $0x6;
	[smem:$0x7F3] =	sst s18  }
0x37: {  	s23 =	simm.s32 $0x9300;
	s26 =	simm.s32 $0x3;
	[smem:$0x7F4] =	sst s19  }
0x38: {  	s11 =	simm.s32 $0xAD80;
	s17 =	simm.s32 $0xB;
	[smem:$0x7F5] =	sst s21  }
0x39: {  	[smem:$0x7F6] =	sst s2;
	s18 =	simm.s32 $0xC;
	s21 =	simm.s32 $0x9400  }
.LBB2_1:
0x3a: {  	[smem:$0x7E6] =	sst s10  }
0x3b: {  	s1 =	rddreg [dreg:$0x9]  }
0x3c: {  	s2 =	sshrl.u32 s1, $0x3;
	s1 =	rddreg [dreg:$0x2]  }
0x3d: {  	[smem:$0x7E7] =	sst s2  }
0x3e: {  	[spmem:s2], [sflag:s16] =	dma.local [hbm:s1], $0x2700  }
0x3f: {  	_ =	swait.ge [sflag:s3], $0x2700  }
0x40: {  	s2 =	sld [smem:$0x7FA];
	_ =	sdelay $0x2  }
0x41: {  	[sflag:s3] =	ssyncset.done $0x0;
	s2 =	sshrl.u32 @!p0 s2, $0x3  }
0x42: {  	[sflag:s3] =	ssyncadd.s32 $0xFFFFD900;
	[smem:$0x7E8] =	sst s2  }
0x43: {  	[spmem:s2], [sflag:s16] =	dma.local @!p0 [hbm:s1], $0x100  }
0x44: {  	s1 =	simm.s32 @!p0 $0xD  }
0x45: {  	_ =	swait.ge @!p0 [sflag:s1], $0x100  }
0x46: {  	[sflag:s1] =	ssyncset.done @!p0 $0x0  }
0x47: {  	s19 =	rddreg [dreg:$0x8];
	[sflag:s1] =	ssyncadd.s32 @!p0 $0xFFFFFF00  }
0x48: {  	[tilespmem:s13], [sflag:$0xD] =	stream.linear.gather [hbm4b:s19+s20], $0x2780, $0x38;
	v63 =	vld [tilespmem:$0x0]  }
0x49: {  	_ =	swait.ge [sflag:s3], $0x2780  }
0x4a: {  	[sflag:s3] =	ssyncset.done $0x0  }
0x4b: {  	s2 =	rddreg [dreg:$0x5];
	[sflag:s3] =	ssyncadd.s32 $0xFFFFD880  }
0x4c: {  	[tilespmem:s20], [sflag:$0xD] =	stream.linear.gather [hbm4b:s2+s20], $0x2780, $0x38;
	v63 =	vld [tilespmem:$0x0]  }
0x4d: {  	_ =	swait.ge [sflag:s3], $0x2780  }
0x4e: {  	[sflag:s3] =	ssyncset.done $0x0  }
0x4f: {  	s10 =	rddreg [dreg:$0x6];
	[sflag:s3] =	ssyncadd.s32 $0xFFFFD880  }
0x50: {  	[tilespmem:s15], [sflag:$0xD] =	stream.linear.gather [hbm4b:s10+s20], $0x2780, $0x38;
	v63 =	vld [tilespmem:$0x0]  }
0x51: {  	_ =	swait.ge [sflag:s3], $0x2780  }
0x52: {  	[sflag:s3] =	ssyncset.done $0x0  }
0x53: {  	s19 =	simm.s32 $0x7680;
	s16 =	rddreg [dreg:$0x7];
	[sflag:s3] =	ssyncadd.s32 $0xFFFFD880  }
0x54: {  	[tilespmem:s19], [sflag:$0xD] =	stream.linear.gather [hbm4b:s16+s20], $0x80, $0x38;
	v63 =	vld [tilespmem:$0x0]  }
0x55: {  	_ =	swait.ge [sflag:s3], $0x80  }
0x56: {  	[sflag:s3] =	ssyncset.done $0x0  }
0x57: {  	[sflag:s3] =	ssyncadd.s32 $0xFFFFFF80  }
0x58: {  	[bflag:$0x0] =	sbarrier.arrive $0xFFFF  }
0x59: {  	s10 =	sld [smem:$0x7F0];
	_ =	sdelay $0x1  }
0x5a: {  	s16 =	simm.s32 $0x7700;
	s19 =	sld [smem:$0x7F1]  }
0x5b: {  	v0 =	vld [tilespmem:$0x7680];
	[tilespmem:s16], [sflag:$0x1] =	stream.linear.gather [hbm4b:s10+s20], $0x30, $0x38  }
0x5c: {  	s2 =	sld [smem:$0x7F2]  }
0x5d: {  	[tilespmem:s31], [sflag:$0x1] =	stream.linear.gather [hbm4b:s19+s20], $0x30, $0x38;
	v63 =	vld [tilespmem:$0x0]  }
0x5e: {  	s3 =	simm.s32 $0x7800  }
0x5f: {  	[tilespmem:s3], [sflag:$0x1] =	stream.linear.gather [hbm4b:s2+s20], $0x30, $0x38;
	v63 =	vld [tilespmem:$0x0]  }
0x60: {  	s10 =	rddreg [dreg:$0xb];
	s16 =	simm.s32 $0x9180  }
0x61: {  	[tilespmem:s16], [sflag:$0x5] =	stream.linear.gather [hbm4b:s10+s20], $0x30, $0x38;
	v63 =	vld [tilespmem:$0x0]  }
0x62: {  	s19 =	rddreg [dreg:$0xc];
	s2 =	simm.s32 $0x9200  }
0x63: {  	[tilespmem:s2], [sflag:$0x5] =	stream.linear.gather [hbm4b:s19+s20], $0x30, $0x38;
	v63 =	vld [tilespmem:$0x0]  }
0x64: {  	s3 =	rddreg [dreg:$0xe];
	s10 =	simm.s32 $0x9280  }
0x65: {  	[tilespmem:s10], [sflag:$0x5] =	stream.linear.gather [hbm4b:s3+s20], $0x30, $0x38;
	v63 =	vld [tilespmem:$0x0]  }
0x66: {  	_ =	swait.ge [sflag:s28], $0x30  }
0x67: {  	[sflag:s28] =	ssyncset.done $0x0  }
0x68: {  	[sflag:s28] =	ssyncadd.s32 $0xFFFFFFD0  }
0x69: {  	_ =	swait.ge [sflag:s28], $0x30  }
0x6a: {  	[sflag:s28] =	ssyncset.done $0x0  }
0x6b: {  	[sflag:s28] =	ssyncadd.s32 $0xFFFFFFD0  }
0x6c: {  	_ =	swait.ge [sflag:s28], $0x30  }
0x6d: {  	[sflag:s28] =	ssyncset.done $0x0  }
0x6e: {  	[sflag:s28] =	ssyncadd.s32 $0xFFFFFFD0  }
0x6f: {  	s19 =	simm.s32 $0x7980;
	s16 =	rddreg [dreg:$0x0]  }
0x70: {  	[tilespmem:s19], [sflag:$0x2] =	stream.indirect.gather [hbm4b:s16+s30], $0x80, s31, s30, $0xb8;
	v63 =	vld [tilespmem:$0x0]  }
0x71: {  	v1 =	vld [tilespmem:$0x7700]  }
0x72: {  	v2 =	vld [tilespmem:$0x7780];
	_ =	sdelay $0x5  }
0x73: {  	v3 =	vld [tilespmem:$0x7800]  }
0x74: {  	v4 =	vld.idx.msk [tilespmem:v1+s20+$0x0], $0xffff  }
0x75: {  	v2 =	vld.idx.msk [tilespmem:v2+s15+$0x0], $0xffff;
	_ =	sdelay $0x4  }
0x76: {  	v3 =	vmul.f32 v3, v0;
	v2 =	vadd.f32 v2, v4;
	_ =	sdelay $0x1  }
0x77: {  	v2 =	vadd.f32 v2, v3;
	_ =	sdelay $0x1  }
0x78: {  	v3 =	vmul.f32 $2.000000030e-01, v2  }
0x79: {  	vm0 =	vge.f32 v2, $0.0e+00  }
0x7a: {  	v2 =	vsel vm0, v2, v3  }
0x7b: {  	v2 =	vsub.f32 $0.0e+00, v2;
	_ =	sdelay $0x1  }
0x7c: {  	v2 =	vmul.f32 $1.442695020e+00, v2;
	_ =	sdelay $0x1  }
0x7d: {  	(erf) = vpow2.f32 v2;
	_ =	sdelay $0x8  }
0x7e: {  	v2 =	vpop (erf)  }
0x7f: {  	[tilespmem:$0x7880] =	vst v2  }
0x80: {  	[tilespmem:v1+s13+$0x0] =	vst.idx.add.f32.msk $0xffff, v2  }
0x81: {  	v2 =	vld [tilespmem:$0x7710]  }
0x82: {  	v3 =	vld [tilespmem:$0x7790];
	_ =	sdelay $0x5  }
0x83: {  	[tilespmem:$0x7900] =	vst v1;
	v1 =	vld [tilespmem:$0x7810]  }
0x84: {  	v4 =	vld.idx.msk [tilespmem:v2+s20+$0x0], $0xffff  }
0x85: {  	v3 =	vld.idx.msk [tilespmem:v3+s15+$0x0], $0xffff;
	_ =	sdelay $0x4  }
0x86: {  	v1 =	vmul.f32 v1, v0;
	v3 =	vadd.f32 v3, v4;
	_ =	sdelay $0x1  }
0x87: {  	v1 =	vadd.f32 v3, v1;
	_ =	sdelay $0x1  }
0x88: {  	v3 =	vmul.f32 $2.000000030e-01, v1  }
0x89: {  	vm14 =	vge.f32 v1, $0.0e+00  }
0x8a: {  	v1 =	vsel vm14, v1, v3  }
0x8b: {  	v1 =	vsub.f32 $0.0e+00, v1;
	_ =	sdelay $0x1  }
0x8c: {  	v1 =	vmul.f32 $1.442695020e+00, v1;
	_ =	sdelay $0x1  }
0x8d: {  	(erf) = vpow2.f32 v1;
	_ =	sdelay $0x8  }
0x8e: {  	v1 =	vpop (erf)  }
0x8f: {  	[tilespmem:$0x7890] =	vst v1  }
0x90: {  	[tilespmem:v2+s13+$0x0] =	vst.idx.add.f32.msk $0xffff, v1  }
0x91: {  	v1 =	vld [tilespmem:$0x7720]  }
0x92: {  	v3 =	vld [tilespmem:$0x77A0];
	_ =	sdelay $0x5  }
0x93: {  	[tilespmem:$0x7910] =	vst v2;
	v2 =	vld [tilespmem:$0x7820]  }
0x94: {  	v4 =	vld.idx.msk [tilespmem:v1+s20+$0x0], $0xffff  }
0x95: {  	v3 =	vld.idx.msk [tilespmem:v3+s15+$0x0], $0xffff;
	_ =	sdelay $0x4  }
0x96: {  	v2 =	vmul.f32 v2, v0;
	v3 =	vadd.f32 v3, v4;
	_ =	sdelay $0x1  }
0x97: {  	v2 =	vadd.f32 v3, v2;
	_ =	sdelay $0x1  }
0x98: {  	v3 =	vmul.f32 $2.000000030e-01, v2  }
0x99: {  	vm15 =	vge.f32 v2, $0.0e+00  }
0x9a: {  	v2 =	vsel vm15, v2, v3  }
0x9b: {  	v2 =	vsub.f32 $0.0e+00, v2;
	_ =	sdelay $0x1  }
0x9c: {  	v2 =	vmul.f32 $1.442695020e+00, v2;
	_ =	sdelay $0x1  }
0x9d: {  	(erf) = vpow2.f32 v2;
	_ =	sdelay $0x8  }
0x9e: {  	v2 =	vpop (erf)  }
0x9f: {  	[tilespmem:$0x78A0] =	vst v2  }
0xa0: {  	[tilespmem:v1+s13+$0x0] =	vst.idx.add.f32.msk $0xffff, v2  }
0xa1: {  	[tilespmem:$0x7920] =	vst v1  }
0xa2: {  	_ =	swait.ge [sflag:s0], $0x30  }
0xa3: {  	[sflag:s0] =	ssyncset.done $0x0  }
0xa4: {  	[sflag:s0] =	ssyncadd.s32 $0xFFFFFFD0  }
0xa5: {  	_ =	swait.ge [sflag:s0], $0x30  }
0xa6: {  	[sflag:s0] =	ssyncset.done $0x0  }
0xa7: {  	[sflag:s0] =	ssyncadd.s32 $0xFFFFFFD0  }
0xa8: {  	_ =	swait.ge [sflag:s0], $0x30  }
0xa9: {  	[sflag:s0] =	ssyncset.done $0x0  }
0xaa: {  	[sflag:s0] =	ssyncadd.s32 $0xFFFFFFD0  }
0xab: {  	[tilespmem:s25], [sflag:$0x6] =	stream.indirect.gather [hbm4b:s16+s30], $0x80, s2, s30, $0xb8;
	v63 =	vld [tilespmem:$0x0]  }
0xac: {  	s10 =	simm.s32 $0x2;
	v1 =	vmov s20;
	_ =	swait.ge [sflag:s8], $0x1800  }
0xad: {  	v2 =	vmov s10;
	v1 =	vand.u32 $0xFFFFFFFC, v1;
	[sflag:s8] =	ssyncset.done $0x0  }
0xae: {  	s19 =	simm.s32 $0xAC00;
	v2 =	vand.u32 $0xFFFFFFFE, v2;
	v1 =	vbroadcast v1, $0x0;
	s16 =	rddreg [dreg:$0x10];
	[sflag:s8] =	ssyncadd.s32 $0xFFFFE800  }
0xaf: {  	v2 =	vbroadcast v2, $0x0;
	[tilespmem:s19], [sflag:$0x9] =	stream.linear.gather [hbm4b:s16+s20], $0x30, $0x38;
	v63 =	vld [tilespmem:$0x0]  }
0xb0: {  	s10 =	simm.s32 $0xAC80;
	s3 =	rddreg [dreg:$0x12]  }
0xb1: {  	[tilespmem:s10], [sflag:$0x9] =	stream.linear.gather [hbm4b:s3+s20], $0x30, $0x38;
	v63 =	vld [tilespmem:$0x0]  }
0xb2: {  	s16 =	rddreg [dreg:$0x13];
	s19 =	simm.s32 $0xAD00  }
0xb3: {  	[tilespmem:s19], [sflag:$0x9] =	stream.linear.gather [hbm4b:s16+s20], $0x30, $0x38;
	v63 =	vld [tilespmem:$0x0]  }
0xb4: {  	v1 =	vld.idx.msk [tilespmem:v1+s14+$0x0], $0xffff  }
0xb5: {  	s2 =	simm.s32 $0x1;
	s10 =	simm.s32 $0x7A80;
	v2 =	vld.idx.msk [tilespmem:v2+s14+$0x0], $0xffff  }
0xb6: {  	v3 =	vmov s2;
	v4 =	vld [tilespmem:s10+$0x70]  }
0xb7: {  	v3 =	vand.u32 $0xFFFFFFFD, v3;
	v5 =	vld [tilespmem:s10+$0xFFFFFF00]  }
0xb8: {  	v3 =	vbroadcast v3, $0x0;
	v6 =	vld [tilespmem:s10+$0xFFFFFF10]  }
0xb9: {  	v7 =	vld [tilespmem:s10+$0xFFFFFF20]  }
0xba: {  	v8 =	vld [tilespmem:s10+$0xFFFFFF30]  }
0xbb: {  	v9 =	vld [tilespmem:s10+$0xFFFFFF40]  }
0xbc: {  	v10 =	vld [tilespmem:s10+$0xFFFFFF50]  }
0xbd: {  	v11 =	vld [tilespmem:s10+$0xFFFFFF60];
	v5 =	vmul.f32 v5, v1  }
0xbe: {  	v3 =	vld.idx.msk [tilespmem:v3+s14+$0x0], $0xffff;
	v4 =	vmul.f32 v4, v2  }
0xbf: {  	v13 =	vld [tilespmem:s10+$0x40];
	[tilespmem:s10+$0xFFFFFF00] =	vst v5;
	v5 =	vmul.f32 v6, v1  }
0xc0: {  	v6 =	vld [tilespmem:s10+$0xFFFFFF70];
	[tilespmem:s10+$0x70] =	vst v4;
	v4 =	vmul.f32 v7, v1  }
0xc1: {  	v7 =	vld [tilespmem:s10+$0xFFFFFF80];
	[tilespmem:s10+$0xFFFFFF10] =	vst v5;
	v5 =	vmul.f32 v8, v1  }
0xc2: {  	v8 =	vld [tilespmem:s10+$0xFFFFFF90];
	[tilespmem:s10+$0xFFFFFF20] =	vst v4;
	v4 =	vmul.f32 v9, v1  }
0xc3: {  	v9 =	vld [tilespmem:s10+$0xFFFFFFA0];
	[tilespmem:s10+$0xFFFFFF30] =	vst v5;
	v5 =	vmul.f32 v10, v1  }
0xc4: {  	v10 =	vld [tilespmem:s10+$0xFFFFFFB0];
	[tilespmem:s10+$0xFFFFFF40] =	vst v4;
	v4 =	vmul.f32 v11, v1  }
0xc5: {  	v11 =	vld [tilespmem:s10+$0xFFFFFFC0];
	v6 =	vmul.f32 v6, v1;
	[tilespmem:s10+$0xFFFFFF50] =	vst v5  }
0xc6: {  	v5 =	vmul.f32 v7, v3;
	v7 =	vld [tilespmem:s10+$0xFFFFFFD0];
	[tilespmem:s10+$0xFFFFFF60] =	vst v4  }
0xc7: {  	s3 =	simm.s32 $0x3;
	v4 =	vld [tilespmem:s10+$0xFFFFFFE0];
	v8 =	vmul.f32 v8, v3;
	[tilespmem:s10+$0xFFFFFF70] =	vst v6  }
0xc8: {  	v12 =	vmov s3;
	v6 =	vld [tilespmem:s10+$0xFFFFFFF0];
	[tilespmem:s10+$0xFFFFFF80] =	vst v5;
	v5 =	vmul.f32 v9, v3  }
0xc9: {  	v9 =	vld [tilespmem:s10+$0x0];
	[tilespmem:s10+$0xFFFFFF90] =	vst v8;
	v8 =	vmul.f32 v10, v3  }
0xca: {  	v10 =	vld [tilespmem:s10+$0x10];
	[tilespmem:s10+$0xFFFFFFA0] =	vst v5;
	v5 =	vmul.f32 v11, v3  }
0xcb: {  	[tilespmem:s10+$0xFFFFFFB0] =	vst v8;
	v7 =	vmul.f32 v7, v3;
	v8 =	vld [tilespmem:s10+$0x20]  }
0xcc: {  	v11 =	vld [tilespmem:s10+$0x30];
	v4 =	vmul.f32 v4, v3;
	[tilespmem:s10+$0xFFFFFFC0] =	vst v5  }
0xcd: {  	v1 =	vld.idx.msk [tilespmem:v12+s14+$0x0], $0xffff;
	v3 =	vmul.f32 v6, v3;
	[tilespmem:s10+$0xFFFFFFD0] =	vst v7  }
0xce: {  	[tilespmem:s10+$0xFFFFFFE0] =	vst v4;
	v5 =	vmul.f32 v9, v2;
	v4 =	vld [tilespmem:s10+$0x50]  }
0xcf: {  	s16 =	simm.s32 $0x4;
	[tilespmem:s10+$0xFFFFFFF0] =	vst v3;
	v6 =	vmul.f32 v10, v2;
	v3 =	vld [tilespmem:s10+$0x60]  }
0xd0: {  	s19 =	simm.s32 $0x7;
	v7 =	vmov s16;
	[tilespmem:s10+$0x0] =	vst v5;
	v9 =	vmul.f32 v8, v2;
	v8 =	vld [tilespmem:s10+$0x80]  }
0xd1: {  	s20 =	simm.s32 $0x5;
	v12 =	vand.u32 $0xFFFFFFFC, v7;
	v7 =	vld [tilespmem:s10+$0x90];
	v5 =	vmov s19;
	v10 =	vmul.f32 v11, v2;
	[tilespmem:s10+$0x10] =	vst v6  }
0xd2: {  	s2 =	simm.s32 $0x6;
	s16 =	simm.s32 $0x7A80;
	s19 =	simm.s32 $0x8;
	v11 =	vmul.f32 v13, v2;
	v6 =	vbroadcast v12, $0x0;
	v12 =	vmov s20;
	[tilespmem:s10+$0x20] =	vst v9;
	v9 =	vld [tilespmem:s10+$0xA0]  }
.LBB2_2:
0xd3: {  	p1 =	slt.u32 s19, $0x2C;
	v12 =	vand.u32 $0xFFFFFFFD, v12;
	v13 =	vmov s2;
	[tilespmem:s10+$0x30] =	vst v10;
	v4 =	vmul.f32 v4, v2;
	v10 =	vld [tilespmem:s10+$0xB0]  }
0xd4: {  	v12 =	vbroadcast v12, $0x0;
	v13 =	vand.u32 $0xFFFFFFFE, v13;
	[tilespmem:s10+$0x40] =	vst v11;
	v2 =	vmul.f32 v3, v2;
	v3 =	vld [tilespmem:s10+$0xC0]  }
0xd5: {  	v11 =	vbroadcast v13, $0x0;
	[tilespmem:s10+$0x50] =	vst v4;
	v4 =	vmul.f32 v8, v1;
	v8 =	vld [tilespmem:s10+$0xD0]  }
0xd6: {  	[tilespmem:s10+$0x60] =	vst v2;
	v2 =	vmul.f32 v7, v1;
	v7 =	vld [tilespmem:s10+$0xE0]  }
0xd7: {  	[tilespmem:s10+$0x80] =	vst v4;
	v4 =	vmul.f32 v9, v1;
	v9 =	vld [tilespmem:s10+$0xF0]  }
0xd8: {  	v5 =	vld.idx.msk [tilespmem:v5+s14+$0x0], $0xffff;
	[tilespmem:s10+$0x90] =	vst v2;
	v2 =	vmul.f32 v10, v1  }
0xd9: {  	v6 =	vld.idx.msk [tilespmem:v6+s14+$0x0], $0xffff;
	[tilespmem:s10+$0xA0] =	vst v4;
	v3 =	vmul.f32 v3, v1  }
0xda: {  	v4 =	vld.idx.msk [tilespmem:v12+s14+$0x0], $0xffff;
	[tilespmem:s10+$0xB0] =	vst v2;
	v8 =	vmul.f32 v8, v1  }
0xdb: {  	s10 =	sadd.s32 $0x200, s10;
	v2 =	vld.idx.msk [tilespmem:v11+s14+$0x0], $0xffff;
	[tilespmem:s16+$0xC0] =	vst v3;
	v3 =	vmul.f32 v7, v1  }
0xdc: {  	v7 =	vld [tilespmem:s10+$0x70];
	[tilespmem:s16+$0xD0] =	vst v8;
	v9 =	vmul.f32 v9, v1  }
0xdd: {  	v8 =	vld [tilespmem:s10+$0xFFFFFF00];
	[tilespmem:s16+$0xE0] =	vst v3  }
0xde: {  	v1 =	vmov v5;
	v3 =	vld [tilespmem:s10+$0xFFFFFF10];
	[tilespmem:s16+$0xF0] =	vst v9;
	s16 =	smov.u32 s10  }
0xdf: {  	v5 =	vld [tilespmem:s10+$0xFFFFFF20]  }
0xe0: {  	v9 =	vld [tilespmem:s10+$0xFFFFFF30]  }
0xe1: {  	v10 =	vld [tilespmem:s10+$0xFFFFFF40];
	v7 =	vmul.f32 v7, v2  }
0xe2: {  	v8 =	vmul.f32 v8, v6;
	v11 =	vld [tilespmem:s10+$0xFFFFFF50]  }
0xe3: {  	v3 =	vmul.f32 v3, v6;
	v12 =	vld [tilespmem:s10+$0xFFFFFF60];
	[tilespmem:s10+$0x70] =	vst v7  }
0xe4: {  	[tilespmem:s10+$0xFFFFFF00] =	vst v8;
	v5 =	vmul.f32 v5, v6;
	v7 =	vld [tilespmem:s10+$0xFFFFFF70]  }
0xe5: {  	[tilespmem:s10+$0xFFFFFF10] =	vst v3;
	v3 =	vmul.f32 v9, v6;
	v8 =	vld [tilespmem:s10+$0xFFFFFF80]  }
0xe6: {  	[tilespmem:s10+$0xFFFFFF20] =	vst v5;
	v5 =	vmul.f32 v10, v6;
	v9 =	vld [tilespmem:s10+$0xFFFFFF90]  }
0xe7: {  	[tilespmem:s10+$0xFFFFFF30] =	vst v3;
	v3 =	vmul.f32 v11, v6;
	v10 =	vld [tilespmem:s10+$0xFFFFFFA0]  }
0xe8: {  	[tilespmem:s10+$0xFFFFFF40] =	vst v5;
	v5 =	vmul.f32 v12, v6;
	v11 =	vld [tilespmem:s10+$0xFFFFFFB0]  }
0xe9: {  	[tilespmem:s10+$0xFFFFFF50] =	vst v3;
	v3 =	vmul.f32 v7, v6;
	v6 =	vld [tilespmem:s10+$0xFFFFFFC0]  }
0xea: {  	[tilespmem:s10+$0xFFFFFF60] =	vst v5;
	v5 =	vmul.f32 v8, v4;
	v7 =	vld [tilespmem:s10+$0xFFFFFFD0]  }
0xeb: {  	[tilespmem:s10+$0xFFFFFF70] =	vst v3;
	v3 =	vmul.f32 v9, v4;
	v8 =	vld [tilespmem:s10+$0xFFFFFFE0]  }
0xec: {  	[tilespmem:s10+$0xFFFFFF80] =	vst v5;
	v5 =	vmul.f32 v10, v4;
	v9 =	vld [tilespmem:s10+$0xFFFFFFF0]  }
0xed: {  	[tilespmem:s10+$0xFFFFFF90] =	vst v3;
	v3 =	vmul.f32 v11, v4;
	v10 =	vld [tilespmem:s10+$0x0]  }
0xee: {  	[tilespmem:s10+$0xFFFFFFA0] =	vst v5;
	v5 =	vmul.f32 v6, v4;
	v6 =	vld [tilespmem:s10+$0x10]  }
0xef: {  	[tilespmem:s10+$0xFFFFFFB0] =	vst v3;
	v3 =	vmul.f32 v7, v4;
	v7 =	vld [tilespmem:s10+$0x20]  }
0xf0: {  	[tilespmem:s10+$0xFFFFFFC0] =	vst v5;
	v5 =	vmul.f32 v8, v4;
	v11 =	vld [tilespmem:s10+$0x30]  }
0xf1: {  	[tilespmem:s10+$0xFFFFFFD0] =	vst v3;
	v3 =	vmul.f32 v9, v4;
	v9 =	vld [tilespmem:s10+$0x40]  }
.Ltmp0:
0xf2: {  	[tilespmem:s10+$0xFFFFFFE0] =	vst v5;
	v5 =	vmul.f32 v10, v2;
	v4 =	vld [tilespmem:s10+$0x50];
	(pc) =	sbr.rel @p1 .LBB2_2-.Ltmp0, $4  }
0xf3: {  	[tilespmem:s10+$0xFFFFFFF0] =	vst v3;
	v6 =	vmul.f32 v6, v2;
	v3 =	vld [tilespmem:s10+$0x60]  }
0xf4: {  	s1 =	sadd.s32 $0x3, s19;
	v10 =	vmov s19;
	[tilespmem:s10+$0x0] =	vst v5;
	v13 =	vmul.f32 v7, v2;
	v8 =	vld [tilespmem:s10+$0x80]  }
0xf5: {  	s2 =	sadd.s32 $0x1, s19;
	v12 =	vand.u32 $0xFFFFFFFC, v10;
	v5 =	vmov s1;
	[tilespmem:s10+$0x10] =	vst v6;
	v10 =	vmul.f32 v11, v2;
	v7 =	vld [tilespmem:s10+$0x90]  }
0xf6: {  	v6 =	vbroadcast v12, $0x0;
	v12 =	vmov s2;
	s2 =	sadd.s32 $0x2, s19;
	s19 =	sadd.s32 $0x4, s19;
	[tilespmem:s10+$0x20] =	vst v13;
	v11 =	vmul.f32 v9, v2;
	v9 =	vld [tilespmem:s10+$0xA0]  }
0xf7: {  	v13 =	vld [tilespmem:s10+$0xB0]  }
0xf8: {  	v15 =	vld [tilespmem:s10+$0xC0]  }
0xf9: {  	v14 =	vmov s2;
	v16 =	vld [tilespmem:s10+$0xD0]  }
0xfa: {  	v17 =	vld [tilespmem:s10+$0xE0];
	[tilespmem:s10+$0x30] =	vst v10;
	v4 =	vmul.f32 v4, v2;
	v14 =	vand.u32 $0xFFFFFFFE, v14  }
0xfb: {  	v12 =	vand.u32 $0xFFFFFFFD, v12;
	v5 =	vld.idx.msk [tilespmem:v5+s14+$0x0], $0xffff;
	[tilespmem:s10+$0x40] =	vst v11;
	v2 =	vmul.f32 v3, v2;
	v14 =	vbroadcast v14, $0x0  }
0xfc: {  	s1 =	sadd.s32 $0x200, s10;
	v12 =	vbroadcast v12, $0x0;
	v3 =	vld.idx.msk [tilespmem:v6+s14+$0x0], $0xffff;
	v8 =	vmul.f32 v8, v1;
	[tilespmem:s10+$0x50] =	vst v4  }
0xfd: {  	v10 =	vld [tilespmem:s1+$0xFFFFFF00];
	v4 =	vmul.f32 v7, v1;
	[tilespmem:s10+$0x60] =	vst v2  }
0xfe: {  	[tilespmem:s10+$0x80] =	vst v8;
	v8 =	vld [tilespmem:s10+$0xF0];
	v2 =	vmul.f32 v9, v1  }
0xff: {  	v11 =	vld [tilespmem:s1+$0xFFFFFF10];
	[tilespmem:s10+$0x90] =	vst v4;
	v4 =	vmul.f32 v13, v1  }
0x100: {  	v9 =	vld [tilespmem:s1+$0x70];
	[tilespmem:s10+$0xA0] =	vst v2;
	v2 =	vmul.f32 v15, v1  }
0x101: {  	[tilespmem:s10+$0xB0] =	vst v4;
	v4 =	vmul.f32 v16, v1;
	v7 =	vld.idx.msk [tilespmem:v14+s14+$0x0], $0xffff  }
0x102: {  	v6 =	vld.idx.msk [tilespmem:v12+s14+$0x0], $0xffff;
	[tilespmem:s16+$0xC0] =	vst v2;
	v2 =	vmul.f32 v17, v1  }
0x103: {  	v12 =	vld [tilespmem:s1+$0xFFFFFF20];
	[tilespmem:s16+$0xD0] =	vst v4;
	v1 =	vmul.f32 v8, v1  }
0x104: {  	v4 =	vld [tilespmem:s1+$0xFFFFFF30];
	[tilespmem:s16+$0xE0] =	vst v2  }
0x105: {  	v2 =	vld [tilespmem:s1+$0xFFFFFF40];
	[tilespmem:s16+$0xF0] =	vst v1;
	v1 =	vmul.f32 v10, v3  }
0x106: {  	v8 =	vmul.f32 v9, v7;
	v9 =	vld [tilespmem:s1+$0xFFFFFF50]  }
0x107: {  	v10 =	vmul.f32 v11, v3;
	v11 =	vld [tilespmem:s1+$0xFFFFFF60];
	[tilespmem:s1+$0xFFFFFF00] =	vst v1  }
0x108: {  	v1 =	vmul.f32 v12, v3;
	[tilespmem:s1+$0x70] =	vst v8;
	v8 =	vld [tilespmem:s1+$0xFFFFFF70]  }
0x109: {  	[tilespmem:s1+$0xFFFFFF10] =	vst v10;
	v10 =	vld [tilespmem:s1+$0xFFFFFF80];
	v4 =	vmul.f32 v4, v3  }
0x10a: {  	[tilespmem:s1+$0xFFFFFF20] =	vst v1;
	v1 =	vmul.f32 v2, v3;
	v2 =	vld [tilespmem:s1+$0xFFFFFF90]  }
0x10b: {  	[tilespmem:s1+$0xFFFFFF30] =	vst v4;
	v4 =	vmul.f32 v9, v3;
	v9 =	vld [tilespmem:s1+$0xFFFFFFA0]  }
0x10c: {  	[tilespmem:s1+$0xFFFFFF40] =	vst v1;
	v1 =	vmul.f32 v11, v3;
	v11 =	vld [tilespmem:s1+$0xFFFFFFB0]  }
0x10d: {  	[tilespmem:s1+$0xFFFFFF50] =	vst v4;
	v3 =	vmul.f32 v8, v3;
	v4 =	vld [tilespmem:s1+$0xFFFFFFC0]  }
0x10e: {  	[tilespmem:s1+$0xFFFFFF60] =	vst v1;
	v1 =	vmul.f32 v10, v6;
	v8 =	vld [tilespmem:s1+$0xFFFFFFD0]  }
0x10f: {  	v2 =	vmul.f32 v2, v6;
	[tilespmem:s1+$0xFFFFFF70] =	vst v3;
	v3 =	vld [tilespmem:s1+$0xFFFFFFE0]  }
0x110: {  	[tilespmem:s1+$0xFFFFFF80] =	vst v1;
	v1 =	vmul.f32 v9, v6;
	v9 =	vld [tilespmem:s1+$0xFFFFFFF0]  }
0x111: {  	v10 =	vld [tilespmem:s1+$0x0];
	[tilespmem:s1+$0xFFFFFF90] =	vst v2;
	v2 =	vmul.f32 v11, v6  }
0x112: {  	[tilespmem:s1+$0xFFFFFFA0] =	vst v1;
	v1 =	vmul.f32 v4, v6;
	v4 =	vld [tilespmem:s1+$0x10]  }
0x113: {  	[tilespmem:s1+$0xFFFFFFB0] =	vst v2;
	v2 =	vmul.f32 v8, v6;
	v8 =	vld [tilespmem:s1+$0x20]  }
0x114: {  	[tilespmem:s1+$0xFFFFFFC0] =	vst v1;
	v1 =	vmul.f32 v3, v6;
	v3 =	vld [tilespmem:s1+$0x30]  }
0x115: {  	[tilespmem:s1+$0xFFFFFFD0] =	vst v2;
	v2 =	vmul.f32 v9, v6;
	v6 =	vld [tilespmem:s1+$0x40]  }
0x116: {  	v9 =	vld [tilespmem:s1+$0x50];
	[tilespmem:s1+$0xFFFFFFE0] =	vst v1;
	v1 =	vmul.f32 v10, v7  }
0x117: {  	[tilespmem:s1+$0xFFFFFFF0] =	vst v2;
	v2 =	vmul.f32 v4, v7;
	v4 =	vld [tilespmem:s1+$0x60]  }
0x118: {  	[tilespmem:s1+$0x0] =	vst v1;
	v1 =	vmul.f32 v8, v7;
	v8 =	vld [tilespmem:s1+$0x80]  }
0x119: {  	[tilespmem:s1+$0x10] =	vst v2;
	v2 =	vmul.f32 v3, v7;
	v3 =	vld [tilespmem:s1+$0x90]  }
0x11a: {  	[tilespmem:s1+$0x20] =	vst v1;
	v1 =	vmul.f32 v6, v7;
	v6 =	vld [tilespmem:s1+$0xA0]  }
0x11b: {  	[tilespmem:s1+$0x30] =	vst v2;
	v2 =	vmul.f32 v9, v7;
	v9 =	vld [tilespmem:s1+$0xB0]  }
0x11c: {  	[tilespmem:s1+$0x40] =	vst v1;
	v1 =	vmul.f32 v4, v7;
	v4 =	vld [tilespmem:s1+$0xC0]  }
0x11d: {  	v7 =	vld [tilespmem:s1+$0xD0];
	[tilespmem:s1+$0x50] =	vst v2;
	v2 =	vmul.f32 v8, v5  }
0x11e: {  	[tilespmem:s1+$0x60] =	vst v1;
	v1 =	vmul.f32 v3, v5;
	v3 =	vld [tilespmem:s1+$0xE0]  }
0x11f: {  	[tilespmem:s1+$0x80] =	vst v2;
	v2 =	vmul.f32 v6, v5;
	v6 =	vld [tilespmem:s1+$0xF0]  }
0x120: {  	[tilespmem:s1+$0x90] =	vst v1;
	v1 =	vmul.f32 v9, v5  }
0x121: {  	[tilespmem:s1+$0xA0] =	vst v2;
	v2 =	vmul.f32 v4, v5  }
0x122: {  	[tilespmem:s1+$0xB0] =	vst v1;
	v1 =	vmul.f32 v7, v5  }
0x123: {  	[tilespmem:s1+$0xC0] =	vst v2;
	v2 =	vmul.f32 v3, v5  }
0x124: {  	[tilespmem:s1+$0xD0] =	vst v1;
	v1 =	vmul.f32 v6, v5  }
0x125: {  	[tilespmem:s1+$0xE0] =	vst v2  }
0x126: {  	[tilespmem:s1+$0xF0] =	vst v1  }
0x127: {  	s3 =	simm.s32 $0x7900;
	s1 =	simm.s32 $0x7980;
	s10 =	sld [smem:$0x7FC]  }
0x128: {  	[spmem:s9] =	stream.indirect.scatter.add.f32 [tilespmem:s1], [sflag:$0x3], $0x80, s3, s30, $0xb8;
	v63 =	vld [tilespmem:$0x0]  }
0x129: {  	s2 =	simm.s32 $0x0  }
0x12a: {  	[hbm4b:s10+s2] =	stream.linear.scatter [tilespmem:s14], [sflag:$0x4], $0x30, $0x38;
	v63 =	vld [tilespmem:$0x0]  }
0x12b: {  	v1 =	vld [tilespmem:$0x9180]  }
0x12c: {  	v2 =	vld [tilespmem:$0x9200];
	_ =	sdelay $0x5  }
0x12d: {  	v3 =	vld [tilespmem:$0x9280]  }
0x12e: {  	v4 =	vld.idx.msk [tilespmem:v1+s2+$0x0], $0xffff  }
0x12f: {  	v2 =	vld.idx.msk [tilespmem:v2+s15+$0x0], $0xffff;
	_ =	sdelay $0x4  }
0x130: {  	v3 =	vmul.f32 v3, v0;
	v2 =	vadd.f32 v2, v4;
	_ =	sdelay $0x1  }
0x131: {  	v2 =	vadd.f32 v2, v3;
	_ =	sdelay $0x1  }
0x132: {  	v3 =	vmul.f32 $2.000000030e-01, v2  }
0x133: {  	vm0 =	vge.f32 v2, $0.0e+00  }
0x134: {  	v2 =	vsel vm0, v2, v3  }
0x135: {  	v2 =	vsub.f32 $0.0e+00, v2;
	_ =	sdelay $0x1  }
0x136: {  	v2 =	vmul.f32 $1.442695020e+00, v2;
	_ =	sdelay $0x1  }
0x137: {  	(erf) = vpow2.f32 v2;
	_ =	sdelay $0x8  }
0x138: {  	v2 =	vpop (erf)  }
0x139: {  	[tilespmem:$0x9300] =	vst v2  }
0x13a: {  	[tilespmem:v1+s13+$0x0] =	vst.idx.add.f32.msk $0xffff, v2  }
0x13b: {  	v2 =	vld [tilespmem:$0x9190]  }
0x13c: {  	v3 =	vld [tilespmem:$0x9210];
	_ =	sdelay $0x5  }
0x13d: {  	[tilespmem:$0x9380] =	vst v1;
	v1 =	vld [tilespmem:$0x9290]  }
0x13e: {  	v4 =	vld.idx.msk [tilespmem:v2+s2+$0x0], $0xffff  }
0x13f: {  	v3 =	vld.idx.msk [tilespmem:v3+s15+$0x0], $0xffff;
	_ =	sdelay $0x4  }
0x140: {  	v1 =	vmul.f32 v1, v0;
	v3 =	vadd.f32 v3, v4;
	_ =	sdelay $0x1  }
0x141: {  	v1 =	vadd.f32 v3, v1;
	_ =	sdelay $0x1  }
0x142: {  	v3 =	vmul.f32 $2.000000030e-01, v1  }
0x143: {  	vm14 =	vge.f32 v1, $0.0e+00  }
0x144: {  	v1 =	vsel vm14, v1, v3  }
0x145: {  	v1 =	vsub.f32 $0.0e+00, v1;
	_ =	sdelay $0x1  }
0x146: {  	v1 =	vmul.f32 $1.442695020e+00, v1;
	_ =	sdelay $0x1  }
0x147: {  	(erf) = vpow2.f32 v1;
	_ =	sdelay $0x8  }
0x148: {  	v1 =	vpop (erf)  }
0x149: {  	[tilespmem:$0x9310] =	vst v1  }
0x14a: {  	[tilespmem:v2+s13+$0x0] =	vst.idx.add.f32.msk $0xffff, v1  }
0x14b: {  	v1 =	vld [tilespmem:$0x91A0]  }
0x14c: {  	v3 =	vld [tilespmem:$0x9220];
	_ =	sdelay $0x5  }
0x14d: {  	[tilespmem:$0x9390] =	vst v2;
	v2 =	vld [tilespmem:$0x92A0]  }
0x14e: {  	v4 =	vld.idx.msk [tilespmem:v1+s2+$0x0], $0xffff  }
0x14f: {  	v3 =	vld.idx.msk [tilespmem:v3+s15+$0x0], $0xffff;
	_ =	sdelay $0x4  }
0x150: {  	v2 =	vmul.f32 v2, v0;
	v3 =	vadd.f32 v3, v4;
	_ =	sdelay $0x1  }
0x151: {  	v2 =	vadd.f32 v3, v2;
	_ =	sdelay $0x1  }
0x152: {  	v3 =	vmul.f32 $2.000000030e-01, v2  }
0x153: {  	vm15 =	vge.f32 v2, $0.0e+00  }
0x154: {  	v2 =	vsel vm15, v2, v3  }
0x155: {  	v2 =	vsub.f32 $0.0e+00, v2;
	_ =	sdelay $0x1  }
0x156: {  	v2 =	vmul.f32 $1.442695020e+00, v2;
	_ =	sdelay $0x1  }
0x157: {  	(erf) = vpow2.f32 v2;
	_ =	sdelay $0x8  }
0x158: {  	v2 =	vpop (erf)  }
0x159: {  	[tilespmem:$0x9320] =	vst v2  }
0x15a: {  	[tilespmem:v1+s13+$0x0] =	vst.idx.add.f32.msk $0xffff, v2  }
0x15b: {  	[tilespmem:$0x93A0] =	vst v1  }
0x15c: {  	_ =	swait.ge [sflag:s24], $0x30  }
0x15d: {  	[sflag:s24] =	ssyncset.done $0x0  }
0x15e: {  	[sflag:s24] =	ssyncadd.s32 $0xFFFFFFD0  }
0x15f: {  	_ =	swait.ge [sflag:s24], $0x30  }
0x160: {  	[sflag:s24] =	ssyncset.done $0x0  }
0x161: {  	[sflag:s24] =	ssyncadd.s32 $0xFFFFFFD0  }
0x162: {  	_ =	swait.ge [sflag:s24], $0x30  }
0x163: {  	[sflag:s24] =	ssyncset.done $0x0  }
0x164: {  	[sflag:s24] =	ssyncadd.s32 $0xFFFFFFD0  }
0x165: {  	s19 =	simm.s32 $0xAE80;
	s3 =	simm.s32 $0xAC80;
	s16 =	rddreg [dreg:$0x0]  }
0x166: {  	[tilespmem:s19], [sflag:$0xA] =	stream.indirect.gather [hbm4b:s16+s30], $0x80, s3, s30, $0xb8;
	v63 =	vld [tilespmem:$0x0]  }
0x167: {  	s20 =	simm.s32 $0x2;
	v1 =	vmov s2;
	_ =	swait.ge [sflag:s22], $0x1800  }
0x168: {  	v2 =	vmov s20;
	v1 =	vand.u32 $0xFFFFFFFC, v1;
	[sflag:s22] =	ssyncset.done $0x0  }
0x169: {  	s10 =	simm.s32 $0x7700;
	v2 =	vand.u32 $0xFFFFFFFE, v2;
	v1 =	vbroadcast v1, $0x0;
	s3 =	rddreg [dreg:$0x19];
	[sflag:s22] =	ssyncadd.s32 $0xFFFFE800  }
0x16a: {  	v2 =	vbroadcast v2, $0x0;
	[tilespmem:s10], [sflag:$0x1] =	stream.linear.gather [hbm4b:s3+s2], $0x30, $0x38;
	v63 =	vld [tilespmem:$0x0]  }
0x16b: {  	s16 =	rddreg [dreg:$0x1a]  }
0x16c: {  	[tilespmem:s31], [sflag:$0x1] =	stream.linear.gather [hbm4b:s16+s2], $0x30, $0x38;
	v63 =	vld [tilespmem:$0x0]  }
0x16d: {  	s20 =	simm.s32 $0x7800;
	s19 =	rddreg [dreg:$0x1b]  }
0x16e: {  	[tilespmem:s20], [sflag:$0x1] =	stream.linear.gather [hbm4b:s19+s2], $0x30, $0x38;
	v63 =	vld [tilespmem:$0x0]  }
0x16f: {  	v1 =	vld.idx.msk [tilespmem:v1+s23+$0x0], $0xffff  }
0x170: {  	s10 =	simm.s32 $0x9500;
	v2 =	vld.idx.msk [tilespmem:v2+s23+$0x0], $0xffff  }
0x171: {  	v4 =	vld [tilespmem:s10+$0x70]  }
0x172: {  	v5 =	vld [tilespmem:s10+$0xFFFFFF00]  }
0x173: {  	s2 =	simm.s32 $0x1;
	v6 =	vld [tilespmem:s10+$0xFFFFFF10]  }
0x174: {  	v3 =	vmov s2;
	v7 =	vld [tilespmem:s10+$0xFFFFFF20]  }
0x175: {  	v8 =	vld [tilespmem:s10+$0xFFFFFF30];
	v3 =	vand.u32 $0xFFFFFFFD, v3  }
0x176: {  	v9 =	vld [tilespmem:s10+$0xFFFFFF40];
	v3 =	vbroadcast v3, $0x0  }
0x177: {  	v10 =	vld [tilespmem:s10+$0xFFFFFF50]  }
0x178: {  	v11 =	vld [tilespmem:s10+$0xFFFFFF60];
	v5 =	vmul.f32 v5, v1  }
0x179: {  	v13 =	vld [tilespmem:s10+$0x40];
	v4 =	vmul.f32 v4, v2  }
0x17a: {  	[tilespmem:s10+$0xFFFFFF00] =	vst v5;
	v5 =	vmul.f32 v6, v1;
	v6 =	vld [tilespmem:s10+$0xFFFFFF70]  }
0x17b: {  	[tilespmem:s10+$0x70] =	vst v4;
	v4 =	vmul.f32 v7, v1;
	v7 =	vld [tilespmem:s10+$0xFFFFFF80]  }
0x17c: {  	v3 =	vld.idx.msk [tilespmem:v3+s23+$0x0], $0xffff;
	[tilespmem:s10+$0xFFFFFF10] =	vst v5;
	v5 =	vmul.f32 v8, v1  }
0x17d: {  	v8 =	vld [tilespmem:s10+$0xFFFFFF90];
	[tilespmem:s10+$0xFFFFFF20] =	vst v4;
	v4 =	vmul.f32 v9, v1  }
0x17e: {  	v9 =	vld [tilespmem:s10+$0xFFFFFFA0];
	[tilespmem:s10+$0xFFFFFF30] =	vst v5;
	v5 =	vmul.f32 v10, v1  }
0x17f: {  	v10 =	vld [tilespmem:s10+$0xFFFFFFB0];
	[tilespmem:s10+$0xFFFFFF40] =	vst v4;
	v4 =	vmul.f32 v11, v1  }
0x180: {  	v11 =	vld [tilespmem:s10+$0xFFFFFFC0];
	v6 =	vmul.f32 v6, v1;
	[tilespmem:s10+$0xFFFFFF50] =	vst v5  }
0x181: {  	v5 =	vmul.f32 v7, v3;
	v7 =	vld [tilespmem:s10+$0xFFFFFFD0];
	[tilespmem:s10+$0xFFFFFF60] =	vst v4  }
0x182: {  	s3 =	simm.s32 $0x3;
	v4 =	vld [tilespmem:s10+$0xFFFFFFE0];
	v8 =	vmul.f32 v8, v3;
	[tilespmem:s10+$0xFFFFFF70] =	vst v6  }
0x183: {  	v12 =	vmov s3;
	v6 =	vld [tilespmem:s10+$0xFFFFFFF0];
	[tilespmem:s10+$0xFFFFFF80] =	vst v5;
	v5 =	vmul.f32 v9, v3  }
0x184: {  	v9 =	vld [tilespmem:s10+$0x0];
	[tilespmem:s10+$0xFFFFFF90] =	vst v8;
	v8 =	vmul.f32 v10, v3  }
0x185: {  	v10 =	vld [tilespmem:s10+$0x10];
	[tilespmem:s10+$0xFFFFFFA0] =	vst v5;
	v5 =	vmul.f32 v11, v3  }
0x186: {  	[tilespmem:s10+$0xFFFFFFB0] =	vst v8;
	v7 =	vmul.f32 v7, v3;
	v8 =	vld [tilespmem:s10+$0x20]  }
0x187: {  	v11 =	vld [tilespmem:s10+$0x30];
	v4 =	vmul.f32 v4, v3;
	[tilespmem:s10+$0xFFFFFFC0] =	vst v5  }
0x188: {  	v1 =	vld.idx.msk [tilespmem:v12+s23+$0x0], $0xffff;
	v3 =	vmul.f32 v6, v3;
	[tilespmem:s10+$0xFFFFFFD0] =	vst v7  }
0x189: {  	[tilespmem:s10+$0xFFFFFFE0] =	vst v4;
	v5 =	vmul.f32 v9, v2;
	v4 =	vld [tilespmem:s10+$0x50]  }
0x18a: {  	s16 =	simm.s32 $0x4;
	[tilespmem:s10+$0xFFFFFFF0] =	vst v3;
	v6 =	vmul.f32 v10, v2;
	v3 =	vld [tilespmem:s10+$0x60]  }
0x18b: {  	s19 =	simm.s32 $0x7;
	v7 =	vmov s16;
	[tilespmem:s10+$0x0] =	vst v5;
	v9 =	vmul.f32 v8, v2;
	v8 =	vld [tilespmem:s10+$0x80]  }
0x18c: {  	s20 =	simm.s32 $0x5;
	v12 =	vand.u32 $0xFFFFFFFC, v7;
	v7 =	vld [tilespmem:s10+$0x90];
	v5 =	vmov s19;
	v10 =	vmul.f32 v11, v2;
	[tilespmem:s10+$0x10] =	vst v6  }
0x18d: {  	s2 =	simm.s32 $0x6;
	s16 =	simm.s32 $0x9500;
	s19 =	simm.s32 $0x8;
	v11 =	vmul.f32 v13, v2;
	v6 =	vbroadcast v12, $0x0;
	v12 =	vmov s20;
	[tilespmem:s10+$0x20] =	vst v9;
	v9 =	vld [tilespmem:s10+$0xA0]  }
.LBB2_4:
0x18e: {  	p1 =	slt.u32 s19, $0x2C;
	v12 =	vand.u32 $0xFFFFFFFD, v12;
	v13 =	vmov s2;
	[tilespmem:s10+$0x30] =	vst v10;
	v4 =	vmul.f32 v4, v2;
	v10 =	vld [tilespmem:s10+$0xB0]  }
0x18f: {  	v12 =	vbroadcast v12, $0x0;
	v13 =	vand.u32 $0xFFFFFFFE, v13;
	[tilespmem:s10+$0x40] =	vst v11;
	v2 =	vmul.f32 v3, v2;
	v3 =	vld [tilespmem:s10+$0xC0]  }
0x190: {  	v11 =	vbroadcast v13, $0x0;
	[tilespmem:s10+$0x50] =	vst v4;
	v4 =	vmul.f32 v8, v1;
	v8 =	vld [tilespmem:s10+$0xD0]  }
0x191: {  	[tilespmem:s10+$0x60] =	vst v2;
	v2 =	vmul.f32 v7, v1;
	v7 =	vld [tilespmem:s10+$0xE0]  }
0x192: {  	[tilespmem:s10+$0x80] =	vst v4;
	v4 =	vmul.f32 v9, v1;
	v9 =	vld [tilespmem:s10+$0xF0]  }
0x193: {  	v5 =	vld.idx.msk [tilespmem:v5+s23+$0x0], $0xffff;
	[tilespmem:s10+$0x90] =	vst v2;
	v2 =	vmul.f32 v10, v1  }
0x194: {  	v6 =	vld.idx.msk [tilespmem:v6+s23+$0x0], $0xffff;
	[tilespmem:s10+$0xA0] =	vst v4;
	v3 =	vmul.f32 v3, v1  }
0x195: {  	v4 =	vld.idx.msk [tilespmem:v12+s23+$0x0], $0xffff;
	[tilespmem:s10+$0xB0] =	vst v2;
	v8 =	vmul.f32 v8, v1  }
0x196: {  	s10 =	sadd.s32 $0x200, s10;
	v2 =	vld.idx.msk [tilespmem:v11+s23+$0x0], $0xffff;
	[tilespmem:s16+$0xC0] =	vst v3;
	v3 =	vmul.f32 v7, v1  }
0x197: {  	v7 =	vld [tilespmem:s10+$0x70];
	[tilespmem:s16+$0xD0] =	vst v8;
	v9 =	vmul.f32 v9, v1  }
0x198: {  	v8 =	vld [tilespmem:s10+$0xFFFFFF00];
	[tilespmem:s16+$0xE0] =	vst v3  }
0x199: {  	v1 =	vmov v5;
	v3 =	vld [tilespmem:s10+$0xFFFFFF10];
	[tilespmem:s16+$0xF0] =	vst v9;
	s16 =	smov.u32 s10  }
0x19a: {  	v5 =	vld [tilespmem:s10+$0xFFFFFF20]  }
0x19b: {  	v9 =	vld [tilespmem:s10+$0xFFFFFF30]  }
0x19c: {  	v10 =	vld [tilespmem:s10+$0xFFFFFF40];
	v7 =	vmul.f32 v7, v2  }
0x19d: {  	v8 =	vmul.f32 v8, v6;
	v11 =	vld [tilespmem:s10+$0xFFFFFF50]  }
0x19e: {  	v3 =	vmul.f32 v3, v6;
	v12 =	vld [tilespmem:s10+$0xFFFFFF60];
	[tilespmem:s10+$0x70] =	vst v7  }
0x19f: {  	[tilespmem:s10+$0xFFFFFF00] =	vst v8;
	v5 =	vmul.f32 v5, v6;
	v7 =	vld [tilespmem:s10+$0xFFFFFF70]  }
0x1a0: {  	[tilespmem:s10+$0xFFFFFF10] =	vst v3;
	v3 =	vmul.f32 v9, v6;
	v8 =	vld [tilespmem:s10+$0xFFFFFF80]  }
0x1a1: {  	[tilespmem:s10+$0xFFFFFF20] =	vst v5;
	v5 =	vmul.f32 v10, v6;
	v9 =	vld [tilespmem:s10+$0xFFFFFF90]  }
0x1a2: {  	[tilespmem:s10+$0xFFFFFF30] =	vst v3;
	v3 =	vmul.f32 v11, v6;
	v10 =	vld [tilespmem:s10+$0xFFFFFFA0]  }
0x1a3: {  	[tilespmem:s10+$0xFFFFFF40] =	vst v5;
	v5 =	vmul.f32 v12, v6;
	v11 =	vld [tilespmem:s10+$0xFFFFFFB0]  }
0x1a4: {  	[tilespmem:s10+$0xFFFFFF50] =	vst v3;
	v3 =	vmul.f32 v7, v6;
	v6 =	vld [tilespmem:s10+$0xFFFFFFC0]  }
0x1a5: {  	[tilespmem:s10+$0xFFFFFF60] =	vst v5;
	v5 =	vmul.f32 v8, v4;
	v7 =	vld [tilespmem:s10+$0xFFFFFFD0]  }
0x1a6: {  	[tilespmem:s10+$0xFFFFFF70] =	vst v3;
	v3 =	vmul.f32 v9, v4;
	v8 =	vld [tilespmem:s10+$0xFFFFFFE0]  }
0x1a7: {  	[tilespmem:s10+$0xFFFFFF80] =	vst v5;
	v5 =	vmul.f32 v10, v4;
	v9 =	vld [tilespmem:s10+$0xFFFFFFF0]  }
0x1a8: {  	[tilespmem:s10+$0xFFFFFF90] =	vst v3;
	v3 =	vmul.f32 v11, v4;
	v10 =	vld [tilespmem:s10+$0x0]  }
0x1a9: {  	[tilespmem:s10+$0xFFFFFFA0] =	vst v5;
	v5 =	vmul.f32 v6, v4;
	v6 =	vld [tilespmem:s10+$0x10]  }
0x1aa: {  	[tilespmem:s10+$0xFFFFFFB0] =	vst v3;
	v3 =	vmul.f32 v7, v4;
	v7 =	vld [tilespmem:s10+$0x20]  }
0x1ab: {  	[tilespmem:s10+$0xFFFFFFC0] =	vst v5;
	v5 =	vmul.f32 v8, v4;
	v11 =	vld [tilespmem:s10+$0x30]  }
0x1ac: {  	[tilespmem:s10+$0xFFFFFFD0] =	vst v3;
	v3 =	vmul.f32 v9, v4;
	v9 =	vld [tilespmem:s10+$0x40]  }
.Ltmp1:
0x1ad: {  	[tilespmem:s10+$0xFFFFFFE0] =	vst v5;
	v5 =	vmul.f32 v10, v2;
	v4 =	vld [tilespmem:s10+$0x50];
	(pc) =	sbr.rel @p1 .LBB2_4-.Ltmp1, $4  }
0x1ae: {  	[tilespmem:s10+$0xFFFFFFF0] =	vst v3;
	v6 =	vmul.f32 v6, v2;
	v3 =	vld [tilespmem:s10+$0x60]  }
0x1af: {  	s1 =	sadd.s32 $0x3, s19;
	v10 =	vmov s19;
	[tilespmem:s10+$0x0] =	vst v5;
	v13 =	vmul.f32 v7, v2;
	v8 =	vld [tilespmem:s10+$0x80]  }
0x1b0: {  	s2 =	sadd.s32 $0x1, s19;
	v12 =	vand.u32 $0xFFFFFFFC, v10;
	v5 =	vmov s1;
	[tilespmem:s10+$0x10] =	vst v6;
	v10 =	vmul.f32 v11, v2;
	v7 =	vld [tilespmem:s10+$0x90]  }
0x1b1: {  	v6 =	vbroadcast v12, $0x0;
	v12 =	vmov s2;
	s2 =	sadd.s32 $0x2, s19;
	s19 =	sadd.s32 $0x4, s19;
	[tilespmem:s10+$0x20] =	vst v13;
	v11 =	vmul.f32 v9, v2;
	v9 =	vld [tilespmem:s10+$0xA0]  }
0x1b2: {  	v13 =	vld [tilespmem:s10+$0xB0]  }
0x1b3: {  	v15 =	vld [tilespmem:s10+$0xC0]  }
0x1b4: {  	v14 =	vmov s2;
	v16 =	vld [tilespmem:s10+$0xD0]  }
0x1b5: {  	v17 =	vld [tilespmem:s10+$0xE0];
	[tilespmem:s10+$0x30] =	vst v10;
	v4 =	vmul.f32 v4, v2;
	v14 =	vand.u32 $0xFFFFFFFE, v14  }
0x1b6: {  	v12 =	vand.u32 $0xFFFFFFFD, v12;
	v5 =	vld.idx.msk [tilespmem:v5+s23+$0x0], $0xffff;
	[tilespmem:s10+$0x40] =	vst v11;
	v2 =	vmul.f32 v3, v2;
	v14 =	vbroadcast v14, $0x0  }
0x1b7: {  	s3 =	sadd.s32 $0x200, s10;
	v12 =	vbroadcast v12, $0x0;
	v3 =	vld.idx.msk [tilespmem:v6+s23+$0x0], $0xffff;
	v8 =	vmul.f32 v8, v1;
	[tilespmem:s10+$0x50] =	vst v4  }
0x1b8: {  	v10 =	vld [tilespmem:s3+$0xFFFFFF00];
	v4 =	vmul.f32 v7, v1;
	[tilespmem:s10+$0x60] =	vst v2  }
0x1b9: {  	[tilespmem:s10+$0x80] =	vst v8;
	v8 =	vld [tilespmem:s10+$0xF0];
	v2 =	vmul.f32 v9, v1  }
0x1ba: {  	v11 =	vld [tilespmem:s3+$0xFFFFFF10];
	[tilespmem:s10+$0x90] =	vst v4;
	v4 =	vmul.f32 v13, v1  }
0x1bb: {  	v9 =	vld [tilespmem:s3+$0x70];
	[tilespmem:s10+$0xA0] =	vst v2;
	v2 =	vmul.f32 v15, v1  }
0x1bc: {  	[tilespmem:s10+$0xB0] =	vst v4;
	v4 =	vmul.f32 v16, v1;
	v7 =	vld.idx.msk [tilespmem:v14+s23+$0x0], $0xffff  }
0x1bd: {  	v6 =	vld.idx.msk [tilespmem:v12+s23+$0x0], $0xffff;
	[tilespmem:s16+$0xC0] =	vst v2;
	v2 =	vmul.f32 v17, v1  }
0x1be: {  	v12 =	vld [tilespmem:s3+$0xFFFFFF20];
	[tilespmem:s16+$0xD0] =	vst v4;
	v1 =	vmul.f32 v8, v1  }
0x1bf: {  	v4 =	vld [tilespmem:s3+$0xFFFFFF30];
	[tilespmem:s16+$0xE0] =	vst v2  }
0x1c0: {  	v2 =	vld [tilespmem:s3+$0xFFFFFF40];
	[tilespmem:s16+$0xF0] =	vst v1;
	v1 =	vmul.f32 v10, v3  }
0x1c1: {  	v8 =	vmul.f32 v9, v7;
	v9 =	vld [tilespmem:s3+$0xFFFFFF50]  }
0x1c2: {  	v10 =	vmul.f32 v11, v3;
	v11 =	vld [tilespmem:s3+$0xFFFFFF60];
	[tilespmem:s3+$0xFFFFFF00] =	vst v1  }
0x1c3: {  	v1 =	vmul.f32 v12, v3;
	[tilespmem:s3+$0x70] =	vst v8;
	v8 =	vld [tilespmem:s3+$0xFFFFFF70]  }
0x1c4: {  	[tilespmem:s3+$0xFFFFFF10] =	vst v10;
	v10 =	vld [tilespmem:s3+$0xFFFFFF80];
	v4 =	vmul.f32 v4, v3  }
0x1c5: {  	[tilespmem:s3+$0xFFFFFF20] =	vst v1;
	v1 =	vmul.f32 v2, v3;
	v2 =	vld [tilespmem:s3+$0xFFFFFF90]  }
0x1c6: {  	[tilespmem:s3+$0xFFFFFF30] =	vst v4;
	v4 =	vmul.f32 v9, v3;
	v9 =	vld [tilespmem:s3+$0xFFFFFFA0]  }
0x1c7: {  	[tilespmem:s3+$0xFFFFFF40] =	vst v1;
	v1 =	vmul.f32 v11, v3;
	v11 =	vld [tilespmem:s3+$0xFFFFFFB0]  }
0x1c8: {  	[tilespmem:s3+$0xFFFFFF50] =	vst v4;
	v3 =	vmul.f32 v8, v3;
	v4 =	vld [tilespmem:s3+$0xFFFFFFC0]  }
0x1c9: {  	[tilespmem:s3+$0xFFFFFF60] =	vst v1;
	v1 =	vmul.f32 v10, v6;
	v8 =	vld [tilespmem:s3+$0xFFFFFFD0]  }
0x1ca: {  	v2 =	vmul.f32 v2, v6;
	[tilespmem:s3+$0xFFFFFF70] =	vst v3;
	v3 =	vld [tilespmem:s3+$0xFFFFFFE0]  }
0x1cb: {  	[tilespmem:s3+$0xFFFFFF80] =	vst v1;
	v1 =	vmul.f32 v9, v6;
	v9 =	vld [tilespmem:s3+$0xFFFFFFF0]  }
0x1cc: {  	v10 =	vld [tilespmem:s3+$0x0];
	[tilespmem:s3+$0xFFFFFF90] =	vst v2;
	v2 =	vmul.f32 v11, v6  }
0x1cd: {  	[tilespmem:s3+$0xFFFFFFA0] =	vst v1;
	v1 =	vmul.f32 v4, v6;
	v4 =	vld [tilespmem:s3+$0x10]  }
0x1ce: {  	[tilespmem:s3+$0xFFFFFFB0] =	vst v2;
	v2 =	vmul.f32 v8, v6;
	v8 =	vld [tilespmem:s3+$0x20]  }
0x1cf: {  	[tilespmem:s3+$0xFFFFFFC0] =	vst v1;
	v1 =	vmul.f32 v3, v6;
	v3 =	vld [tilespmem:s3+$0x30]  }
0x1d0: {  	[tilespmem:s3+$0xFFFFFFD0] =	vst v2;
	v2 =	vmul.f32 v9, v6;
	v6 =	vld [tilespmem:s3+$0x40]  }
0x1d1: {  	v9 =	vld [tilespmem:s3+$0x50];
	[tilespmem:s3+$0xFFFFFFE0] =	vst v1;
	v1 =	vmul.f32 v10, v7  }
0x1d2: {  	[tilespmem:s3+$0xFFFFFFF0] =	vst v2;
	v2 =	vmul.f32 v4, v7;
	v4 =	vld [tilespmem:s3+$0x60]  }
0x1d3: {  	[tilespmem:s3+$0x0] =	vst v1;
	v1 =	vmul.f32 v8, v7;
	v8 =	vld [tilespmem:s3+$0x80]  }
0x1d4: {  	[tilespmem:s3+$0x10] =	vst v2;
	v2 =	vmul.f32 v3, v7;
	v3 =	vld [tilespmem:s3+$0x90]  }
0x1d5: {  	[tilespmem:s3+$0x20] =	vst v1;
	v1 =	vmul.f32 v6, v7;
	v6 =	vld [tilespmem:s3+$0xA0]  }
0x1d6: {  	[tilespmem:s3+$0x30] =	vst v2;
	v2 =	vmul.f32 v9, v7;
	v9 =	vld [tilespmem:s3+$0xB0]  }
0x1d7: {  	[tilespmem:s3+$0x40] =	vst v1;
	v1 =	vmul.f32 v4, v7;
	v4 =	vld [tilespmem:s3+$0xC0]  }
0x1d8: {  	v7 =	vld [tilespmem:s3+$0xD0];
	[tilespmem:s3+$0x50] =	vst v2;
	v2 =	vmul.f32 v8, v5  }
0x1d9: {  	[tilespmem:s3+$0x60] =	vst v1;
	v1 =	vmul.f32 v3, v5;
	v3 =	vld [tilespmem:s3+$0xE0]  }
0x1da: {  	[tilespmem:s3+$0x80] =	vst v2;
	v2 =	vmul.f32 v6, v5;
	v6 =	vld [tilespmem:s3+$0xF0]  }
0x1db: {  	[tilespmem:s3+$0x90] =	vst v1;
	v1 =	vmul.f32 v9, v5  }
0x1dc: {  	[tilespmem:s3+$0xA0] =	vst v2;
	v2 =	vmul.f32 v4, v5  }
0x1dd: {  	[tilespmem:s3+$0xB0] =	vst v1;
	v1 =	vmul.f32 v7, v5  }
0x1de: {  	[tilespmem:s3+$0xC0] =	vst v2;
	v2 =	vmul.f32 v3, v5  }
0x1df: {  	[tilespmem:s3+$0xD0] =	vst v1;
	v1 =	vmul.f32 v6, v5  }
0x1e0: {  	[tilespmem:s3+$0xE0] =	vst v2  }
0x1e1: {  	s1 =	simm.s32 $0x9380;
	[tilespmem:s3+$0xF0] =	vst v1  }
0x1e2: {  	[spmem:s9] =	stream.indirect.scatter.add.f32 [tilespmem:s25], [sflag:$0x7], $0x80, s1, s30, $0xb8;
	v63 =	vld [tilespmem:$0x0]  }
0x1e3: {  	s2 =	simm.s32 $0x0;
	s19 =	rddreg [dreg:$0xf]  }
0x1e4: {  	[hbm4b:s19+s2] =	stream.linear.scatter [tilespmem:s23], [sflag:$0x8], $0x30, $0x38;
	v63 =	vld [tilespmem:$0x0]  }
0x1e5: {  	v1 =	vld [tilespmem:$0xAC00]  }
0x1e6: {  	v2 =	vld [tilespmem:$0xAC80];
	_ =	sdelay $0x5  }
0x1e7: {  	v3 =	vld [tilespmem:$0xAD00]  }
0x1e8: {  	v4 =	vld.idx.msk [tilespmem:v1+s2+$0x0], $0xffff  }
0x1e9: {  	v2 =	vld.idx.msk [tilespmem:v2+s15+$0x0], $0xffff;
	_ =	sdelay $0x4  }
0x1ea: {  	v3 =	vmul.f32 v3, v0;
	v2 =	vadd.f32 v2, v4;
	_ =	sdelay $0x1  }
0x1eb: {  	v2 =	vadd.f32 v2, v3;
	_ =	sdelay $0x1  }
0x1ec: {  	v3 =	vmul.f32 $2.000000030e-01, v2  }
0x1ed: {  	vm0 =	vge.f32 v2, $0.0e+00  }
0x1ee: {  	v2 =	vsel vm0, v2, v3  }
0x1ef: {  	v2 =	vsub.f32 $0.0e+00, v2;
	_ =	sdelay $0x1  }
0x1f0: {  	v2 =	vmul.f32 $1.442695020e+00, v2;
	_ =	sdelay $0x1  }
0x1f1: {  	(erf) = vpow2.f32 v2;
	_ =	sdelay $0x8  }
0x1f2: {  	v2 =	vpop (erf)  }
0x1f3: {  	[tilespmem:$0xAD80] =	vst v2  }
0x1f4: {  	[tilespmem:v1+s13+$0x0] =	vst.idx.add.f32.msk $0xffff, v2  }
0x1f5: {  	v2 =	vld [tilespmem:$0xAC10]  }
0x1f6: {  	v3 =	vld [tilespmem:$0xAC90];
	_ =	sdelay $0x5  }
0x1f7: {  	[tilespmem:$0xAE00] =	vst v1;
	v1 =	vld [tilespmem:$0xAD10]  }
0x1f8: {  	v4 =	vld.idx.msk [tilespmem:v2+s2+$0x0], $0xffff  }
0x1f9: {  	v3 =	vld.idx.msk [tilespmem:v3+s15+$0x0], $0xffff;
	_ =	sdelay $0x4  }
0x1fa: {  	v1 =	vmul.f32 v1, v0;
	v3 =	vadd.f32 v3, v4;
	_ =	sdelay $0x1  }
0x1fb: {  	v1 =	vadd.f32 v3, v1;
	_ =	sdelay $0x1  }
0x1fc: {  	v3 =	vmul.f32 $2.000000030e-01, v1  }
0x1fd: {  	vm14 =	vge.f32 v1, $0.0e+00  }
0x1fe: {  	v1 =	vsel vm14, v1, v3  }
0x1ff: {  	v1 =	vsub.f32 $0.0e+00, v1;
	_ =	sdelay $0x1  }
0x200: {  	v1 =	vmul.f32 $1.442695020e+00, v1;
	_ =	sdelay $0x1  }
0x201: {  	(erf) = vpow2.f32 v1;
	_ =	sdelay $0x8  }
0x202: {  	v1 =	vpop (erf)  }
0x203: {  	[tilespmem:$0xAD90] =	vst v1  }
0x204: {  	[tilespmem:v2+s13+$0x0] =	vst.idx.add.f32.msk $0xffff, v1  }
0x205: {  	v1 =	vld [tilespmem:$0xAC20]  }
0x206: {  	v3 =	vld [tilespmem:$0xACA0];
	_ =	sdelay $0x5  }
0x207: {  	[tilespmem:$0xAE10] =	vst v2;
	v2 =	vld [tilespmem:$0xAD20]  }
0x208: {  	v4 =	vld.idx.msk [tilespmem:v1+s2+$0x0], $0xffff  }
0x209: {  	v3 =	vld.idx.msk [tilespmem:v3+s15+$0x0], $0xffff;
	_ =	sdelay $0x4  }
0x20a: {  	v2 =	vmul.f32 v2, v0;
	v3 =	vadd.f32 v3, v4;
	_ =	sdelay $0x1  }
0x20b: {  	v2 =	vadd.f32 v3, v2;
	_ =	sdelay $0x1  }
0x20c: {  	v3 =	vmul.f32 $2.000000030e-01, v2  }
0x20d: {  	vm15 =	vge.f32 v2, $0.0e+00  }
0x20e: {  	v2 =	vsel vm15, v2, v3  }
0x20f: {  	v2 =	vsub.f32 $0.0e+00, v2;
	_ =	sdelay $0x1  }
0x210: {  	v2 =	vmul.f32 $1.442695020e+00, v2;
	_ =	sdelay $0x1  }
0x211: {  	(erf) = vpow2.f32 v2;
	_ =	sdelay $0x8  }
0x212: {  	v2 =	vpop (erf)  }
0x213: {  	[tilespmem:$0xADA0] =	vst v2  }
0x214: {  	[tilespmem:v1+s13+$0x0] =	vst.idx.add.f32.msk $0xffff, v2  }
0x215: {  	[tilespmem:$0xAE20] =	vst v1  }
0x216: {  	_ =	swait.ge [sflag:s26], $0x1800  }
0x217: {  	[sflag:s26] =	ssyncset.done $0x0  }
0x218: {  	[sflag:s26] =	ssyncadd.s32 $0xFFFFE800  }
0x219: {  	_ =	swait.ge [sflag:s28], $0x30  }
0x21a: {  	[sflag:s28] =	ssyncset.done $0x0  }
0x21b: {  	[sflag:s28] =	ssyncadd.s32 $0xFFFFFFD0  }
0x21c: {  	_ =	swait.ge [sflag:s28], $0x30  }
0x21d: {  	[sflag:s28] =	ssyncset.done $0x0  }
0x21e: {  	[sflag:s28] =	ssyncadd.s32 $0xFFFFFFD0  }
0x21f: {  	_ =	swait.ge [sflag:s28], $0x30  }
0x220: {  	[sflag:s28] =	ssyncset.done $0x0  }
0x221: {  	[sflag:s28] =	ssyncadd.s32 $0xFFFFFFD0  }
0x222: {  	s10 =	simm.s32 $0xA;
	s3 =	simm.s32 $0x7980;
	s20 =	rddreg [dreg:$0x0]  }
0x223: {  	[tilespmem:s3], [sflag:$0x2] =	stream.indirect.gather [hbm4b:s20+s30], $0x80, s31, s30, $0xb8;
	v63 =	vld [tilespmem:$0x0]  }
0x224: {  	_ =	swait.ge [sflag:s10], $0x1800  }
0x225: {  	s16 =	simm.s32 $0x2;
	v1 =	vmov s2;
	s19 =	sld [smem:$0x7E9]  }
0x226: {  	v2 =	vmov s16;
	v1 =	vand.u32 $0xFFFFFFFC, v1;
	[sflag:s10] =	ssyncset.done $0x0  }
0x227: {  	v2 =	vand.u32 $0xFFFFFFFE, v2;
	v1 =	vbroadcast v1, $0x0;
	s20 =	simm.s32 $0x9180;
	[sflag:s10] =	ssyncadd.s32 $0xFFFFE800;
	s10 =	sld [smem:$0x7EA]  }
0x228: {  	v2 =	vbroadcast v2, $0x0;
	[tilespmem:s20], [sflag:$0x5] =	stream.linear.gather [hbm4b:s19+s2], $0x30, $0x38;
	v63 =	vld [tilespmem:$0x0]  }
0x229: {  	s16 =	simm.s32 $0x9200;
	s19 =	sld [smem:$0x7EB]  }
0x22a: {  	[tilespmem:s16], [sflag:$0x5] =	stream.linear.gather [hbm4b:s10+s2], $0x30, $0x38;
	v63 =	vld [tilespmem:$0x0]  }
0x22b: {  	s20 =	simm.s32 $0x9280  }
0x22c: {  	[tilespmem:s20], [sflag:$0x5] =	stream.linear.gather [hbm4b:s19+s2], $0x30, $0x38;
	v63 =	vld [tilespmem:$0x0]  }
0x22d: {  	v1 =	vld.idx.msk [tilespmem:v1+s11+$0x0], $0xffff  }
0x22e: {  	s10 =	simm.s32 $0xAF80;
	v2 =	vld.idx.msk [tilespmem:v2+s11+$0x0], $0xffff  }
0x22f: {  	v4 =	vld [tilespmem:s10+$0x70]  }
0x230: {  	v5 =	vld [tilespmem:s10+$0xFFFFFF00]  }
0x231: {  	s2 =	simm.s32 $0x1;
	v6 =	vld [tilespmem:s10+$0xFFFFFF10]  }
0x232: {  	v3 =	vmov s2;
	v7 =	vld [tilespmem:s10+$0xFFFFFF20]  }
0x233: {  	v8 =	vld [tilespmem:s10+$0xFFFFFF30];
	v3 =	vand.u32 $0xFFFFFFFD, v3  }
0x234: {  	v9 =	vld [tilespmem:s10+$0xFFFFFF40];
	v3 =	vbroadcast v3, $0x0  }
0x235: {  	v10 =	vld [tilespmem:s10+$0xFFFFFF50]  }
0x236: {  	v11 =	vld [tilespmem:s10+$0xFFFFFF60];
	v5 =	vmul.f32 v5, v1  }
0x237: {  	v13 =	vld [tilespmem:s10+$0x40];
	v4 =	vmul.f32 v4, v2  }
0x238: {  	[tilespmem:s10+$0xFFFFFF00] =	vst v5;
	v5 =	vmul.f32 v6, v1;
	v6 =	vld [tilespmem:s10+$0xFFFFFF70]  }
0x239: {  	[tilespmem:s10+$0x70] =	vst v4;
	v4 =	vmul.f32 v7, v1;
	v7 =	vld [tilespmem:s10+$0xFFFFFF80]  }
0x23a: {  	v3 =	vld.idx.msk [tilespmem:v3+s11+$0x0], $0xffff;
	[tilespmem:s10+$0xFFFFFF10] =	vst v5;
	v5 =	vmul.f32 v8, v1  }
0x23b: {  	v8 =	vld [tilespmem:s10+$0xFFFFFF90];
	[tilespmem:s10+$0xFFFFFF20] =	vst v4;
	v4 =	vmul.f32 v9, v1  }
0x23c: {  	v9 =	vld [tilespmem:s10+$0xFFFFFFA0];
	[tilespmem:s10+$0xFFFFFF30] =	vst v5;
	v5 =	vmul.f32 v10, v1  }
0x23d: {  	v10 =	vld [tilespmem:s10+$0xFFFFFFB0];
	[tilespmem:s10+$0xFFFFFF40] =	vst v4;
	v4 =	vmul.f32 v11, v1  }
0x23e: {  	v11 =	vld [tilespmem:s10+$0xFFFFFFC0];
	v6 =	vmul.f32 v6, v1;
	[tilespmem:s10+$0xFFFFFF50] =	vst v5  }
0x23f: {  	v5 =	vmul.f32 v7, v3;
	v7 =	vld [tilespmem:s10+$0xFFFFFFD0];
	[tilespmem:s10+$0xFFFFFF60] =	vst v4  }
0x240: {  	s3 =	simm.s32 $0x3;
	v4 =	vld [tilespmem:s10+$0xFFFFFFE0];
	v8 =	vmul.f32 v8, v3;
	[tilespmem:s10+$0xFFFFFF70] =	vst v6  }
0x241: {  	v12 =	vmov s3;
	v6 =	vld [tilespmem:s10+$0xFFFFFFF0];
	[tilespmem:s10+$0xFFFFFF80] =	vst v5;
	v5 =	vmul.f32 v9, v3  }
0x242: {  	v9 =	vld [tilespmem:s10+$0x0];
	[tilespmem:s10+$0xFFFFFF90] =	vst v8;
	v8 =	vmul.f32 v10, v3  }
0x243: {  	v10 =	vld [tilespmem:s10+$0x10];
	[tilespmem:s10+$0xFFFFFFA0] =	vst v5;
	v5 =	vmul.f32 v11, v3  }
0x244: {  	[tilespmem:s10+$0xFFFFFFB0] =	vst v8;
	v7 =	vmul.f32 v7, v3;
	v8 =	vld [tilespmem:s10+$0x20]  }
0x245: {  	v11 =	vld [tilespmem:s10+$0x30];
	v4 =	vmul.f32 v4, v3;
	[tilespmem:s10+$0xFFFFFFC0] =	vst v5  }
0x246: {  	v1 =	vld.idx.msk [tilespmem:v12+s11+$0x0], $0xffff;
	v3 =	vmul.f32 v6, v3;
	[tilespmem:s10+$0xFFFFFFD0] =	vst v7  }
0x247: {  	[tilespmem:s10+$0xFFFFFFE0] =	vst v4;
	v5 =	vmul.f32 v9, v2;
	v4 =	vld [tilespmem:s10+$0x50]  }
0x248: {  	s16 =	simm.s32 $0x4;
	[tilespmem:s10+$0xFFFFFFF0] =	vst v3;
	v6 =	vmul.f32 v10, v2;
	v3 =	vld [tilespmem:s10+$0x60]  }
0x249: {  	s19 =	simm.s32 $0x7;
	v7 =	vmov s16;
	[tilespmem:s10+$0x0] =	vst v5;
	v9 =	vmul.f32 v8, v2;
	v8 =	vld [tilespmem:s10+$0x80]  }
0x24a: {  	s20 =	simm.s32 $0x5;
	v12 =	vand.u32 $0xFFFFFFFC, v7;
	v7 =	vld [tilespmem:s10+$0x90];
	v5 =	vmov s19;
	v10 =	vmul.f32 v11, v2;
	[tilespmem:s10+$0x10] =	vst v6  }
0x24b: {  	s2 =	simm.s32 $0x6;
	s16 =	simm.s32 $0xAF80;
	s19 =	simm.s32 $0x8;
	v11 =	vmul.f32 v13, v2;
	v6 =	vbroadcast v12, $0x0;
	v12 =	vmov s20;
	[tilespmem:s10+$0x20] =	vst v9;
	v9 =	vld [tilespmem:s10+$0xA0]  }
.LBB2_6:
0x24c: {  	p1 =	slt.u32 s19, $0x2C;
	v12 =	vand.u32 $0xFFFFFFFD, v12;
	v13 =	vmov s2;
	[tilespmem:s10+$0x30] =	vst v10;
	v4 =	vmul.f32 v4, v2;
	v10 =	vld [tilespmem:s10+$0xB0]  }
0x24d: {  	v12 =	vbroadcast v12, $0x0;
	v13 =	vand.u32 $0xFFFFFFFE, v13;
	[tilespmem:s10+$0x40] =	vst v11;
	v2 =	vmul.f32 v3, v2;
	v3 =	vld [tilespmem:s10+$0xC0]  }
0x24e: {  	v11 =	vbroadcast v13, $0x0;
	[tilespmem:s10+$0x50] =	vst v4;
	v4 =	vmul.f32 v8, v1;
	v8 =	vld [tilespmem:s10+$0xD0]  }
0x24f: {  	[tilespmem:s10+$0x60] =	vst v2;
	v2 =	vmul.f32 v7, v1;
	v7 =	vld [tilespmem:s10+$0xE0]  }
0x250: {  	[tilespmem:s10+$0x80] =	vst v4;
	v4 =	vmul.f32 v9, v1;
	v9 =	vld [tilespmem:s10+$0xF0]  }
0x251: {  	v5 =	vld.idx.msk [tilespmem:v5+s11+$0x0], $0xffff;
	[tilespmem:s10+$0x90] =	vst v2;
	v2 =	vmul.f32 v10, v1  }
0x252: {  	v6 =	vld.idx.msk [tilespmem:v6+s11+$0x0], $0xffff;
	[tilespmem:s10+$0xA0] =	vst v4;
	v3 =	vmul.f32 v3, v1  }
0x253: {  	v4 =	vld.idx.msk [tilespmem:v12+s11+$0x0], $0xffff;
	[tilespmem:s10+$0xB0] =	vst v2;
	v8 =	vmul.f32 v8, v1  }
0x254: {  	s10 =	sadd.s32 $0x200, s10;
	v2 =	vld.idx.msk [tilespmem:v11+s11+$0x0], $0xffff;
	[tilespmem:s16+$0xC0] =	vst v3;
	v3 =	vmul.f32 v7, v1  }
0x255: {  	v7 =	vld [tilespmem:s10+$0x70];
	[tilespmem:s16+$0xD0] =	vst v8;
	v9 =	vmul.f32 v9, v1  }
0x256: {  	v8 =	vld [tilespmem:s10+$0xFFFFFF00];
	[tilespmem:s16+$0xE0] =	vst v3  }
0x257: {  	v1 =	vmov v5;
	v3 =	vld [tilespmem:s10+$0xFFFFFF10];
	[tilespmem:s16+$0xF0] =	vst v9;
	s16 =	smov.u32 s10  }
0x258: {  	v5 =	vld [tilespmem:s10+$0xFFFFFF20]  }
0x259: {  	v9 =	vld [tilespmem:s10+$0xFFFFFF30]  }
0x25a: {  	v10 =	vld [tilespmem:s10+$0xFFFFFF40];
	v7 =	vmul.f32 v7, v2  }
0x25b: {  	v8 =	vmul.f32 v8, v6;
	v11 =	vld [tilespmem:s10+$0xFFFFFF50]  }
0x25c: {  	v3 =	vmul.f32 v3, v6;
	v12 =	vld [tilespmem:s10+$0xFFFFFF60];
	[tilespmem:s10+$0x70] =	vst v7  }
0x25d: {  	[tilespmem:s10+$0xFFFFFF00] =	vst v8;
	v5 =	vmul.f32 v5, v6;
	v7 =	vld [tilespmem:s10+$0xFFFFFF70]  }
0x25e: {  	[tilespmem:s10+$0xFFFFFF10] =	vst v3;
	v3 =	vmul.f32 v9, v6;
	v8 =	vld [tilespmem:s10+$0xFFFFFF80]  }
0x25f: {  	[tilespmem:s10+$0xFFFFFF20] =	vst v5;
	v5 =	vmul.f32 v10, v6;
	v9 =	vld [tilespmem:s10+$0xFFFFFF90]  }
0x260: {  	[tilespmem:s10+$0xFFFFFF30] =	vst v3;
	v3 =	vmul.f32 v11, v6;
	v10 =	vld [tilespmem:s10+$0xFFFFFFA0]  }
0x261: {  	[tilespmem:s10+$0xFFFFFF40] =	vst v5;
	v5 =	vmul.f32 v12, v6;
	v11 =	vld [tilespmem:s10+$0xFFFFFFB0]  }
0x262: {  	[tilespmem:s10+$0xFFFFFF50] =	vst v3;
	v3 =	vmul.f32 v7, v6;
	v6 =	vld [tilespmem:s10+$0xFFFFFFC0]  }
0x263: {  	[tilespmem:s10+$0xFFFFFF60] =	vst v5;
	v5 =	vmul.f32 v8, v4;
	v7 =	vld [tilespmem:s10+$0xFFFFFFD0]  }
0x264: {  	[tilespmem:s10+$0xFFFFFF70] =	vst v3;
	v3 =	vmul.f32 v9, v4;
	v8 =	vld [tilespmem:s10+$0xFFFFFFE0]  }
0x265: {  	[tilespmem:s10+$0xFFFFFF80] =	vst v5;
	v5 =	vmul.f32 v10, v4;
	v9 =	vld [tilespmem:s10+$0xFFFFFFF0]  }
0x266: {  	[tilespmem:s10+$0xFFFFFF90] =	vst v3;
	v3 =	vmul.f32 v11, v4;
	v10 =	vld [tilespmem:s10+$0x0]  }
0x267: {  	[tilespmem:s10+$0xFFFFFFA0] =	vst v5;
	v5 =	vmul.f32 v6, v4;
	v6 =	vld [tilespmem:s10+$0x10]  }
0x268: {  	[tilespmem:s10+$0xFFFFFFB0] =	vst v3;
	v3 =	vmul.f32 v7, v4;
	v7 =	vld [tilespmem:s10+$0x20]  }
0x269: {  	[tilespmem:s10+$0xFFFFFFC0] =	vst v5;
	v5 =	vmul.f32 v8, v4;
	v11 =	vld [tilespmem:s10+$0x30]  }
0x26a: {  	[tilespmem:s10+$0xFFFFFFD0] =	vst v3;
	v3 =	vmul.f32 v9, v4;
	v9 =	vld [tilespmem:s10+$0x40]  }
.Ltmp2:
0x26b: {  	[tilespmem:s10+$0xFFFFFFE0] =	vst v5;
	v5 =	vmul.f32 v10, v2;
	v4 =	vld [tilespmem:s10+$0x50];
	(pc) =	sbr.rel @p1 .LBB2_6-.Ltmp2, $4  }
0x26c: {  	[tilespmem:s10+$0xFFFFFFF0] =	vst v3;
	v6 =	vmul.f32 v6, v2;
	v3 =	vld [tilespmem:s10+$0x60]  }
0x26d: {  	s1 =	sadd.s32 $0x3, s19;
	v10 =	vmov s19;
	[tilespmem:s10+$0x0] =	vst v5;
	v13 =	vmul.f32 v7, v2;
	v8 =	vld [tilespmem:s10+$0x80]  }
0x26e: {  	s2 =	sadd.s32 $0x1, s19;
	v12 =	vand.u32 $0xFFFFFFFC, v10;
	v5 =	vmov s1;
	[tilespmem:s10+$0x10] =	vst v6;
	v10 =	vmul.f32 v11, v2;
	v7 =	vld [tilespmem:s10+$0x90]  }
0x26f: {  	v6 =	vbroadcast v12, $0x0;
	v12 =	vmov s2;
	s2 =	sadd.s32 $0x2, s19;
	s19 =	sadd.s32 $0x4, s19;
	[tilespmem:s10+$0x20] =	vst v13;
	v11 =	vmul.f32 v9, v2;
	v9 =	vld [tilespmem:s10+$0xA0]  }
0x270: {  	v13 =	vld [tilespmem:s10+$0xB0]  }
0x271: {  	v15 =	vld [tilespmem:s10+$0xC0]  }
0x272: {  	v14 =	vmov s2;
	v16 =	vld [tilespmem:s10+$0xD0]  }
0x273: {  	v17 =	vld [tilespmem:s10+$0xE0];
	[tilespmem:s10+$0x30] =	vst v10;
	v4 =	vmul.f32 v4, v2;
	v14 =	vand.u32 $0xFFFFFFFE, v14  }
0x274: {  	v12 =	vand.u32 $0xFFFFFFFD, v12;
	v5 =	vld.idx.msk [tilespmem:v5+s11+$0x0], $0xffff;
	[tilespmem:s10+$0x40] =	vst v11;
	v2 =	vmul.f32 v3, v2;
	v14 =	vbroadcast v14, $0x0  }
0x275: {  	s3 =	sadd.s32 $0x200, s10;
	v12 =	vbroadcast v12, $0x0;
	v3 =	vld.idx.msk [tilespmem:v6+s11+$0x0], $0xffff;
	v8 =	vmul.f32 v8, v1;
	[tilespmem:s10+$0x50] =	vst v4  }
0x276: {  	v10 =	vld [tilespmem:s3+$0xFFFFFF00];
	v4 =	vmul.f32 v7, v1;
	[tilespmem:s10+$0x60] =	vst v2  }
0x277: {  	[tilespmem:s10+$0x80] =	vst v8;
	v8 =	vld [tilespmem:s10+$0xF0];
	v2 =	vmul.f32 v9, v1  }
0x278: {  	v11 =	vld [tilespmem:s3+$0xFFFFFF10];
	[tilespmem:s10+$0x90] =	vst v4;
	v4 =	vmul.f32 v13, v1  }
0x279: {  	v9 =	vld [tilespmem:s3+$0x70];
	[tilespmem:s10+$0xA0] =	vst v2;
	v2 =	vmul.f32 v15, v1  }
0x27a: {  	[tilespmem:s10+$0xB0] =	vst v4;
	v4 =	vmul.f32 v16, v1;
	v7 =	vld.idx.msk [tilespmem:v14+s11+$0x0], $0xffff  }
0x27b: {  	v6 =	vld.idx.msk [tilespmem:v12+s11+$0x0], $0xffff;
	[tilespmem:s16+$0xC0] =	vst v2;
	v2 =	vmul.f32 v17, v1  }
0x27c: {  	v12 =	vld [tilespmem:s3+$0xFFFFFF20];
	[tilespmem:s16+$0xD0] =	vst v4;
	v1 =	vmul.f32 v8, v1  }
0x27d: {  	v4 =	vld [tilespmem:s3+$0xFFFFFF30];
	[tilespmem:s16+$0xE0] =	vst v2  }
0x27e: {  	v2 =	vld [tilespmem:s3+$0xFFFFFF40];
	[tilespmem:s16+$0xF0] =	vst v1;
	v1 =	vmul.f32 v10, v3  }
0x27f: {  	v8 =	vmul.f32 v9, v7;
	v9 =	vld [tilespmem:s3+$0xFFFFFF50]  }
0x280: {  	v10 =	vmul.f32 v11, v3;
	v11 =	vld [tilespmem:s3+$0xFFFFFF60];
	[tilespmem:s3+$0xFFFFFF00] =	vst v1  }
0x281: {  	v1 =	vmul.f32 v12, v3;
	[tilespmem:s3+$0x70] =	vst v8;
	v8 =	vld [tilespmem:s3+$0xFFFFFF70]  }
0x282: {  	[tilespmem:s3+$0xFFFFFF10] =	vst v10;
	v10 =	vld [tilespmem:s3+$0xFFFFFF80];
	v4 =	vmul.f32 v4, v3  }
0x283: {  	[tilespmem:s3+$0xFFFFFF20] =	vst v1;
	v1 =	vmul.f32 v2, v3;
	v2 =	vld [tilespmem:s3+$0xFFFFFF90]  }
0x284: {  	[tilespmem:s3+$0xFFFFFF30] =	vst v4;
	v4 =	vmul.f32 v9, v3;
	v9 =	vld [tilespmem:s3+$0xFFFFFFA0]  }
0x285: {  	[tilespmem:s3+$0xFFFFFF40] =	vst v1;
	v1 =	vmul.f32 v11, v3;
	v11 =	vld [tilespmem:s3+$0xFFFFFFB0]  }
0x286: {  	[tilespmem:s3+$0xFFFFFF50] =	vst v4;
	v3 =	vmul.f32 v8, v3;
	v4 =	vld [tilespmem:s3+$0xFFFFFFC0]  }
0x287: {  	[tilespmem:s3+$0xFFFFFF60] =	vst v1;
	v1 =	vmul.f32 v10, v6;
	v8 =	vld [tilespmem:s3+$0xFFFFFFD0]  }
0x288: {  	v2 =	vmul.f32 v2, v6;
	[tilespmem:s3+$0xFFFFFF70] =	vst v3;
	v3 =	vld [tilespmem:s3+$0xFFFFFFE0]  }
0x289: {  	[tilespmem:s3+$0xFFFFFF80] =	vst v1;
	v1 =	vmul.f32 v9, v6;
	v9 =	vld [tilespmem:s3+$0xFFFFFFF0]  }
0x28a: {  	v10 =	vld [tilespmem:s3+$0x0];
	[tilespmem:s3+$0xFFFFFF90] =	vst v2;
	v2 =	vmul.f32 v11, v6  }
0x28b: {  	[tilespmem:s3+$0xFFFFFFA0] =	vst v1;
	v1 =	vmul.f32 v4, v6;
	v4 =	vld [tilespmem:s3+$0x10]  }
0x28c: {  	[tilespmem:s3+$0xFFFFFFB0] =	vst v2;
	v2 =	vmul.f32 v8, v6;
	v8 =	vld [tilespmem:s3+$0x20]  }
0x28d: {  	[tilespmem:s3+$0xFFFFFFC0] =	vst v1;
	v1 =	vmul.f32 v3, v6;
	v3 =	vld [tilespmem:s3+$0x30]  }
0x28e: {  	[tilespmem:s3+$0xFFFFFFD0] =	vst v2;
	v2 =	vmul.f32 v9, v6;
	v6 =	vld [tilespmem:s3+$0x40]  }
0x28f: {  	v9 =	vld [tilespmem:s3+$0x50];
	[tilespmem:s3+$0xFFFFFFE0] =	vst v1;
	v1 =	vmul.f32 v10, v7  }
0x290: {  	[tilespmem:s3+$0xFFFFFFF0] =	vst v2;
	v2 =	vmul.f32 v4, v7;
	v4 =	vld [tilespmem:s3+$0x60]  }
0x291: {  	[tilespmem:s3+$0x0] =	vst v1;
	v1 =	vmul.f32 v8, v7;
	v8 =	vld [tilespmem:s3+$0x80]  }
0x292: {  	[tilespmem:s3+$0x10] =	vst v2;
	v2 =	vmul.f32 v3, v7;
	v3 =	vld [tilespmem:s3+$0x90]  }
0x293: {  	[tilespmem:s3+$0x20] =	vst v1;
	v1 =	vmul.f32 v6, v7;
	v6 =	vld [tilespmem:s3+$0xA0]  }
0x294: {  	[tilespmem:s3+$0x30] =	vst v2;
	v2 =	vmul.f32 v9, v7;
	v9 =	vld [tilespmem:s3+$0xB0]  }
0x295: {  	[tilespmem:s3+$0x40] =	vst v1;
	v1 =	vmul.f32 v4, v7;
	v4 =	vld [tilespmem:s3+$0xC0]  }
0x296: {  	v7 =	vld [tilespmem:s3+$0xD0];
	[tilespmem:s3+$0x50] =	vst v2;
	v2 =	vmul.f32 v8, v5  }
0x297: {  	[tilespmem:s3+$0x60] =	vst v1;
	v1 =	vmul.f32 v3, v5;
	v3 =	vld [tilespmem:s3+$0xE0]  }
0x298: {  	[tilespmem:s3+$0x80] =	vst v2;
	v2 =	vmul.f32 v6, v5;
	v6 =	vld [tilespmem:s3+$0xF0]  }
0x299: {  	[tilespmem:s3+$0x90] =	vst v1;
	v1 =	vmul.f32 v9, v5  }
0x29a: {  	[tilespmem:s3+$0xA0] =	vst v2;
	v2 =	vmul.f32 v4, v5  }
0x29b: {  	[tilespmem:s3+$0xB0] =	vst v1;
	v1 =	vmul.f32 v7, v5  }
0x29c: {  	[tilespmem:s3+$0xC0] =	vst v2;
	v2 =	vmul.f32 v3, v5  }
0x29d: {  	[tilespmem:s3+$0xD0] =	vst v1;
	v1 =	vmul.f32 v6, v5  }
0x29e: {  	[tilespmem:s3+$0xE0] =	vst v2  }
0x29f: {  	s1 =	simm.s32 $0xAE80;
	s19 =	simm.s32 $0xAE00;
	[tilespmem:s3+$0xF0] =	vst v1  }
0x2a0: {  	[spmem:s9] =	stream.indirect.scatter.add.f32 [tilespmem:s1], [sflag:$0xB], $0x80, s19, s30, $0xb8;
	v63 =	vld [tilespmem:$0x0]  }
0x2a1: {  	s2 =	simm.s32 $0x0;
	s20 =	rddreg [dreg:$0x14]  }
0x2a2: {  	[hbm4b:s20+s2] =	stream.linear.scatter [tilespmem:s11], [sflag:$0xC], $0x30, $0x38;
	v63 =	vld [tilespmem:$0x0]  }
0x2a3: {  	_ =	swait.ge [sflag:s4], $0x30  }
0x2a4: {  	[sflag:s4] =	ssyncset.done $0x0  }
0x2a5: {  	[sflag:s4] =	ssyncadd.s32 $0xFFFFFFD0  }
0x2a6: {  	v1 =	vld [tilespmem:$0x7700]  }
0x2a7: {  	v2 =	vld [tilespmem:$0x7780];
	_ =	sdelay $0x5  }
0x2a8: {  	v3 =	vld [tilespmem:$0x7800]  }
0x2a9: {  	v4 =	vld.idx.msk [tilespmem:v1+s2+$0x0], $0xffff  }
0x2aa: {  	v2 =	vld.idx.msk [tilespmem:v2+s15+$0x0], $0xffff;
	_ =	sdelay $0x4  }
0x2ab: {  	v3 =	vmul.f32 v3, v0;
	v2 =	vadd.f32 v2, v4;
	_ =	sdelay $0x1  }
0x2ac: {  	v2 =	vadd.f32 v2, v3;
	_ =	sdelay $0x1  }
0x2ad: {  	v3 =	vmul.f32 $2.000000030e-01, v2  }
0x2ae: {  	vm0 =	vge.f32 v2, $0.0e+00  }
0x2af: {  	v2 =	vsel vm0, v2, v3  }
0x2b0: {  	v2 =	vsub.f32 $0.0e+00, v2;
	_ =	sdelay $0x1  }
0x2b1: {  	v2 =	vmul.f32 $1.442695020e+00, v2;
	_ =	sdelay $0x1  }
0x2b2: {  	(erf) = vpow2.f32 v2;
	_ =	sdelay $0x8  }
0x2b3: {  	v2 =	vpop (erf)  }
0x2b4: {  	[tilespmem:$0x7880] =	vst v2  }
0x2b5: {  	[tilespmem:v1+s13+$0x0] =	vst.idx.add.f32.msk $0xffff, v2  }
0x2b6: {  	v2 =	vld [tilespmem:$0x7710]  }
0x2b7: {  	v3 =	vld [tilespmem:$0x7790];
	_ =	sdelay $0x5  }
0x2b8: {  	[tilespmem:$0x7900] =	vst v1;
	v1 =	vld [tilespmem:$0x7810]  }
0x2b9: {  	v4 =	vld.idx.msk [tilespmem:v2+s2+$0x0], $0xffff  }
0x2ba: {  	v3 =	vld.idx.msk [tilespmem:v3+s15+$0x0], $0xffff;
	_ =	sdelay $0x4  }
0x2bb: {  	v1 =	vmul.f32 v1, v0;
	v3 =	vadd.f32 v3, v4;
	_ =	sdelay $0x1  }
0x2bc: {  	v1 =	vadd.f32 v3, v1;
	_ =	sdelay $0x1  }
0x2bd: {  	v3 =	vmul.f32 $2.000000030e-01, v1  }
0x2be: {  	vm14 =	vge.f32 v1, $0.0e+00  }
0x2bf: {  	v1 =	vsel vm14, v1, v3  }
0x2c0: {  	v1 =	vsub.f32 $0.0e+00, v1;
	_ =	sdelay $0x1  }
0x2c1: {  	v1 =	vmul.f32 $1.442695020e+00, v1;
	_ =	sdelay $0x1  }
0x2c2: {  	(erf) = vpow2.f32 v1;
	_ =	sdelay $0x8  }
0x2c3: {  	v1 =	vpop (erf)  }
0x2c4: {  	[tilespmem:$0x7890] =	vst v1  }
0x2c5: {  	[tilespmem:v2+s13+$0x0] =	vst.idx.add.f32.msk $0xffff, v1  }
0x2c6: {  	v1 =	vld [tilespmem:$0x7720]  }
0x2c7: {  	v3 =	vld [tilespmem:$0x77A0];
	_ =	sdelay $0x5  }
0x2c8: {  	[tilespmem:$0x7910] =	vst v2;
	v2 =	vld [tilespmem:$0x7820]  }
0x2c9: {  	v4 =	vld.idx.msk [tilespmem:v1+s2+$0x0], $0xffff  }
0x2ca: {  	v3 =	vld.idx.msk [tilespmem:v3+s15+$0x0], $0xffff;
	_ =	sdelay $0x4  }
0x2cb: {  	v2 =	vmul.f32 v2, v0;
	v3 =	vadd.f32 v3, v4;
	_ =	sdelay $0x1  }
0x2cc: {  	v2 =	vadd.f32 v3, v2;
	_ =	sdelay $0x1  }
0x2cd: {  	v3 =	vmul.f32 $2.000000030e-01, v2  }
0x2ce: {  	vm15 =	vge.f32 v2, $0.0e+00  }
0x2cf: {  	v2 =	vsel vm15, v2, v3  }
0x2d0: {  	v2 =	vsub.f32 $0.0e+00, v2;
	_ =	sdelay $0x1  }
0x2d1: {  	v2 =	vmul.f32 $1.442695020e+00, v2;
	_ =	sdelay $0x1  }
0x2d2: {  	(erf) = vpow2.f32 v2;
	_ =	sdelay $0x8  }
0x2d3: {  	v2 =	vpop (erf)  }
0x2d4: {  	[tilespmem:$0x78A0] =	vst v2  }
0x2d5: {  	[tilespmem:v1+s13+$0x0] =	vst.idx.add.f32.msk $0xffff, v2  }
0x2d6: {  	s3 =	simm.s32 $0x7;
	[tilespmem:$0x7920] =	vst v1  }
0x2d7: {  	_ =	swait.ge [sflag:s3], $0x1800  }
0x2d8: {  	[sflag:s3] =	ssyncset.done $0x0  }
0x2d9: {  	[sflag:s3] =	ssyncadd.s32 $0xFFFFE800  }
0x2da: {  	_ =	swait.ge [sflag:s0], $0x30  }
0x2db: {  	[sflag:s0] =	ssyncset.done $0x0  }
0x2dc: {  	[sflag:s0] =	ssyncadd.s32 $0xFFFFFFD0  }
0x2dd: {  	_ =	swait.ge [sflag:s0], $0x30  }
0x2de: {  	[sflag:s0] =	ssyncset.done $0x0  }
0x2df: {  	[sflag:s0] =	ssyncadd.s32 $0xFFFFFFD0  }
0x2e0: {  	_ =	swait.ge [sflag:s0], $0x30  }
0x2e1: {  	[sflag:s0] =	ssyncset.done $0x0  }
0x2e2: {  	[sflag:s0] =	ssyncadd.s32 $0xFFFFFFD0  }
0x2e3: {  	s3 =	simm.s32 $0x9200;
	s10 =	rddreg [dreg:$0x0]  }
0x2e4: {  	[tilespmem:s25], [sflag:$0x6] =	stream.indirect.gather [hbm4b:s10+s30], $0x80, s3, s30, $0xb8;
	v63 =	vld [tilespmem:$0x0]  }
0x2e5: {  	s16 =	simm.s32 $0x2;
	v1 =	vmov s2;
	_ =	swait.ge [sflag:s8], $0x1800  }
0x2e6: {  	v2 =	vmov s16;
	v1 =	vand.u32 $0xFFFFFFFC, v1;
	[sflag:s8] =	ssyncset.done $0x0  }
0x2e7: {  	s20 =	simm.s32 $0xAC00;
	v2 =	vand.u32 $0xFFFFFFFE, v2;
	v1 =	vbroadcast v1, $0x0;
	s19 =	rddreg [dreg:$0x15];
	[sflag:s8] =	ssyncadd.s32 $0xFFFFE800  }
0x2e8: {  	v2 =	vbroadcast v2, $0x0;
	[tilespmem:s20], [sflag:$0x9] =	stream.linear.gather [hbm4b:s19+s2], $0x30, $0x38;
	v63 =	vld [tilespmem:$0x0]  }
0x2e9: {  	s16 =	simm.s32 $0xAC80;
	s10 =	rddreg [dreg:$0x16]  }
0x2ea: {  	[tilespmem:s16], [sflag:$0x9] =	stream.linear.gather [hbm4b:s10+s2], $0x30, $0x38;
	v63 =	vld [tilespmem:$0x0]  }
0x2eb: {  	s19 =	rddreg [dreg:$0x17];
	s20 =	simm.s32 $0xAD00  }
0x2ec: {  	[tilespmem:s20], [sflag:$0x9] =	stream.linear.gather [hbm4b:s19+s2], $0x30, $0x38;
	v63 =	vld [tilespmem:$0x0]  }
0x2ed: {  	v1 =	vld.idx.msk [tilespmem:v1+s14+$0x0], $0xffff  }
0x2ee: {  	s10 =	simm.s32 $0x7A80;
	v2 =	vld.idx.msk [tilespmem:v2+s14+$0x0], $0xffff  }
0x2ef: {  	v4 =	vld [tilespmem:s10+$0x70]  }
0x2f0: {  	v5 =	vld [tilespmem:s10+$0xFFFFFF00]  }
0x2f1: {  	s2 =	simm.s32 $0x1;
	v6 =	vld [tilespmem:s10+$0xFFFFFF10]  }
0x2f2: {  	v3 =	vmov s2;
	v7 =	vld [tilespmem:s10+$0xFFFFFF20]  }
0x2f3: {  	v8 =	vld [tilespmem:s10+$0xFFFFFF30];
	v3 =	vand.u32 $0xFFFFFFFD, v3  }
0x2f4: {  	v9 =	vld [tilespmem:s10+$0xFFFFFF40];
	v3 =	vbroadcast v3, $0x0  }
0x2f5: {  	v10 =	vld [tilespmem:s10+$0xFFFFFF50]  }
0x2f6: {  	v11 =	vld [tilespmem:s10+$0xFFFFFF60];
	v5 =	vmul.f32 v5, v1  }
0x2f7: {  	v13 =	vld [tilespmem:s10+$0x40];
	v4 =	vmul.f32 v4, v2  }
0x2f8: {  	[tilespmem:s10+$0xFFFFFF00] =	vst v5;
	v5 =	vmul.f32 v6, v1;
	v6 =	vld [tilespmem:s10+$0xFFFFFF70]  }
0x2f9: {  	[tilespmem:s10+$0x70] =	vst v4;
	v4 =	vmul.f32 v7, v1;
	v7 =	vld [tilespmem:s10+$0xFFFFFF80]  }
0x2fa: {  	v3 =	vld.idx.msk [tilespmem:v3+s14+$0x0], $0xffff;
	[tilespmem:s10+$0xFFFFFF10] =	vst v5;
	v5 =	vmul.f32 v8, v1  }
0x2fb: {  	v8 =	vld [tilespmem:s10+$0xFFFFFF90];
	[tilespmem:s10+$0xFFFFFF20] =	vst v4;
	v4 =	vmul.f32 v9, v1  }
0x2fc: {  	v9 =	vld [tilespmem:s10+$0xFFFFFFA0];
	[tilespmem:s10+$0xFFFFFF30] =	vst v5;
	v5 =	vmul.f32 v10, v1  }
0x2fd: {  	v10 =	vld [tilespmem:s10+$0xFFFFFFB0];
	[tilespmem:s10+$0xFFFFFF40] =	vst v4;
	v4 =	vmul.f32 v11, v1  }
0x2fe: {  	v11 =	vld [tilespmem:s10+$0xFFFFFFC0];
	v6 =	vmul.f32 v6, v1;
	[tilespmem:s10+$0xFFFFFF50] =	vst v5  }
0x2ff: {  	v5 =	vmul.f32 v7, v3;
	v7 =	vld [tilespmem:s10+$0xFFFFFFD0];
	[tilespmem:s10+$0xFFFFFF60] =	vst v4  }
0x300: {  	s3 =	simm.s32 $0x3;
	v4 =	vld [tilespmem:s10+$0xFFFFFFE0];
	v8 =	vmul.f32 v8, v3;
	[tilespmem:s10+$0xFFFFFF70] =	vst v6  }
0x301: {  	v12 =	vmov s3;
	v6 =	vld [tilespmem:s10+$0xFFFFFFF0];
	[tilespmem:s10+$0xFFFFFF80] =	vst v5;
	v5 =	vmul.f32 v9, v3  }
0x302: {  	v9 =	vld [tilespmem:s10+$0x0];
	[tilespmem:s10+$0xFFFFFF90] =	vst v8;
	v8 =	vmul.f32 v10, v3  }
0x303: {  	v10 =	vld [tilespmem:s10+$0x10];
	[tilespmem:s10+$0xFFFFFFA0] =	vst v5;
	v5 =	vmul.f32 v11, v3  }
0x304: {  	[tilespmem:s10+$0xFFFFFFB0] =	vst v8;
	v7 =	vmul.f32 v7, v3;
	v8 =	vld [tilespmem:s10+$0x20]  }
0x305: {  	v11 =	vld [tilespmem:s10+$0x30];
	v4 =	vmul.f32 v4, v3;
	[tilespmem:s10+$0xFFFFFFC0] =	vst v5  }
0x306: {  	v1 =	vld.idx.msk [tilespmem:v12+s14+$0x0], $0xffff;
	v3 =	vmul.f32 v6, v3;
	[tilespmem:s10+$0xFFFFFFD0] =	vst v7  }
0x307: {  	[tilespmem:s10+$0xFFFFFFE0] =	vst v4;
	v5 =	vmul.f32 v9, v2;
	v4 =	vld [tilespmem:s10+$0x50]  }
0x308: {  	s16 =	simm.s32 $0x4;
	[tilespmem:s10+$0xFFFFFFF0] =	vst v3;
	v6 =	vmul.f32 v10, v2;
	v3 =	vld [tilespmem:s10+$0x60]  }
0x309: {  	s19 =	simm.s32 $0x7;
	v7 =	vmov s16;
	[tilespmem:s10+$0x0] =	vst v5;
	v9 =	vmul.f32 v8, v2;
	v8 =	vld [tilespmem:s10+$0x80]  }
0x30a: {  	s20 =	simm.s32 $0x5;
	v12 =	vand.u32 $0xFFFFFFFC, v7;
	v7 =	vld [tilespmem:s10+$0x90];
	v5 =	vmov s19;
	v10 =	vmul.f32 v11, v2;
	[tilespmem:s10+$0x10] =	vst v6  }
0x30b: {  	s2 =	simm.s32 $0x6;
	s16 =	simm.s32 $0x7A80;
	s19 =	simm.s32 $0x8;
	v11 =	vmul.f32 v13, v2;
	v6 =	vbroadcast v12, $0x0;
	v12 =	vmov s20;
	[tilespmem:s10+$0x20] =	vst v9;
	v9 =	vld [tilespmem:s10+$0xA0]  }
.LBB2_8:
0x30c: {  	p1 =	slt.u32 s19, $0x2C;
	v12 =	vand.u32 $0xFFFFFFFD, v12;
	v13 =	vmov s2;
	[tilespmem:s10+$0x30] =	vst v10;
	v4 =	vmul.f32 v4, v2;
	v10 =	vld [tilespmem:s10+$0xB0]  }
0x30d: {  	v12 =	vbroadcast v12, $0x0;
	v13 =	vand.u32 $0xFFFFFFFE, v13;
	[tilespmem:s10+$0x40] =	vst v11;
	v2 =	vmul.f32 v3, v2;
	v3 =	vld [tilespmem:s10+$0xC0]  }
0x30e: {  	v11 =	vbroadcast v13, $0x0;
	[tilespmem:s10+$0x50] =	vst v4;
	v4 =	vmul.f32 v8, v1;
	v8 =	vld [tilespmem:s10+$0xD0]  }
0x30f: {  	[tilespmem:s10+$0x60] =	vst v2;
	v2 =	vmul.f32 v7, v1;
	v7 =	vld [tilespmem:s10+$0xE0]  }
0x310: {  	[tilespmem:s10+$0x80] =	vst v4;
	v4 =	vmul.f32 v9, v1;
	v9 =	vld [tilespmem:s10+$0xF0]  }
0x311: {  	v5 =	vld.idx.msk [tilespmem:v5+s14+$0x0], $0xffff;
	[tilespmem:s10+$0x90] =	vst v2;
	v2 =	vmul.f32 v10, v1  }
0x312: {  	v6 =	vld.idx.msk [tilespmem:v6+s14+$0x0], $0xffff;
	[tilespmem:s10+$0xA0] =	vst v4;
	v3 =	vmul.f32 v3, v1  }
0x313: {  	v4 =	vld.idx.msk [tilespmem:v12+s14+$0x0], $0xffff;
	[tilespmem:s10+$0xB0] =	vst v2;
	v8 =	vmul.f32 v8, v1  }
0x314: {  	s10 =	sadd.s32 $0x200, s10;
	v2 =	vld.idx.msk [tilespmem:v11+s14+$0x0], $0xffff;
	[tilespmem:s16+$0xC0] =	vst v3;
	v3 =	vmul.f32 v7, v1  }
0x315: {  	v7 =	vld [tilespmem:s10+$0x70];
	[tilespmem:s16+$0xD0] =	vst v8;
	v9 =	vmul.f32 v9, v1  }
0x316: {  	v8 =	vld [tilespmem:s10+$0xFFFFFF00];
	[tilespmem:s16+$0xE0] =	vst v3  }
0x317: {  	v1 =	vmov v5;
	v3 =	vld [tilespmem:s10+$0xFFFFFF10];
	[tilespmem:s16+$0xF0] =	vst v9;
	s16 =	smov.u32 s10  }
0x318: {  	v5 =	vld [tilespmem:s10+$0xFFFFFF20]  }
0x319: {  	v9 =	vld [tilespmem:s10+$0xFFFFFF30]  }
0x31a: {  	v10 =	vld [tilespmem:s10+$0xFFFFFF40];
	v7 =	vmul.f32 v7, v2  }
0x31b: {  	v8 =	vmul.f32 v8, v6;
	v11 =	vld [tilespmem:s10+$0xFFFFFF50]  }
0x31c: {  	v3 =	vmul.f32 v3, v6;
	v12 =	vld [tilespmem:s10+$0xFFFFFF60];
	[tilespmem:s10+$0x70] =	vst v7  }
0x31d: {  	[tilespmem:s10+$0xFFFFFF00] =	vst v8;
	v5 =	vmul.f32 v5, v6;
	v7 =	vld [tilespmem:s10+$0xFFFFFF70]  }
0x31e: {  	[tilespmem:s10+$0xFFFFFF10] =	vst v3;
	v3 =	vmul.f32 v9, v6;
	v8 =	vld [tilespmem:s10+$0xFFFFFF80]  }
0x31f: {  	[tilespmem:s10+$0xFFFFFF20] =	vst v5;
	v5 =	vmul.f32 v10, v6;
	v9 =	vld [tilespmem:s10+$0xFFFFFF90]  }
0x320: {  	[tilespmem:s10+$0xFFFFFF30] =	vst v3;
	v3 =	vmul.f32 v11, v6;
	v10 =	vld [tilespmem:s10+$0xFFFFFFA0]  }
0x321: {  	[tilespmem:s10+$0xFFFFFF40] =	vst v5;
	v5 =	vmul.f32 v12, v6;
	v11 =	vld [tilespmem:s10+$0xFFFFFFB0]  }
0x322: {  	[tilespmem:s10+$0xFFFFFF50] =	vst v3;
	v3 =	vmul.f32 v7, v6;
	v6 =	vld [tilespmem:s10+$0xFFFFFFC0]  }
0x323: {  	[tilespmem:s10+$0xFFFFFF60] =	vst v5;
	v5 =	vmul.f32 v8, v4;
	v7 =	vld [tilespmem:s10+$0xFFFFFFD0]  }
0x324: {  	[tilespmem:s10+$0xFFFFFF70] =	vst v3;
	v3 =	vmul.f32 v9, v4;
	v8 =	vld [tilespmem:s10+$0xFFFFFFE0]  }
0x325: {  	[tilespmem:s10+$0xFFFFFF80] =	vst v5;
	v5 =	vmul.f32 v10, v4;
	v9 =	vld [tilespmem:s10+$0xFFFFFFF0]  }
0x326: {  	[tilespmem:s10+$0xFFFFFF90] =	vst v3;
	v3 =	vmul.f32 v11, v4;
	v10 =	vld [tilespmem:s10+$0x0]  }
0x327: {  	[tilespmem:s10+$0xFFFFFFA0] =	vst v5;
	v5 =	vmul.f32 v6, v4;
	v6 =	vld [tilespmem:s10+$0x10]  }
0x328: {  	[tilespmem:s10+$0xFFFFFFB0] =	vst v3;
	v3 =	vmul.f32 v7, v4;
	v7 =	vld [tilespmem:s10+$0x20]  }
0x329: {  	[tilespmem:s10+$0xFFFFFFC0] =	vst v5;
	v5 =	vmul.f32 v8, v4;
	v11 =	vld [tilespmem:s10+$0x30]  }
0x32a: {  	[tilespmem:s10+$0xFFFFFFD0] =	vst v3;
	v3 =	vmul.f32 v9, v4;
	v9 =	vld [tilespmem:s10+$0x40]  }
.Ltmp3:
0x32b: {  	[tilespmem:s10+$0xFFFFFFE0] =	vst v5;
	v5 =	vmul.f32 v10, v2;
	v4 =	vld [tilespmem:s10+$0x50];
	(pc) =	sbr.rel @p1 .LBB2_8-.Ltmp3, $4  }
0x32c: {  	[tilespmem:s10+$0xFFFFFFF0] =	vst v3;
	v6 =	vmul.f32 v6, v2;
	v3 =	vld [tilespmem:s10+$0x60]  }
0x32d: {  	s1 =	sadd.s32 $0x3, s19;
	v10 =	vmov s19;
	[tilespmem:s10+$0x0] =	vst v5;
	v13 =	vmul.f32 v7, v2;
	v8 =	vld [tilespmem:s10+$0x80]  }
0x32e: {  	s2 =	sadd.s32 $0x1, s19;
	v12 =	vand.u32 $0xFFFFFFFC, v10;
	v5 =	vmov s1;
	[tilespmem:s10+$0x10] =	vst v6;
	v10 =	vmul.f32 v11, v2;
	v7 =	vld [tilespmem:s10+$0x90]  }
0x32f: {  	v6 =	vbroadcast v12, $0x0;
	v12 =	vmov s2;
	s2 =	sadd.s32 $0x2, s19;
	s19 =	sadd.s32 $0x4, s19;
	[tilespmem:s10+$0x20] =	vst v13;
	v11 =	vmul.f32 v9, v2;
	v9 =	vld [tilespmem:s10+$0xA0]  }
0x330: {  	v13 =	vld [tilespmem:s10+$0xB0]  }
0x331: {  	v15 =	vld [tilespmem:s10+$0xC0]  }
0x332: {  	v14 =	vmov s2;
	v16 =	vld [tilespmem:s10+$0xD0]  }
0x333: {  	v17 =	vld [tilespmem:s10+$0xE0];
	[tilespmem:s10+$0x30] =	vst v10;
	v4 =	vmul.f32 v4, v2;
	v14 =	vand.u32 $0xFFFFFFFE, v14  }
0x334: {  	v12 =	vand.u32 $0xFFFFFFFD, v12;
	v5 =	vld.idx.msk [tilespmem:v5+s14+$0x0], $0xffff;
	[tilespmem:s10+$0x40] =	vst v11;
	v2 =	vmul.f32 v3, v2;
	v14 =	vbroadcast v14, $0x0  }
0x335: {  	s1 =	sadd.s32 $0x200, s10;
	v12 =	vbroadcast v12, $0x0;
	v3 =	vld.idx.msk [tilespmem:v6+s14+$0x0], $0xffff;
	v8 =	vmul.f32 v8, v1;
	[tilespmem:s10+$0x50] =	vst v4  }
0x336: {  	v10 =	vld [tilespmem:s1+$0xFFFFFF00];
	v4 =	vmul.f32 v7, v1;
	[tilespmem:s10+$0x60] =	vst v2  }
0x337: {  	[tilespmem:s10+$0x80] =	vst v8;
	v8 =	vld [tilespmem:s10+$0xF0];
	v2 =	vmul.f32 v9, v1  }
0x338: {  	v11 =	vld [tilespmem:s1+$0xFFFFFF10];
	[tilespmem:s10+$0x90] =	vst v4;
	v4 =	vmul.f32 v13, v1  }
0x339: {  	v9 =	vld [tilespmem:s1+$0x70];
	[tilespmem:s10+$0xA0] =	vst v2;
	v2 =	vmul.f32 v15, v1  }
0x33a: {  	[tilespmem:s10+$0xB0] =	vst v4;
	v4 =	vmul.f32 v16, v1;
	v7 =	vld.idx.msk [tilespmem:v14+s14+$0x0], $0xffff  }
0x33b: {  	v6 =	vld.idx.msk [tilespmem:v12+s14+$0x0], $0xffff;
	[tilespmem:s16+$0xC0] =	vst v2;
	v2 =	vmul.f32 v17, v1  }
0x33c: {  	v12 =	vld [tilespmem:s1+$0xFFFFFF20];
	[tilespmem:s16+$0xD0] =	vst v4;
	v1 =	vmul.f32 v8, v1  }
0x33d: {  	v4 =	vld [tilespmem:s1+$0xFFFFFF30];
	[tilespmem:s16+$0xE0] =	vst v2  }
0x33e: {  	v2 =	vld [tilespmem:s1+$0xFFFFFF40];
	[tilespmem:s16+$0xF0] =	vst v1;
	v1 =	vmul.f32 v10, v3  }
0x33f: {  	v8 =	vmul.f32 v9, v7;
	v9 =	vld [tilespmem:s1+$0xFFFFFF50]  }
0x340: {  	v10 =	vmul.f32 v11, v3;
	v11 =	vld [tilespmem:s1+$0xFFFFFF60];
	[tilespmem:s1+$0xFFFFFF00] =	vst v1  }
0x341: {  	v1 =	vmul.f32 v12, v3;
	[tilespmem:s1+$0x70] =	vst v8;
	v8 =	vld [tilespmem:s1+$0xFFFFFF70]  }
0x342: {  	[tilespmem:s1+$0xFFFFFF10] =	vst v10;
	v10 =	vld [tilespmem:s1+$0xFFFFFF80];
	v4 =	vmul.f32 v4, v3  }
0x343: {  	[tilespmem:s1+$0xFFFFFF20] =	vst v1;
	v1 =	vmul.f32 v2, v3;
	v2 =	vld [tilespmem:s1+$0xFFFFFF90]  }
0x344: {  	[tilespmem:s1+$0xFFFFFF30] =	vst v4;
	v4 =	vmul.f32 v9, v3;
	v9 =	vld [tilespmem:s1+$0xFFFFFFA0]  }
0x345: {  	[tilespmem:s1+$0xFFFFFF40] =	vst v1;
	v1 =	vmul.f32 v11, v3;
	v11 =	vld [tilespmem:s1+$0xFFFFFFB0]  }
0x346: {  	[tilespmem:s1+$0xFFFFFF50] =	vst v4;
	v3 =	vmul.f32 v8, v3;
	v4 =	vld [tilespmem:s1+$0xFFFFFFC0]  }
0x347: {  	[tilespmem:s1+$0xFFFFFF60] =	vst v1;
	v1 =	vmul.f32 v10, v6;
	v8 =	vld [tilespmem:s1+$0xFFFFFFD0]  }
0x348: {  	v2 =	vmul.f32 v2, v6;
	[tilespmem:s1+$0xFFFFFF70] =	vst v3;
	v3 =	vld [tilespmem:s1+$0xFFFFFFE0]  }
0x349: {  	[tilespmem:s1+$0xFFFFFF80] =	vst v1;
	v1 =	vmul.f32 v9, v6;
	v9 =	vld [tilespmem:s1+$0xFFFFFFF0]  }
0x34a: {  	v10 =	vld [tilespmem:s1+$0x0];
	[tilespmem:s1+$0xFFFFFF90] =	vst v2;
	v2 =	vmul.f32 v11, v6  }
0x34b: {  	[tilespmem:s1+$0xFFFFFFA0] =	vst v1;
	v1 =	vmul.f32 v4, v6;
	v4 =	vld [tilespmem:s1+$0x10]  }
0x34c: {  	[tilespmem:s1+$0xFFFFFFB0] =	vst v2;
	v2 =	vmul.f32 v8, v6;
	v8 =	vld [tilespmem:s1+$0x20]  }
0x34d: {  	[tilespmem:s1+$0xFFFFFFC0] =	vst v1;
	v1 =	vmul.f32 v3, v6;
	v3 =	vld [tilespmem:s1+$0x30]  }
0x34e: {  	[tilespmem:s1+$0xFFFFFFD0] =	vst v2;
	v2 =	vmul.f32 v9, v6;
	v6 =	vld [tilespmem:s1+$0x40]  }
0x34f: {  	v9 =	vld [tilespmem:s1+$0x50];
	[tilespmem:s1+$0xFFFFFFE0] =	vst v1;
	v1 =	vmul.f32 v10, v7  }
0x350: {  	[tilespmem:s1+$0xFFFFFFF0] =	vst v2;
	v2 =	vmul.f32 v4, v7;
	v4 =	vld [tilespmem:s1+$0x60]  }
0x351: {  	[tilespmem:s1+$0x0] =	vst v1;
	v1 =	vmul.f32 v8, v7;
	v8 =	vld [tilespmem:s1+$0x80]  }
0x352: {  	[tilespmem:s1+$0x10] =	vst v2;
	v2 =	vmul.f32 v3, v7;
	v3 =	vld [tilespmem:s1+$0x90]  }
0x353: {  	[tilespmem:s1+$0x20] =	vst v1;
	v1 =	vmul.f32 v6, v7;
	v6 =	vld [tilespmem:s1+$0xA0]  }
0x354: {  	[tilespmem:s1+$0x30] =	vst v2;
	v2 =	vmul.f32 v9, v7;
	v9 =	vld [tilespmem:s1+$0xB0]  }
0x355: {  	[tilespmem:s1+$0x40] =	vst v1;
	v1 =	vmul.f32 v4, v7;
	v4 =	vld [tilespmem:s1+$0xC0]  }
0x356: {  	v7 =	vld [tilespmem:s1+$0xD0];
	[tilespmem:s1+$0x50] =	vst v2;
	v2 =	vmul.f32 v8, v5  }
0x357: {  	[tilespmem:s1+$0x60] =	vst v1;
	v1 =	vmul.f32 v3, v5;
	v3 =	vld [tilespmem:s1+$0xE0]  }
0x358: {  	[tilespmem:s1+$0x80] =	vst v2;
	v2 =	vmul.f32 v6, v5;
	v6 =	vld [tilespmem:s1+$0xF0]  }
0x359: {  	[tilespmem:s1+$0x90] =	vst v1;
	v1 =	vmul.f32 v9, v5  }
0x35a: {  	[tilespmem:s1+$0xA0] =	vst v2;
	v2 =	vmul.f32 v4, v5  }
0x35b: {  	[tilespmem:s1+$0xB0] =	vst v1;
	v1 =	vmul.f32 v7, v5  }
0x35c: {  	[tilespmem:s1+$0xC0] =	vst v2;
	v2 =	vmul.f32 v3, v5  }
0x35d: {  	[tilespmem:s1+$0xD0] =	vst v1;
	v1 =	vmul.f32 v6, v5  }
0x35e: {  	[tilespmem:s1+$0xE0] =	vst v2  }
0x35f: {  	s3 =	simm.s32 $0x7900;
	[tilespmem:s1+$0xF0] =	vst v1;
	s1 =	simm.s32 $0x7980  }
0x360: {  	[spmem:s9] =	stream.indirect.scatter.add.f32 [tilespmem:s1], [sflag:$0x3], $0x80, s3, s30, $0xb8;
	v63 =	vld [tilespmem:$0x0]  }
0x361: {  	s2 =	simm.s32 $0x0;
	s10 =	rddreg [dreg:$0x1c]  }
0x362: {  	[hbm4b:s10+s2] =	stream.linear.scatter [tilespmem:s14], [sflag:$0x4], $0x30, $0x38;
	v63 =	vld [tilespmem:$0x0]  }
0x363: {  	_ =	swait.ge [sflag:s29], $0x30  }
0x364: {  	[sflag:s29] =	ssyncset.done $0x0  }
0x365: {  	[sflag:s29] =	ssyncadd.s32 $0xFFFFFFD0  }
0x366: {  	v1 =	vld [tilespmem:$0x9180]  }
0x367: {  	v2 =	vld [tilespmem:$0x9200];
	_ =	sdelay $0x5  }
0x368: {  	v3 =	vld [tilespmem:$0x9280]  }
0x369: {  	v4 =	vld.idx.msk [tilespmem:v1+s2+$0x0], $0xffff  }
0x36a: {  	v2 =	vld.idx.msk [tilespmem:v2+s15+$0x0], $0xffff;
	_ =	sdelay $0x4  }
0x36b: {  	v3 =	vmul.f32 v3, v0;
	v2 =	vadd.f32 v2, v4;
	_ =	sdelay $0x1  }
0x36c: {  	v2 =	vadd.f32 v2, v3;
	_ =	sdelay $0x1  }
0x36d: {  	v3 =	vmul.f32 $2.000000030e-01, v2  }
0x36e: {  	vm0 =	vge.f32 v2, $0.0e+00  }
0x36f: {  	v2 =	vsel vm0, v2, v3  }
0x370: {  	v2 =	vsub.f32 $0.0e+00, v2;
	_ =	sdelay $0x1  }
0x371: {  	v2 =	vmul.f32 $1.442695020e+00, v2;
	_ =	sdelay $0x1  }
0x372: {  	(erf) = vpow2.f32 v2;
	_ =	sdelay $0x8  }
0x373: {  	v2 =	vpop (erf)  }
0x374: {  	[tilespmem:$0x9300] =	vst v2  }
0x375: {  	[tilespmem:v1+s13+$0x0] =	vst.idx.add.f32.msk $0xffff, v2  }
0x376: {  	v2 =	vld [tilespmem:$0x9190]  }
0x377: {  	v3 =	vld [tilespmem:$0x9210];
	_ =	sdelay $0x5  }
0x378: {  	[tilespmem:$0x9380] =	vst v1;
	v1 =	vld [tilespmem:$0x9290]  }
0x379: {  	v4 =	vld.idx.msk [tilespmem:v2+s2+$0x0], $0xffff  }
0x37a: {  	v3 =	vld.idx.msk [tilespmem:v3+s15+$0x0], $0xffff;
	_ =	sdelay $0x4  }
0x37b: {  	v1 =	vmul.f32 v1, v0;
	v3 =	vadd.f32 v3, v4;
	_ =	sdelay $0x1  }
0x37c: {  	v1 =	vadd.f32 v3, v1;
	_ =	sdelay $0x1  }
0x37d: {  	v3 =	vmul.f32 $2.000000030e-01, v1  }
0x37e: {  	vm14 =	vge.f32 v1, $0.0e+00  }
0x37f: {  	v1 =	vsel vm14, v1, v3  }
0x380: {  	v1 =	vsub.f32 $0.0e+00, v1;
	_ =	sdelay $0x1  }
0x381: {  	v1 =	vmul.f32 $1.442695020e+00, v1;
	_ =	sdelay $0x1  }
0x382: {  	(erf) = vpow2.f32 v1;
	_ =	sdelay $0x8  }
0x383: {  	v1 =	vpop (erf)  }
0x384: {  	[tilespmem:$0x9310] =	vst v1  }
0x385: {  	[tilespmem:v2+s13+$0x0] =	vst.idx.add.f32.msk $0xffff, v1  }
0x386: {  	v1 =	vld [tilespmem:$0x91A0]  }
0x387: {  	v3 =	vld [tilespmem:$0x9220];
	_ =	sdelay $0x5  }
0x388: {  	[tilespmem:$0x9390] =	vst v2;
	v2 =	vld [tilespmem:$0x92A0]  }
0x389: {  	v4 =	vld.idx.msk [tilespmem:v1+s2+$0x0], $0xffff  }
0x38a: {  	v3 =	vld.idx.msk [tilespmem:v3+s15+$0x0], $0xffff;
	_ =	sdelay $0x4  }
0x38b: {  	v2 =	vmul.f32 v2, v0;
	v3 =	vadd.f32 v3, v4;
	_ =	sdelay $0x1  }
0x38c: {  	v2 =	vadd.f32 v3, v2;
	_ =	sdelay $0x1  }
0x38d: {  	v3 =	vmul.f32 $2.000000030e-01, v2  }
0x38e: {  	vm15 =	vge.f32 v2, $0.0e+00  }
0x38f: {  	v2 =	vsel vm15, v2, v3  }
0x390: {  	v2 =	vsub.f32 $0.0e+00, v2;
	_ =	sdelay $0x1  }
0x391: {  	v2 =	vmul.f32 $1.442695020e+00, v2;
	_ =	sdelay $0x1  }
0x392: {  	(erf) = vpow2.f32 v2;
	_ =	sdelay $0x8  }
0x393: {  	v2 =	vpop (erf)  }
0x394: {  	[tilespmem:$0x9320] =	vst v2  }
0x395: {  	[tilespmem:v1+s13+$0x0] =	vst.idx.add.f32.msk $0xffff, v2  }
0x396: {  	[tilespmem:$0x93A0] =	vst v1  }
0x397: {  	_ =	swait.ge [sflag:s17], $0x1800  }
0x398: {  	[sflag:s17] =	ssyncset.done $0x0  }
0x399: {  	[sflag:s17] =	ssyncadd.s32 $0xFFFFE800  }
0x39a: {  	_ =	swait.ge [sflag:s24], $0x30  }
0x39b: {  	[sflag:s24] =	ssyncset.done $0x0  }
0x39c: {  	[sflag:s24] =	ssyncadd.s32 $0xFFFFFFD0  }
0x39d: {  	_ =	swait.ge [sflag:s24], $0x30  }
0x39e: {  	[sflag:s24] =	ssyncset.done $0x0  }
0x39f: {  	[sflag:s24] =	ssyncadd.s32 $0xFFFFFFD0  }
0x3a0: {  	_ =	swait.ge [sflag:s24], $0x30  }
0x3a1: {  	[sflag:s24] =	ssyncset.done $0x0  }
0x3a2: {  	[sflag:s24] =	ssyncadd.s32 $0xFFFFFFD0  }
0x3a3: {  	s19 =	simm.s32 $0xAE80;
	s3 =	simm.s32 $0xAC80;
	s16 =	rddreg [dreg:$0x0]  }
0x3a4: {  	[tilespmem:s19], [sflag:$0xA] =	stream.indirect.gather [hbm4b:s16+s30], $0x80, s3, s30, $0xb8;
	v63 =	vld [tilespmem:$0x0]  }
0x3a5: {  	s20 =	simm.s32 $0x2;
	v1 =	vmov s2;
	_ =	swait.ge [sflag:s22], $0x1800  }
0x3a6: {  	v2 =	vmov s20;
	v1 =	vand.u32 $0xFFFFFFFC, v1;
	[sflag:s22] =	ssyncset.done $0x0  }
0x3a7: {  	s10 =	simm.s32 $0x7700;
	v2 =	vand.u32 $0xFFFFFFFE, v2;
	v1 =	vbroadcast v1, $0x0;
	s3 =	rddreg [dreg:$0x1d];
	[sflag:s22] =	ssyncadd.s32 $0xFFFFE800  }
0x3a8: {  	v2 =	vbroadcast v2, $0x0;
	[tilespmem:s10], [sflag:$0x1] =	stream.linear.gather [hbm4b:s3+s2], $0x30, $0x38;
	v63 =	vld [tilespmem:$0x0]  }
0x3a9: {  	s16 =	rddreg [dreg:$0x1e]  }
0x3aa: {  	[tilespmem:s31], [sflag:$0x1] =	stream.linear.gather [hbm4b:s16+s2], $0x30, $0x38;
	v63 =	vld [tilespmem:$0x0]  }
0x3ab: {  	s20 =	simm.s32 $0x7800;
	s19 =	rddreg [dreg:$0x1f]  }
0x3ac: {  	[tilespmem:s20], [sflag:$0x1] =	stream.linear.gather [hbm4b:s19+s2], $0x30, $0x38;
	v63 =	vld [tilespmem:$0x0]  }
0x3ad: {  	v1 =	vld.idx.msk [tilespmem:v1+s23+$0x0], $0xffff  }
0x3ae: {  	s10 =	simm.s32 $0x9500;
	v2 =	vld.idx.msk [tilespmem:v2+s23+$0x0], $0xffff  }
0x3af: {  	v4 =	vld [tilespmem:s10+$0x70]  }
0x3b0: {  	v5 =	vld [tilespmem:s10+$0xFFFFFF00]  }
0x3b1: {  	s2 =	simm.s32 $0x1;
	v6 =	vld [tilespmem:s10+$0xFFFFFF10]  }
0x3b2: {  	v3 =	vmov s2;
	v7 =	vld [tilespmem:s10+$0xFFFFFF20]  }
0x3b3: {  	v8 =	vld [tilespmem:s10+$0xFFFFFF30];
	v3 =	vand.u32 $0xFFFFFFFD, v3  }
0x3b4: {  	v9 =	vld [tilespmem:s10+$0xFFFFFF40];
	v3 =	vbroadcast v3, $0x0  }
0x3b5: {  	v10 =	vld [tilespmem:s10+$0xFFFFFF50]  }
0x3b6: {  	v11 =	vld [tilespmem:s10+$0xFFFFFF60];
	v5 =	vmul.f32 v5, v1  }
0x3b7: {  	v13 =	vld [tilespmem:s10+$0x40];
	v4 =	vmul.f32 v4, v2  }
0x3b8: {  	[tilespmem:s10+$0xFFFFFF00] =	vst v5;
	v5 =	vmul.f32 v6, v1;
	v6 =	vld [tilespmem:s10+$0xFFFFFF70]  }
0x3b9: {  	[tilespmem:s10+$0x70] =	vst v4;
	v4 =	vmul.f32 v7, v1;
	v7 =	vld [tilespmem:s10+$0xFFFFFF80]  }
0x3ba: {  	v3 =	vld.idx.msk [tilespmem:v3+s23+$0x0], $0xffff;
	[tilespmem:s10+$0xFFFFFF10] =	vst v5;
	v5 =	vmul.f32 v8, v1  }
0x3bb: {  	v8 =	vld [tilespmem:s10+$0xFFFFFF90];
	[tilespmem:s10+$0xFFFFFF20] =	vst v4;
	v4 =	vmul.f32 v9, v1  }
0x3bc: {  	v9 =	vld [tilespmem:s10+$0xFFFFFFA0];
	[tilespmem:s10+$0xFFFFFF30] =	vst v5;
	v5 =	vmul.f32 v10, v1  }
0x3bd: {  	v10 =	vld [tilespmem:s10+$0xFFFFFFB0];
	[tilespmem:s10+$0xFFFFFF40] =	vst v4;
	v4 =	vmul.f32 v11, v1  }
0x3be: {  	v11 =	vld [tilespmem:s10+$0xFFFFFFC0];
	v6 =	vmul.f32 v6, v1;
	[tilespmem:s10+$0xFFFFFF50] =	vst v5  }
0x3bf: {  	v5 =	vmul.f32 v7, v3;
	v7 =	vld [tilespmem:s10+$0xFFFFFFD0];
	[tilespmem:s10+$0xFFFFFF60] =	vst v4  }
0x3c0: {  	s3 =	simm.s32 $0x3;
	v4 =	vld [tilespmem:s10+$0xFFFFFFE0];
	v8 =	vmul.f32 v8, v3;
	[tilespmem:s10+$0xFFFFFF70] =	vst v6  }
0x3c1: {  	v12 =	vmov s3;
	v6 =	vld [tilespmem:s10+$0xFFFFFFF0];
	[tilespmem:s10+$0xFFFFFF80] =	vst v5;
	v5 =	vmul.f32 v9, v3  }
0x3c2: {  	v9 =	vld [tilespmem:s10+$0x0];
	[tilespmem:s10+$0xFFFFFF90] =	vst v8;
	v8 =	vmul.f32 v10, v3  }
0x3c3: {  	v10 =	vld [tilespmem:s10+$0x10];
	[tilespmem:s10+$0xFFFFFFA0] =	vst v5;
	v5 =	vmul.f32 v11, v3  }
0x3c4: {  	[tilespmem:s10+$0xFFFFFFB0] =	vst v8;
	v7 =	vmul.f32 v7, v3;
	v8 =	vld [tilespmem:s10+$0x20]  }
0x3c5: {  	v11 =	vld [tilespmem:s10+$0x30];
	v4 =	vmul.f32 v4, v3;
	[tilespmem:s10+$0xFFFFFFC0] =	vst v5  }
0x3c6: {  	v1 =	vld.idx.msk [tilespmem:v12+s23+$0x0], $0xffff;
	v3 =	vmul.f32 v6, v3;
	[tilespmem:s10+$0xFFFFFFD0] =	vst v7  }
0x3c7: {  	[tilespmem:s10+$0xFFFFFFE0] =	vst v4;
	v5 =	vmul.f32 v9, v2;
	v4 =	vld [tilespmem:s10+$0x50]  }
0x3c8: {  	s16 =	simm.s32 $0x4;
	[tilespmem:s10+$0xFFFFFFF0] =	vst v3;
	v6 =	vmul.f32 v10, v2;
	v3 =	vld [tilespmem:s10+$0x60]  }
0x3c9: {  	s19 =	simm.s32 $0x7;
	v7 =	vmov s16;
	[tilespmem:s10+$0x0] =	vst v5;
	v9 =	vmul.f32 v8, v2;
	v8 =	vld [tilespmem:s10+$0x80]  }
0x3ca: {  	s20 =	simm.s32 $0x5;
	v12 =	vand.u32 $0xFFFFFFFC, v7;
	v7 =	vld [tilespmem:s10+$0x90];
	v5 =	vmov s19;
	v10 =	vmul.f32 v11, v2;
	[tilespmem:s10+$0x10] =	vst v6  }
0x3cb: {  	s2 =	simm.s32 $0x6;
	s16 =	simm.s32 $0x9500;
	s19 =	simm.s32 $0x8;
	v11 =	vmul.f32 v13, v2;
	v6 =	vbroadcast v12, $0x0;
	v12 =	vmov s20;
	[tilespmem:s10+$0x20] =	vst v9;
	v9 =	vld [tilespmem:s10+$0xA0]  }
.LBB2_10:
0x3cc: {  	p1 =	slt.u32 s19, $0x2C;
	v12 =	vand.u32 $0xFFFFFFFD, v12;
	v13 =	vmov s2;
	[tilespmem:s10+$0x30] =	vst v10;
	v4 =	vmul.f32 v4, v2;
	v10 =	vld [tilespmem:s10+$0xB0]  }
0x3cd: {  	v12 =	vbroadcast v12, $0x0;
	v13 =	vand.u32 $0xFFFFFFFE, v13;
	[tilespmem:s10+$0x40] =	vst v11;
	v2 =	vmul.f32 v3, v2;
	v3 =	vld [tilespmem:s10+$0xC0]  }
0x3ce: {  	v11 =	vbroadcast v13, $0x0;
	[tilespmem:s10+$0x50] =	vst v4;
	v4 =	vmul.f32 v8, v1;
	v8 =	vld [tilespmem:s10+$0xD0]  }
0x3cf: {  	[tilespmem:s10+$0x60] =	vst v2;
	v2 =	vmul.f32 v7, v1;
	v7 =	vld [tilespmem:s10+$0xE0]  }
0x3d0: {  	[tilespmem:s10+$0x80] =	vst v4;
	v4 =	vmul.f32 v9, v1;
	v9 =	vld [tilespmem:s10+$0xF0]  }
0x3d1: {  	v5 =	vld.idx.msk [tilespmem:v5+s23+$0x0], $0xffff;
	[tilespmem:s10+$0x90] =	vst v2;
	v2 =	vmul.f32 v10, v1  }
0x3d2: {  	v6 =	vld.idx.msk [tilespmem:v6+s23+$0x0], $0xffff;
	[tilespmem:s10+$0xA0] =	vst v4;
	v3 =	vmul.f32 v3, v1  }
0x3d3: {  	v4 =	vld.idx.msk [tilespmem:v12+s23+$0x0], $0xffff;
	[tilespmem:s10+$0xB0] =	vst v2;
	v8 =	vmul.f32 v8, v1  }
0x3d4: {  	s10 =	sadd.s32 $0x200, s10;
	v2 =	vld.idx.msk [tilespmem:v11+s23+$0x0], $0xffff;
	[tilespmem:s16+$0xC0] =	vst v3;
	v3 =	vmul.f32 v7, v1  }
0x3d5: {  	v7 =	vld [tilespmem:s10+$0x70];
	[tilespmem:s16+$0xD0] =	vst v8;
	v9 =	vmul.f32 v9, v1  }
0x3d6: {  	v8 =	vld [tilespmem:s10+$0xFFFFFF00];
	[tilespmem:s16+$0xE0] =	vst v3  }
0x3d7: {  	v1 =	vmov v5;
	v3 =	vld [tilespmem:s10+$0xFFFFFF10];
	[tilespmem:s16+$0xF0] =	vst v9;
	s16 =	smov.u32 s10  }
0x3d8: {  	v5 =	vld [tilespmem:s10+$0xFFFFFF20]  }
0x3d9: {  	v9 =	vld [tilespmem:s10+$0xFFFFFF30]  }
0x3da: {  	v10 =	vld [tilespmem:s10+$0xFFFFFF40];
	v7 =	vmul.f32 v7, v2  }
0x3db: {  	v8 =	vmul.f32 v8, v6;
	v11 =	vld [tilespmem:s10+$0xFFFFFF50]  }
0x3dc: {  	v3 =	vmul.f32 v3, v6;
	v12 =	vld [tilespmem:s10+$0xFFFFFF60];
	[tilespmem:s10+$0x70] =	vst v7  }
0x3dd: {  	[tilespmem:s10+$0xFFFFFF00] =	vst v8;
	v5 =	vmul.f32 v5, v6;
	v7 =	vld [tilespmem:s10+$0xFFFFFF70]  }
0x3de: {  	[tilespmem:s10+$0xFFFFFF10] =	vst v3;
	v3 =	vmul.f32 v9, v6;
	v8 =	vld [tilespmem:s10+$0xFFFFFF80]  }
0x3df: {  	[tilespmem:s10+$0xFFFFFF20] =	vst v5;
	v5 =	vmul.f32 v10, v6;
	v9 =	vld [tilespmem:s10+$0xFFFFFF90]  }
0x3e0: {  	[tilespmem:s10+$0xFFFFFF30] =	vst v3;
	v3 =	vmul.f32 v11, v6;
	v10 =	vld [tilespmem:s10+$0xFFFFFFA0]  }
0x3e1: {  	[tilespmem:s10+$0xFFFFFF40] =	vst v5;
	v5 =	vmul.f32 v12, v6;
	v11 =	vld [tilespmem:s10+$0xFFFFFFB0]  }
0x3e2: {  	[tilespmem:s10+$0xFFFFFF50] =	vst v3;
	v3 =	vmul.f32 v7, v6;
	v6 =	vld [tilespmem:s10+$0xFFFFFFC0]  }
0x3e3: {  	[tilespmem:s10+$0xFFFFFF60] =	vst v5;
	v5 =	vmul.f32 v8, v4;
	v7 =	vld [tilespmem:s10+$0xFFFFFFD0]  }
0x3e4: {  	[tilespmem:s10+$0xFFFFFF70] =	vst v3;
	v3 =	vmul.f32 v9, v4;
	v8 =	vld [tilespmem:s10+$0xFFFFFFE0]  }
0x3e5: {  	[tilespmem:s10+$0xFFFFFF80] =	vst v5;
	v5 =	vmul.f32 v10, v4;
	v9 =	vld [tilespmem:s10+$0xFFFFFFF0]  }
0x3e6: {  	[tilespmem:s10+$0xFFFFFF90] =	vst v3;
	v3 =	vmul.f32 v11, v4;
	v10 =	vld [tilespmem:s10+$0x0]  }
0x3e7: {  	[tilespmem:s10+$0xFFFFFFA0] =	vst v5;
	v5 =	vmul.f32 v6, v4;
	v6 =	vld [tilespmem:s10+$0x10]  }
0x3e8: {  	[tilespmem:s10+$0xFFFFFFB0] =	vst v3;
	v3 =	vmul.f32 v7, v4;
	v7 =	vld [tilespmem:s10+$0x20]  }
0x3e9: {  	[tilespmem:s10+$0xFFFFFFC0] =	vst v5;
	v5 =	vmul.f32 v8, v4;
	v11 =	vld [tilespmem:s10+$0x30]  }
0x3ea: {  	[tilespmem:s10+$0xFFFFFFD0] =	vst v3;
	v3 =	vmul.f32 v9, v4;
	v9 =	vld [tilespmem:s10+$0x40]  }
.Ltmp4:
0x3eb: {  	[tilespmem:s10+$0xFFFFFFE0] =	vst v5;
	v5 =	vmul.f32 v10, v2;
	v4 =	vld [tilespmem:s10+$0x50];
	(pc) =	sbr.rel @p1 .LBB2_10-.Ltmp4, $4  }
0x3ec: {  	[tilespmem:s10+$0xFFFFFFF0] =	vst v3;
	v6 =	vmul.f32 v6, v2;
	v3 =	vld [tilespmem:s10+$0x60]  }
0x3ed: {  	s1 =	sadd.s32 $0x3, s19;
	v10 =	vmov s19;
	[tilespmem:s10+$0x0] =	vst v5;
	v13 =	vmul.f32 v7, v2;
	v8 =	vld [tilespmem:s10+$0x80]  }
0x3ee: {  	s2 =	sadd.s32 $0x1, s19;
	v12 =	vand.u32 $0xFFFFFFFC, v10;
	v5 =	vmov s1;
	[tilespmem:s10+$0x10] =	vst v6;
	v10 =	vmul.f32 v11, v2;
	v7 =	vld [tilespmem:s10+$0x90]  }
0x3ef: {  	v6 =	vbroadcast v12, $0x0;
	v12 =	vmov s2;
	s2 =	sadd.s32 $0x2, s19;
	s19 =	sadd.s32 $0x4, s19;
	[tilespmem:s10+$0x20] =	vst v13;
	v11 =	vmul.f32 v9, v2;
	v9 =	vld [tilespmem:s10+$0xA0]  }
0x3f0: {  	v13 =	vld [tilespmem:s10+$0xB0]  }
0x3f1: {  	v15 =	vld [tilespmem:s10+$0xC0]  }
0x3f2: {  	v16 =	vld [tilespmem:s10+$0xD0]  }
0x3f3: {  	v17 =	vld [tilespmem:s10+$0xE0]  }
0x3f4: {  	v28 =	vld [tilespmem:s10+$0xF0];
	[tilespmem:s10+$0x30] =	vst v10;
	v4 =	vmul.f32 v4, v2  }
0x3f5: {  	v5 =	vld.idx.msk [tilespmem:v5+s23+$0x0], $0xffff;
	[tilespmem:s10+$0x40] =	vst v11;
	v2 =	vmul.f32 v3, v2  }
0x3f6: {  	s20 =	sadd.s32 $0x200, s10;
	v3 =	vld.idx.msk [tilespmem:v6+s23+$0x0], $0xffff;
	v8 =	vmul.f32 v8, v1;
	[tilespmem:s10+$0x50] =	vst v4  }
0x3f7: {  	v14 =	vmov s2;
	v33 =	vld [tilespmem:s20+$0x70];
	v29 =	vmul.f32 v7, v1;
	[tilespmem:s10+$0x60] =	vst v2  }
0x3f8: {  	v14 =	vand.u32 $0xFFFFFFFE, v14;
	v34 =	vld [tilespmem:s20+$0xFFFFFF00];
	[tilespmem:s10+$0x80] =	vst v8;
	v2 =	vmul.f32 v9, v1  }
0x3f9: {  	v36 =	vld [tilespmem:s20+$0xFFFFFF10];
	v14 =	vbroadcast v14, $0x0;
	[tilespmem:s10+$0x90] =	vst v29;
	v32 =	vmul.f32 v13, v1  }
0x3fa: {  	v37 =	vld [tilespmem:s20+$0xFFFFFF20];
	[tilespmem:s10+$0xA0] =	vst v2;
	v2 =	vmul.f32 v15, v1  }
0x3fb: {  	v12 =	vand.u32 $0xFFFFFFFD, v12;
	v38 =	vld [tilespmem:s20+$0xFFFFFF30];
	v35 =	vmul.f32 v16, v1;
	[tilespmem:s10+$0xB0] =	vst v32  }
0x3fc: {  	v12 =	vbroadcast v12, $0x0;
	v40 =	vld [tilespmem:s20+$0xFFFFFF50];
	[tilespmem:s16+$0xC0] =	vst v2;
	v2 =	vmul.f32 v17, v1  }
0x3fd: {  	v42 =	vld [tilespmem:s20+$0xFFFFFF60];
	[tilespmem:s16+$0xD0] =	vst v35;
	v1 =	vmul.f32 v28, v1  }
0x3fe: {  	v41 =	vmul.f32 v36, v3;
	[tilespmem:s16+$0xE0] =	vst v2;
	v2 =	vld [tilespmem:s20+$0xFFFFFF40]  }
0x3ff: {  	v31 =	vld.idx.msk [tilespmem:v14+s23+$0x0], $0xffff;
	[tilespmem:s16+$0xF0] =	vst v1;
	v1 =	vmul.f32 v34, v3  }
0x400: {  	v43 =	vld [tilespmem:s20+$0xFFFFFF70];
	v4 =	vmul.f32 v38, v3;
	[tilespmem:s20+$0xFFFFFF10] =	vst v41  }
0x401: {  	v44 =	vld [tilespmem:s20+$0xFFFFFF80];
	[tilespmem:s20+$0xFFFFFF00] =	vst v1;
	v1 =	vmul.f32 v37, v3  }
0x402: {  	v45 =	vmul.f32 v40, v3;
	v30 =	vld.idx.msk [tilespmem:v12+s23+$0x0], $0xffff;
	[tilespmem:s20+$0xFFFFFF30] =	vst v4  }
0x403: {  	[tilespmem:s20+$0xFFFFFF20] =	vst v1;
	v1 =	vmul.f32 v2, v3;
	v2 =	vld [tilespmem:s20+$0xFFFFFF90]  }
0x404: {  	v46 =	vld [tilespmem:s20+$0xFFFFFFA0];
	[tilespmem:s20+$0xFFFFFF50] =	vst v45;
	v39 =	vmul.f32 v33, v31  }
0x405: {  	v47 =	vld [tilespmem:s20+$0xFFFFFFB0];
	[tilespmem:s20+$0xFFFFFF40] =	vst v1;
	v1 =	vmul.f32 v42, v3  }
0x406: {  	v48 =	vld [tilespmem:s20+$0xFFFFFFC0];
	[tilespmem:s20+$0x70] =	vst v39;
	v3 =	vmul.f32 v43, v3  }
0x407: {  	v49 =	vld [tilespmem:s20+$0xFFFFFFD0];
	[tilespmem:s20+$0xFFFFFF60] =	vst v1;
	v1 =	vmul.f32 v44, v30  }
0x408: {  	[tilespmem:s20+$0xFFFFFF70] =	vst v3;
	v3 =	vld [tilespmem:s20+$0xFFFFFFE0];
	v2 =	vmul.f32 v2, v30  }
0x409: {  	v50 =	vld [tilespmem:s20+$0xFFFFFFF0];
	[tilespmem:s20+$0xFFFFFF80] =	vst v1;
	v1 =	vmul.f32 v46, v30  }
0x40a: {  	v51 =	vld [tilespmem:s20+$0x0];
	[tilespmem:s20+$0xFFFFFF90] =	vst v2;
	v2 =	vmul.f32 v47, v30  }
0x40b: {  	v52 =	vld [tilespmem:s20+$0x10];
	[tilespmem:s20+$0xFFFFFFA0] =	vst v1;
	v1 =	vmul.f32 v48, v30  }
0x40c: {  	v53 =	vld [tilespmem:s20+$0x20];
	[tilespmem:s20+$0xFFFFFFB0] =	vst v2;
	v2 =	vmul.f32 v49, v30  }
0x40d: {  	[tilespmem:s20+$0xFFFFFFC0] =	vst v1;
	v1 =	vmul.f32 v3, v30;
	v3 =	vld [tilespmem:s20+$0x30]  }
0x40e: {  	v54 =	vld [tilespmem:s20+$0x40];
	[tilespmem:s20+$0xFFFFFFD0] =	vst v2;
	v2 =	vmul.f32 v50, v30  }
0x40f: {  	v55 =	vld [tilespmem:s20+$0x50];
	[tilespmem:s20+$0xFFFFFFE0] =	vst v1;
	v1 =	vmul.f32 v51, v31  }
0x410: {  	v56 =	vld [tilespmem:s20+$0x60];
	[tilespmem:s20+$0xFFFFFFF0] =	vst v2;
	v2 =	vmul.f32 v52, v31  }
0x411: {  	v57 =	vld [tilespmem:s20+$0x80];
	[tilespmem:s20+$0x0] =	vst v1;
	v1 =	vmul.f32 v53, v31  }
0x412: {  	[tilespmem:s20+$0x10] =	vst v2;
	v2 =	vmul.f32 v3, v31;
	v3 =	vld [tilespmem:s20+$0x90]  }
0x413: {  	v58 =	vld [tilespmem:s20+$0xA0];
	[tilespmem:s20+$0x20] =	vst v1;
	v1 =	vmul.f32 v54, v31  }
0x414: {  	v59 =	vld [tilespmem:s20+$0xB0];
	[tilespmem:s20+$0x30] =	vst v2;
	v2 =	vmul.f32 v55, v31  }
0x415: {  	v60 =	vld [tilespmem:s20+$0xC0];
	[tilespmem:s20+$0x40] =	vst v1;
	v1 =	vmul.f32 v56, v31  }
0x416: {  	v61 =	vld [tilespmem:s20+$0xD0];
	[tilespmem:s20+$0x50] =	vst v2;
	v2 =	vmul.f32 v57, v5  }
0x417: {  	[tilespmem:s20+$0x60] =	vst v1;
	v1 =	vmul.f32 v3, v5;
	v3 =	vld [tilespmem:s20+$0xE0]  }
0x418: {  	v62 =	vld [tilespmem:s20+$0xF0];
	[tilespmem:s20+$0x80] =	vst v2;
	v2 =	vmul.f32 v58, v5  }
0x419: {  	[tilespmem:s20+$0x90] =	vst v1;
	v1 =	vmul.f32 v59, v5  }
0x41a: {  	[tilespmem:s20+$0xA0] =	vst v2;
	v2 =	vmul.f32 v60, v5  }
0x41b: {  	[tilespmem:s20+$0xB0] =	vst v1;
	v1 =	vmul.f32 v61, v5  }
0x41c: {  	[tilespmem:s20+$0xC0] =	vst v2;
	v2 =	vmul.f32 v3, v5  }
0x41d: {  	[tilespmem:s20+$0xD0] =	vst v1;
	v1 =	vmul.f32 v62, v5  }
0x41e: {  	[tilespmem:s20+$0xE0] =	vst v2  }
0x41f: {  	s1 =	simm.s32 $0x9380;
	[tilespmem:s20+$0xF0] =	vst v1  }
0x420: {  	[spmem:s9] =	stream.indirect.scatter.add.f32 [tilespmem:s25], [sflag:$0x7], $0x80, s1, s30, $0xb8;
	v63 =	vld [tilespmem:$0x0]  }
0x421: {  	s25 =	sld [smem:$0x7EC];
	_ =	sdelay $0x1  }
0x422: {  	s19 =	simm.s32 $0x0  }
0x423: {  	[hbm4b:s25+s19] =	stream.linear.scatter [tilespmem:s23], [sflag:$0x8], $0x30, $0x38;
	v63 =	vld [tilespmem:$0x0]  }
0x424: {  	s25 =	simm.s32 $0x0  }
.LBB2_12:
0x425: {  	_ =	swait.ge [sflag:s18], $0x30  }
0x426: {  	[sflag:s18] =	ssyncset.done $0x0  }
0x427: {  	[sflag:s18] =	ssyncadd.s32 $0xFFFFFFD0  }
0x428: {  	v1 =	vld [tilespmem:$0xAC00]  }
0x429: {  	v2 =	vld [tilespmem:$0xAC80];
	_ =	sdelay $0x5  }
0x42a: {  	v3 =	vld [tilespmem:$0xAD00]  }
0x42b: {  	v4 =	vld.idx.msk [tilespmem:v1+s19+$0x0], $0xffff  }
0x42c: {  	v2 =	vld.idx.msk [tilespmem:v2+s15+$0x0], $0xffff;
	_ =	sdelay $0x4  }
0x42d: {  	v3 =	vmul.f32 v3, v0;
	v2 =	vadd.f32 v2, v4;
	_ =	sdelay $0x1  }
0x42e: {  	v2 =	vadd.f32 v2, v3;
	_ =	sdelay $0x1  }
0x42f: {  	v3 =	vmul.f32 $2.000000030e-01, v2  }
0x430: {  	vm0 =	vge.f32 v2, $0.0e+00  }
0x431: {  	v2 =	vsel vm0, v2, v3  }
0x432: {  	v2 =	vsub.f32 $0.0e+00, v2;
	_ =	sdelay $0x1  }
0x433: {  	v2 =	vmul.f32 $1.442695020e+00, v2;
	_ =	sdelay $0x1  }
0x434: {  	(erf) = vpow2.f32 v2;
	_ =	sdelay $0x8  }
0x435: {  	v2 =	vpop (erf)  }
0x436: {  	[tilespmem:$0xAD80] =	vst v2  }
0x437: {  	[tilespmem:v1+s13+$0x0] =	vst.idx.add.f32.msk $0xffff, v2  }
0x438: {  	v2 =	vld [tilespmem:$0xAC10]  }
0x439: {  	v3 =	vld [tilespmem:$0xAC90];
	_ =	sdelay $0x5  }
0x43a: {  	[tilespmem:$0xAE00] =	vst v1;
	v1 =	vld [tilespmem:$0xAD10]  }
0x43b: {  	v4 =	vld.idx.msk [tilespmem:v2+s19+$0x0], $0xffff  }
0x43c: {  	v3 =	vld.idx.msk [tilespmem:v3+s15+$0x0], $0xffff;
	_ =	sdelay $0x4  }
0x43d: {  	v1 =	vmul.f32 v1, v0;
	v3 =	vadd.f32 v3, v4;
	_ =	sdelay $0x1  }
0x43e: {  	v1 =	vadd.f32 v3, v1;
	_ =	sdelay $0x1  }
0x43f: {  	v3 =	vmul.f32 $2.000000030e-01, v1  }
0x440: {  	vm14 =	vge.f32 v1, $0.0e+00  }
0x441: {  	v1 =	vsel vm14, v1, v3  }
0x442: {  	v1 =	vsub.f32 $0.0e+00, v1;
	_ =	sdelay $0x1  }
0x443: {  	v1 =	vmul.f32 $1.442695020e+00, v1;
	_ =	sdelay $0x1  }
0x444: {  	(erf) = vpow2.f32 v1;
	_ =	sdelay $0x8  }
0x445: {  	v1 =	vpop (erf)  }
0x446: {  	[tilespmem:$0xAD90] =	vst v1  }
0x447: {  	[tilespmem:v2+s13+$0x0] =	vst.idx.add.f32.msk $0xffff, v1  }
0x448: {  	v1 =	vld [tilespmem:$0xAC20]  }
0x449: {  	v3 =	vld [tilespmem:$0xACA0];
	_ =	sdelay $0x5  }
0x44a: {  	[tilespmem:$0xAE10] =	vst v2;
	v2 =	vld [tilespmem:$0xAD20]  }
0x44b: {  	v4 =	vld.idx.msk [tilespmem:v1+s19+$0x0], $0xffff  }
0x44c: {  	v3 =	vld.idx.msk [tilespmem:v3+s15+$0x0], $0xffff;
	_ =	sdelay $0x4  }
0x44d: {  	v2 =	vmul.f32 v2, v0;
	v3 =	vadd.f32 v3, v4;
	_ =	sdelay $0x1  }
0x44e: {  	v2 =	vadd.f32 v3, v2;
	_ =	sdelay $0x1  }
0x44f: {  	v3 =	vmul.f32 $2.000000030e-01, v2  }
0x450: {  	vm15 =	vge.f32 v2, $0.0e+00  }
0x451: {  	v2 =	vsel vm15, v2, v3  }
0x452: {  	v2 =	vsub.f32 $0.0e+00, v2;
	_ =	sdelay $0x1  }
0x453: {  	v2 =	vmul.f32 $1.442695020e+00, v2;
	_ =	sdelay $0x1  }
0x454: {  	(erf) = vpow2.f32 v2;
	_ =	sdelay $0x8  }
0x455: {  	v2 =	vpop (erf)  }
0x456: {  	[tilespmem:$0xADA0] =	vst v2  }
0x457: {  	[tilespmem:v1+s13+$0x0] =	vst.idx.add.f32.msk $0xffff, v2  }
0x458: {  	[tilespmem:$0xAE20] =	vst v1  }
0x459: {  	_ =	swait.ge [sflag:s26], $0x1800  }
0x45a: {  	[sflag:s26] =	ssyncset.done $0x0  }
0x45b: {  	[sflag:s26] =	ssyncadd.s32 $0xFFFFE800  }
0x45c: {  	_ =	swait.ge [sflag:s28], $0x30  }
0x45d: {  	[sflag:s28] =	ssyncset.done $0x0  }
0x45e: {  	[sflag:s28] =	ssyncadd.s32 $0xFFFFFFD0  }
0x45f: {  	_ =	swait.ge [sflag:s28], $0x30  }
0x460: {  	[sflag:s28] =	ssyncset.done $0x0  }
0x461: {  	[sflag:s28] =	ssyncadd.s32 $0xFFFFFFD0  }
0x462: {  	_ =	swait.ge [sflag:s28], $0x30  }
0x463: {  	[sflag:s28] =	ssyncset.done $0x0  }
0x464: {  	[sflag:s28] =	ssyncadd.s32 $0xFFFFFFD0  }
0x465: {  	s2 =	simm.s32 $0x7980;
	s3 =	simm.s32 $0xA;
	s1 =	rddreg [dreg:$0x0]  }
0x466: {  	[tilespmem:s2], [sflag:$0x2] =	stream.indirect.gather [hbm4b:s1+s30], $0x80, s31, s30, $0xb8;
	v63 =	vld [tilespmem:$0x0]  }
0x467: {  	_ =	swait.ge [sflag:s3], $0x1800  }
0x468: {  	s10 =	sld [smem:$0x7ED]  }
0x469: {  	s16 =	smul.u32 $0x90, s25;
	_ =	sdelay $0x1  }
0x46a: {  	s20 =	simm.s32 $0x2;
	v1 =	vmov s19;
	s1 =	sadd.s32 s16, s10  }
0x46b: {  	v2 =	vmov s20;
	v1 =	vand.u32 $0xFFFFFFFC, v1;
	[sflag:s3] =	ssyncset.done $0x0;
	s10 =	sshrl.u32 s1, $0x3  }
0x46c: {  	s20 =	simm.s32 $0x9180;
	v2 =	vand.u32 $0xFFFFFFFE, v2;
	v1 =	vbroadcast v1, $0x0;
	[sflag:s3] =	ssyncadd.s32 $0xFFFFE800;
	s1 =	sadd.s32 s5, s10  }
0x46d: {  	v2 =	vbroadcast v2, $0x0;
	[tilespmem:s20], [sflag:$0x5] =	stream.linear.gather [hbm4b:s1+s19], $0x30, $0x38;
	v63 =	vld [tilespmem:$0x0]  }
0x46e: {  	s3 =	sadd.s32 s6, s10;
	s20 =	simm.s32 $0x9200  }
0x46f: {  	[tilespmem:s20], [sflag:$0x5] =	stream.linear.gather [hbm4b:s3+s19], $0x30, $0x38;
	v63 =	vld [tilespmem:$0x0]  }
0x470: {  	s3 =	sadd.s32 s7, s10;
	s20 =	simm.s32 $0x9280  }
0x471: {  	[tilespmem:s20], [sflag:$0x5] =	stream.linear.gather [hbm4b:s3+s19], $0x30, $0x38;
	v63 =	vld [tilespmem:$0x0]  }
0x472: {  	v1 =	vld.idx.msk [tilespmem:v1+s11+$0x0], $0xffff  }
0x473: {  	s20 =	simm.s32 $0xAF80;
	v2 =	vld.idx.msk [tilespmem:v2+s11+$0x0], $0xffff  }
0x474: {  	v4 =	vld [tilespmem:s20+$0x70]  }
0x475: {  	v5 =	vld [tilespmem:s20+$0xFFFFFF00]  }
0x476: {  	s3 =	simm.s32 $0x1;
	v6 =	vld [tilespmem:s20+$0xFFFFFF10]  }
0x477: {  	v3 =	vmov s3;
	v7 =	vld [tilespmem:s20+$0xFFFFFF20]  }
0x478: {  	v8 =	vld [tilespmem:s20+$0xFFFFFF30];
	v3 =	vand.u32 $0xFFFFFFFD, v3  }
0x479: {  	v9 =	vld [tilespmem:s20+$0xFFFFFF40];
	v3 =	vbroadcast v3, $0x0  }
0x47a: {  	v10 =	vld [tilespmem:s20+$0xFFFFFF50]  }
0x47b: {  	v11 =	vld [tilespmem:s20+$0xFFFFFF60];
	v5 =	vmul.f32 v5, v1  }
0x47c: {  	v13 =	vld [tilespmem:s20+$0x40];
	v4 =	vmul.f32 v4, v2  }
0x47d: {  	[tilespmem:s20+$0xFFFFFF00] =	vst v5;
	v5 =	vmul.f32 v6, v1;
	v6 =	vld [tilespmem:s20+$0xFFFFFF70]  }
0x47e: {  	[tilespmem:s20+$0x70] =	vst v4;
	v4 =	vmul.f32 v7, v1;
	v7 =	vld [tilespmem:s20+$0xFFFFFF80]  }
0x47f: {  	v3 =	vld.idx.msk [tilespmem:v3+s11+$0x0], $0xffff;
	[tilespmem:s20+$0xFFFFFF10] =	vst v5;
	v5 =	vmul.f32 v8, v1  }
0x480: {  	v8 =	vld [tilespmem:s20+$0xFFFFFF90];
	[tilespmem:s20+$0xFFFFFF20] =	vst v4;
	v4 =	vmul.f32 v9, v1  }
0x481: {  	v9 =	vld [tilespmem:s20+$0xFFFFFFA0];
	[tilespmem:s20+$0xFFFFFF30] =	vst v5;
	v5 =	vmul.f32 v10, v1  }
0x482: {  	v10 =	vld [tilespmem:s20+$0xFFFFFFB0];
	[tilespmem:s20+$0xFFFFFF40] =	vst v4;
	v4 =	vmul.f32 v11, v1  }
0x483: {  	v11 =	vld [tilespmem:s20+$0xFFFFFFC0];
	v6 =	vmul.f32 v6, v1;
	[tilespmem:s20+$0xFFFFFF50] =	vst v5  }
0x484: {  	v5 =	vmul.f32 v7, v3;
	v7 =	vld [tilespmem:s20+$0xFFFFFFD0];
	[tilespmem:s20+$0xFFFFFF60] =	vst v4  }
0x485: {  	s2 =	simm.s32 $0x3;
	v4 =	vld [tilespmem:s20+$0xFFFFFFE0];
	v8 =	vmul.f32 v8, v3;
	[tilespmem:s20+$0xFFFFFF70] =	vst v6  }
0x486: {  	v12 =	vmov s2;
	v6 =	vld [tilespmem:s20+$0xFFFFFFF0];
	[tilespmem:s20+$0xFFFFFF80] =	vst v5;
	v5 =	vmul.f32 v9, v3  }
0x487: {  	v9 =	vld [tilespmem:s20+$0x0];
	[tilespmem:s20+$0xFFFFFF90] =	vst v8;
	v8 =	vmul.f32 v10, v3  }
0x488: {  	v10 =	vld [tilespmem:s20+$0x10];
	[tilespmem:s20+$0xFFFFFFA0] =	vst v5;
	v5 =	vmul.f32 v11, v3  }
0x489: {  	[tilespmem:s20+$0xFFFFFFB0] =	vst v8;
	v7 =	vmul.f32 v7, v3;
	v8 =	vld [tilespmem:s20+$0x20]  }
0x48a: {  	v11 =	vld [tilespmem:s20+$0x30];
	v4 =	vmul.f32 v4, v3;
	[tilespmem:s20+$0xFFFFFFC0] =	vst v5  }
0x48b: {  	v1 =	vld.idx.msk [tilespmem:v12+s11+$0x0], $0xffff;
	v3 =	vmul.f32 v6, v3;
	[tilespmem:s20+$0xFFFFFFD0] =	vst v7  }
0x48c: {  	[tilespmem:s20+$0xFFFFFFE0] =	vst v4;
	v5 =	vmul.f32 v9, v2;
	v4 =	vld [tilespmem:s20+$0x50]  }
0x48d: {  	s3 =	simm.s32 $0x4;
	[tilespmem:s20+$0xFFFFFFF0] =	vst v3;
	v6 =	vmul.f32 v10, v2;
	v3 =	vld [tilespmem:s20+$0x60]  }
0x48e: {  	s2 =	simm.s32 $0x7;
	v7 =	vmov s3;
	[tilespmem:s20+$0x0] =	vst v5;
	v9 =	vmul.f32 v8, v2;
	v8 =	vld [tilespmem:s20+$0x80]  }
0x48f: {  	s3 =	simm.s32 $0x5;
	v12 =	vand.u32 $0xFFFFFFFC, v7;
	v7 =	vld [tilespmem:s20+$0x90];
	v5 =	vmov s2;
	v10 =	vmul.f32 v11, v2;
	[tilespmem:s20+$0x10] =	vst v6  }
0x490: {  	s31 =	simm.s32 $0xAF80;
	s1 =	simm.s32 $0x6;
	s2 =	simm.s32 $0x8;
	v11 =	vmul.f32 v13, v2;
	v6 =	vbroadcast v12, $0x0;
	v12 =	vmov s3;
	[tilespmem:s20+$0x20] =	vst v9;
	v9 =	vld [tilespmem:s20+$0xA0]  }
.LBB2_13:
0x491: {  	p1 =	slt.u32 s2, $0x2C;
	v12 =	vand.u32 $0xFFFFFFFD, v12;
	v13 =	vmov s1;
	[tilespmem:s20+$0x30] =	vst v10;
	v4 =	vmul.f32 v4, v2;
	v10 =	vld [tilespmem:s20+$0xB0]  }
0x492: {  	v12 =	vbroadcast v12, $0x0;
	v13 =	vand.u32 $0xFFFFFFFE, v13;
	[tilespmem:s20+$0x40] =	vst v11;
	v2 =	vmul.f32 v3, v2;
	v3 =	vld [tilespmem:s20+$0xC0]  }
0x493: {  	v11 =	vbroadcast v13, $0x0;
	[tilespmem:s20+$0x50] =	vst v4;
	v4 =	vmul.f32 v8, v1;
	v8 =	vld [tilespmem:s20+$0xD0]  }
0x494: {  	[tilespmem:s20+$0x60] =	vst v2;
	v2 =	vmul.f32 v7, v1;
	v7 =	vld [tilespmem:s20+$0xE0]  }
0x495: {  	[tilespmem:s20+$0x80] =	vst v4;
	v4 =	vmul.f32 v9, v1;
	v9 =	vld [tilespmem:s20+$0xF0]  }
0x496: {  	v5 =	vld.idx.msk [tilespmem:v5+s11+$0x0], $0xffff;
	[tilespmem:s20+$0x90] =	vst v2;
	v2 =	vmul.f32 v10, v1  }
0x497: {  	v6 =	vld.idx.msk [tilespmem:v6+s11+$0x0], $0xffff;
	[tilespmem:s20+$0xA0] =	vst v4;
	v3 =	vmul.f32 v3, v1  }
0x498: {  	v4 =	vld.idx.msk [tilespmem:v12+s11+$0x0], $0xffff;
	[tilespmem:s20+$0xB0] =	vst v2;
	v8 =	vmul.f32 v8, v1  }
0x499: {  	s20 =	sadd.s32 $0x200, s20;
	v2 =	vld.idx.msk [tilespmem:v11+s11+$0x0], $0xffff;
	[tilespmem:s31+$0xC0] =	vst v3;
	v3 =	vmul.f32 v7, v1  }
0x49a: {  	v7 =	vld [tilespmem:s20+$0x70];
	[tilespmem:s31+$0xD0] =	vst v8;
	v9 =	vmul.f32 v9, v1  }
0x49b: {  	v8 =	vld [tilespmem:s20+$0xFFFFFF00];
	[tilespmem:s31+$0xE0] =	vst v3  }
0x49c: {  	v1 =	vmov v5;
	v3 =	vld [tilespmem:s20+$0xFFFFFF10];
	[tilespmem:s31+$0xF0] =	vst v9;
	s31 =	smov.u32 s20  }
0x49d: {  	v5 =	vld [tilespmem:s20+$0xFFFFFF20]  }
0x49e: {  	v9 =	vld [tilespmem:s20+$0xFFFFFF30]  }
0x49f: {  	v10 =	vld [tilespmem:s20+$0xFFFFFF40];
	v7 =	vmul.f32 v7, v2  }
0x4a0: {  	v8 =	vmul.f32 v8, v6;
	v11 =	vld [tilespmem:s20+$0xFFFFFF50]  }
0x4a1: {  	v3 =	vmul.f32 v3, v6;
	v12 =	vld [tilespmem:s20+$0xFFFFFF60];
	[tilespmem:s20+$0x70] =	vst v7  }
0x4a2: {  	[tilespmem:s20+$0xFFFFFF00] =	vst v8;
	v5 =	vmul.f32 v5, v6;
	v7 =	vld [tilespmem:s20+$0xFFFFFF70]  }
0x4a3: {  	[tilespmem:s20+$0xFFFFFF10] =	vst v3;
	v3 =	vmul.f32 v9, v6;
	v8 =	vld [tilespmem:s20+$0xFFFFFF80]  }
0x4a4: {  	[tilespmem:s20+$0xFFFFFF20] =	vst v5;
	v5 =	vmul.f32 v10, v6;
	v9 =	vld [tilespmem:s20+$0xFFFFFF90]  }
0x4a5: {  	[tilespmem:s20+$0xFFFFFF30] =	vst v3;
	v3 =	vmul.f32 v11, v6;
	v10 =	vld [tilespmem:s20+$0xFFFFFFA0]  }
0x4a6: {  	[tilespmem:s20+$0xFFFFFF40] =	vst v5;
	v5 =	vmul.f32 v12, v6;
	v11 =	vld [tilespmem:s20+$0xFFFFFFB0]  }
0x4a7: {  	[tilespmem:s20+$0xFFFFFF50] =	vst v3;
	v3 =	vmul.f32 v7, v6;
	v6 =	vld [tilespmem:s20+$0xFFFFFFC0]  }
0x4a8: {  	[tilespmem:s20+$0xFFFFFF60] =	vst v5;
	v5 =	vmul.f32 v8, v4;
	v7 =	vld [tilespmem:s20+$0xFFFFFFD0]  }
0x4a9: {  	[tilespmem:s20+$0xFFFFFF70] =	vst v3;
	v3 =	vmul.f32 v9, v4;
	v8 =	vld [tilespmem:s20+$0xFFFFFFE0]  }
0x4aa: {  	[tilespmem:s20+$0xFFFFFF80] =	vst v5;
	v5 =	vmul.f32 v10, v4;
	v9 =	vld [tilespmem:s20+$0xFFFFFFF0]  }
0x4ab: {  	[tilespmem:s20+$0xFFFFFF90] =	vst v3;
	v3 =	vmul.f32 v11, v4;
	v10 =	vld [tilespmem:s20+$0x0]  }
0x4ac: {  	[tilespmem:s20+$0xFFFFFFA0] =	vst v5;
	v5 =	vmul.f32 v6, v4;
	v6 =	vld [tilespmem:s20+$0x10]  }
0x4ad: {  	[tilespmem:s20+$0xFFFFFFB0] =	vst v3;
	v3 =	vmul.f32 v7, v4;
	v7 =	vld [tilespmem:s20+$0x20]  }
0x4ae: {  	[tilespmem:s20+$0xFFFFFFC0] =	vst v5;
	v5 =	vmul.f32 v8, v4;
	v11 =	vld [tilespmem:s20+$0x30]  }
0x4af: {  	[tilespmem:s20+$0xFFFFFFD0] =	vst v3;
	v3 =	vmul.f32 v9, v4;
	v9 =	vld [tilespmem:s20+$0x40]  }
.Ltmp5:
0x4b0: {  	[tilespmem:s20+$0xFFFFFFE0] =	vst v5;
	v5 =	vmul.f32 v10, v2;
	v4 =	vld [tilespmem:s20+$0x50];
	(pc) =	sbr.rel @p1 .LBB2_13-.Ltmp5, $4  }
0x4b1: {  	[tilespmem:s20+$0xFFFFFFF0] =	vst v3;
	v6 =	vmul.f32 v6, v2;
	v3 =	vld [tilespmem:s20+$0x60]  }
0x4b2: {  	s1 =	sadd.s32 $0x3, s2;
	v10 =	vmov s2;
	[tilespmem:s20+$0x0] =	vst v5;
	v13 =	vmul.f32 v7, v2;
	v8 =	vld [tilespmem:s20+$0x80]  }
0x4b3: {  	s3 =	sadd.s32 $0x1, s2;
	v12 =	vand.u32 $0xFFFFFFFC, v10;
	v5 =	vmov s1;
	[tilespmem:s20+$0x10] =	vst v6;
	v10 =	vmul.f32 v11, v2;
	v7 =	vld [tilespmem:s20+$0x90]  }
0x4b4: {  	s1 =	sadd.s32 $0x2, s2;
	s2 =	sadd.s32 $0x4, s2;
	v6 =	vbroadcast v12, $0x0;
	v12 =	vmov s3;
	[tilespmem:s20+$0x20] =	vst v13;
	v11 =	vmul.f32 v9, v2;
	v9 =	vld [tilespmem:s20+$0xA0]  }
0x4b5: {  	v13 =	vld [tilespmem:s20+$0xB0]  }
0x4b6: {  	v15 =	vld [tilespmem:s20+$0xC0]  }
0x4b7: {  	v14 =	vmov s1;
	v16 =	vld [tilespmem:s20+$0xD0]  }
0x4b8: {  	v17 =	vld [tilespmem:s20+$0xE0];
	[tilespmem:s20+$0x30] =	vst v10;
	v4 =	vmul.f32 v4, v2;
	v14 =	vand.u32 $0xFFFFFFFE, v14  }
0x4b9: {  	v12 =	vand.u32 $0xFFFFFFFD, v12;
	v5 =	vld.idx.msk [tilespmem:v5+s11+$0x0], $0xffff;
	[tilespmem:s20+$0x40] =	vst v11;
	v2 =	vmul.f32 v3, v2;
	v14 =	vbroadcast v14, $0x0  }
0x4ba: {  	s2 =	sadd.s32 $0x200, s20;
	v12 =	vbroadcast v12, $0x0;
	v3 =	vld.idx.msk [tilespmem:v6+s11+$0x0], $0xffff;
	v8 =	vmul.f32 v8, v1;
	[tilespmem:s20+$0x50] =	vst v4  }
0x4bb: {  	v10 =	vld [tilespmem:s2+$0xFFFFFF00];
	v4 =	vmul.f32 v7, v1;
	[tilespmem:s20+$0x60] =	vst v2  }
0x4bc: {  	[tilespmem:s20+$0x80] =	vst v8;
	v8 =	vld [tilespmem:s20+$0xF0];
	v2 =	vmul.f32 v9, v1  }
0x4bd: {  	v11 =	vld [tilespmem:s2+$0xFFFFFF10];
	[tilespmem:s20+$0x90] =	vst v4;
	v4 =	vmul.f32 v13, v1  }
0x4be: {  	v9 =	vld [tilespmem:s2+$0x70];
	[tilespmem:s20+$0xA0] =	vst v2;
	v2 =	vmul.f32 v15, v1  }
0x4bf: {  	[tilespmem:s20+$0xB0] =	vst v4;
	v4 =	vmul.f32 v16, v1;
	v7 =	vld.idx.msk [tilespmem:v14+s11+$0x0], $0xffff  }
0x4c0: {  	v6 =	vld.idx.msk [tilespmem:v12+s11+$0x0], $0xffff;
	[tilespmem:s31+$0xC0] =	vst v2;
	v2 =	vmul.f32 v17, v1  }
0x4c1: {  	v12 =	vld [tilespmem:s2+$0xFFFFFF20];
	[tilespmem:s31+$0xD0] =	vst v4;
	v1 =	vmul.f32 v8, v1  }
0x4c2: {  	v4 =	vld [tilespmem:s2+$0xFFFFFF30];
	[tilespmem:s31+$0xE0] =	vst v2  }
0x4c3: {  	v2 =	vld [tilespmem:s2+$0xFFFFFF40];
	[tilespmem:s31+$0xF0] =	vst v1;
	v1 =	vmul.f32 v10, v3  }
0x4c4: {  	v8 =	vmul.f32 v9, v7;
	v9 =	vld [tilespmem:s2+$0xFFFFFF50]  }
0x4c5: {  	v10 =	vmul.f32 v11, v3;
	v11 =	vld [tilespmem:s2+$0xFFFFFF60];
	[tilespmem:s2+$0xFFFFFF00] =	vst v1  }
0x4c6: {  	v1 =	vmul.f32 v12, v3;
	[tilespmem:s2+$0x70] =	vst v8;
	v8 =	vld [tilespmem:s2+$0xFFFFFF70]  }
0x4c7: {  	[tilespmem:s2+$0xFFFFFF10] =	vst v10;
	v10 =	vld [tilespmem:s2+$0xFFFFFF80];
	v4 =	vmul.f32 v4, v3  }
0x4c8: {  	[tilespmem:s2+$0xFFFFFF20] =	vst v1;
	v1 =	vmul.f32 v2, v3;
	v2 =	vld [tilespmem:s2+$0xFFFFFF90]  }
0x4c9: {  	[tilespmem:s2+$0xFFFFFF30] =	vst v4;
	v4 =	vmul.f32 v9, v3;
	v9 =	vld [tilespmem:s2+$0xFFFFFFA0]  }
0x4ca: {  	[tilespmem:s2+$0xFFFFFF40] =	vst v1;
	v1 =	vmul.f32 v11, v3;
	v11 =	vld [tilespmem:s2+$0xFFFFFFB0]  }
0x4cb: {  	[tilespmem:s2+$0xFFFFFF50] =	vst v4;
	v3 =	vmul.f32 v8, v3;
	v4 =	vld [tilespmem:s2+$0xFFFFFFC0]  }
0x4cc: {  	[tilespmem:s2+$0xFFFFFF60] =	vst v1;
	v1 =	vmul.f32 v10, v6;
	v8 =	vld [tilespmem:s2+$0xFFFFFFD0]  }
0x4cd: {  	v2 =	vmul.f32 v2, v6;
	[tilespmem:s2+$0xFFFFFF70] =	vst v3;
	v3 =	vld [tilespmem:s2+$0xFFFFFFE0]  }
0x4ce: {  	[tilespmem:s2+$0xFFFFFF80] =	vst v1;
	v1 =	vmul.f32 v9, v6;
	v9 =	vld [tilespmem:s2+$0xFFFFFFF0]  }
0x4cf: {  	v10 =	vld [tilespmem:s2+$0x0];
	[tilespmem:s2+$0xFFFFFF90] =	vst v2;
	v2 =	vmul.f32 v11, v6  }
0x4d0: {  	[tilespmem:s2+$0xFFFFFFA0] =	vst v1;
	v1 =	vmul.f32 v4, v6;
	v4 =	vld [tilespmem:s2+$0x10]  }
0x4d1: {  	[tilespmem:s2+$0xFFFFFFB0] =	vst v2;
	v2 =	vmul.f32 v8, v6;
	v8 =	vld [tilespmem:s2+$0x20]  }
0x4d2: {  	[tilespmem:s2+$0xFFFFFFC0] =	vst v1;
	v1 =	vmul.f32 v3, v6;
	v3 =	vld [tilespmem:s2+$0x30]  }
0x4d3: {  	[tilespmem:s2+$0xFFFFFFD0] =	vst v2;
	v2 =	vmul.f32 v9, v6;
	v6 =	vld [tilespmem:s2+$0x40]  }
0x4d4: {  	v9 =	vld [tilespmem:s2+$0x50];
	[tilespmem:s2+$0xFFFFFFE0] =	vst v1;
	v1 =	vmul.f32 v10, v7  }
0x4d5: {  	[tilespmem:s2+$0xFFFFFFF0] =	vst v2;
	v2 =	vmul.f32 v4, v7;
	v4 =	vld [tilespmem:s2+$0x60]  }
0x4d6: {  	[tilespmem:s2+$0x0] =	vst v1;
	v1 =	vmul.f32 v8, v7;
	v8 =	vld [tilespmem:s2+$0x80]  }
0x4d7: {  	[tilespmem:s2+$0x10] =	vst v2;
	v2 =	vmul.f32 v3, v7;
	v3 =	vld [tilespmem:s2+$0x90]  }
0x4d8: {  	[tilespmem:s2+$0x20] =	vst v1;
	v1 =	vmul.f32 v6, v7;
	v6 =	vld [tilespmem:s2+$0xA0]  }
0x4d9: {  	[tilespmem:s2+$0x30] =	vst v2;
	v2 =	vmul.f32 v9, v7;
	v9 =	vld [tilespmem:s2+$0xB0]  }
0x4da: {  	[tilespmem:s2+$0x40] =	vst v1;
	v1 =	vmul.f32 v4, v7;
	v4 =	vld [tilespmem:s2+$0xC0]  }
0x4db: {  	v7 =	vld [tilespmem:s2+$0xD0];
	[tilespmem:s2+$0x50] =	vst v2;
	v2 =	vmul.f32 v8, v5  }
0x4dc: {  	[tilespmem:s2+$0x60] =	vst v1;
	v1 =	vmul.f32 v3, v5;
	v3 =	vld [tilespmem:s2+$0xE0]  }
0x4dd: {  	[tilespmem:s2+$0x80] =	vst v2;
	v2 =	vmul.f32 v6, v5;
	v6 =	vld [tilespmem:s2+$0xF0]  }
0x4de: {  	[tilespmem:s2+$0x90] =	vst v1;
	v1 =	vmul.f32 v9, v5  }
0x4df: {  	[tilespmem:s2+$0xA0] =	vst v2;
	v2 =	vmul.f32 v4, v5  }
0x4e0: {  	[tilespmem:s2+$0xB0] =	vst v1;
	v1 =	vmul.f32 v7, v5  }
0x4e1: {  	[tilespmem:s2+$0xC0] =	vst v2;
	v2 =	vmul.f32 v3, v5  }
0x4e2: {  	[tilespmem:s2+$0xD0] =	vst v1;
	v1 =	vmul.f32 v6, v5  }
0x4e3: {  	[tilespmem:s2+$0xE0] =	vst v2  }
0x4e4: {  	s3 =	simm.s32 $0xAE80;
	s20 =	simm.s32 $0xAE00;
	[tilespmem:s2+$0xF0] =	vst v1  }
0x4e5: {  	[spmem:s9] =	stream.indirect.scatter.add.f32 [tilespmem:s3], [sflag:$0xB], $0x80, s20, s30, $0xb8;
	v63 =	vld [tilespmem:$0x0]  }
0x4e6: {  	s2 =	rddreg [dreg:$0x11]  }
0x4e7: {  	s1 =	sadd.s32 s16, s2  }
0x4e8: {  	s1 =	sshrl.u32 s1, $0x3  }
0x4e9: {  	s2 =	simm.s32 $0x0;
	s1 =	sadd.s32 s12, s1  }
0x4ea: {  	[hbm4b:s1+s2] =	stream.linear.scatter [tilespmem:s11], [sflag:$0xC], $0x30, $0x38;
	v63 =	vld [tilespmem:$0x0]  }
0x4eb: {  	_ =	swait.ge [sflag:s4], $0x30  }
0x4ec: {  	[sflag:s4] =	ssyncset.done $0x0  }
0x4ed: {  	[sflag:s4] =	ssyncadd.s32 $0xFFFFFFD0  }
0x4ee: {  	v1 =	vld [tilespmem:$0x7700]  }
0x4ef: {  	v2 =	vld [tilespmem:$0x7780];
	_ =	sdelay $0x5  }
0x4f0: {  	v3 =	vld [tilespmem:$0x7800]  }
0x4f1: {  	v4 =	vld.idx.msk [tilespmem:v1+s2+$0x0], $0xffff  }
0x4f2: {  	v2 =	vld.idx.msk [tilespmem:v2+s15+$0x0], $0xffff;
	_ =	sdelay $0x4  }
0x4f3: {  	v3 =	vmul.f32 v3, v0;
	v2 =	vadd.f32 v2, v4;
	_ =	sdelay $0x1  }
0x4f4: {  	v2 =	vadd.f32 v2, v3;
	_ =	sdelay $0x1  }
0x4f5: {  	v3 =	vmul.f32 $2.000000030e-01, v2  }
0x4f6: {  	vm0 =	vge.f32 v2, $0.0e+00  }
0x4f7: {  	v2 =	vsel vm0, v2, v3  }
0x4f8: {  	v2 =	vsub.f32 $0.0e+00, v2;
	_ =	sdelay $0x1  }
0x4f9: {  	v2 =	vmul.f32 $1.442695020e+00, v2;
	_ =	sdelay $0x1  }
0x4fa: {  	(erf) = vpow2.f32 v2;
	_ =	sdelay $0x8  }
0x4fb: {  	v2 =	vpop (erf)  }
0x4fc: {  	[tilespmem:$0x7880] =	vst v2  }
0x4fd: {  	[tilespmem:v1+s13+$0x0] =	vst.idx.add.f32.msk $0xffff, v2  }
0x4fe: {  	v2 =	vld [tilespmem:$0x7710]  }
0x4ff: {  	v3 =	vld [tilespmem:$0x7790];
	_ =	sdelay $0x5  }
0x500: {  	[tilespmem:$0x7900] =	vst v1;
	v1 =	vld [tilespmem:$0x7810]  }
0x501: {  	v4 =	vld.idx.msk [tilespmem:v2+s2+$0x0], $0xffff  }
0x502: {  	v3 =	vld.idx.msk [tilespmem:v3+s15+$0x0], $0xffff;
	_ =	sdelay $0x4  }
0x503: {  	v1 =	vmul.f32 v1, v0;
	v3 =	vadd.f32 v3, v4;
	_ =	sdelay $0x1  }
0x504: {  	v1 =	vadd.f32 v3, v1;
	_ =	sdelay $0x1  }
0x505: {  	v3 =	vmul.f32 $2.000000030e-01, v1  }
0x506: {  	vm14 =	vge.f32 v1, $0.0e+00  }
0x507: {  	v1 =	vsel vm14, v1, v3  }
0x508: {  	v1 =	vsub.f32 $0.0e+00, v1;
	_ =	sdelay $0x1  }
0x509: {  	v1 =	vmul.f32 $1.442695020e+00, v1;
	_ =	sdelay $0x1  }
0x50a: {  	(erf) = vpow2.f32 v1;
	_ =	sdelay $0x8  }
0x50b: {  	v1 =	vpop (erf)  }
0x50c: {  	[tilespmem:$0x7890] =	vst v1  }
0x50d: {  	[tilespmem:v2+s13+$0x0] =	vst.idx.add.f32.msk $0xffff, v1  }
0x50e: {  	v1 =	vld [tilespmem:$0x7720]  }
0x50f: {  	v3 =	vld [tilespmem:$0x77A0];
	_ =	sdelay $0x5  }
0x510: {  	[tilespmem:$0x7910] =	vst v2;
	v2 =	vld [tilespmem:$0x7820]  }
0x511: {  	v4 =	vld.idx.msk [tilespmem:v1+s2+$0x0], $0xffff  }
0x512: {  	v3 =	vld.idx.msk [tilespmem:v3+s15+$0x0], $0xffff;
	_ =	sdelay $0x4  }
0x513: {  	v2 =	vmul.f32 v2, v0;
	v3 =	vadd.f32 v3, v4;
	_ =	sdelay $0x1  }
0x514: {  	v2 =	vadd.f32 v3, v2;
	_ =	sdelay $0x1  }
0x515: {  	v3 =	vmul.f32 $2.000000030e-01, v2  }
0x516: {  	vm15 =	vge.f32 v2, $0.0e+00  }
0x517: {  	v2 =	vsel vm15, v2, v3  }
0x518: {  	v2 =	vsub.f32 $0.0e+00, v2;
	_ =	sdelay $0x1  }
0x519: {  	v2 =	vmul.f32 $1.442695020e+00, v2;
	_ =	sdelay $0x1  }
0x51a: {  	(erf) = vpow2.f32 v2;
	_ =	sdelay $0x8  }
0x51b: {  	v2 =	vpop (erf)  }
0x51c: {  	[tilespmem:$0x78A0] =	vst v2  }
0x51d: {  	[tilespmem:v1+s13+$0x0] =	vst.idx.add.f32.msk $0xffff, v2  }
0x51e: {  	s3 =	simm.s32 $0x7;
	[tilespmem:$0x7920] =	vst v1  }
0x51f: {  	_ =	swait.ge [sflag:s3], $0x1800  }
0x520: {  	[sflag:s3] =	ssyncset.done $0x0  }
0x521: {  	[sflag:s3] =	ssyncadd.s32 $0xFFFFE800  }
0x522: {  	_ =	swait.ge [sflag:s0], $0x30  }
0x523: {  	[sflag:s0] =	ssyncset.done $0x0  }
0x524: {  	[sflag:s0] =	ssyncadd.s32 $0xFFFFFFD0  }
0x525: {  	_ =	swait.ge [sflag:s0], $0x30  }
0x526: {  	[sflag:s0] =	ssyncset.done $0x0  }
0x527: {  	[sflag:s0] =	ssyncadd.s32 $0xFFFFFFD0  }
0x528: {  	_ =	swait.ge [sflag:s0], $0x30  }
0x529: {  	[sflag:s0] =	ssyncset.done $0x0  }
0x52a: {  	[sflag:s0] =	ssyncadd.s32 $0xFFFFFFD0  }
0x52b: {  	s3 =	simm.s32 $0x9200;
	s20 =	rddreg [dreg:$0x0]  }
0x52c: {  	[tilespmem:s21], [sflag:$0x6] =	stream.indirect.gather [hbm4b:s20+s30], $0x80, s3, s30, $0xb8;
	v63 =	vld [tilespmem:$0x0]  }
0x52d: {  	_ =	swait.ge [sflag:s8], $0x1800  }
0x52e: {  	s3 =	sld [smem:$0x7EE];
	_ =	sdelay $0x2  }
0x52f: {  	v1 =	vmov s2;
	s20 =	simm.s32 $0x2;
	s1 =	sadd.s32 s16, s3  }
0x530: {  	v1 =	vand.u32 $0xFFFFFFFC, v1;
	v2 =	vmov s20;
	[sflag:s8] =	ssyncset.done $0x0;
	s1 =	sshrl.u32 s1, $0x3  }
0x531: {  	v1 =	vbroadcast v1, $0x0;
	s20 =	simm.s32 $0xAC00;
	v2 =	vand.u32 $0xFFFFFFFE, v2;
	[sflag:s8] =	ssyncadd.s32 $0xFFFFE800;
	s3 =	sadd.s32 s5, s1  }
0x532: {  	v2 =	vbroadcast v2, $0x0;
	[tilespmem:s20], [sflag:$0x9] =	stream.linear.gather [hbm4b:s3+s2], $0x30, $0x38;
	v63 =	vld [tilespmem:$0x0]  }
0x533: {  	s3 =	sadd.s32 s6, s1;
	s20 =	simm.s32 $0xAC80  }
0x534: {  	[tilespmem:s20], [sflag:$0x9] =	stream.linear.gather [hbm4b:s3+s2], $0x30, $0x38;
	v63 =	vld [tilespmem:$0x0]  }
0x535: {  	s1 =	sadd.s32 s7, s1;
	s20 =	simm.s32 $0xAD00  }
0x536: {  	[tilespmem:s20], [sflag:$0x9] =	stream.linear.gather [hbm4b:s1+s2], $0x30, $0x38;
	v63 =	vld [tilespmem:$0x0]  }
0x537: {  	v1 =	vld.idx.msk [tilespmem:v1+s14+$0x0], $0xffff  }
0x538: {  	s20 =	simm.s32 $0x7A80;
	v2 =	vld.idx.msk [tilespmem:v2+s14+$0x0], $0xffff  }
0x539: {  	s3 =	simm.s32 $0x1;
	v4 =	vld [tilespmem:s20+$0x70]  }
0x53a: {  	v3 =	vmov s3;
	v5 =	vld [tilespmem:s20+$0xFFFFFF00]  }
0x53b: {  	v3 =	vand.u32 $0xFFFFFFFD, v3;
	v6 =	vld [tilespmem:s20+$0xFFFFFF10]  }
0x53c: {  	v3 =	vbroadcast v3, $0x0;
	v7 =	vld [tilespmem:s20+$0xFFFFFF20]  }
0x53d: {  	v8 =	vld [tilespmem:s20+$0xFFFFFF30]  }
0x53e: {  	v9 =	vld [tilespmem:s20+$0xFFFFFF40]  }
0x53f: {  	v10 =	vld [tilespmem:s20+$0xFFFFFF50]  }
0x540: {  	v11 =	vld [tilespmem:s20+$0xFFFFFF60];
	v5 =	vmul.f32 v5, v1  }
0x541: {  	v13 =	vld [tilespmem:s20+$0x40];
	v4 =	vmul.f32 v4, v2  }
0x542: {  	v3 =	vld.idx.msk [tilespmem:v3+s14+$0x0], $0xffff;
	[tilespmem:s20+$0xFFFFFF00] =	vst v5;
	v5 =	vmul.f32 v6, v1  }
0x543: {  	v6 =	vld [tilespmem:s20+$0xFFFFFF70];
	[tilespmem:s20+$0x70] =	vst v4;
	v4 =	vmul.f32 v7, v1  }
0x544: {  	v7 =	vld [tilespmem:s20+$0xFFFFFF80];
	[tilespmem:s20+$0xFFFFFF10] =	vst v5;
	v5 =	vmul.f32 v8, v1  }
0x545: {  	v8 =	vld [tilespmem:s20+$0xFFFFFF90];
	[tilespmem:s20+$0xFFFFFF20] =	vst v4;
	v4 =	vmul.f32 v9, v1  }
0x546: {  	v9 =	vld [tilespmem:s20+$0xFFFFFFA0];
	[tilespmem:s20+$0xFFFFFF30] =	vst v5;
	v5 =	vmul.f32 v10, v1  }
0x547: {  	v10 =	vld [tilespmem:s20+$0xFFFFFFB0];
	[tilespmem:s20+$0xFFFFFF40] =	vst v4;
	v4 =	vmul.f32 v11, v1  }
0x548: {  	v11 =	vld [tilespmem:s20+$0xFFFFFFC0];
	v6 =	vmul.f32 v6, v1;
	[tilespmem:s20+$0xFFFFFF50] =	vst v5  }
0x549: {  	v5 =	vmul.f32 v7, v3;
	v7 =	vld [tilespmem:s20+$0xFFFFFFD0];
	[tilespmem:s20+$0xFFFFFF60] =	vst v4  }
0x54a: {  	s2 =	simm.s32 $0x3;
	v4 =	vld [tilespmem:s20+$0xFFFFFFE0];
	v8 =	vmul.f32 v8, v3;
	[tilespmem:s20+$0xFFFFFF70] =	vst v6  }
0x54b: {  	v12 =	vmov s2;
	v6 =	vld [tilespmem:s20+$0xFFFFFFF0];
	[tilespmem:s20+$0xFFFFFF80] =	vst v5;
	v5 =	vmul.f32 v9, v3  }
0x54c: {  	v9 =	vld [tilespmem:s20+$0x0];
	[tilespmem:s20+$0xFFFFFF90] =	vst v8;
	v8 =	vmul.f32 v10, v3  }
0x54d: {  	v10 =	vld [tilespmem:s20+$0x10];
	[tilespmem:s20+$0xFFFFFFA0] =	vst v5;
	v5 =	vmul.f32 v11, v3  }
0x54e: {  	[tilespmem:s20+$0xFFFFFFB0] =	vst v8;
	v7 =	vmul.f32 v7, v3;
	v8 =	vld [tilespmem:s20+$0x20]  }
0x54f: {  	v11 =	vld [tilespmem:s20+$0x30];
	v4 =	vmul.f32 v4, v3;
	[tilespmem:s20+$0xFFFFFFC0] =	vst v5  }
0x550: {  	v1 =	vld.idx.msk [tilespmem:v12+s14+$0x0], $0xffff;
	v3 =	vmul.f32 v6, v3;
	[tilespmem:s20+$0xFFFFFFD0] =	vst v7  }
0x551: {  	[tilespmem:s20+$0xFFFFFFE0] =	vst v4;
	v5 =	vmul.f32 v9, v2;
	v4 =	vld [tilespmem:s20+$0x50]  }
0x552: {  	s3 =	simm.s32 $0x4;
	[tilespmem:s20+$0xFFFFFFF0] =	vst v3;
	v6 =	vmul.f32 v10, v2;
	v3 =	vld [tilespmem:s20+$0x60]  }
0x553: {  	s2 =	simm.s32 $0x7;
	v7 =	vmov s3;
	[tilespmem:s20+$0x0] =	vst v5;
	v9 =	vmul.f32 v8, v2;
	v8 =	vld [tilespmem:s20+$0x80]  }
0x554: {  	s3 =	simm.s32 $0x5;
	v12 =	vand.u32 $0xFFFFFFFC, v7;
	v7 =	vld [tilespmem:s20+$0x90];
	v5 =	vmov s2;
	v10 =	vmul.f32 v11, v2;
	[tilespmem:s20+$0x10] =	vst v6  }
0x555: {  	s31 =	simm.s32 $0x7A80;
	s1 =	simm.s32 $0x6;
	s2 =	simm.s32 $0x8;
	v11 =	vmul.f32 v13, v2;
	v6 =	vbroadcast v12, $0x0;
	v12 =	vmov s3;
	[tilespmem:s20+$0x20] =	vst v9;
	v9 =	vld [tilespmem:s20+$0xA0]  }
.LBB2_15:
0x556: {  	p1 =	slt.u32 s2, $0x2C;
	v12 =	vand.u32 $0xFFFFFFFD, v12;
	v13 =	vmov s1;
	[tilespmem:s20+$0x30] =	vst v10;
	v4 =	vmul.f32 v4, v2;
	v10 =	vld [tilespmem:s20+$0xB0]  }
0x557: {  	v12 =	vbroadcast v12, $0x0;
	v13 =	vand.u32 $0xFFFFFFFE, v13;
	[tilespmem:s20+$0x40] =	vst v11;
	v2 =	vmul.f32 v3, v2;
	v3 =	vld [tilespmem:s20+$0xC0]  }
0x558: {  	v11 =	vbroadcast v13, $0x0;
	[tilespmem:s20+$0x50] =	vst v4;
	v4 =	vmul.f32 v8, v1;
	v8 =	vld [tilespmem:s20+$0xD0]  }
0x559: {  	[tilespmem:s20+$0x60] =	vst v2;
	v2 =	vmul.f32 v7, v1;
	v7 =	vld [tilespmem:s20+$0xE0]  }
0x55a: {  	[tilespmem:s20+$0x80] =	vst v4;
	v4 =	vmul.f32 v9, v1;
	v9 =	vld [tilespmem:s20+$0xF0]  }
0x55b: {  	v5 =	vld.idx.msk [tilespmem:v5+s14+$0x0], $0xffff;
	[tilespmem:s20+$0x90] =	vst v2;
	v2 =	vmul.f32 v10, v1  }
0x55c: {  	v6 =	vld.idx.msk [tilespmem:v6+s14+$0x0], $0xffff;
	[tilespmem:s20+$0xA0] =	vst v4;
	v3 =	vmul.f32 v3, v1  }
0x55d: {  	v4 =	vld.idx.msk [tilespmem:v12+s14+$0x0], $0xffff;
	[tilespmem:s20+$0xB0] =	vst v2;
	v8 =	vmul.f32 v8, v1  }
0x55e: {  	s20 =	sadd.s32 $0x200, s20;
	v2 =	vld.idx.msk [tilespmem:v11+s14+$0x0], $0xffff;
	[tilespmem:s31+$0xC0] =	vst v3;
	v3 =	vmul.f32 v7, v1  }
0x55f: {  	v7 =	vld [tilespmem:s20+$0x70];
	[tilespmem:s31+$0xD0] =	vst v8;
	v9 =	vmul.f32 v9, v1  }
0x560: {  	v8 =	vld [tilespmem:s20+$0xFFFFFF00];
	[tilespmem:s31+$0xE0] =	vst v3  }
0x561: {  	v1 =	vmov v5;
	v3 =	vld [tilespmem:s20+$0xFFFFFF10];
	[tilespmem:s31+$0xF0] =	vst v9;
	s31 =	smov.u32 s20  }
0x562: {  	v5 =	vld [tilespmem:s20+$0xFFFFFF20]  }
0x563: {  	v9 =	vld [tilespmem:s20+$0xFFFFFF30]  }
0x564: {  	v10 =	vld [tilespmem:s20+$0xFFFFFF40];
	v7 =	vmul.f32 v7, v2  }
0x565: {  	v8 =	vmul.f32 v8, v6;
	v11 =	vld [tilespmem:s20+$0xFFFFFF50]  }
0x566: {  	v3 =	vmul.f32 v3, v6;
	v12 =	vld [tilespmem:s20+$0xFFFFFF60];
	[tilespmem:s20+$0x70] =	vst v7  }
0x567: {  	[tilespmem:s20+$0xFFFFFF00] =	vst v8;
	v5 =	vmul.f32 v5, v6;
	v7 =	vld [tilespmem:s20+$0xFFFFFF70]  }
0x568: {  	[tilespmem:s20+$0xFFFFFF10] =	vst v3;
	v3 =	vmul.f32 v9, v6;
	v8 =	vld [tilespmem:s20+$0xFFFFFF80]  }
0x569: {  	[tilespmem:s20+$0xFFFFFF20] =	vst v5;
	v5 =	vmul.f32 v10, v6;
	v9 =	vld [tilespmem:s20+$0xFFFFFF90]  }
0x56a: {  	[tilespmem:s20+$0xFFFFFF30] =	vst v3;
	v3 =	vmul.f32 v11, v6;
	v10 =	vld [tilespmem:s20+$0xFFFFFFA0]  }
0x56b: {  	[tilespmem:s20+$0xFFFFFF40] =	vst v5;
	v5 =	vmul.f32 v12, v6;
	v11 =	vld [tilespmem:s20+$0xFFFFFFB0]  }
0x56c: {  	[tilespmem:s20+$0xFFFFFF50] =	vst v3;
	v3 =	vmul.f32 v7, v6;
	v6 =	vld [tilespmem:s20+$0xFFFFFFC0]  }
0x56d: {  	[tilespmem:s20+$0xFFFFFF60] =	vst v5;
	v5 =	vmul.f32 v8, v4;
	v7 =	vld [tilespmem:s20+$0xFFFFFFD0]  }
0x56e: {  	[tilespmem:s20+$0xFFFFFF70] =	vst v3;
	v3 =	vmul.f32 v9, v4;
	v8 =	vld [tilespmem:s20+$0xFFFFFFE0]  }
0x56f: {  	[tilespmem:s20+$0xFFFFFF80] =	vst v5;
	v5 =	vmul.f32 v10, v4;
	v9 =	vld [tilespmem:s20+$0xFFFFFFF0]  }
0x570: {  	[tilespmem:s20+$0xFFFFFF90] =	vst v3;
	v3 =	vmul.f32 v11, v4;
	v10 =	vld [tilespmem:s20+$0x0]  }
0x571: {  	[tilespmem:s20+$0xFFFFFFA0] =	vst v5;
	v5 =	vmul.f32 v6, v4;
	v6 =	vld [tilespmem:s20+$0x10]  }
0x572: {  	[tilespmem:s20+$0xFFFFFFB0] =	vst v3;
	v3 =	vmul.f32 v7, v4;
	v7 =	vld [tilespmem:s20+$0x20]  }
0x573: {  	[tilespmem:s20+$0xFFFFFFC0] =	vst v5;
	v5 =	vmul.f32 v8, v4;
	v11 =	vld [tilespmem:s20+$0x30]  }
0x574: {  	[tilespmem:s20+$0xFFFFFFD0] =	vst v3;
	v3 =	vmul.f32 v9, v4;
	v9 =	vld [tilespmem:s20+$0x40]  }
.Ltmp6:
0x575: {  	[tilespmem:s20+$0xFFFFFFE0] =	vst v5;
	v5 =	vmul.f32 v10, v2;
	v4 =	vld [tilespmem:s20+$0x50];
	(pc) =	sbr.rel @p1 .LBB2_15-.Ltmp6, $4  }
0x576: {  	[tilespmem:s20+$0xFFFFFFF0] =	vst v3;
	v6 =	vmul.f32 v6, v2;
	v3 =	vld [tilespmem:s20+$0x60]  }
0x577: {  	s1 =	sadd.s32 $0x3, s2;
	v10 =	vmov s2;
	[tilespmem:s20+$0x0] =	vst v5;
	v13 =	vmul.f32 v7, v2;
	v8 =	vld [tilespmem:s20+$0x80]  }
0x578: {  	s3 =	sadd.s32 $0x1, s2;
	v12 =	vand.u32 $0xFFFFFFFC, v10;
	v5 =	vmov s1;
	[tilespmem:s20+$0x10] =	vst v6;
	v10 =	vmul.f32 v11, v2;
	v7 =	vld [tilespmem:s20+$0x90]  }
0x579: {  	s1 =	sadd.s32 $0x2, s2;
	s2 =	sadd.s32 $0x4, s2;
	v6 =	vbroadcast v12, $0x0;
	v12 =	vmov s3;
	[tilespmem:s20+$0x20] =	vst v13;
	v11 =	vmul.f32 v9, v2;
	v9 =	vld [tilespmem:s20+$0xA0]  }
0x57a: {  	v13 =	vld [tilespmem:s20+$0xB0]  }
0x57b: {  	v15 =	vld [tilespmem:s20+$0xC0]  }
0x57c: {  	v14 =	vmov s1;
	v16 =	vld [tilespmem:s20+$0xD0]  }
0x57d: {  	v17 =	vld [tilespmem:s20+$0xE0];
	[tilespmem:s20+$0x30] =	vst v10;
	v4 =	vmul.f32 v4, v2;
	v14 =	vand.u32 $0xFFFFFFFE, v14  }
0x57e: {  	v12 =	vand.u32 $0xFFFFFFFD, v12;
	v5 =	vld.idx.msk [tilespmem:v5+s14+$0x0], $0xffff;
	[tilespmem:s20+$0x40] =	vst v11;
	v2 =	vmul.f32 v3, v2;
	v14 =	vbroadcast v14, $0x0  }
0x57f: {  	s2 =	sadd.s32 $0x200, s20;
	v12 =	vbroadcast v12, $0x0;
	v3 =	vld.idx.msk [tilespmem:v6+s14+$0x0], $0xffff;
	v8 =	vmul.f32 v8, v1;
	[tilespmem:s20+$0x50] =	vst v4  }
0x580: {  	v10 =	vld [tilespmem:s2+$0xFFFFFF00];
	v4 =	vmul.f32 v7, v1;
	[tilespmem:s20+$0x60] =	vst v2  }
0x581: {  	[tilespmem:s20+$0x80] =	vst v8;
	v8 =	vld [tilespmem:s20+$0xF0];
	v2 =	vmul.f32 v9, v1  }
0x582: {  	v11 =	vld [tilespmem:s2+$0xFFFFFF10];
	[tilespmem:s20+$0x90] =	vst v4;
	v4 =	vmul.f32 v13, v1  }
0x583: {  	v9 =	vld [tilespmem:s2+$0x70];
	[tilespmem:s20+$0xA0] =	vst v2;
	v2 =	vmul.f32 v15, v1  }
0x584: {  	[tilespmem:s20+$0xB0] =	vst v4;
	v4 =	vmul.f32 v16, v1;
	v7 =	vld.idx.msk [tilespmem:v14+s14+$0x0], $0xffff  }
0x585: {  	v6 =	vld.idx.msk [tilespmem:v12+s14+$0x0], $0xffff;
	[tilespmem:s31+$0xC0] =	vst v2;
	v2 =	vmul.f32 v17, v1  }
0x586: {  	v12 =	vld [tilespmem:s2+$0xFFFFFF20];
	[tilespmem:s31+$0xD0] =	vst v4;
	v1 =	vmul.f32 v8, v1  }
0x587: {  	v4 =	vld [tilespmem:s2+$0xFFFFFF30];
	[tilespmem:s31+$0xE0] =	vst v2  }
0x588: {  	v2 =	vld [tilespmem:s2+$0xFFFFFF40];
	[tilespmem:s31+$0xF0] =	vst v1;
	v1 =	vmul.f32 v10, v3  }
0x589: {  	v8 =	vmul.f32 v9, v7;
	v9 =	vld [tilespmem:s2+$0xFFFFFF50]  }
0x58a: {  	v10 =	vmul.f32 v11, v3;
	v11 =	vld [tilespmem:s2+$0xFFFFFF60];
	[tilespmem:s2+$0xFFFFFF00] =	vst v1  }
0x58b: {  	v1 =	vmul.f32 v12, v3;
	[tilespmem:s2+$0x70] =	vst v8;
	v8 =	vld [tilespmem:s2+$0xFFFFFF70]  }
0x58c: {  	[tilespmem:s2+$0xFFFFFF10] =	vst v10;
	v10 =	vld [tilespmem:s2+$0xFFFFFF80];
	v4 =	vmul.f32 v4, v3  }
0x58d: {  	[tilespmem:s2+$0xFFFFFF20] =	vst v1;
	v1 =	vmul.f32 v2, v3;
	v2 =	vld [tilespmem:s2+$0xFFFFFF90]  }
0x58e: {  	[tilespmem:s2+$0xFFFFFF30] =	vst v4;
	v4 =	vmul.f32 v9, v3;
	v9 =	vld [tilespmem:s2+$0xFFFFFFA0]  }
0x58f: {  	[tilespmem:s2+$0xFFFFFF40] =	vst v1;
	v1 =	vmul.f32 v11, v3;
	v11 =	vld [tilespmem:s2+$0xFFFFFFB0]  }
0x590: {  	[tilespmem:s2+$0xFFFFFF50] =	vst v4;
	v3 =	vmul.f32 v8, v3;
	v4 =	vld [tilespmem:s2+$0xFFFFFFC0]  }
0x591: {  	[tilespmem:s2+$0xFFFFFF60] =	vst v1;
	v1 =	vmul.f32 v10, v6;
	v8 =	vld [tilespmem:s2+$0xFFFFFFD0]  }
0x592: {  	v2 =	vmul.f32 v2, v6;
	[tilespmem:s2+$0xFFFFFF70] =	vst v3;
	v3 =	vld [tilespmem:s2+$0xFFFFFFE0]  }
0x593: {  	[tilespmem:s2+$0xFFFFFF80] =	vst v1;
	v1 =	vmul.f32 v9, v6;
	v9 =	vld [tilespmem:s2+$0xFFFFFFF0]  }
0x594: {  	v10 =	vld [tilespmem:s2+$0x0];
	[tilespmem:s2+$0xFFFFFF90] =	vst v2;
	v2 =	vmul.f32 v11, v6  }
0x595: {  	[tilespmem:s2+$0xFFFFFFA0] =	vst v1;
	v1 =	vmul.f32 v4, v6;
	v4 =	vld [tilespmem:s2+$0x10]  }
0x596: {  	[tilespmem:s2+$0xFFFFFFB0] =	vst v2;
	v2 =	vmul.f32 v8, v6;
	v8 =	vld [tilespmem:s2+$0x20]  }
0x597: {  	[tilespmem:s2+$0xFFFFFFC0] =	vst v1;
	v1 =	vmul.f32 v3, v6;
	v3 =	vld [tilespmem:s2+$0x30]  }
0x598: {  	[tilespmem:s2+$0xFFFFFFD0] =	vst v2;
	v2 =	vmul.f32 v9, v6;
	v6 =	vld [tilespmem:s2+$0x40]  }
0x599: {  	v9 =	vld [tilespmem:s2+$0x50];
	[tilespmem:s2+$0xFFFFFFE0] =	vst v1;
	v1 =	vmul.f32 v10, v7  }
0x59a: {  	[tilespmem:s2+$0xFFFFFFF0] =	vst v2;
	v2 =	vmul.f32 v4, v7;
	v4 =	vld [tilespmem:s2+$0x60]  }
0x59b: {  	[tilespmem:s2+$0x0] =	vst v1;
	v1 =	vmul.f32 v8, v7;
	v8 =	vld [tilespmem:s2+$0x80]  }
0x59c: {  	[tilespmem:s2+$0x10] =	vst v2;
	v2 =	vmul.f32 v3, v7;
	v3 =	vld [tilespmem:s2+$0x90]  }
0x59d: {  	[tilespmem:s2+$0x20] =	vst v1;
	v1 =	vmul.f32 v6, v7;
	v6 =	vld [tilespmem:s2+$0xA0]  }
0x59e: {  	[tilespmem:s2+$0x30] =	vst v2;
	v2 =	vmul.f32 v9, v7;
	v9 =	vld [tilespmem:s2+$0xB0]  }
0x59f: {  	[tilespmem:s2+$0x40] =	vst v1;
	v1 =	vmul.f32 v4, v7;
	v4 =	vld [tilespmem:s2+$0xC0]  }
0x5a0: {  	v7 =	vld [tilespmem:s2+$0xD0];
	[tilespmem:s2+$0x50] =	vst v2;
	v2 =	vmul.f32 v8, v5  }
0x5a1: {  	[tilespmem:s2+$0x60] =	vst v1;
	v1 =	vmul.f32 v3, v5;
	v3 =	vld [tilespmem:s2+$0xE0]  }
0x5a2: {  	[tilespmem:s2+$0x80] =	vst v2;
	v2 =	vmul.f32 v6, v5;
	v6 =	vld [tilespmem:s2+$0xF0]  }
0x5a3: {  	[tilespmem:s2+$0x90] =	vst v1;
	v1 =	vmul.f32 v9, v5  }
0x5a4: {  	[tilespmem:s2+$0xA0] =	vst v2;
	v2 =	vmul.f32 v4, v5  }
0x5a5: {  	[tilespmem:s2+$0xB0] =	vst v1;
	v1 =	vmul.f32 v7, v5  }
0x5a6: {  	[tilespmem:s2+$0xC0] =	vst v2;
	v2 =	vmul.f32 v3, v5  }
0x5a7: {  	[tilespmem:s2+$0xD0] =	vst v1;
	v1 =	vmul.f32 v6, v5  }
0x5a8: {  	[tilespmem:s2+$0xE0] =	vst v2  }
0x5a9: {  	s3 =	simm.s32 $0x7980;
	s20 =	simm.s32 $0x7900;
	[tilespmem:s2+$0xF0] =	vst v1  }
0x5aa: {  	[spmem:s9] =	stream.indirect.scatter.add.f32 [tilespmem:s3], [sflag:$0x3], $0x80, s20, s30, $0xb8;
	v63 =	vld [tilespmem:$0x0]  }
0x5ab: {  	s2 =	rddreg [dreg:$0x18]  }
0x5ac: {  	s1 =	sadd.s32 s16, s2  }
0x5ad: {  	s1 =	sshrl.u32 s1, $0x3  }
0x5ae: {  	s2 =	simm.s32 $0x0;
	s1 =	sadd.s32 s12, s1  }
0x5af: {  	[hbm4b:s1+s2] =	stream.linear.scatter [tilespmem:s14], [sflag:$0x4], $0x30, $0x38;
	v63 =	vld [tilespmem:$0x0]  }
0x5b0: {  	_ =	swait.ge [sflag:s29], $0x30  }
0x5b1: {  	[sflag:s29] =	ssyncset.done $0x0  }
0x5b2: {  	[sflag:s29] =	ssyncadd.s32 $0xFFFFFFD0  }
0x5b3: {  	v1 =	vld [tilespmem:$0x9180]  }
0x5b4: {  	v2 =	vld [tilespmem:$0x9200];
	_ =	sdelay $0x5  }
0x5b5: {  	v3 =	vld [tilespmem:$0x9280]  }
0x5b6: {  	v4 =	vld.idx.msk [tilespmem:v1+s2+$0x0], $0xffff  }
0x5b7: {  	v2 =	vld.idx.msk [tilespmem:v2+s15+$0x0], $0xffff;
	_ =	sdelay $0x4  }
0x5b8: {  	v3 =	vmul.f32 v3, v0;
	v2 =	vadd.f32 v2, v4;
	_ =	sdelay $0x1  }
0x5b9: {  	v2 =	vadd.f32 v2, v3;
	_ =	sdelay $0x1  }
0x5ba: {  	v3 =	vmul.f32 $2.000000030e-01, v2  }
0x5bb: {  	vm0 =	vge.f32 v2, $0.0e+00  }
0x5bc: {  	v2 =	vsel vm0, v2, v3  }
0x5bd: {  	v2 =	vsub.f32 $0.0e+00, v2;
	_ =	sdelay $0x1  }
0x5be: {  	v2 =	vmul.f32 $1.442695020e+00, v2;
	_ =	sdelay $0x1  }
0x5bf: {  	(erf) = vpow2.f32 v2;
	_ =	sdelay $0x8  }
0x5c0: {  	v2 =	vpop (erf)  }
0x5c1: {  	[tilespmem:$0x9300] =	vst v2  }
0x5c2: {  	[tilespmem:v1+s13+$0x0] =	vst.idx.add.f32.msk $0xffff, v2  }
0x5c3: {  	v2 =	vld [tilespmem:$0x9190]  }
0x5c4: {  	v3 =	vld [tilespmem:$0x9210];
	_ =	sdelay $0x5  }
0x5c5: {  	[tilespmem:$0x9380] =	vst v1;
	v1 =	vld [tilespmem:$0x9290]  }
0x5c6: {  	v4 =	vld.idx.msk [tilespmem:v2+s2+$0x0], $0xffff  }
0x5c7: {  	v3 =	vld.idx.msk [tilespmem:v3+s15+$0x0], $0xffff;
	_ =	sdelay $0x4  }
0x5c8: {  	v1 =	vmul.f32 v1, v0;
	v3 =	vadd.f32 v3, v4;
	_ =	sdelay $0x1  }
0x5c9: {  	v1 =	vadd.f32 v3, v1;
	_ =	sdelay $0x1  }
0x5ca: {  	v3 =	vmul.f32 $2.000000030e-01, v1  }
0x5cb: {  	vm14 =	vge.f32 v1, $0.0e+00  }
0x5cc: {  	v1 =	vsel vm14, v1, v3  }
0x5cd: {  	v1 =	vsub.f32 $0.0e+00, v1;
	_ =	sdelay $0x1  }
0x5ce: {  	v1 =	vmul.f32 $1.442695020e+00, v1;
	_ =	sdelay $0x1  }
0x5cf: {  	(erf) = vpow2.f32 v1;
	_ =	sdelay $0x8  }
0x5d0: {  	v1 =	vpop (erf)  }
0x5d1: {  	[tilespmem:$0x9310] =	vst v1  }
0x5d2: {  	[tilespmem:v2+s13+$0x0] =	vst.idx.add.f32.msk $0xffff, v1  }
0x5d3: {  	v1 =	vld [tilespmem:$0x91A0]  }
0x5d4: {  	v3 =	vld [tilespmem:$0x9220];
	_ =	sdelay $0x5  }
0x5d5: {  	[tilespmem:$0x9390] =	vst v2;
	v2 =	vld [tilespmem:$0x92A0]  }
0x5d6: {  	v4 =	vld.idx.msk [tilespmem:v1+s2+$0x0], $0xffff  }
0x5d7: {  	v3 =	vld.idx.msk [tilespmem:v3+s15+$0x0], $0xffff;
	_ =	sdelay $0x4  }
0x5d8: {  	v2 =	vmul.f32 v2, v0;
	v3 =	vadd.f32 v3, v4;
	_ =	sdelay $0x1  }
0x5d9: {  	v2 =	vadd.f32 v3, v2;
	_ =	sdelay $0x1  }
0x5da: {  	v3 =	vmul.f32 $2.000000030e-01, v2  }
0x5db: {  	vm15 =	vge.f32 v2, $0.0e+00  }
0x5dc: {  	v2 =	vsel vm15, v2, v3  }
0x5dd: {  	v2 =	vsub.f32 $0.0e+00, v2;
	_ =	sdelay $0x1  }
0x5de: {  	v2 =	vmul.f32 $1.442695020e+00, v2;
	_ =	sdelay $0x1  }
0x5df: {  	(erf) = vpow2.f32 v2;
	_ =	sdelay $0x8  }
0x5e0: {  	v2 =	vpop (erf)  }
0x5e1: {  	[tilespmem:$0x9320] =	vst v2  }
0x5e2: {  	[tilespmem:v1+s13+$0x0] =	vst.idx.add.f32.msk $0xffff, v2  }
0x5e3: {  	[tilespmem:$0x93A0] =	vst v1  }
0x5e4: {  	_ =	swait.ge [sflag:s17], $0x1800  }
0x5e5: {  	[sflag:s17] =	ssyncset.done $0x0  }
0x5e6: {  	[sflag:s17] =	ssyncadd.s32 $0xFFFFE800  }
0x5e7: {  	_ =	swait.ge [sflag:s24], $0x30  }
0x5e8: {  	[sflag:s24] =	ssyncset.done $0x0  }
0x5e9: {  	[sflag:s24] =	ssyncadd.s32 $0xFFFFFFD0  }
0x5ea: {  	_ =	swait.ge [sflag:s24], $0x30  }
0x5eb: {  	[sflag:s24] =	ssyncset.done $0x0  }
0x5ec: {  	[sflag:s24] =	ssyncadd.s32 $0xFFFFFFD0  }
0x5ed: {  	_ =	swait.ge [sflag:s24], $0x30  }
0x5ee: {  	[sflag:s24] =	ssyncset.done $0x0  }
0x5ef: {  	[sflag:s24] =	ssyncadd.s32 $0xFFFFFFD0  }
0x5f0: {  	s3 =	simm.s32 $0xAC80;
	s20 =	simm.s32 $0xAE80;
	s1 =	rddreg [dreg:$0x0]  }
0x5f1: {  	[tilespmem:s20], [sflag:$0xA] =	stream.indirect.gather [hbm4b:s1+s30], $0x80, s3, s30, $0xb8;
	v63 =	vld [tilespmem:$0x0]  }
0x5f2: {  	_ =	swait.ge [sflag:s22], $0x1800  }
0x5f3: {  	s3 =	sld [smem:$0x7EF];
	_ =	sdelay $0x2  }
0x5f4: {  	v1 =	vmov s2;
	s20 =	simm.s32 $0x2;
	s1 =	sadd.s32 s16, s3  }
0x5f5: {  	v1 =	vand.u32 $0xFFFFFFFC, v1;
	v2 =	vmov s20;
	[sflag:s22] =	ssyncset.done $0x0;
	s1 =	sshrl.u32 s1, $0x3  }
0x5f6: {  	v1 =	vbroadcast v1, $0x0;
	s20 =	simm.s32 $0x7700;
	v2 =	vand.u32 $0xFFFFFFFE, v2;
	[sflag:s22] =	ssyncadd.s32 $0xFFFFE800;
	s16 =	sadd.s32 s5, s1  }
0x5f7: {  	v2 =	vbroadcast v2, $0x0;
	[tilespmem:s20], [sflag:$0x1] =	stream.linear.gather [hbm4b:s16+s2], $0x30, $0x38;
	v63 =	vld [tilespmem:$0x0]  }
0x5f8: {  	s31 =	simm.s32 $0x7780;
	s16 =	sadd.s32 s6, s1  }
0x5f9: {  	[tilespmem:s31], [sflag:$0x1] =	stream.linear.gather [hbm4b:s16+s2], $0x30, $0x38;
	v63 =	vld [tilespmem:$0x0]  }
0x5fa: {  	s1 =	sadd.s32 s7, s1;
	s20 =	simm.s32 $0x7800  }
0x5fb: {  	[tilespmem:s20], [sflag:$0x1] =	stream.linear.gather [hbm4b:s1+s2], $0x30, $0x38;
	v63 =	vld [tilespmem:$0x0]  }
0x5fc: {  	v1 =	vld.idx.msk [tilespmem:v1+s23+$0x0], $0xffff  }
0x5fd: {  	s16 =	simm.s32 $0x9500;
	v2 =	vld.idx.msk [tilespmem:v2+s23+$0x0], $0xffff  }
0x5fe: {  	s3 =	simm.s32 $0x1;
	v4 =	vld [tilespmem:s16+$0x70]  }
0x5ff: {  	v3 =	vmov s3;
	v5 =	vld [tilespmem:s16+$0xFFFFFF00]  }
0x600: {  	v3 =	vand.u32 $0xFFFFFFFD, v3;
	v6 =	vld [tilespmem:s16+$0xFFFFFF10]  }
0x601: {  	v3 =	vbroadcast v3, $0x0;
	v7 =	vld [tilespmem:s16+$0xFFFFFF20]  }
0x602: {  	v8 =	vld [tilespmem:s16+$0xFFFFFF30]  }
0x603: {  	v9 =	vld [tilespmem:s16+$0xFFFFFF40]  }
0x604: {  	v10 =	vld [tilespmem:s16+$0xFFFFFF50]  }
0x605: {  	v11 =	vld [tilespmem:s16+$0xFFFFFF60];
	v5 =	vmul.f32 v5, v1  }
0x606: {  	v13 =	vld [tilespmem:s16+$0x40];
	v4 =	vmul.f32 v4, v2  }
0x607: {  	v3 =	vld.idx.msk [tilespmem:v3+s23+$0x0], $0xffff;
	[tilespmem:s16+$0xFFFFFF00] =	vst v5;
	v5 =	vmul.f32 v6, v1  }
0x608: {  	v6 =	vld [tilespmem:s16+$0xFFFFFF70];
	[tilespmem:s16+$0x70] =	vst v4;
	v4 =	vmul.f32 v7, v1  }
0x609: {  	v7 =	vld [tilespmem:s16+$0xFFFFFF80];
	[tilespmem:s16+$0xFFFFFF10] =	vst v5;
	v5 =	vmul.f32 v8, v1  }
0x60a: {  	v8 =	vld [tilespmem:s16+$0xFFFFFF90];
	[tilespmem:s16+$0xFFFFFF20] =	vst v4;
	v4 =	vmul.f32 v9, v1  }
0x60b: {  	v9 =	vld [tilespmem:s16+$0xFFFFFFA0];
	[tilespmem:s16+$0xFFFFFF30] =	vst v5;
	v5 =	vmul.f32 v10, v1  }
0x60c: {  	v10 =	vld [tilespmem:s16+$0xFFFFFFB0];
	[tilespmem:s16+$0xFFFFFF40] =	vst v4;
	v4 =	vmul.f32 v11, v1  }
0x60d: {  	v11 =	vld [tilespmem:s16+$0xFFFFFFC0];
	v6 =	vmul.f32 v6, v1;
	[tilespmem:s16+$0xFFFFFF50] =	vst v5  }
0x60e: {  	v5 =	vmul.f32 v7, v3;
	v7 =	vld [tilespmem:s16+$0xFFFFFFD0];
	[tilespmem:s16+$0xFFFFFF60] =	vst v4  }
0x60f: {  	s20 =	simm.s32 $0x3;
	v4 =	vld [tilespmem:s16+$0xFFFFFFE0];
	v8 =	vmul.f32 v8, v3;
	[tilespmem:s16+$0xFFFFFF70] =	vst v6  }
0x610: {  	v12 =	vmov s20;
	v6 =	vld [tilespmem:s16+$0xFFFFFFF0];
	[tilespmem:s16+$0xFFFFFF80] =	vst v5;
	v5 =	vmul.f32 v9, v3  }
0x611: {  	v9 =	vld [tilespmem:s16+$0x0];
	[tilespmem:s16+$0xFFFFFF90] =	vst v8;
	v8 =	vmul.f32 v10, v3  }
0x612: {  	v10 =	vld [tilespmem:s16+$0x10];
	[tilespmem:s16+$0xFFFFFFA0] =	vst v5;
	v5 =	vmul.f32 v11, v3  }
0x613: {  	[tilespmem:s16+$0xFFFFFFB0] =	vst v8;
	v7 =	vmul.f32 v7, v3;
	v8 =	vld [tilespmem:s16+$0x20]  }
0x614: {  	v11 =	vld [tilespmem:s16+$0x30];
	v4 =	vmul.f32 v4, v3;
	[tilespmem:s16+$0xFFFFFFC0] =	vst v5  }
0x615: {  	v1 =	vld.idx.msk [tilespmem:v12+s23+$0x0], $0xffff;
	v3 =	vmul.f32 v6, v3;
	[tilespmem:s16+$0xFFFFFFD0] =	vst v7  }
0x616: {  	[tilespmem:s16+$0xFFFFFFE0] =	vst v4;
	v5 =	vmul.f32 v9, v2;
	v4 =	vld [tilespmem:s16+$0x50]  }
0x617: {  	s2 =	simm.s32 $0x4;
	[tilespmem:s16+$0xFFFFFFF0] =	vst v3;
	v6 =	vmul.f32 v10, v2;
	v3 =	vld [tilespmem:s16+$0x60]  }
0x618: {  	s3 =	simm.s32 $0x7;
	v7 =	vmov s2;
	[tilespmem:s16+$0x0] =	vst v5;
	v9 =	vmul.f32 v8, v2;
	v8 =	vld [tilespmem:s16+$0x80]  }
0x619: {  	s20 =	simm.s32 $0x5;
	v12 =	vand.u32 $0xFFFFFFFC, v7;
	v7 =	vld [tilespmem:s16+$0x90];
	v5 =	vmov s3;
	v10 =	vmul.f32 v11, v2;
	[tilespmem:s16+$0x10] =	vst v6  }
0x61a: {  	s1 =	simm.s32 $0x6;
	s2 =	simm.s32 $0x8;
	v11 =	vmul.f32 v13, v2;
	v6 =	vbroadcast v12, $0x0;
	v12 =	vmov s20;
	s20 =	simm.s32 $0x9500;
	[tilespmem:s16+$0x20] =	vst v9;
	v9 =	vld [tilespmem:s16+$0xA0]  }
.LBB2_17:
0x61b: {  	p1 =	slt.u32 s2, $0x2C;
	v12 =	vand.u32 $0xFFFFFFFD, v12;
	v13 =	vmov s1;
	[tilespmem:s16+$0x30] =	vst v10;
	v4 =	vmul.f32 v4, v2;
	v10 =	vld [tilespmem:s16+$0xB0]  }
0x61c: {  	v12 =	vbroadcast v12, $0x0;
	v13 =	vand.u32 $0xFFFFFFFE, v13;
	[tilespmem:s16+$0x40] =	vst v11;
	v2 =	vmul.f32 v3, v2;
	v3 =	vld [tilespmem:s16+$0xC0]  }
0x61d: {  	v11 =	vbroadcast v13, $0x0;
	[tilespmem:s16+$0x50] =	vst v4;
	v4 =	vmul.f32 v8, v1;
	v8 =	vld [tilespmem:s16+$0xD0]  }
0x61e: {  	[tilespmem:s16+$0x60] =	vst v2;
	v2 =	vmul.f32 v7, v1;
	v7 =	vld [tilespmem:s16+$0xE0]  }
0x61f: {  	[tilespmem:s16+$0x80] =	vst v4;
	v4 =	vmul.f32 v9, v1;
	v9 =	vld [tilespmem:s16+$0xF0]  }
0x620: {  	v5 =	vld.idx.msk [tilespmem:v5+s23+$0x0], $0xffff;
	[tilespmem:s16+$0x90] =	vst v2;
	v2 =	vmul.f32 v10, v1  }
0x621: {  	v6 =	vld.idx.msk [tilespmem:v6+s23+$0x0], $0xffff;
	[tilespmem:s16+$0xA0] =	vst v4;
	v3 =	vmul.f32 v3, v1  }
0x622: {  	v4 =	vld.idx.msk [tilespmem:v12+s23+$0x0], $0xffff;
	[tilespmem:s16+$0xB0] =	vst v2;
	v8 =	vmul.f32 v8, v1  }
0x623: {  	s16 =	sadd.s32 $0x200, s16;
	v2 =	vld.idx.msk [tilespmem:v11+s23+$0x0], $0xffff;
	[tilespmem:s20+$0xC0] =	vst v3;
	v3 =	vmul.f32 v7, v1  }
0x624: {  	v7 =	vld [tilespmem:s16+$0x70];
	[tilespmem:s20+$0xD0] =	vst v8;
	v9 =	vmul.f32 v9, v1  }
0x625: {  	v8 =	vld [tilespmem:s16+$0xFFFFFF00];
	[tilespmem:s20+$0xE0] =	vst v3  }
0x626: {  	v1 =	vmov v5;
	v3 =	vld [tilespmem:s16+$0xFFFFFF10];
	[tilespmem:s20+$0xF0] =	vst v9;
	s20 =	smov.u32 s16  }
0x627: {  	v5 =	vld [tilespmem:s16+$0xFFFFFF20]  }
0x628: {  	v9 =	vld [tilespmem:s16+$0xFFFFFF30]  }
0x629: {  	v10 =	vld [tilespmem:s16+$0xFFFFFF40];
	v7 =	vmul.f32 v7, v2  }
0x62a: {  	v8 =	vmul.f32 v8, v6;
	v11 =	vld [tilespmem:s16+$0xFFFFFF50]  }
0x62b: {  	v3 =	vmul.f32 v3, v6;
	v12 =	vld [tilespmem:s16+$0xFFFFFF60];
	[tilespmem:s16+$0x70] =	vst v7  }
0x62c: {  	[tilespmem:s16+$0xFFFFFF00] =	vst v8;
	v5 =	vmul.f32 v5, v6;
	v7 =	vld [tilespmem:s16+$0xFFFFFF70]  }
0x62d: {  	[tilespmem:s16+$0xFFFFFF10] =	vst v3;
	v3 =	vmul.f32 v9, v6;
	v8 =	vld [tilespmem:s16+$0xFFFFFF80]  }
0x62e: {  	[tilespmem:s16+$0xFFFFFF20] =	vst v5;
	v5 =	vmul.f32 v10, v6;
	v9 =	vld [tilespmem:s16+$0xFFFFFF90]  }
0x62f: {  	[tilespmem:s16+$0xFFFFFF30] =	vst v3;
	v3 =	vmul.f32 v11, v6;
	v10 =	vld [tilespmem:s16+$0xFFFFFFA0]  }
0x630: {  	[tilespmem:s16+$0xFFFFFF40] =	vst v5;
	v5 =	vmul.f32 v12, v6;
	v11 =	vld [tilespmem:s16+$0xFFFFFFB0]  }
0x631: {  	[tilespmem:s16+$0xFFFFFF50] =	vst v3;
	v3 =	vmul.f32 v7, v6;
	v6 =	vld [tilespmem:s16+$0xFFFFFFC0]  }
0x632: {  	[tilespmem:s16+$0xFFFFFF60] =	vst v5;
	v5 =	vmul.f32 v8, v4;
	v7 =	vld [tilespmem:s16+$0xFFFFFFD0]  }
0x633: {  	[tilespmem:s16+$0xFFFFFF70] =	vst v3;
	v3 =	vmul.f32 v9, v4;
	v8 =	vld [tilespmem:s16+$0xFFFFFFE0]  }
0x634: {  	[tilespmem:s16+$0xFFFFFF80] =	vst v5;
	v5 =	vmul.f32 v10, v4;
	v9 =	vld [tilespmem:s16+$0xFFFFFFF0]  }
0x635: {  	[tilespmem:s16+$0xFFFFFF90] =	vst v3;
	v3 =	vmul.f32 v11, v4;
	v10 =	vld [tilespmem:s16+$0x0]  }
0x636: {  	[tilespmem:s16+$0xFFFFFFA0] =	vst v5;
	v5 =	vmul.f32 v6, v4;
	v6 =	vld [tilespmem:s16+$0x10]  }
0x637: {  	[tilespmem:s16+$0xFFFFFFB0] =	vst v3;
	v3 =	vmul.f32 v7, v4;
	v7 =	vld [tilespmem:s16+$0x20]  }
0x638: {  	[tilespmem:s16+$0xFFFFFFC0] =	vst v5;
	v5 =	vmul.f32 v8, v4;
	v11 =	vld [tilespmem:s16+$0x30]  }
0x639: {  	[tilespmem:s16+$0xFFFFFFD0] =	vst v3;
	v3 =	vmul.f32 v9, v4;
	v9 =	vld [tilespmem:s16+$0x40]  }
.Ltmp7:
0x63a: {  	[tilespmem:s16+$0xFFFFFFE0] =	vst v5;
	v5 =	vmul.f32 v10, v2;
	v4 =	vld [tilespmem:s16+$0x50];
	(pc) =	sbr.rel @p1 .LBB2_17-.Ltmp7, $4  }
0x63b: {  	[tilespmem:s16+$0xFFFFFFF0] =	vst v3;
	v6 =	vmul.f32 v6, v2;
	v3 =	vld [tilespmem:s16+$0x60]  }
0x63c: {  	s1 =	sadd.s32 $0x3, s2;
	v10 =	vmov s2;
	[tilespmem:s16+$0x0] =	vst v5;
	v13 =	vmul.f32 v7, v2;
	v8 =	vld [tilespmem:s16+$0x80]  }
0x63d: {  	s3 =	sadd.s32 $0x1, s2;
	v12 =	vand.u32 $0xFFFFFFFC, v10;
	v5 =	vmov s1;
	[tilespmem:s16+$0x10] =	vst v6;
	v10 =	vmul.f32 v11, v2;
	v7 =	vld [tilespmem:s16+$0x90]  }
0x63e: {  	s1 =	sadd.s32 $0x2, s2;
	s2 =	sadd.s32 $0x4, s2;
	v6 =	vbroadcast v12, $0x0;
	v12 =	vmov s3;
	[tilespmem:s16+$0x20] =	vst v13;
	v11 =	vmul.f32 v9, v2;
	v9 =	vld [tilespmem:s16+$0xA0]  }
0x63f: {  	v13 =	vld [tilespmem:s16+$0xB0]  }
0x640: {  	v15 =	vld [tilespmem:s16+$0xC0]  }
0x641: {  	v16 =	vld [tilespmem:s16+$0xD0]  }
0x642: {  	v17 =	vld [tilespmem:s16+$0xE0]  }
0x643: {  	v28 =	vld [tilespmem:s16+$0xF0];
	[tilespmem:s16+$0x30] =	vst v10;
	v4 =	vmul.f32 v4, v2  }
0x644: {  	v5 =	vld.idx.msk [tilespmem:v5+s23+$0x0], $0xffff;
	[tilespmem:s16+$0x40] =	vst v11;
	v2 =	vmul.f32 v3, v2  }
0x645: {  	s2 =	sadd.s32 $0x200, s16;
	v3 =	vld.idx.msk [tilespmem:v6+s23+$0x0], $0xffff;
	v8 =	vmul.f32 v8, v1;
	[tilespmem:s16+$0x50] =	vst v4  }
0x646: {  	v14 =	vmov s1;
	v33 =	vld [tilespmem:s2+$0x70];
	v29 =	vmul.f32 v7, v1;
	[tilespmem:s16+$0x60] =	vst v2  }
0x647: {  	v14 =	vand.u32 $0xFFFFFFFE, v14;
	v34 =	vld [tilespmem:s2+$0xFFFFFF00];
	[tilespmem:s16+$0x80] =	vst v8;
	v2 =	vmul.f32 v9, v1  }
0x648: {  	v36 =	vld [tilespmem:s2+$0xFFFFFF10];
	v14 =	vbroadcast v14, $0x0;
	[tilespmem:s16+$0x90] =	vst v29;
	v32 =	vmul.f32 v13, v1  }
0x649: {  	v37 =	vld [tilespmem:s2+$0xFFFFFF20];
	[tilespmem:s16+$0xA0] =	vst v2;
	v2 =	vmul.f32 v15, v1  }
0x64a: {  	v12 =	vand.u32 $0xFFFFFFFD, v12;
	v38 =	vld [tilespmem:s2+$0xFFFFFF30];
	v35 =	vmul.f32 v16, v1;
	[tilespmem:s16+$0xB0] =	vst v32  }
0x64b: {  	v12 =	vbroadcast v12, $0x0;
	v40 =	vld [tilespmem:s2+$0xFFFFFF50];
	[tilespmem:s20+$0xC0] =	vst v2;
	v2 =	vmul.f32 v17, v1  }
0x64c: {  	v42 =	vld [tilespmem:s2+$0xFFFFFF60];
	[tilespmem:s20+$0xD0] =	vst v35;
	v1 =	vmul.f32 v28, v1  }
0x64d: {  	v41 =	vmul.f32 v36, v3;
	[tilespmem:s20+$0xE0] =	vst v2;
	v2 =	vld [tilespmem:s2+$0xFFFFFF40]  }
0x64e: {  	v31 =	vld.idx.msk [tilespmem:v14+s23+$0x0], $0xffff;
	[tilespmem:s20+$0xF0] =	vst v1;
	v1 =	vmul.f32 v34, v3  }
0x64f: {  	v43 =	vld [tilespmem:s2+$0xFFFFFF70];
	v4 =	vmul.f32 v38, v3;
	[tilespmem:s2+$0xFFFFFF10] =	vst v41  }
0x650: {  	v44 =	vld [tilespmem:s2+$0xFFFFFF80];
	[tilespmem:s2+$0xFFFFFF00] =	vst v1;
	v1 =	vmul.f32 v37, v3  }
0x651: {  	v45 =	vmul.f32 v40, v3;
	v30 =	vld.idx.msk [tilespmem:v12+s23+$0x0], $0xffff;
	[tilespmem:s2+$0xFFFFFF30] =	vst v4  }
0x652: {  	[tilespmem:s2+$0xFFFFFF20] =	vst v1;
	v1 =	vmul.f32 v2, v3;
	v2 =	vld [tilespmem:s2+$0xFFFFFF90]  }
0x653: {  	v46 =	vld [tilespmem:s2+$0xFFFFFFA0];
	[tilespmem:s2+$0xFFFFFF50] =	vst v45;
	v39 =	vmul.f32 v33, v31  }
0x654: {  	v47 =	vld [tilespmem:s2+$0xFFFFFFB0];
	[tilespmem:s2+$0xFFFFFF40] =	vst v1;
	v1 =	vmul.f32 v42, v3  }
0x655: {  	v48 =	vld [tilespmem:s2+$0xFFFFFFC0];
	[tilespmem:s2+$0x70] =	vst v39;
	v3 =	vmul.f32 v43, v3  }
0x656: {  	v49 =	vld [tilespmem:s2+$0xFFFFFFD0];
	[tilespmem:s2+$0xFFFFFF60] =	vst v1;
	v1 =	vmul.f32 v44, v30  }
0x657: {  	[tilespmem:s2+$0xFFFFFF70] =	vst v3;
	v3 =	vld [tilespmem:s2+$0xFFFFFFE0];
	v2 =	vmul.f32 v2, v30  }
0x658: {  	v50 =	vld [tilespmem:s2+$0xFFFFFFF0];
	[tilespmem:s2+$0xFFFFFF80] =	vst v1;
	v1 =	vmul.f32 v46, v30  }
0x659: {  	v51 =	vld [tilespmem:s2+$0x0];
	[tilespmem:s2+$0xFFFFFF90] =	vst v2;
	v2 =	vmul.f32 v47, v30  }
0x65a: {  	v52 =	vld [tilespmem:s2+$0x10];
	[tilespmem:s2+$0xFFFFFFA0] =	vst v1;
	v1 =	vmul.f32 v48, v30  }
0x65b: {  	v53 =	vld [tilespmem:s2+$0x20];
	[tilespmem:s2+$0xFFFFFFB0] =	vst v2;
	v2 =	vmul.f32 v49, v30  }
0x65c: {  	[tilespmem:s2+$0xFFFFFFC0] =	vst v1;
	v1 =	vmul.f32 v3, v30;
	v3 =	vld [tilespmem:s2+$0x30]  }
0x65d: {  	v54 =	vld [tilespmem:s2+$0x40];
	[tilespmem:s2+$0xFFFFFFD0] =	vst v2;
	v2 =	vmul.f32 v50, v30  }
0x65e: {  	v55 =	vld [tilespmem:s2+$0x50];
	[tilespmem:s2+$0xFFFFFFE0] =	vst v1;
	v1 =	vmul.f32 v51, v31  }
0x65f: {  	v56 =	vld [tilespmem:s2+$0x60];
	[tilespmem:s2+$0xFFFFFFF0] =	vst v2;
	v2 =	vmul.f32 v52, v31  }
0x660: {  	v57 =	vld [tilespmem:s2+$0x80];
	[tilespmem:s2+$0x0] =	vst v1;
	v1 =	vmul.f32 v53, v31  }
0x661: {  	[tilespmem:s2+$0x10] =	vst v2;
	v2 =	vmul.f32 v3, v31;
	v3 =	vld [tilespmem:s2+$0x90]  }
0x662: {  	v58 =	vld [tilespmem:s2+$0xA0];
	[tilespmem:s2+$0x20] =	vst v1;
	v1 =	vmul.f32 v54, v31  }
0x663: {  	v59 =	vld [tilespmem:s2+$0xB0];
	[tilespmem:s2+$0x30] =	vst v2;
	v2 =	vmul.f32 v55, v31  }
0x664: {  	v60 =	vld [tilespmem:s2+$0xC0];
	[tilespmem:s2+$0x40] =	vst v1;
	v1 =	vmul.f32 v56, v31  }
0x665: {  	v61 =	vld [tilespmem:s2+$0xD0];
	[tilespmem:s2+$0x50] =	vst v2;
	v2 =	vmul.f32 v57, v5  }
0x666: {  	[tilespmem:s2+$0x60] =	vst v1;
	v1 =	vmul.f32 v3, v5;
	v3 =	vld [tilespmem:s2+$0xE0]  }
0x667: {  	v62 =	vld [tilespmem:s2+$0xF0];
	[tilespmem:s2+$0x80] =	vst v2;
	v2 =	vmul.f32 v58, v5  }
0x668: {  	[tilespmem:s2+$0x90] =	vst v1;
	v1 =	vmul.f32 v59, v5  }
0x669: {  	[tilespmem:s2+$0xA0] =	vst v2;
	v2 =	vmul.f32 v60, v5  }
0x66a: {  	[tilespmem:s2+$0xB0] =	vst v1;
	v1 =	vmul.f32 v61, v5  }
0x66b: {  	s25 =	sadd.s32 $0x1, s25;
	[tilespmem:s2+$0xC0] =	vst v2;
	v2 =	vmul.f32 v3, v5  }
0x66c: {  	p1 =	sne.s32 s25, $0x43;
	[tilespmem:s2+$0xD0] =	vst v1;
	v1 =	vmul.f32 v62, v5  }
.Ltmp8:
0x66d: {  	[tilespmem:s2+$0xE0] =	vst v2;
	(pc) =	sbr.rel @p1 .LBB2_12-.Ltmp8, $4  }
0x66e: {  	s3 =	simm.s32 $0x9380;
	[tilespmem:s2+$0xF0] =	vst v1  }
0x66f: {  	[spmem:s9] =	stream.indirect.scatter.add.f32 [tilespmem:s21], [sflag:$0x7], $0x80, s3, s30, $0xb8;
	v63 =	vld [tilespmem:$0x0]  }
0x670: {  	s16 =	sadd.s32 s12, s10;
	s20 =	simm.s32 $0x0  }
0x671: {  	[hbm4b:s16+s20] =	stream.linear.scatter [tilespmem:s23], [sflag:$0x8], $0x30, $0x38;
	v63 =	vld [tilespmem:$0x0]  }
0x672: {  	_ =	swait.ge [sflag:s18], $0x30  }
0x673: {  	[sflag:s18] =	ssyncset.done $0x0  }
0x674: {  	[sflag:s18] =	ssyncadd.s32 $0xFFFFFFD0  }
0x675: {  	v1 =	vld [tilespmem:$0xAC00]  }
0x676: {  	v2 =	vld [tilespmem:$0xAC80];
	_ =	sdelay $0x5  }
0x677: {  	s1 =	simm.s32 $0x0;
	v3 =	vld [tilespmem:$0xAD00]  }
0x678: {  	v4 =	vld.idx.msk [tilespmem:v1+s1+$0x0], $0xffff  }
0x679: {  	v2 =	vld.idx.msk [tilespmem:v2+s15+$0x0], $0xffff;
	_ =	sdelay $0x4  }
0x67a: {  	v3 =	vmul.f32 v3, v0;
	v2 =	vadd.f32 v2, v4;
	_ =	sdelay $0x1  }
0x67b: {  	v2 =	vadd.f32 v2, v3;
	_ =	sdelay $0x1  }
0x67c: {  	v3 =	vmul.f32 $2.000000030e-01, v2  }
0x67d: {  	vm0 =	vge.f32 v2, $0.0e+00  }
0x67e: {  	v2 =	vsel vm0, v2, v3  }
0x67f: {  	v2 =	vsub.f32 $0.0e+00, v2;
	_ =	sdelay $0x1  }
0x680: {  	v2 =	vmul.f32 $1.442695020e+00, v2;
	_ =	sdelay $0x1  }
0x681: {  	(erf) = vpow2.f32 v2;
	_ =	sdelay $0x8  }
0x682: {  	v2 =	vpop (erf)  }
0x683: {  	[tilespmem:$0xAD80] =	vst v2  }
0x684: {  	[tilespmem:v1+s13+$0x0] =	vst.idx.add.f32.msk $0xffff, v2  }
0x685: {  	v2 =	vld [tilespmem:$0xAC10]  }
0x686: {  	v3 =	vld [tilespmem:$0xAC90];
	_ =	sdelay $0x5  }
0x687: {  	[tilespmem:$0xAE00] =	vst v1;
	v1 =	vld [tilespmem:$0xAD10]  }
0x688: {  	v4 =	vld.idx.msk [tilespmem:v2+s1+$0x0], $0xffff  }
0x689: {  	v3 =	vld.idx.msk [tilespmem:v3+s15+$0x0], $0xffff;
	_ =	sdelay $0x4  }
0x68a: {  	v1 =	vmul.f32 v1, v0;
	v3 =	vadd.f32 v3, v4;
	_ =	sdelay $0x1  }
0x68b: {  	v1 =	vadd.f32 v3, v1;
	_ =	sdelay $0x1  }
0x68c: {  	v3 =	vmul.f32 $2.000000030e-01, v1  }
0x68d: {  	vm14 =	vge.f32 v1, $0.0e+00  }
0x68e: {  	v1 =	vsel vm14, v1, v3  }
0x68f: {  	v1 =	vsub.f32 $0.0e+00, v1;
	_ =	sdelay $0x1  }
0x690: {  	v1 =	vmul.f32 $1.442695020e+00, v1;
	_ =	sdelay $0x1  }
0x691: {  	(erf) = vpow2.f32 v1;
	_ =	sdelay $0x8  }
0x692: {  	v1 =	vpop (erf)  }
0x693: {  	[tilespmem:$0xAD90] =	vst v1  }
0x694: {  	[tilespmem:v2+s13+$0x0] =	vst.idx.add.f32.msk $0xffff, v1  }
0x695: {  	v1 =	vld [tilespmem:$0xAC20]  }
0x696: {  	v3 =	vld [tilespmem:$0xACA0];
	_ =	sdelay $0x5  }
0x697: {  	[tilespmem:$0xAE10] =	vst v2;
	v2 =	vld [tilespmem:$0xAD20]  }
0x698: {  	v4 =	vld.idx.msk [tilespmem:v1+s1+$0x0], $0xffff  }
0x699: {  	v3 =	vld.idx.msk [tilespmem:v3+s15+$0x0], $0xffff;
	_ =	sdelay $0x4  }
0x69a: {  	v2 =	vmul.f32 v2, v0;
	v3 =	vadd.f32 v3, v4;
	_ =	sdelay $0x1  }
0x69b: {  	v2 =	vadd.f32 v3, v2;
	_ =	sdelay $0x1  }
0x69c: {  	v3 =	vmul.f32 $2.000000030e-01, v2  }
0x69d: {  	vm15 =	vge.f32 v2, $0.0e+00  }
0x69e: {  	v2 =	vsel vm15, v2, v3  }
0x69f: {  	v2 =	vsub.f32 $0.0e+00, v2;
	_ =	sdelay $0x1  }
0x6a0: {  	v2 =	vmul.f32 $1.442695020e+00, v2;
	_ =	sdelay $0x1  }
0x6a1: {  	(erf) = vpow2.f32 v2;
	_ =	sdelay $0x8  }
0x6a2: {  	v2 =	vpop (erf)  }
0x6a3: {  	[tilespmem:$0xADA0] =	vst v2  }
0x6a4: {  	[tilespmem:v1+s13+$0x0] =	vst.idx.add.f32.msk $0xffff, v2  }
0x6a5: {  	[tilespmem:$0xAE20] =	vst v1  }
0x6a6: {  	_ =	swait.ge [sflag:s26], $0x1800  }
0x6a7: {  	[sflag:s26] =	ssyncset.done $0x0  }
0x6a8: {  	[sflag:s26] =	ssyncadd.s32 $0xFFFFE800  }
0x6a9: {  	_ =	swait.ge [sflag:s28], $0x30  }
0x6aa: {  	[sflag:s28] =	ssyncset.done $0x0  }
0x6ab: {  	[sflag:s28] =	ssyncadd.s32 $0xFFFFFFD0  }
0x6ac: {  	_ =	swait.ge [sflag:s28], $0x30  }
0x6ad: {  	[sflag:s28] =	ssyncset.done $0x0  }
0x6ae: {  	[sflag:s28] =	ssyncadd.s32 $0xFFFFFFD0  }
0x6af: {  	s16 =	simm.s32 $0x2;
	v1 =	vmov s1;
	_ =	swait.ge [sflag:s28], $0x30  }
0x6b0: {  	v2 =	vmov s16;
	v1 =	vand.u32 $0xFFFFFFFC, v1;
	[sflag:s28] =	ssyncset.done $0x0  }
0x6b1: {  	v2 =	vand.u32 $0xFFFFFFFE, v2;
	v1 =	vbroadcast v1, $0x0;
	[sflag:s28] =	ssyncadd.s32 $0xFFFFFFD0  }
0x6b2: {  	s2 =	simm.s32 $0x7980;
	s25 =	simm.s32 $0xA;
	v2 =	vbroadcast v2, $0x0;
	s19 =	rddreg [dreg:$0x0]  }
0x6b3: {  	[tilespmem:s2], [sflag:$0x2] =	stream.indirect.gather [hbm4b:s19+s30], $0x80, s31, s30, $0xb8;
	v63 =	vld [tilespmem:$0x0]  }
0x6b4: {  	_ =	swait.ge [sflag:s25], $0x1800  }
0x6b5: {  	[sflag:s25] =	ssyncset.done $0x0  }
0x6b6: {  	[sflag:s25] =	ssyncadd.s32 $0xFFFFE800  }
0x6b7: {  	v1 =	vld.idx.msk [tilespmem:v1+s11+$0x0], $0xffff  }
0x6b8: {  	s10 =	simm.s32 $0xAF80;
	v2 =	vld.idx.msk [tilespmem:v2+s11+$0x0], $0xffff  }
0x6b9: {  	s2 =	simm.s32 $0x1;
	v4 =	vld [tilespmem:s10+$0x70]  }
0x6ba: {  	v3 =	vmov s2;
	v5 =	vld [tilespmem:s10+$0xFFFFFF00]  }
0x6bb: {  	v3 =	vand.u32 $0xFFFFFFFD, v3;
	v6 =	vld [tilespmem:s10+$0xFFFFFF10]  }
0x6bc: {  	v3 =	vbroadcast v3, $0x0;
	v7 =	vld [tilespmem:s10+$0xFFFFFF20]  }
0x6bd: {  	v8 =	vld [tilespmem:s10+$0xFFFFFF30]  }
0x6be: {  	v9 =	vld [tilespmem:s10+$0xFFFFFF40]  }
0x6bf: {  	v10 =	vld [tilespmem:s10+$0xFFFFFF50]  }
0x6c0: {  	v11 =	vld [tilespmem:s10+$0xFFFFFF60];
	v5 =	vmul.f32 v5, v1  }
0x6c1: {  	v13 =	vld [tilespmem:s10+$0x40];
	v4 =	vmul.f32 v4, v2  }
0x6c2: {  	v3 =	vld.idx.msk [tilespmem:v3+s11+$0x0], $0xffff;
	[tilespmem:s10+$0xFFFFFF00] =	vst v5;
	v5 =	vmul.f32 v6, v1  }
0x6c3: {  	v6 =	vld [tilespmem:s10+$0xFFFFFF70];
	[tilespmem:s10+$0x70] =	vst v4;
	v4 =	vmul.f32 v7, v1  }
0x6c4: {  	v7 =	vld [tilespmem:s10+$0xFFFFFF80];
	[tilespmem:s10+$0xFFFFFF10] =	vst v5;
	v5 =	vmul.f32 v8, v1  }
0x6c5: {  	v8 =	vld [tilespmem:s10+$0xFFFFFF90];
	[tilespmem:s10+$0xFFFFFF20] =	vst v4;
	v4 =	vmul.f32 v9, v1  }
0x6c6: {  	v9 =	vld [tilespmem:s10+$0xFFFFFFA0];
	[tilespmem:s10+$0xFFFFFF30] =	vst v5;
	v5 =	vmul.f32 v10, v1  }
0x6c7: {  	v10 =	vld [tilespmem:s10+$0xFFFFFFB0];
	[tilespmem:s10+$0xFFFFFF40] =	vst v4;
	v4 =	vmul.f32 v11, v1  }
0x6c8: {  	v11 =	vld [tilespmem:s10+$0xFFFFFFC0];
	v6 =	vmul.f32 v6, v1;
	[tilespmem:s10+$0xFFFFFF50] =	vst v5  }
0x6c9: {  	v5 =	vmul.f32 v7, v3;
	v7 =	vld [tilespmem:s10+$0xFFFFFFD0];
	[tilespmem:s10+$0xFFFFFF60] =	vst v4  }
0x6ca: {  	s3 =	simm.s32 $0x3;
	v4 =	vld [tilespmem:s10+$0xFFFFFFE0];
	v8 =	vmul.f32 v8, v3;
	[tilespmem:s10+$0xFFFFFF70] =	vst v6  }
0x6cb: {  	v12 =	vmov s3;
	v6 =	vld [tilespmem:s10+$0xFFFFFFF0];
	[tilespmem:s10+$0xFFFFFF80] =	vst v5;
	v5 =	vmul.f32 v9, v3  }
0x6cc: {  	v9 =	vld [tilespmem:s10+$0x0];
	[tilespmem:s10+$0xFFFFFF90] =	vst v8;
	v8 =	vmul.f32 v10, v3  }
0x6cd: {  	v10 =	vld [tilespmem:s10+$0x10];
	[tilespmem:s10+$0xFFFFFFA0] =	vst v5;
	v5 =	vmul.f32 v11, v3  }
0x6ce: {  	[tilespmem:s10+$0xFFFFFFB0] =	vst v8;
	v7 =	vmul.f32 v7, v3;
	v8 =	vld [tilespmem:s10+$0x20]  }
0x6cf: {  	v11 =	vld [tilespmem:s10+$0x30];
	v4 =	vmul.f32 v4, v3;
	[tilespmem:s10+$0xFFFFFFC0] =	vst v5  }
0x6d0: {  	v1 =	vld.idx.msk [tilespmem:v12+s11+$0x0], $0xffff;
	v3 =	vmul.f32 v6, v3;
	[tilespmem:s10+$0xFFFFFFD0] =	vst v7  }
0x6d1: {  	[tilespmem:s10+$0xFFFFFFE0] =	vst v4;
	v5 =	vmul.f32 v9, v2;
	v4 =	vld [tilespmem:s10+$0x50]  }
0x6d2: {  	s16 =	simm.s32 $0x4;
	[tilespmem:s10+$0xFFFFFFF0] =	vst v3;
	v6 =	vmul.f32 v10, v2;
	v3 =	vld [tilespmem:s10+$0x60]  }
0x6d3: {  	s19 =	simm.s32 $0x7;
	v7 =	vmov s16;
	[tilespmem:s10+$0x0] =	vst v5;
	v9 =	vmul.f32 v8, v2;
	v8 =	vld [tilespmem:s10+$0x80]  }
0x6d4: {  	s25 =	simm.s32 $0x5;
	v12 =	vand.u32 $0xFFFFFFFC, v7;
	v7 =	vld [tilespmem:s10+$0x90];
	v5 =	vmov s19;
	v10 =	vmul.f32 v11, v2;
	[tilespmem:s10+$0x10] =	vst v6  }
0x6d5: {  	s1 =	simm.s32 $0x6;
	s2 =	simm.s32 $0x8;
	s16 =	simm.s32 $0xAF80;
	v11 =	vmul.f32 v13, v2;
	v6 =	vbroadcast v12, $0x0;
	v12 =	vmov s25;
	[tilespmem:s10+$0x20] =	vst v9;
	v9 =	vld [tilespmem:s10+$0xA0]  }
.LBB2_20:
0x6d6: {  	p1 =	slt.u32 s2, $0x2C;
	v12 =	vand.u32 $0xFFFFFFFD, v12;
	v13 =	vmov s1;
	[tilespmem:s10+$0x30] =	vst v10;
	v4 =	vmul.f32 v4, v2;
	v10 =	vld [tilespmem:s10+$0xB0]  }
0x6d7: {  	v12 =	vbroadcast v12, $0x0;
	v13 =	vand.u32 $0xFFFFFFFE, v13;
	[tilespmem:s10+$0x40] =	vst v11;
	v2 =	vmul.f32 v3, v2;
	v3 =	vld [tilespmem:s10+$0xC0]  }
0x6d8: {  	v11 =	vbroadcast v13, $0x0;
	[tilespmem:s10+$0x50] =	vst v4;
	v4 =	vmul.f32 v8, v1;
	v8 =	vld [tilespmem:s10+$0xD0]  }
0x6d9: {  	[tilespmem:s10+$0x60] =	vst v2;
	v2 =	vmul.f32 v7, v1;
	v7 =	vld [tilespmem:s10+$0xE0]  }
0x6da: {  	[tilespmem:s10+$0x80] =	vst v4;
	v4 =	vmul.f32 v9, v1;
	v9 =	vld [tilespmem:s10+$0xF0]  }
0x6db: {  	v5 =	vld.idx.msk [tilespmem:v5+s11+$0x0], $0xffff;
	[tilespmem:s10+$0x90] =	vst v2;
	v2 =	vmul.f32 v10, v1  }
0x6dc: {  	v6 =	vld.idx.msk [tilespmem:v6+s11+$0x0], $0xffff;
	[tilespmem:s10+$0xA0] =	vst v4;
	v3 =	vmul.f32 v3, v1  }
0x6dd: {  	v4 =	vld.idx.msk [tilespmem:v12+s11+$0x0], $0xffff;
	[tilespmem:s10+$0xB0] =	vst v2;
	v8 =	vmul.f32 v8, v1  }
0x6de: {  	s10 =	sadd.s32 $0x200, s10;
	v2 =	vld.idx.msk [tilespmem:v11+s11+$0x0], $0xffff;
	[tilespmem:s16+$0xC0] =	vst v3;
	v3 =	vmul.f32 v7, v1  }
0x6df: {  	v7 =	vld [tilespmem:s10+$0x70];
	[tilespmem:s16+$0xD0] =	vst v8;
	v9 =	vmul.f32 v9, v1  }
0x6e0: {  	v8 =	vld [tilespmem:s10+$0xFFFFFF00];
	[tilespmem:s16+$0xE0] =	vst v3  }
0x6e1: {  	v1 =	vmov v5;
	v3 =	vld [tilespmem:s10+$0xFFFFFF10];
	[tilespmem:s16+$0xF0] =	vst v9;
	s16 =	smov.u32 s10  }
0x6e2: {  	v5 =	vld [tilespmem:s10+$0xFFFFFF20]  }
0x6e3: {  	v9 =	vld [tilespmem:s10+$0xFFFFFF30]  }
0x6e4: {  	v10 =	vld [tilespmem:s10+$0xFFFFFF40];
	v7 =	vmul.f32 v7, v2  }
0x6e5: {  	v8 =	vmul.f32 v8, v6;
	v11 =	vld [tilespmem:s10+$0xFFFFFF50]  }
0x6e6: {  	v3 =	vmul.f32 v3, v6;
	v12 =	vld [tilespmem:s10+$0xFFFFFF60];
	[tilespmem:s10+$0x70] =	vst v7  }
0x6e7: {  	[tilespmem:s10+$0xFFFFFF00] =	vst v8;
	v5 =	vmul.f32 v5, v6;
	v7 =	vld [tilespmem:s10+$0xFFFFFF70]  }
0x6e8: {  	[tilespmem:s10+$0xFFFFFF10] =	vst v3;
	v3 =	vmul.f32 v9, v6;
	v8 =	vld [tilespmem:s10+$0xFFFFFF80]  }
0x6e9: {  	[tilespmem:s10+$0xFFFFFF20] =	vst v5;
	v5 =	vmul.f32 v10, v6;
	v9 =	vld [tilespmem:s10+$0xFFFFFF90]  }
0x6ea: {  	[tilespmem:s10+$0xFFFFFF30] =	vst v3;
	v3 =	vmul.f32 v11, v6;
	v10 =	vld [tilespmem:s10+$0xFFFFFFA0]  }
0x6eb: {  	[tilespmem:s10+$0xFFFFFF40] =	vst v5;
	v5 =	vmul.f32 v12, v6;
	v11 =	vld [tilespmem:s10+$0xFFFFFFB0]  }
0x6ec: {  	[tilespmem:s10+$0xFFFFFF50] =	vst v3;
	v3 =	vmul.f32 v7, v6;
	v6 =	vld [tilespmem:s10+$0xFFFFFFC0]  }
0x6ed: {  	[tilespmem:s10+$0xFFFFFF60] =	vst v5;
	v5 =	vmul.f32 v8, v4;
	v7 =	vld [tilespmem:s10+$0xFFFFFFD0]  }
0x6ee: {  	[tilespmem:s10+$0xFFFFFF70] =	vst v3;
	v3 =	vmul.f32 v9, v4;
	v8 =	vld [tilespmem:s10+$0xFFFFFFE0]  }
0x6ef: {  	[tilespmem:s10+$0xFFFFFF80] =	vst v5;
	v5 =	vmul.f32 v10, v4;
	v9 =	vld [tilespmem:s10+$0xFFFFFFF0]  }
0x6f0: {  	[tilespmem:s10+$0xFFFFFF90] =	vst v3;
	v3 =	vmul.f32 v11, v4;
	v10 =	vld [tilespmem:s10+$0x0]  }
0x6f1: {  	[tilespmem:s10+$0xFFFFFFA0] =	vst v5;
	v5 =	vmul.f32 v6, v4;
	v6 =	vld [tilespmem:s10+$0x10]  }
0x6f2: {  	[tilespmem:s10+$0xFFFFFFB0] =	vst v3;
	v3 =	vmul.f32 v7, v4;
	v7 =	vld [tilespmem:s10+$0x20]  }
0x6f3: {  	[tilespmem:s10+$0xFFFFFFC0] =	vst v5;
	v5 =	vmul.f32 v8, v4;
	v11 =	vld [tilespmem:s10+$0x30]  }
0x6f4: {  	[tilespmem:s10+$0xFFFFFFD0] =	vst v3;
	v3 =	vmul.f32 v9, v4;
	v9 =	vld [tilespmem:s10+$0x40]  }
.Ltmp9:
0x6f5: {  	[tilespmem:s10+$0xFFFFFFE0] =	vst v5;
	v5 =	vmul.f32 v10, v2;
	v4 =	vld [tilespmem:s10+$0x50];
	(pc) =	sbr.rel @p1 .LBB2_20-.Ltmp9, $4  }
0x6f6: {  	[tilespmem:s10+$0xFFFFFFF0] =	vst v3;
	v6 =	vmul.f32 v6, v2;
	v3 =	vld [tilespmem:s10+$0x60]  }
0x6f7: {  	s1 =	sadd.s32 $0x3, s2;
	v10 =	vmov s2;
	[tilespmem:s10+$0x0] =	vst v5;
	v13 =	vmul.f32 v7, v2;
	v8 =	vld [tilespmem:s10+$0x80]  }
0x6f8: {  	s3 =	sadd.s32 $0x1, s2;
	v12 =	vand.u32 $0xFFFFFFFC, v10;
	v5 =	vmov s1;
	[tilespmem:s10+$0x10] =	vst v6;
	v10 =	vmul.f32 v11, v2;
	v7 =	vld [tilespmem:s10+$0x90]  }
0x6f9: {  	s1 =	sadd.s32 $0x2, s2;
	s2 =	sadd.s32 $0x4, s2;
	v6 =	vbroadcast v12, $0x0;
	v12 =	vmov s3;
	[tilespmem:s10+$0x20] =	vst v13;
	v11 =	vmul.f32 v9, v2;
	v9 =	vld [tilespmem:s10+$0xA0]  }
0x6fa: {  	v13 =	vld [tilespmem:s10+$0xB0]  }
0x6fb: {  	v15 =	vld [tilespmem:s10+$0xC0]  }
0x6fc: {  	v14 =	vmov s1;
	v16 =	vld [tilespmem:s10+$0xD0]  }
0x6fd: {  	v17 =	vld [tilespmem:s10+$0xE0];
	[tilespmem:s10+$0x30] =	vst v10;
	v4 =	vmul.f32 v4, v2;
	v14 =	vand.u32 $0xFFFFFFFE, v14  }
0x6fe: {  	v12 =	vand.u32 $0xFFFFFFFD, v12;
	v5 =	vld.idx.msk [tilespmem:v5+s11+$0x0], $0xffff;
	[tilespmem:s10+$0x40] =	vst v11;
	v2 =	vmul.f32 v3, v2;
	v14 =	vbroadcast v14, $0x0  }
0x6ff: {  	s2 =	sadd.s32 $0x200, s10;
	v12 =	vbroadcast v12, $0x0;
	v3 =	vld.idx.msk [tilespmem:v6+s11+$0x0], $0xffff;
	v8 =	vmul.f32 v8, v1;
	[tilespmem:s10+$0x50] =	vst v4  }
0x700: {  	v10 =	vld [tilespmem:s2+$0xFFFFFF00];
	v4 =	vmul.f32 v7, v1;
	[tilespmem:s10+$0x60] =	vst v2  }
0x701: {  	[tilespmem:s10+$0x80] =	vst v8;
	v8 =	vld [tilespmem:s10+$0xF0];
	v2 =	vmul.f32 v9, v1  }
0x702: {  	v11 =	vld [tilespmem:s2+$0xFFFFFF10];
	[tilespmem:s10+$0x90] =	vst v4;
	v4 =	vmul.f32 v13, v1  }
0x703: {  	v9 =	vld [tilespmem:s2+$0x70];
	[tilespmem:s10+$0xA0] =	vst v2;
	v2 =	vmul.f32 v15, v1  }
0x704: {  	[tilespmem:s10+$0xB0] =	vst v4;
	v4 =	vmul.f32 v16, v1;
	v7 =	vld.idx.msk [tilespmem:v14+s11+$0x0], $0xffff  }
0x705: {  	v6 =	vld.idx.msk [tilespmem:v12+s11+$0x0], $0xffff;
	[tilespmem:s16+$0xC0] =	vst v2;
	v2 =	vmul.f32 v17, v1  }
0x706: {  	v12 =	vld [tilespmem:s2+$0xFFFFFF20];
	[tilespmem:s16+$0xD0] =	vst v4;
	v1 =	vmul.f32 v8, v1  }
0x707: {  	v4 =	vld [tilespmem:s2+$0xFFFFFF30];
	[tilespmem:s16+$0xE0] =	vst v2  }
0x708: {  	v2 =	vld [tilespmem:s2+$0xFFFFFF40];
	[tilespmem:s16+$0xF0] =	vst v1;
	v1 =	vmul.f32 v10, v3  }
0x709: {  	v8 =	vmul.f32 v9, v7;
	v9 =	vld [tilespmem:s2+$0xFFFFFF50]  }
0x70a: {  	v10 =	vmul.f32 v11, v3;
	v11 =	vld [tilespmem:s2+$0xFFFFFF60];
	[tilespmem:s2+$0xFFFFFF00] =	vst v1  }
0x70b: {  	v1 =	vmul.f32 v12, v3;
	[tilespmem:s2+$0x70] =	vst v8;
	v8 =	vld [tilespmem:s2+$0xFFFFFF70]  }
0x70c: {  	[tilespmem:s2+$0xFFFFFF10] =	vst v10;
	v10 =	vld [tilespmem:s2+$0xFFFFFF80];
	v4 =	vmul.f32 v4, v3  }
0x70d: {  	[tilespmem:s2+$0xFFFFFF20] =	vst v1;
	v1 =	vmul.f32 v2, v3;
	v2 =	vld [tilespmem:s2+$0xFFFFFF90]  }
0x70e: {  	[tilespmem:s2+$0xFFFFFF30] =	vst v4;
	v4 =	vmul.f32 v9, v3;
	v9 =	vld [tilespmem:s2+$0xFFFFFFA0]  }
0x70f: {  	[tilespmem:s2+$0xFFFFFF40] =	vst v1;
	v1 =	vmul.f32 v11, v3;
	v11 =	vld [tilespmem:s2+$0xFFFFFFB0]  }
0x710: {  	[tilespmem:s2+$0xFFFFFF50] =	vst v4;
	v3 =	vmul.f32 v8, v3;
	v4 =	vld [tilespmem:s2+$0xFFFFFFC0]  }
0x711: {  	[tilespmem:s2+$0xFFFFFF60] =	vst v1;
	v1 =	vmul.f32 v10, v6;
	v8 =	vld [tilespmem:s2+$0xFFFFFFD0]  }
0x712: {  	v2 =	vmul.f32 v2, v6;
	[tilespmem:s2+$0xFFFFFF70] =	vst v3;
	v3 =	vld [tilespmem:s2+$0xFFFFFFE0]  }
0x713: {  	[tilespmem:s2+$0xFFFFFF80] =	vst v1;
	v1 =	vmul.f32 v9, v6;
	v9 =	vld [tilespmem:s2+$0xFFFFFFF0]  }
0x714: {  	v10 =	vld [tilespmem:s2+$0x0];
	[tilespmem:s2+$0xFFFFFF90] =	vst v2;
	v2 =	vmul.f32 v11, v6  }
0x715: {  	[tilespmem:s2+$0xFFFFFFA0] =	vst v1;
	v1 =	vmul.f32 v4, v6;
	v4 =	vld [tilespmem:s2+$0x10]  }
0x716: {  	[tilespmem:s2+$0xFFFFFFB0] =	vst v2;
	v2 =	vmul.f32 v8, v6;
	v8 =	vld [tilespmem:s2+$0x20]  }
0x717: {  	[tilespmem:s2+$0xFFFFFFC0] =	vst v1;
	v1 =	vmul.f32 v3, v6;
	v3 =	vld [tilespmem:s2+$0x30]  }
0x718: {  	[tilespmem:s2+$0xFFFFFFD0] =	vst v2;
	v2 =	vmul.f32 v9, v6;
	v6 =	vld [tilespmem:s2+$0x40]  }
0x719: {  	v9 =	vld [tilespmem:s2+$0x50];
	[tilespmem:s2+$0xFFFFFFE0] =	vst v1;
	v1 =	vmul.f32 v10, v7  }
0x71a: {  	[tilespmem:s2+$0xFFFFFFF0] =	vst v2;
	v2 =	vmul.f32 v4, v7;
	v4 =	vld [tilespmem:s2+$0x60]  }
0x71b: {  	[tilespmem:s2+$0x0] =	vst v1;
	v1 =	vmul.f32 v8, v7;
	v8 =	vld [tilespmem:s2+$0x80]  }
0x71c: {  	[tilespmem:s2+$0x10] =	vst v2;
	v2 =	vmul.f32 v3, v7;
	v3 =	vld [tilespmem:s2+$0x90]  }
0x71d: {  	[tilespmem:s2+$0x20] =	vst v1;
	v1 =	vmul.f32 v6, v7;
	v6 =	vld [tilespmem:s2+$0xA0]  }
0x71e: {  	[tilespmem:s2+$0x30] =	vst v2;
	v2 =	vmul.f32 v9, v7;
	v9 =	vld [tilespmem:s2+$0xB0]  }
0x71f: {  	[tilespmem:s2+$0x40] =	vst v1;
	v1 =	vmul.f32 v4, v7;
	v4 =	vld [tilespmem:s2+$0xC0]  }
0x720: {  	v7 =	vld [tilespmem:s2+$0xD0];
	[tilespmem:s2+$0x50] =	vst v2;
	v2 =	vmul.f32 v8, v5  }
0x721: {  	[tilespmem:s2+$0x60] =	vst v1;
	v1 =	vmul.f32 v3, v5;
	v3 =	vld [tilespmem:s2+$0xE0]  }
0x722: {  	[tilespmem:s2+$0x80] =	vst v2;
	v2 =	vmul.f32 v6, v5;
	v6 =	vld [tilespmem:s2+$0xF0]  }
0x723: {  	[tilespmem:s2+$0x90] =	vst v1;
	v1 =	vmul.f32 v9, v5  }
0x724: {  	[tilespmem:s2+$0xA0] =	vst v2;
	v2 =	vmul.f32 v4, v5  }
0x725: {  	[tilespmem:s2+$0xB0] =	vst v1;
	v1 =	vmul.f32 v7, v5  }
0x726: {  	[tilespmem:s2+$0xC0] =	vst v2;
	v2 =	vmul.f32 v3, v5  }
0x727: {  	[tilespmem:s2+$0xD0] =	vst v1;
	v1 =	vmul.f32 v6, v5  }
0x728: {  	[tilespmem:s2+$0xE0] =	vst v2  }
0x729: {  	[tilespmem:s2+$0xF0] =	vst v1  }
0x72a: {  	s3 =	simm.s32 $0xAE00;
	s2 =	simm.s32 $0xAE80;
	s16 =	sld [smem:$0x7FB]  }
0x72b: {  	[spmem:s9] =	stream.indirect.scatter.add.f32 [tilespmem:s2], [sflag:$0xB], $0x80, s3, s30, $0xb8;
	v63 =	vld [tilespmem:$0x0]  }
0x72c: {  	s10 =	simm.s32 $0x0  }
0x72d: {  	[hbm4b:s16+s10] =	stream.linear.scatter [tilespmem:s11], [sflag:$0xC], $0x30, $0x38;
	v63 =	vld [tilespmem:$0x0]  }
0x72e: {  	_ =	swait.ge [sflag:s4], $0x30  }
0x72f: {  	[sflag:s4] =	ssyncset.done $0x0  }
0x730: {  	[sflag:s4] =	ssyncadd.s32 $0xFFFFFFD0  }
0x731: {  	v1 =	vld [tilespmem:$0x7700]  }
0x732: {  	v2 =	vld [tilespmem:$0x7780];
	_ =	sdelay $0x5  }
0x733: {  	v3 =	vld [tilespmem:$0x7800]  }
0x734: {  	v4 =	vld.idx.msk [tilespmem:v1+s10+$0x0], $0xffff  }
0x735: {  	v2 =	vld.idx.msk [tilespmem:v2+s15+$0x0], $0xffff;
	_ =	sdelay $0x4  }
0x736: {  	v3 =	vmul.f32 v3, v0;
	v2 =	vadd.f32 v2, v4;
	_ =	sdelay $0x1  }
0x737: {  	v2 =	vadd.f32 v2, v3;
	_ =	sdelay $0x1  }
0x738: {  	v3 =	vmul.f32 $2.000000030e-01, v2  }
0x739: {  	vm0 =	vge.f32 v2, $0.0e+00  }
0x73a: {  	v2 =	vsel vm0, v2, v3  }
0x73b: {  	v2 =	vsub.f32 $0.0e+00, v2;
	_ =	sdelay $0x1  }
0x73c: {  	v2 =	vmul.f32 $1.442695020e+00, v2;
	_ =	sdelay $0x1  }
0x73d: {  	(erf) = vpow2.f32 v2;
	_ =	sdelay $0x8  }
0x73e: {  	v2 =	vpop (erf)  }
0x73f: {  	[tilespmem:$0x7880] =	vst v2  }
0x740: {  	[tilespmem:v1+s13+$0x0] =	vst.idx.add.f32.msk $0xffff, v2  }
0x741: {  	v2 =	vld [tilespmem:$0x7710]  }
0x742: {  	v3 =	vld [tilespmem:$0x7790];
	_ =	sdelay $0x5  }
0x743: {  	[tilespmem:$0x7900] =	vst v1;
	v1 =	vld [tilespmem:$0x7810]  }
0x744: {  	v4 =	vld.idx.msk [tilespmem:v2+s10+$0x0], $0xffff  }
0x745: {  	v3 =	vld.idx.msk [tilespmem:v3+s15+$0x0], $0xffff;
	_ =	sdelay $0x4  }
0x746: {  	v1 =	vmul.f32 v1, v0;
	v3 =	vadd.f32 v3, v4;
	_ =	sdelay $0x1  }
0x747: {  	v1 =	vadd.f32 v3, v1;
	_ =	sdelay $0x1  }
0x748: {  	v3 =	vmul.f32 $2.000000030e-01, v1  }
0x749: {  	vm14 =	vge.f32 v1, $0.0e+00  }
0x74a: {  	v1 =	vsel vm14, v1, v3  }
0x74b: {  	v1 =	vsub.f32 $0.0e+00, v1;
	_ =	sdelay $0x1  }
0x74c: {  	v1 =	vmul.f32 $1.442695020e+00, v1;
	_ =	sdelay $0x1  }
0x74d: {  	(erf) = vpow2.f32 v1;
	_ =	sdelay $0x8  }
0x74e: {  	v1 =	vpop (erf)  }
0x74f: {  	[tilespmem:$0x7890] =	vst v1  }
0x750: {  	[tilespmem:v2+s13+$0x0] =	vst.idx.add.f32.msk $0xffff, v1  }
0x751: {  	v1 =	vld [tilespmem:$0x7720]  }
0x752: {  	v3 =	vld [tilespmem:$0x77A0];
	_ =	sdelay $0x5  }
0x753: {  	[tilespmem:$0x7910] =	vst v2;
	v2 =	vld [tilespmem:$0x7820]  }
0x754: {  	v4 =	vld.idx.msk [tilespmem:v1+s10+$0x0], $0xffff  }
0x755: {  	v3 =	vld.idx.msk [tilespmem:v3+s15+$0x0], $0xffff;
	_ =	sdelay $0x4  }
0x756: {  	v2 =	vmul.f32 v2, v0;
	v3 =	vadd.f32 v3, v4;
	_ =	sdelay $0x1  }
0x757: {  	v2 =	vadd.f32 v3, v2;
	_ =	sdelay $0x1  }
0x758: {  	v3 =	vmul.f32 $2.000000030e-01, v2  }
0x759: {  	vm15 =	vge.f32 v2, $0.0e+00  }
0x75a: {  	v2 =	vsel vm15, v2, v3  }
0x75b: {  	v2 =	vsub.f32 $0.0e+00, v2;
	_ =	sdelay $0x1  }
0x75c: {  	v2 =	vmul.f32 $1.442695020e+00, v2;
	_ =	sdelay $0x1  }
0x75d: {  	(erf) = vpow2.f32 v2;
	_ =	sdelay $0x8  }
0x75e: {  	v2 =	vpop (erf)  }
0x75f: {  	[tilespmem:$0x78A0] =	vst v2  }
0x760: {  	[tilespmem:v1+s13+$0x0] =	vst.idx.add.f32.msk $0xffff, v2;
	v2 =	vmov s10  }
0x761: {  	s25 =	simm.s32 $0x7;
	[tilespmem:$0x7920] =	vst v1;
	v1 =	vand.u32 $0xFFFFFFFC, v2  }
0x762: {  	_ =	swait.ge [sflag:s25], $0x1800;
	v1 =	vbroadcast v1, $0x0  }
0x763: {  	[sflag:s25] =	ssyncset.done $0x0  }
0x764: {  	s19 =	simm.s32 $0x2;
	[sflag:s25] =	ssyncadd.s32 $0xFFFFE800  }
0x765: {  	v2 =	vmov s19;
	_ =	swait.ge [sflag:s8], $0x1800  }
0x766: {  	v2 =	vand.u32 $0xFFFFFFFE, v2;
	[sflag:s8] =	ssyncset.done $0x0  }
0x767: {  	v2 =	vbroadcast v2, $0x0;
	[sflag:s8] =	ssyncadd.s32 $0xFFFFE800  }
0x768: {  	s10 =	simm.s32 $0x7A80;
	v1 =	vld.idx.msk [tilespmem:v1+s14+$0x0], $0xffff  }
0x769: {  	s2 =	simm.s32 $0x1;
	v4 =	vld [tilespmem:s10+$0x70]  }
0x76a: {  	v3 =	vmov s2;
	v5 =	vld [tilespmem:s10+$0xFFFFFF00]  }
0x76b: {  	v3 =	vand.u32 $0xFFFFFFFD, v3;
	v6 =	vld [tilespmem:s10+$0xFFFFFF10]  }
0x76c: {  	v3 =	vbroadcast v3, $0x0;
	v7 =	vld [tilespmem:s10+$0xFFFFFF20]  }
0x76d: {  	v2 =	vld.idx.msk [tilespmem:v2+s14+$0x0], $0xffff  }
0x76e: {  	v8 =	vld [tilespmem:s10+$0xFFFFFF30]  }
0x76f: {  	v9 =	vld [tilespmem:s10+$0xFFFFFF40]  }
0x770: {  	v10 =	vld [tilespmem:s10+$0xFFFFFF50]  }
0x771: {  	v11 =	vld [tilespmem:s10+$0xFFFFFF60];
	v5 =	vmul.f32 v5, v1  }
0x772: {  	v3 =	vld.idx.msk [tilespmem:v3+s14+$0x0], $0xffff;
	v4 =	vmul.f32 v4, v2  }
0x773: {  	v13 =	vld [tilespmem:s10+$0x40];
	[tilespmem:s10+$0xFFFFFF00] =	vst v5;
	v5 =	vmul.f32 v6, v1  }
0x774: {  	v6 =	vld [tilespmem:s10+$0xFFFFFF70];
	[tilespmem:s10+$0x70] =	vst v4;
	v4 =	vmul.f32 v7, v1  }
0x775: {  	v7 =	vld [tilespmem:s10+$0xFFFFFF80];
	[tilespmem:s10+$0xFFFFFF10] =	vst v5;
	v5 =	vmul.f32 v8, v1  }
0x776: {  	v8 =	vld [tilespmem:s10+$0xFFFFFF90];
	[tilespmem:s10+$0xFFFFFF20] =	vst v4;
	v4 =	vmul.f32 v9, v1  }
0x777: {  	v9 =	vld [tilespmem:s10+$0xFFFFFFA0];
	[tilespmem:s10+$0xFFFFFF30] =	vst v5;
	v5 =	vmul.f32 v10, v1  }
0x778: {  	v10 =	vld [tilespmem:s10+$0xFFFFFFB0];
	[tilespmem:s10+$0xFFFFFF40] =	vst v4;
	v4 =	vmul.f32 v11, v1  }
0x779: {  	v11 =	vld [tilespmem:s10+$0xFFFFFFC0];
	v6 =	vmul.f32 v6, v1;
	[tilespmem:s10+$0xFFFFFF50] =	vst v5  }
0x77a: {  	v5 =	vmul.f32 v7, v3;
	v7 =	vld [tilespmem:s10+$0xFFFFFFD0];
	[tilespmem:s10+$0xFFFFFF60] =	vst v4  }
0x77b: {  	s3 =	simm.s32 $0x3;
	v4 =	vld [tilespmem:s10+$0xFFFFFFE0];
	v8 =	vmul.f32 v8, v3;
	[tilespmem:s10+$0xFFFFFF70] =	vst v6  }
0x77c: {  	v12 =	vmov s3;
	v6 =	vld [tilespmem:s10+$0xFFFFFFF0];
	[tilespmem:s10+$0xFFFFFF80] =	vst v5;
	v5 =	vmul.f32 v9, v3  }
0x77d: {  	v9 =	vld [tilespmem:s10+$0x0];
	[tilespmem:s10+$0xFFFFFF90] =	vst v8;
	v8 =	vmul.f32 v10, v3  }
0x77e: {  	v10 =	vld [tilespmem:s10+$0x10];
	[tilespmem:s10+$0xFFFFFFA0] =	vst v5;
	v5 =	vmul.f32 v11, v3  }
0x77f: {  	[tilespmem:s10+$0xFFFFFFB0] =	vst v8;
	v7 =	vmul.f32 v7, v3;
	v8 =	vld [tilespmem:s10+$0x20]  }
0x780: {  	v11 =	vld [tilespmem:s10+$0x30];
	[tilespmem:s10+$0xFFFFFFC0] =	vst v5;
	v4 =	vmul.f32 v4, v3  }
0x781: {  	v1 =	vld.idx.msk [tilespmem:v12+s14+$0x0], $0xffff;
	v3 =	vmul.f32 v6, v3;
	[tilespmem:s10+$0xFFFFFFD0] =	vst v7  }
0x782: {  	v5 =	vmul.f32 v9, v2;
	[tilespmem:s10+$0xFFFFFFE0] =	vst v4;
	v4 =	vld [tilespmem:s10+$0x50]  }
0x783: {  	s16 =	simm.s32 $0x4;
	[tilespmem:s10+$0xFFFFFFF0] =	vst v3;
	v6 =	vmul.f32 v10, v2;
	v3 =	vld [tilespmem:s10+$0x60]  }
0x784: {  	s19 =	simm.s32 $0x7;
	v7 =	vmov s16;
	[tilespmem:s10+$0x0] =	vst v5;
	v9 =	vmul.f32 v8, v2;
	v8 =	vld [tilespmem:s10+$0x80]  }
0x785: {  	s1 =	simm.s32 $0x6;
	s2 =	simm.s32 $0x8;
	s25 =	simm.s32 $0x5;
	v12 =	vand.u32 $0xFFFFFFFC, v7;
	v7 =	vld [tilespmem:s10+$0x90];
	v5 =	vmov s19;
	v10 =	vmul.f32 v11, v2;
	[tilespmem:s10+$0x10] =	vst v6  }
0x786: {  	s16 =	simm.s32 $0x7A80;
	v11 =	vmul.f32 v13, v2;
	s19 =	simm.s32 $0x10;
	v6 =	vbroadcast v12, $0x0;
	v12 =	vmov s25;
	s25 =	simm.s32 $0x9400;
	[tilespmem:s10+$0x20] =	vst v9;
	v9 =	vld [tilespmem:s10+$0xA0]  }
.LBB2_22:
0x787: {  	p1 =	slt.u32 s2, $0x2C;
	v12 =	vand.u32 $0xFFFFFFFD, v12;
	v13 =	vmov s1;
	[tilespmem:s10+$0x30] =	vst v10;
	v4 =	vmul.f32 v4, v2;
	v10 =	vld [tilespmem:s10+$0xB0]  }
0x788: {  	v12 =	vbroadcast v12, $0x0;
	v13 =	vand.u32 $0xFFFFFFFE, v13;
	[tilespmem:s10+$0x40] =	vst v11;
	v2 =	vmul.f32 v3, v2;
	v3 =	vld [tilespmem:s10+$0xC0]  }
0x789: {  	v11 =	vbroadcast v13, $0x0;
	[tilespmem:s10+$0x50] =	vst v4;
	v4 =	vmul.f32 v8, v1;
	v8 =	vld [tilespmem:s10+$0xD0]  }
0x78a: {  	[tilespmem:s10+$0x60] =	vst v2;
	v2 =	vmul.f32 v7, v1;
	v7 =	vld [tilespmem:s10+$0xE0]  }
0x78b: {  	[tilespmem:s10+$0x80] =	vst v4;
	v4 =	vmul.f32 v9, v1;
	v9 =	vld [tilespmem:s10+$0xF0]  }
0x78c: {  	v5 =	vld.idx.msk [tilespmem:v5+s14+$0x0], $0xffff;
	[tilespmem:s10+$0x90] =	vst v2;
	v2 =	vmul.f32 v10, v1  }
0x78d: {  	v6 =	vld.idx.msk [tilespmem:v6+s14+$0x0], $0xffff;
	[tilespmem:s10+$0xA0] =	vst v4;
	v3 =	vmul.f32 v3, v1  }
0x78e: {  	v4 =	vld.idx.msk [tilespmem:v12+s14+$0x0], $0xffff;
	[tilespmem:s10+$0xB0] =	vst v2;
	v8 =	vmul.f32 v8, v1  }
0x78f: {  	s10 =	sadd.s32 $0x200, s10;
	v2 =	vld.idx.msk [tilespmem:v11+s14+$0x0], $0xffff;
	[tilespmem:s16+$0xC0] =	vst v3;
	v3 =	vmul.f32 v7, v1  }
0x790: {  	v7 =	vld [tilespmem:s10+$0x70];
	[tilespmem:s16+$0xD0] =	vst v8;
	v9 =	vmul.f32 v9, v1  }
0x791: {  	v8 =	vld [tilespmem:s10+$0xFFFFFF00];
	[tilespmem:s16+$0xE0] =	vst v3  }
0x792: {  	v1 =	vmov v5;
	v3 =	vld [tilespmem:s10+$0xFFFFFF10];
	[tilespmem:s16+$0xF0] =	vst v9;
	s16 =	smov.u32 s10  }
0x793: {  	v5 =	vld [tilespmem:s10+$0xFFFFFF20]  }
0x794: {  	v9 =	vld [tilespmem:s10+$0xFFFFFF30]  }
0x795: {  	v10 =	vld [tilespmem:s10+$0xFFFFFF40];
	v7 =	vmul.f32 v7, v2  }
0x796: {  	v8 =	vmul.f32 v8, v6;
	v11 =	vld [tilespmem:s10+$0xFFFFFF50]  }
0x797: {  	v3 =	vmul.f32 v3, v6;
	v12 =	vld [tilespmem:s10+$0xFFFFFF60];
	[tilespmem:s10+$0x70] =	vst v7  }
0x798: {  	[tilespmem:s10+$0xFFFFFF00] =	vst v8;
	v5 =	vmul.f32 v5, v6;
	v7 =	vld [tilespmem:s10+$0xFFFFFF70]  }
0x799: {  	[tilespmem:s10+$0xFFFFFF10] =	vst v3;
	v3 =	vmul.f32 v9, v6;
	v8 =	vld [tilespmem:s10+$0xFFFFFF80]  }
0x79a: {  	[tilespmem:s10+$0xFFFFFF20] =	vst v5;
	v5 =	vmul.f32 v10, v6;
	v9 =	vld [tilespmem:s10+$0xFFFFFF90]  }
0x79b: {  	[tilespmem:s10+$0xFFFFFF30] =	vst v3;
	v3 =	vmul.f32 v11, v6;
	v10 =	vld [tilespmem:s10+$0xFFFFFFA0]  }
0x79c: {  	[tilespmem:s10+$0xFFFFFF40] =	vst v5;
	v5 =	vmul.f32 v12, v6;
	v11 =	vld [tilespmem:s10+$0xFFFFFFB0]  }
0x79d: {  	[tilespmem:s10+$0xFFFFFF50] =	vst v3;
	v3 =	vmul.f32 v7, v6;
	v6 =	vld [tilespmem:s10+$0xFFFFFFC0]  }
0x79e: {  	[tilespmem:s10+$0xFFFFFF60] =	vst v5;
	v5 =	vmul.f32 v8, v4;
	v7 =	vld [tilespmem:s10+$0xFFFFFFD0]  }
0x79f: {  	[tilespmem:s10+$0xFFFFFF70] =	vst v3;
	v3 =	vmul.f32 v9, v4;
	v8 =	vld [tilespmem:s10+$0xFFFFFFE0]  }
0x7a0: {  	[tilespmem:s10+$0xFFFFFF80] =	vst v5;
	v5 =	vmul.f32 v10, v4;
	v9 =	vld [tilespmem:s10+$0xFFFFFFF0]  }
0x7a1: {  	[tilespmem:s10+$0xFFFFFF90] =	vst v3;
	v3 =	vmul.f32 v11, v4;
	v10 =	vld [tilespmem:s10+$0x0]  }
0x7a2: {  	[tilespmem:s10+$0xFFFFFFA0] =	vst v5;
	v5 =	vmul.f32 v6, v4;
	v6 =	vld [tilespmem:s10+$0x10]  }
0x7a3: {  	[tilespmem:s10+$0xFFFFFFB0] =	vst v3;
	v3 =	vmul.f32 v7, v4;
	v7 =	vld [tilespmem:s10+$0x20]  }
0x7a4: {  	[tilespmem:s10+$0xFFFFFFC0] =	vst v5;
	v5 =	vmul.f32 v8, v4;
	v11 =	vld [tilespmem:s10+$0x30]  }
0x7a5: {  	[tilespmem:s10+$0xFFFFFFD0] =	vst v3;
	v3 =	vmul.f32 v9, v4;
	v9 =	vld [tilespmem:s10+$0x40]  }
.Ltmp10:
0x7a6: {  	[tilespmem:s10+$0xFFFFFFE0] =	vst v5;
	v5 =	vmul.f32 v10, v2;
	v4 =	vld [tilespmem:s10+$0x50];
	(pc) =	sbr.rel @p1 .LBB2_22-.Ltmp10, $4  }
0x7a7: {  	[tilespmem:s10+$0xFFFFFFF0] =	vst v3;
	v6 =	vmul.f32 v6, v2;
	v3 =	vld [tilespmem:s10+$0x60]  }
0x7a8: {  	s1 =	sadd.s32 $0x3, s2;
	v10 =	vmov s2;
	[tilespmem:s10+$0x0] =	vst v5;
	v13 =	vmul.f32 v7, v2;
	v8 =	vld [tilespmem:s10+$0x80]  }
0x7a9: {  	s3 =	sadd.s32 $0x1, s2;
	v12 =	vand.u32 $0xFFFFFFFC, v10;
	v5 =	vmov s1;
	[tilespmem:s10+$0x10] =	vst v6;
	v10 =	vmul.f32 v11, v2;
	v7 =	vld [tilespmem:s10+$0x90]  }
0x7aa: {  	s1 =	sadd.s32 $0x2, s2;
	s2 =	sadd.s32 $0x4, s2;
	v6 =	vbroadcast v12, $0x0;
	v12 =	vmov s3;
	[tilespmem:s10+$0x20] =	vst v13;
	v11 =	vmul.f32 v9, v2;
	v9 =	vld [tilespmem:s10+$0xA0]  }
0x7ab: {  	v13 =	vld [tilespmem:s10+$0xB0]  }
0x7ac: {  	v15 =	vld [tilespmem:s10+$0xC0]  }
0x7ad: {  	v14 =	vmov s1;
	v16 =	vld [tilespmem:s10+$0xD0]  }
0x7ae: {  	v17 =	vld [tilespmem:s10+$0xE0];
	[tilespmem:s10+$0x30] =	vst v10;
	v4 =	vmul.f32 v4, v2;
	v14 =	vand.u32 $0xFFFFFFFE, v14  }
0x7af: {  	v5 =	vld.idx.msk [tilespmem:v5+s14+$0x0], $0xffff;
	[tilespmem:s10+$0x40] =	vst v11;
	v2 =	vmul.f32 v3, v2;
	v14 =	vbroadcast v14, $0x0  }
0x7b0: {  	v12 =	vand.u32 $0xFFFFFFFD, v12;
	s2 =	sadd.s32 $0x200, s10;
	v3 =	vld.idx.msk [tilespmem:v6+s14+$0x0], $0xffff;
	v8 =	vmul.f32 v8, v1;
	[tilespmem:s10+$0x50] =	vst v4  }
0x7b1: {  	v12 =	vbroadcast v12, $0x0;
	v10 =	vld [tilespmem:s2+$0xFFFFFF00];
	v4 =	vmul.f32 v7, v1;
	[tilespmem:s10+$0x60] =	vst v2  }
0x7b2: {  	[tilespmem:s10+$0x80] =	vst v8;
	v8 =	vld [tilespmem:s10+$0xF0];
	v2 =	vmul.f32 v9, v1  }
0x7b3: {  	v11 =	vld [tilespmem:s2+$0xFFFFFF10];
	[tilespmem:s10+$0x90] =	vst v4;
	v4 =	vmul.f32 v13, v1  }
0x7b4: {  	v9 =	vld [tilespmem:s2+$0x70];
	[tilespmem:s10+$0xA0] =	vst v2;
	v2 =	vmul.f32 v15, v1  }
0x7b5: {  	[tilespmem:s10+$0xB0] =	vst v4;
	v4 =	vmul.f32 v16, v1;
	v7 =	vld.idx.msk [tilespmem:v14+s14+$0x0], $0xffff  }
0x7b6: {  	v62 =	vld [tilespmem:s2+$0xFFFFFF20];
	[tilespmem:s16+$0xC0] =	vst v2;
	v2 =	vmul.f32 v17, v1  }
0x7b7: {  	v6 =	vld.idx.msk [tilespmem:v12+s14+$0x0], $0xffff;
	[tilespmem:s16+$0xD0] =	vst v4;
	v1 =	vmul.f32 v8, v1  }
0x7b8: {  	v4 =	vld [tilespmem:s2+$0xFFFFFF30];
	[tilespmem:s16+$0xE0] =	vst v2  }
0x7b9: {  	v2 =	vld [tilespmem:s2+$0xFFFFFF40];
	[tilespmem:s16+$0xF0] =	vst v1;
	v1 =	vmul.f32 v10, v3  }
0x7ba: {  	v8 =	vmul.f32 v9, v7;
	v9 =	vld [tilespmem:s2+$0xFFFFFF50]  }
0x7bb: {  	v10 =	vmul.f32 v11, v3;
	v11 =	vld [tilespmem:s2+$0xFFFFFF60];
	[tilespmem:s2+$0xFFFFFF00] =	vst v1  }
0x7bc: {  	v1 =	vmul.f32 v62, v3;
	[tilespmem:s2+$0x70] =	vst v8;
	v8 =	vld [tilespmem:s2+$0xFFFFFF70]  }
0x7bd: {  	[tilespmem:s2+$0xFFFFFF10] =	vst v10;
	v10 =	vld [tilespmem:s2+$0xFFFFFF80];
	v4 =	vmul.f32 v4, v3  }
0x7be: {  	[tilespmem:s2+$0xFFFFFF20] =	vst v1;
	v1 =	vmul.f32 v2, v3;
	v2 =	vld [tilespmem:s2+$0xFFFFFF90]  }
0x7bf: {  	[tilespmem:s2+$0xFFFFFF30] =	vst v4;
	v4 =	vmul.f32 v9, v3;
	v9 =	vld [tilespmem:s2+$0xFFFFFFA0]  }
0x7c0: {  	[tilespmem:s2+$0xFFFFFF40] =	vst v1;
	v1 =	vmul.f32 v11, v3;
	v11 =	vld [tilespmem:s2+$0xFFFFFFB0]  }
0x7c1: {  	[tilespmem:s2+$0xFFFFFF50] =	vst v4;
	v3 =	vmul.f32 v8, v3;
	v4 =	vld [tilespmem:s2+$0xFFFFFFC0]  }
0x7c2: {  	[tilespmem:s2+$0xFFFFFF60] =	vst v1;
	v1 =	vmul.f32 v10, v6;
	v8 =	vld [tilespmem:s2+$0xFFFFFFD0]  }
0x7c3: {  	v2 =	vmul.f32 v2, v6;
	[tilespmem:s2+$0xFFFFFF70] =	vst v3;
	v3 =	vld [tilespmem:s2+$0xFFFFFFE0]  }
0x7c4: {  	[tilespmem:s2+$0xFFFFFF80] =	vst v1;
	v1 =	vmul.f32 v9, v6;
	v9 =	vld [tilespmem:s2+$0xFFFFFFF0]  }
0x7c5: {  	v10 =	vld [tilespmem:s2+$0x0];
	[tilespmem:s2+$0xFFFFFF90] =	vst v2;
	v2 =	vmul.f32 v11, v6  }
0x7c6: {  	[tilespmem:s2+$0xFFFFFFA0] =	vst v1;
	v1 =	vmul.f32 v4, v6;
	v4 =	vld [tilespmem:s2+$0x10]  }
0x7c7: {  	[tilespmem:s2+$0xFFFFFFB0] =	vst v2;
	v2 =	vmul.f32 v8, v6;
	v8 =	vld [tilespmem:s2+$0x20]  }
0x7c8: {  	[tilespmem:s2+$0xFFFFFFC0] =	vst v1;
	v1 =	vmul.f32 v3, v6;
	v3 =	vld [tilespmem:s2+$0x30]  }
0x7c9: {  	[tilespmem:s2+$0xFFFFFFD0] =	vst v2;
	v2 =	vmul.f32 v9, v6;
	v6 =	vld [tilespmem:s2+$0x40]  }
0x7ca: {  	v9 =	vld [tilespmem:s2+$0x50];
	[tilespmem:s2+$0xFFFFFFE0] =	vst v1;
	v1 =	vmul.f32 v10, v7  }
0x7cb: {  	[tilespmem:s2+$0xFFFFFFF0] =	vst v2;
	v2 =	vmul.f32 v4, v7;
	v4 =	vld [tilespmem:s2+$0x60]  }
0x7cc: {  	[tilespmem:s2+$0x0] =	vst v1;
	v1 =	vmul.f32 v8, v7;
	v8 =	vld [tilespmem:s2+$0x80]  }
0x7cd: {  	[tilespmem:s2+$0x10] =	vst v2;
	v2 =	vmul.f32 v3, v7;
	v3 =	vld [tilespmem:s2+$0x90]  }
0x7ce: {  	[tilespmem:s2+$0x20] =	vst v1;
	v1 =	vmul.f32 v6, v7;
	v6 =	vld [tilespmem:s2+$0xA0]  }
0x7cf: {  	[tilespmem:s2+$0x30] =	vst v2;
	v2 =	vmul.f32 v9, v7;
	v9 =	vld [tilespmem:s2+$0xB0]  }
0x7d0: {  	[tilespmem:s2+$0x40] =	vst v1;
	v1 =	vmul.f32 v4, v7;
	v4 =	vld [tilespmem:s2+$0xC0]  }
0x7d1: {  	v7 =	vld [tilespmem:s2+$0xD0];
	[tilespmem:s2+$0x50] =	vst v2;
	v2 =	vmul.f32 v8, v5  }
0x7d2: {  	[tilespmem:s2+$0x60] =	vst v1;
	v1 =	vmul.f32 v3, v5;
	v3 =	vld [tilespmem:s2+$0xE0]  }
0x7d3: {  	[tilespmem:s2+$0x80] =	vst v2;
	v2 =	vmul.f32 v6, v5;
	v6 =	vld [tilespmem:s2+$0xF0]  }
0x7d4: {  	[tilespmem:s2+$0x90] =	vst v1;
	v1 =	vmul.f32 v9, v5  }
0x7d5: {  	[tilespmem:s2+$0xA0] =	vst v2;
	v2 =	vmul.f32 v4, v5  }
0x7d6: {  	[tilespmem:s2+$0xB0] =	vst v1;
	v1 =	vmul.f32 v7, v5  }
0x7d7: {  	[tilespmem:s2+$0xC0] =	vst v2;
	v2 =	vmul.f32 v3, v5  }
0x7d8: {  	[tilespmem:s2+$0xD0] =	vst v1;
	v1 =	vmul.f32 v6, v5  }
0x7d9: {  	[tilespmem:s2+$0xE0] =	vst v2  }
0x7da: {  	[tilespmem:s2+$0xF0] =	vst v1  }
0x7db: {  	s3 =	simm.s32 $0x7900;
	s2 =	simm.s32 $0x7980;
	s10 =	sld [smem:$0x7FD]  }
0x7dc: {  	[spmem:s9] =	stream.indirect.scatter.add.f32 [tilespmem:s2], [sflag:$0x3], $0x80, s3, s30, $0xb8;
	v63 =	vld [tilespmem:$0x0]  }
0x7dd: {  	s1 =	simm.s32 $0x0  }
0x7de: {  	[hbm4b:s10+s1] =	stream.linear.scatter [tilespmem:s14], [sflag:$0x4], $0x30, $0x38;
	v63 =	vld [tilespmem:$0x0]  }
0x7df: {  	_ =	swait.ge [sflag:s29], $0x30  }
0x7e0: {  	s16 =	sld [smem:$0x7F3]  }
0x7e1: {  	[sflag:s29] =	ssyncset.done $0x0  }
0x7e2: {  	s3 =	simm.s32 $0x9180;
	[sflag:s29] =	ssyncadd.s32 $0xFFFFFFD0  }
0x7e3: {  	[tilespmem:s3], [sflag:$0xD] =	stream.linear.gather [hbm4b:s16+s1], $0x10, $0x38;
	v63 =	vld [tilespmem:$0x0]  }
0x7e4: {  	s3 =	simm.s32 $0xD  }
0x7e5: {  	_ =	swait.ge [sflag:s3], $0x10  }
0x7e6: {  	s10 =	sld [smem:$0x7F4]  }
0x7e7: {  	[sflag:s3] =	ssyncset.done $0x0  }
0x7e8: {  	s16 =	simm.s32 $0xC680;
	[sflag:s3] =	ssyncadd.s32 $0xFFFFFFF0  }
0x7e9: {  	[tilespmem:s16], [sflag:$0xD] =	stream.linear.gather [hbm4b:s10+s1], $0x10, $0x38;
	v63 =	vld [tilespmem:$0x0]  }
0x7ea: {  	_ =	swait.ge [sflag:s3], $0x10  }
0x7eb: {  	s2 =	sld [smem:$0x7F5]  }
0x7ec: {  	[sflag:s3] =	ssyncset.done $0x0  }
0x7ed: {  	s10 =	simm.s32 $0x9280;
	[sflag:s3] =	ssyncadd.s32 $0xFFFFFFF0  }
0x7ee: {  	[tilespmem:s10], [sflag:$0xD] =	stream.linear.gather [hbm4b:s2+s1], $0x10, $0x38;
	v63 =	vld [tilespmem:$0x0]  }
0x7ef: {  	_ =	swait.ge [sflag:s3], $0x10  }
0x7f0: {  	[sflag:s3] =	ssyncset.done $0x0  }
0x7f1: {  	[sflag:s3] =	ssyncadd.s32 $0xFFFFFFF0  }
0x7f2: {  	s10 =	rddreg [dreg:$0x0]  }
0x7f3: {  	[tilespmem:s25], [sflag:$0x6] =	stream.indirect.gather [hbm4b:s10+s19], $0x80, s16, s19, $0xb8;
	v63 =	vld [tilespmem:$0x0]  }
0x7f4: {  	_ =	swait.ge [sflag:s22], $0x800  }
0x7f5: {  	[sflag:s22] =	ssyncset.done $0x0  }
0x7f6: {  	[sflag:s22] =	ssyncadd.s32 $0xFFFFF800  }
0x7f7: {  	v1 =	vld [tilespmem:$0x9180]  }
0x7f8: {  	v2 =	vld [tilespmem:$0xC680];
	_ =	sdelay $0x5  }
0x7f9: {  	v3 =	vld [tilespmem:$0x9280]  }
0x7fa: {  	v4 =	vld.idx.msk [tilespmem:v1+s1+$0x0], $0xffff  }
0x7fb: {  	v2 =	vld.idx.msk [tilespmem:v2+s15+$0x0], $0xffff;
	_ =	sdelay $0x4  }
0x7fc: {  	v0 =	vmul.f32 v3, v0;
	v2 =	vadd.f32 v2, v4;
	_ =	sdelay $0x1  }
0x7fd: {  	v0 =	vadd.f32 v2, v0;
	_ =	sdelay $0x1  }
0x7fe: {  	v2 =	vmul.f32 $2.000000030e-01, v0  }
0x7ff: {  	vm0 =	vge.f32 v0, $0.0e+00  }
0x800: {  	v0 =	vsel vm0, v0, v2  }
0x801: {  	v0 =	vsub.f32 $0.0e+00, v0;
	_ =	sdelay $0x1  }
0x802: {  	v0 =	vmul.f32 $1.442695020e+00, v0;
	_ =	sdelay $0x1  }
0x803: {  	(erf) = vpow2.f32 v0;
	_ =	sdelay $0x8  }
0x804: {  	v0 =	vpop (erf)  }
0x805: {  	[tilespmem:$0x9300] =	vst v0  }
0x806: {  	[tilespmem:v1+s13+$0x0] =	vst.idx.add.f32.msk $0xffff, v0;
	v0 =	vmov s1  }
0x807: {  	s2 =	simm.s32 $0x9440;
	[tilespmem:$0xC700] =	vst v1  }
0x808: {  	v4 =	vld [tilespmem:s2+$0x30]  }
0x809: {  	v7 =	vld [tilespmem:s2+$0x10]  }
0x80a: {  	v5 =	vld [tilespmem:s2+$0xFFFFFFC0]  }
0x80b: {  	v1 =	vld.idx.msk [tilespmem:v0+s23+$0x0], $0xffff  }
0x80c: {  	v9 =	vld [tilespmem:s2+$0xFFFFFFE0]  }
0x80d: {  	v2 =	vld [tilespmem:s2+$0x20]  }
0x80e: {  	v3 =	vld [tilespmem:s2+$0xFFFFFFD0]  }
0x80f: {  	v0 =	vld [tilespmem:s2+$0xFFFFFFF0]  }
0x810: {  	v8 =	vmul.f32 v4, v1;
	v4 =	vld [tilespmem:s2+$0x0]  }
0x811: {  	v6 =	vmul.f32 v5, v1  }
0x812: {  	s10 =	simm.s32 $0x1;
	s16 =	simm.s32 $0x9440;
	v5 =	vmul.f32 v9, v1;
	v7 =	vmul.f32 v7, v1  }
.LBB2_24:
0x813: {  	p1 =	sne.s32 s10, $0xF  }
0x814: {  	v3 =	vmul.f32 v3, v1;
	v2 =	vmul.f32 v2, v1;
	[tilespmem:s2+$0x30] =	vst v8;
	s16 =	sadd.s32 $0x80, s16;
	s1 =	smov.u32 s10;
	s10 =	sadd.s32 $0x1, s10  }
0x815: {  	[tilespmem:s2+$0xFFFFFFC0] =	vst v6;
	v6 =	vmul.f32 v0, v1;
	v1 =	vmul.f32 v4, v1  }
0x816: {  	[tilespmem:s2+$0x10] =	vst v7  }
0x817: {  	v4 =	vmov s1;
	[tilespmem:s2+$0xFFFFFFE0] =	vst v5  }
0x818: {  	v0 =	vld [tilespmem:s16+$0xFFFFFFF0];
	[tilespmem:s2+$0xFFFFFFF0] =	vst v6  }
0x819: {  	v5 =	vld [tilespmem:s16+$0x30];
	[tilespmem:s2+$0x0] =	vst v1  }
0x81a: {  	v7 =	vld [tilespmem:s16+$0x10];
	[tilespmem:s2+$0x20] =	vst v2  }
0x81b: {  	v6 =	vld [tilespmem:s16+$0xFFFFFFC0];
	[tilespmem:s2+$0xFFFFFFD0] =	vst v3;
	s2 =	smov.u32 s16  }
0x81c: {  	v1 =	vld.idx.msk [tilespmem:v4+s23+$0x0], $0xffff  }
0x81d: {  	v9 =	vld [tilespmem:s16+$0xFFFFFFE0]  }
0x81e: {  	v2 =	vld [tilespmem:s16+$0x20]  }
.Ltmp11:
0x81f: {  	v3 =	vld [tilespmem:s16+$0xFFFFFFD0];
	(pc) =	sbr.rel @p1 .LBB2_24-.Ltmp11, $3  }
0x820: {  	v4 =	vld [tilespmem:s16+$0x0];
	_ =	sdelay $0x1  }
0x821: {  	v6 =	vmul.f32 v6, v1;
	v8 =	vmul.f32 v5, v1  }
0x822: {  	v7 =	vmul.f32 v7, v1;
	v5 =	vmul.f32 v9, v1  }
0x823: {  	[tilespmem:s2+$0x30] =	vst v8  }
0x824: {  	[tilespmem:s2+$0xFFFFFFC0] =	vst v6  }
0x825: {  	v0 =	vmul.f32 v0, v1;
	[tilespmem:s2+$0x10] =	vst v7  }
0x826: {  	v2 =	vmul.f32 v2, v1;
	[tilespmem:s2+$0xFFFFFFE0] =	vst v5  }
0x827: {  	v62 =	vmul.f32 v3, v1;
	[tilespmem:s2+$0xFFFFFFF0] =	vst v0  }
0x828: {  	v4 =	vmul.f32 v4, v1;
	[tilespmem:s2+$0x20] =	vst v2  }
0x829: {  	[tilespmem:s2+$0xFFFFFFD0] =	vst v62  }
0x82a: {  	s1 =	simm.s32 $0xC700;
	[tilespmem:s2+$0x0] =	vst v4  }
0x82b: {  	[spmem:s9] =	stream.indirect.scatter.add.f32 [tilespmem:s25], [sflag:$0xD], $0x80, s1, s19, $0xb8;
	v63 =	vld [tilespmem:$0x0]  }
0x82c: {  	_ =	swait.ge [sflag:s3], $0x800  }
0x82d: {  	s10 =	sld [smem:$0x7F6]  }
0x82e: {  	[sflag:s3] =	ssyncset.done $0x0  }
0x82f: {  	[sflag:s3] =	ssyncadd.s32 $0xFFFFF800  }
0x830: {  	[hbm4b:s10+s20] =	stream.linear.scatter [tilespmem:s23], [sflag:$0xD], $0x10, $0x38;
	v63 =	vld [tilespmem:$0x0]  }
0x831: {  	_ =	swait.ge [sflag:s3], $0x10  }
0x832: {  	[sflag:s3] =	ssyncset.done $0x0  }
0x833: {  	[sflag:s3] =	ssyncadd.s32 $0xFFFFFFF0  }
0x834: {  	_ =	swait.ge [sflag:s17], $0x1800  }
0x835: {  	[sflag:s17] =	ssyncset.done $0x0  }
0x836: {  	[sflag:s17] =	ssyncadd.s32 $0xFFFFE800  }
0x837: {  	_ =	swait.ge [sflag:s18], $0x30  }
0x838: {  	[sflag:s18] =	ssyncset.done $0x0  }
0x839: {  	[sflag:s18] =	ssyncadd.s32 $0xFFFFFFD0  }
0x83a: {  	_ =	swait.ge [sflag:s26], $0x1800  }
0x83b: {  	[sflag:s26] =	ssyncset.done $0x0  }
0x83c: {  	[sflag:s26] =	ssyncadd.s32 $0xFFFFE800  }
0x83d: {  	_ =	swait.ge [sflag:s4], $0x30  }
0x83e: {  	s16 =	sld [smem:$0x7F7]  }
0x83f: {  	[sflag:s4] =	ssyncset.done $0x0  }
0x840: {  	s19 =	simm.s32 $0x80;
	s10 =	simm.s32 $0x400;
	[sflag:s4] =	ssyncadd.s32 $0xFFFFFFD0  }
0x841: {  	[hbm4b:s16+s19] =	stream.strided.scatter [tilespmem:s13], [sflag:$0xD], $0x2780, s10, s19, $0x38;
	v63 =	vld [tilespmem:$0x0]  }
0x842: {  	_ =	swait.ge [sflag:s3], $0x2780  }
0x843: {  	[sflag:s3] =	ssyncset.done $0x0  }
0x844: {  	[sflag:s3] =	ssyncadd.s32 $0xFFFFD880  }
0x845: {  	[bflag:$0x0] =	sbarrier.arrive $0xFFFF  }
0x846: {  	s19 =	sld [smem:$0x7E7]  }
0x847: {  	s16 =	rddreg [dreg:$0xa]  }
0x848: {  	s10 =	rddreg [dreg:$0xd]  }
0x849: {  	[hbm:s10], [sflag:s16] =	dma.local [spmem:s19], $0x2700  }
0x84a: {  	_ =	swait.ge [sflag:s3], $0x2700  }
0x84b: {  	s1 =	sld [smem:$0x7F8]  }
0x84c: {  	s2 =	sld [smem:$0x7E8]  }
0x84d: {  	[sflag:s3] =	ssyncset.done $0x0  }
0x84e: {  	[sflag:s3] =	ssyncadd.s32 $0xFFFFD900  }
0x84f: {  	[hbm:s1], [sflag:s16] =	dma.local @!p0 [spmem:s2], $0x100  }
0x850: {  	s1 =	simm.s32 @!p0 $0xD  }
0x851: {  	_ =	swait.ge @!p0 [sflag:s1], $0x100  }
0x852: {  	s2 =	sld [smem:$0x7E6]  }
0x853: {  	s19 =	sld [smem:$0x7F9];
	_ =	sdelay $0x1  }
0x854: {  	s10 =	sadd.s32 $0x1, s2  }
0x855: {  	p1 =	sne.s32 s10, s19  }
.Ltmp12:
0x856: {  	_ = 	snop;
	(pc) =	sbr.rel @p1 .LBB2_1-.Ltmp12, $3  }
0x857: {  	_ =	sdelay $0x1  }
0x858: {  	[sflag:s1] =	ssyncset.done @!p0 $0x0  }
0x859: {  	[sflag:s1] =	ssyncadd.s32 @!p0 $0xFFFFFF00  }
0x85a: {  	_ =	sfence.sel $0x180000  }
0x85b: {  	[bflag:$0x0] =	sbarrier.arrive $0xFFFF  }
0x85c: {  	_ =	strace $0x90000047  }
0x85d: {  	[bflag:$0x2] =	sbarrier.arrive $0xFFFF  }
0x85e: {  	s0 =	rddreg [dreg:$0x4]  }
0x85f: {  	s0 =	sadd.s32 @!p0 $0x100000, s0  }
0x860: {  	[sflag:s0] =	ssyncadd.tile.s32 @!p0 $0x1;
	_ =	shalt  }
.Lfunc_end2:
_tile_overlayer_lowered:
.L_overlay_start_2:
0x861: {  	(tag) =	ssettag $0x2  }
0x862: {  	s0 =	rddreg [dreg:$0x0];
	s2 =	stileid.u32  }
0x863: {  	s1 =	rddreg [dreg:$0x1];
	p0 =	sne.s32 s2, $0x0  }
0x864: {  	s3 =	rddreg [dreg:$0x2];
	[bflag:$0x3] =	sbarrier.arrive $0xFFFF;
	s2 =	simm.s32 @!p0 $0x1C0D  }
0x865: {  	[timem:s3], [sflag:s2] =	dma.local @!p0 [hbm:s0], s1  }
0x866: {  	s0 =	simm.s32 @!p0 $0xD  }
0x867: {  	_ =	swait.ge @!p0 [sflag:s0], s1  }
0x868: {  	s1 =	ssub.s32 @!p0 $0x0, s1;
	[sflag:s0] =	ssyncset.done @!p0 $0x0  }
0x869: {  	[sflag:s0] =	ssyncadd.s32 @!p0 s1  }
0x86a: {  	[bflag:$0x3] =	sbarrier.arrive $0xFFFF  }
0x86b: {  	_ =	shalt  }

</sc_bundles>
